<compile_context>
chip_gen: v7x
topology: tpu7x:2x2x1
jax: 0.10.2.dev20260603
libtpu: 0.0.44.dev20260713+nightly
codegen_flags: <defaults>
</compile_context>

<pallas_src>
import functools

import jax
import jax.numpy as jnp
from jax import lax
from jax.experimental import pallas as pl
from jax.experimental.pallas import tpu as pltpu
from jax.experimental.pallas import tpu_sc as plsc

NN = 10000
EE = 320000
F = 128

NC = 2
NS = 16
NW = NC * NS
EPW = EE // NW
CHUNK = 80
NCHP = EPW // CHUNK
NSLAB = 31
OUT_PAD = 10240
ROWS_PT = OUT_PAD // NS
RB = 128
NCHD = EPW // CHUNK
DEG_PAD = 10240
DPT = DEG_PAD // NS



def _sc_deg_body(dst_hbm, out_hbm, ones_v, da_v, db_v, zbuf_v, deg_sp, sem):
    c = lax.axis_index("c")
    s = lax.axis_index("s")
    w = c * NS + s
    for j in range(CHUNK // 16):
        ones_v[pl.ds(j * 16, 16)] = jnp.ones((16,), jnp.float32)
    for j in range(DPT // 16):
        zbuf_v[pl.ds(j * 16, 16)] = jnp.zeros((16,), jnp.float32)
    pltpu.sync_copy(zbuf_v, deg_sp.at[pl.ds(s * DPT, DPT)])
    plsc.subcore_barrier()

    def scat(di):
        pltpu.async_copy(ones_v, deg_sp.at[di], sem, add=True)

    def scat_wait(di):
        pltpu.make_async_copy(ones_v, deg_sp.at[di], sem).wait()

    base0 = w * EPW
    pltpu.sync_copy(dst_hbm.at[pl.ds(base0, CHUNK)], da_v)
    scat(da_v)

    def body(k, carry):
        base = w * EPW + (2 * k + 1) * CHUNK
        pltpu.sync_copy(dst_hbm.at[pl.ds(base, CHUNK)], db_v)
        scat_wait(da_v)
        scat(db_v)
        pltpu.sync_copy(dst_hbm.at[pl.ds(base + CHUNK, CHUNK)], da_v)
        scat_wait(db_v)
        scat(da_v)
        return carry

    lax.fori_loop(0, (NCHD - 1) // 2, body, 0)
    scat_wait(da_v)
    plsc.subcore_barrier()
    pltpu.sync_copy(deg_sp.at[pl.ds(s * DPT, DPT)], zbuf_v)
    pltpu.sync_copy(zbuf_v, out_hbm.at[c, 0, pl.ds(s * DPT, DPT)])


def _sc_prop_body(g_hbm, e16_hbm, eL_hbm, out_hbm,
                  ea_v, pa_v, pb_v, rowsa_v, rowsb_v, zrow_v, agg_sp, gsem):
    c = lax.axis_index("c")
    s = lax.axis_index("s")
    w = c * NS + s

    def zb(i, carry):
        for j in range(F // 16):
            zrow_v[i, pl.ds(j * 16, 16)] = jnp.zeros((16,), jnp.float32)
        return carry

    lax.fori_loop(0, RB, zb, 0)
    for r in range(ROWS_PT // RB):
        pltpu.sync_copy(zrow_v, agg_sp.at[pl.ds(s * ROWS_PT + r * RB, RB)])
    plsc.subcore_barrier()

    def gather(si, rows):
        pltpu.async_copy(g_hbm.at[si], rows, gsem)

    def gather_wait(si, rows):
        pltpu.make_async_copy(g_hbm.at[si], rows, gsem).wait()

    def scat(di, rows):
        pltpu.sync_copy(rows, agg_sp.at[di], add=True)

    def do_slab(cur, nxt, k_next):
        gather(cur.at[1, 0], rowsb_v)
        gather_wait(cur.at[0, 0], rowsa_v)
        scat(cur.at[0, 1], rowsa_v)
        gather(cur.at[2, 0], rowsa_v)
        gather_wait(cur.at[1, 0], rowsb_v)
        scat(cur.at[1, 1], rowsb_v)
        gather(cur.at[3, 0], rowsb_v)
        gather_wait(cur.at[2, 0], rowsa_v)
        scat(cur.at[2, 1], rowsa_v)
        pltpu.sync_copy(e16_hbm.at[w, k_next], nxt)
        gather(nxt.at[0, 0], rowsa_v)
        gather_wait(cur.at[3, 0], rowsb_v)
        scat(cur.at[3, 1], rowsb_v)

    pltpu.sync_copy(e16_hbm.at[w, 0], pa_v)
    gather(pa_v.at[0, 0], rowsa_v)

    def body(m, carry):
        do_slab(pa_v, pb_v, 2 * m + 1)
        do_slab(pb_v, pa_v, 2 * m + 2)
        return carry

    lax.fori_loop(0, (NSLAB - 1) // 2, body, 0)
    gather(pa_v.at[1, 0], rowsb_v)
    gather_wait(pa_v.at[0, 0], rowsa_v)
    scat(pa_v.at[0, 1], rowsa_v)
    gather(pa_v.at[2, 0], rowsa_v)
    gather_wait(pa_v.at[1, 0], rowsb_v)
    scat(pa_v.at[1, 1], rowsb_v)
    gather(pa_v.at[3, 0], rowsb_v)
    gather_wait(pa_v.at[2, 0], rowsa_v)
    scat(pa_v.at[2, 1], rowsa_v)
    pltpu.sync_copy(eL_hbm.at[w], ea_v)
    gather(ea_v.at[0], rowsa_v)
    gather_wait(pa_v.at[3, 0], rowsb_v)
    scat(pa_v.at[3, 1], rowsb_v)
    gather_wait(ea_v.at[0], rowsa_v)
    scat(ea_v.at[1], rowsa_v)
    plsc.subcore_barrier()
    for r in range(ROWS_PT // RB):
        pltpu.sync_copy(agg_sp.at[pl.ds(s * ROWS_PT + r * RB, RB)], zrow_v)
        pltpu.sync_copy(zrow_v, out_hbm.at[c, pl.ds(s * ROWS_PT + r * RB, RB)])


def _sc_mesh():
    return plsc.VectorSubcoreMesh(core_axis_name="c", subcore_axis_name="s")


_deg_call = pl.kernel(
    _sc_deg_body,
    out_type=jax.ShapeDtypeStruct((NC, 1, DEG_PAD), jnp.float32),
    mesh=_sc_mesh(),
    scratch_types=[
        pltpu.VMEM((CHUNK,), jnp.float32),
        pltpu.VMEM((CHUNK,), jnp.int32),
        pltpu.VMEM((CHUNK,), jnp.int32),
        pltpu.VMEM((DPT,), jnp.float32),
        pltpu.VMEM_SHARED((DEG_PAD,), jnp.float32),
        pltpu.SemaphoreType.DMA,
    ],
)

_prop_call = pl.kernel(
    _sc_prop_body,
    out_type=jax.ShapeDtypeStruct((NC, OUT_PAD, F), jnp.float32),
    mesh=_sc_mesh(),
    scratch_types=[
        pltpu.VMEM((2, CHUNK), jnp.int32),
        pltpu.VMEM((4, 2, CHUNK), jnp.int32),
        pltpu.VMEM((4, 2, CHUNK), jnp.int32),
        pltpu.VMEM((CHUNK, F), jnp.float32),
        pltpu.VMEM((CHUNK, F), jnp.float32),
        pltpu.VMEM((RB, F), jnp.float32),
        pltpu.VMEM_SHARED((OUT_PAD, F), jnp.float32),
        pltpu.SemaphoreType.DMA,
    ],
)



BR = 2000
GRID = NN // BR


def _mm1_body(x_ref, w_ref, d0_ref, d1_ref, g_ref, dis_ref):
    dis = lax.rsqrt(d0_ref[...] + d1_ref[...] + 1.0)
    u = jnp.dot(x_ref[...], w_ref[...], preferred_element_type=jnp.float32)
    dis_ref[...] = dis
    g_ref[...] = u * dis


def _comb_mm_body(p_ref, g_ref, dis_ref, b_ref, w_ref, out_ref):
    dis = dis_ref[...]
    a = (p_ref[0] + p_ref[1] + g_ref[...]) * dis + b_ref[...]
    h = jnp.maximum(a, 0.0)
    out_ref[...] = jnp.dot(h, w_ref[...], preferred_element_type=jnp.float32) * dis


def _comb_body(p_ref, g_ref, dis_ref, b_ref, out_ref):
    dis = dis_ref[...]
    a = (p_ref[0] + p_ref[1] + g_ref[...]) * dis + b_ref[...]
    out_ref[...] = jnp.maximum(a, 0.0) * dis


def _final_body(p_ref, g_ref, dis_ref, w_ref, b_ref, out_ref):
    p = (p_ref[0] + p_ref[1] + g_ref[...]) * dis_ref[...]
    out_ref[...] = jnp.dot(p, w_ref[...], preferred_element_type=jnp.float32) + b_ref[...]


_row_spec = pl.BlockSpec((BR, F), lambda i: (i, 0))
_p_spec = pl.BlockSpec((NC, BR, F), lambda i: (0, i, 0))
_dis_spec = pl.BlockSpec((BR, 1), lambda i: (i, 0))
_w_spec = pl.BlockSpec((F, F), lambda i: (0, 0))
_b_spec = pl.BlockSpec((1, F), lambda i: (0, 0))

_mm1 = pl.pallas_call(
    _mm1_body,
    grid=(GRID,),
    in_specs=[_row_spec, _w_spec, _dis_spec, _dis_spec],
    out_specs=[_row_spec, _dis_spec],
    out_shape=[jax.ShapeDtypeStruct((NN, F), jnp.float32),
               jax.ShapeDtypeStruct((NN, 1), jnp.float32)],
)

_comb_mm = pl.pallas_call(
    _comb_mm_body,
    grid=(GRID,),
    in_specs=[_p_spec, _row_spec, _dis_spec, _b_spec, _w_spec],
    out_specs=_row_spec,
    out_shape=jax.ShapeDtypeStruct((NN, F), jnp.float32),
)

_comb = pl.pallas_call(
    _comb_body,
    grid=(GRID,),
    in_specs=[_p_spec, _row_spec, _dis_spec, _b_spec],
    out_specs=_row_spec,
    out_shape=jax.ShapeDtypeStruct((NN, F), jnp.float32),
)

_final = pl.pallas_call(
    _final_body,
    grid=(GRID,),
    in_specs=[_p_spec, _row_spec, _dis_spec, _w_spec, _b_spec],
    out_specs=_row_spec,
    out_shape=jax.ShapeDtypeStruct((NN, F), jnp.float32),
)


def kernel(x, edge_index, W1, b1, W2, b2, Wmu, bmu, Wls, bls):
    src = edge_index[0]
    dst = edge_index[1]
    srcr = src.reshape(NW, NCHP, CHUNK)
    dstr = dst.reshape(NW, NCHP, CHUNK)
    e4 = jnp.stack([srcr, dstr], axis=2)
    e16 = e4[:, :4 * NSLAB].reshape(NW, NSLAB, 4, 2, CHUNK)
    eL = e4[:, 4 * NSLAB]

    degp = _deg_call(dst)
    d0 = degp[0, 0, :NN, None]
    d1 = degp[1, 0, :NN, None]

    g1, dis = _mm1(x, W1, d0, d1)
    P1 = _prop_call(g1, e16, eL)
    g2 = _comb_mm(P1, g1, dis, b1[None], W2)
    P2 = _prop_call(g2, e16, eL)
    g3 = _comb(P2, g2, dis, b2[None])
    P3 = _prop_call(g3, e16, eL)

    Wc = jnp.concatenate([Wmu, Wls], axis=1)
    bc = jnp.concatenate([bmu, bls])[None]
    out = _final(P3, g3, dis, Wc, bc)
    return (out[:, :64], out[:, 64:])

# --- scband reference (transcript-rebuilt; emitter-appended) ---
"""Pipeline reference for scband-encoder-69870527971691 (READ-ONLY COPY).

The authoritative reference and input builder live on the scoring server;
editing this copy changes nothing except your own understanding.
"""

import jax, jax.numpy as jnp
import numpy as np

N = 10000
E = 320000
D_IN = 128
HID = 128
LAT = 64


def setup_inputs(seed: int = 0) -> dict:
    key = jax.random.key(seed)
    ks = jax.random.split(key, 10)
    x = jax.random.normal(ks[0], (N, D_IN), dtype=jnp.float32)
    edge_index = jax.random.randint(ks[1], (2, E), 0, N, dtype=jnp.int32)
    def glorot(k, fan_in, fan_out):
        s = jnp.sqrt(6.0 / (fan_in + fan_out))
        return jax.random.uniform(k, (fan_in, fan_out), dtype=jnp.float32, minval=-s, maxval=s)
    W1 = glorot(ks[2], D_IN, HID)
    b1 = jnp.zeros((HID,), dtype=jnp.float32)
    W2 = glorot(ks[3], HID, 2 * LAT)
    b2 = jnp.zeros((2 * LAT,), dtype=jnp.float32)
    Wmu = glorot(ks[4], 2 * LAT, LAT)
    bmu = jnp.zeros((LAT,), dtype=jnp.float32)
    Wls = glorot(ks[5], 2 * LAT, LAT)
    bls = jnp.zeros((LAT,), dtype=jnp.float32)
    return {"x": x, "edge_index": edge_index, "W1": W1, "b1": b1, "W2": W2, "b2": b2,
            "Wmu": Wmu, "bmu": bmu, "Wls": Wls, "bls": bls}


def reference(x, edge_index, W1, b1, W2, b2, Wmu, bmu, Wls, bls):
    # GCN normalization with self-loops: A_hat = D^{-1/2} (A + I) D^{-1/2}
    loop = jnp.arange(N, dtype=edge_index.dtype)
    src = jnp.concatenate([edge_index[0], loop])
    dst = jnp.concatenate([edge_index[1], loop])
    deg = jax.ops.segment_sum(jnp.ones_like(dst, dtype=x.dtype), dst, num_segments=N)
    dis = 1.0 / jnp.sqrt(jnp.maximum(deg, 1.0))
    norm = dis[src] * dis[dst]

    def gcn_conv(h, W, b):
        h = h @ W
        msg = jnp.take(h, src, axis=0) * norm[:, None]
        agg = jax.ops.segment_sum(msg, dst, num_segments=N)
        return agg + b

    h = jax.nn.relu(gcn_conv(x, W1, b1))
    h = jax.nn.relu(gcn_conv(h, W2, b2))
    mu = gcn_conv(h, Wmu, bmu)
    logstd = gcn_conv(h, Wls, bls)
    return (mu, logstd)

if __name__ == "__main__":
    import jax
    _d = setup_inputs()
    print(jax.jit(kernel)(*tuple(_d.values())))

</pallas_src>

<mosaic_0001>
#map = affine_map<(d0, d1) -> (0)>
#map1 = affine_map<(d0, d1) -> (0, 0, 0)>
module attributes {stable_mosaic.version = 14 : i64} {
  func.func @_sc_deg_body(%arg0: i32, %arg1: i32, %arg2: memref<320000xi32, #tpu.memory_space<hbm>>, %arg3: memref<2x1x10240xf32, #tpu.memory_space<hbm>>, %arg4: memref<80xf32, #tpu.memory_space<vmem>>, %arg5: memref<80xi32, #tpu.memory_space<vmem>>, %arg6: memref<80xi32, #tpu.memory_space<vmem>>, %arg7: memref<640xf32, #tpu.memory_space<vmem>>, %arg8: memref<10240xf32, #tpu.memory_space<vmem_shared>>, %arg9: memref<!tpu.dma_semaphore, #tpu.memory_space<semaphore_mem>>) attributes {dimension_semantics = [#tpu.dimension_semantics<core_parallel>, #tpu.dimension_semantics<subcore_parallel>], iteration_bounds = array<i64: 2, 16>, scalar_prefetch = 0 : i64, scratch_operands = 6 : i64, tpu.core_type = #tpu.core_type<sc_vector_subcore>, window_params = [{transform_indices = #map}, {transform_indices = #map1}]} {
    %mul3A = arith.constant 16 : i32
    %mul3A_0 = arith.muli %arg0, %mul3A : i32
    %add3A = arith.addi %mul3A_0, %arg1 : i32
    %broadcast_in_dim3A = arith.constant 1.000000e+00 : f32
    %broadcast_in_dim3A_1 = vector.broadcast %broadcast_in_dim3A : f32 to vector<16xf32>
    %swap3A = arith.constant 0 : index
    %swap3A_2 = tpu.vector_load %arg4[%swap3A] {strides = array<i32>} : memref<80xf32, #tpu.memory_space<vmem>>, vector<16xf32>,
    %swap3A_3 = vector.shape_cast %swap3A_2 : vector<16xf32> to vector<16xf32>
    %swap3A_4 = vector.shape_cast %broadcast_in_dim3A_1 : vector<16xf32> to vector<16xf32>
    tpu.vector_store %arg4[%swap3A], %swap3A_4 {strides = array<i32>} : memref<80xf32, #tpu.memory_space<vmem>>, vector<16xf32>,
    %broadcast_in_dim3A_5 = arith.constant 1.000000e+00 : f32
    %broadcast_in_dim3A_6 = vector.broadcast %broadcast_in_dim3A_5 : f32 to vector<16xf32>
    %swap3A_7 = arith.constant 16 : index
    %swap3A_8 = tpu.vector_load %arg4[%swap3A_7] {strides = array<i32>} : memref<80xf32, #tpu.memory_space<vmem>>, vector<16xf32>,
    %swap3A_9 = vector.shape_cast %swap3A_8 : vector<16xf32> to vector<16xf32>
    %swap3A_10 = vector.shape_cast %broadcast_in_dim3A_6 : vector<16xf32> to vector<16xf32>
    tpu.vector_store %arg4[%swap3A_7], %swap3A_10 {strides = array<i32>} : memref<80xf32, #tpu.memory_space<vmem>>, vector<16xf32>,
    %broadcast_in_dim3A_11 = arith.constant 1.000000e+00 : f32
    %broadcast_in_dim3A_12 = vector.broadcast %broadcast_in_dim3A_11 : f32 to vector<16xf32>
    %swap3A_13 = arith.constant 32 : index
    %swap3A_14 = tpu.vector_load %arg4[%swap3A_13] {strides = array<i32>} : memref<80xf32, #tpu.memory_space<vmem>>, vector<16xf32>,
    %swap3A_15 = vector.shape_cast %swap3A_14 : vector<16xf32> to vector<16xf32>
    %swap3A_16 = vector.shape_cast %broadcast_in_dim3A_12 : vector<16xf32> to vector<16xf32>
    tpu.vector_store %arg4[%swap3A_13], %swap3A_16 {strides = array<i32>} : memref<80xf32, #tpu.memory_space<vmem>>, vector<16xf32>,
    %broadcast_in_dim3A_17 = arith.constant 1.000000e+00 : f32
    %broadcast_in_dim3A_18 = vector.broadcast %broadcast_in_dim3A_17 : f32 to vector<16xf32>
    %swap3A_19 = arith.constant 48 : index
    %swap3A_20 = tpu.vector_load %arg4[%swap3A_19] {strides = array<i32>} : memref<80xf32, #tpu.memory_space<vmem>>, vector<16xf32>,
    %swap3A_21 = vector.shape_cast %swap3A_20 : vector<16xf32> to vector<16xf32>
    %swap3A_22 = vector.shape_cast %broadcast_in_dim3A_18 : vector<16xf32> to vector<16xf32>
    tpu.vector_store %arg4[%swap3A_19], %swap3A_22 {strides = array<i32>} : memref<80xf32, #tpu.memory_space<vmem>>, vector<16xf32>,
    %broadcast_in_dim3A_23 = arith.constant 1.000000e+00 : f32
    %broadcast_in_dim3A_24 = vector.broadcast %broadcast_in_dim3A_23 : f32 to vector<16xf32>
    %swap3A_25 = arith.constant 64 : index
    %swap3A_26 = tpu.vector_load %arg4[%swap3A_25] {strides = array<i32>} : memref<80xf32, #tpu.memory_space<vmem>>, vector<16xf32>,
    %swap3A_27 = vector.shape_cast %swap3A_26 : vector<16xf32> to vector<16xf32>
    %swap3A_28 = vector.shape_cast %broadcast_in_dim3A_24 : vector<16xf32> to vector<16xf32>
    tpu.vector_store %arg4[%swap3A_25], %swap3A_28 {strides = array<i32>} : memref<80xf32, #tpu.memory_space<vmem>>, vector<16xf32>,
    %broadcast_in_dim3A_29 = arith.constant 0.000000e+00 : f32
    %broadcast_in_dim3A_30 = vector.broadcast %broadcast_in_dim3A_29 : f32 to vector<16xf32>
    %swap3A_31 = arith.constant 0 : index
    %swap3A_32 = tpu.vector_load %arg7[%swap3A_31] {strides = array<i32>} : memref<640xf32, #tpu.memory_space<vmem>>, vector<16xf32>,
    %swap3A_33 = vector.shape_cast %swap3A_32 : vector<16xf32> to vector<16xf32>
    %swap3A_34 = vector.shape_cast %broadcast_in_dim3A_30 : vector<16xf32> to vector<16xf32>
    tpu.vector_store %arg7[%swap3A_31], %swap3A_34 {strides = array<i32>} : memref<640xf32, #tpu.memory_space<vmem>>, vector<16xf32>,
    %broadcast_in_dim3A_35 = arith.constant 0.000000e+00 : f32
    %broadcast_in_dim3A_36 = vector.broadcast %broadcast_in_dim3A_35 : f32 to vector<16xf32>
    %swap3A_37 = arith.constant 16 : index
    %swap3A_38 = tpu.vector_load %arg7[%swap3A_37] {strides = array<i32>} : memref<640xf32, #tpu.memory_space<vmem>>, vector<16xf32>,
    %swap3A_39 = vector.shape_cast %swap3A_38 : vector<16xf32> to vector<16xf32>
    %swap3A_40 = vector.shape_cast %broadcast_in_dim3A_36 : vector<16xf32> to vector<16xf32>
    tpu.vector_store %arg7[%swap3A_37], %swap3A_40 {strides = array<i32>} : memref<640xf32, #tpu.memory_space<vmem>>, vector<16xf32>,
    %broadcast_in_dim3A_41 = arith.constant 0.000000e+00 : f32
    %broadcast_in_dim3A_42 = vector.broadcast %broadcast_in_dim3A_41 : f32 to vector<16xf32>
    %swap3A_43 = arith.constant 32 : index
    %swap3A_44 = tpu.vector_load %arg7[%swap3A_43] {strides = array<i32>} : memref<640xf32, #tpu.memory_space<vmem>>, vector<16xf32>,
    %swap3A_45 = vector.shape_cast %swap3A_44 : vector<16xf32> to vector<16xf32>
    %swap3A_46 = vector.shape_cast %broadcast_in_dim3A_42 : vector<16xf32> to vector<16xf32>
    tpu.vector_store %arg7[%swap3A_43], %swap3A_46 {strides = array<i32>} : memref<640xf32, #tpu.memory_space<vmem>>, vector<16xf32>,
    %broadcast_in_dim3A_47 = arith.constant 0.000000e+00 : f32
    %broadcast_in_dim3A_48 = vector.broadcast %broadcast_in_dim3A_47 : f32 to vector<16xf32>
    %swap3A_49 = arith.constant 48 : index
    %swap3A_50 = tpu.vector_load %arg7[%swap3A_49] {strides = array<i32>} : memref<640xf32, #tpu.memory_space<vmem>>, vector<16xf32>,
    %swap3A_51 = vector.shape_cast %swap3A_50 : vector<16xf32> to vector<16xf32>
    %swap3A_52 = vector.shape_cast %broadcast_in_dim3A_48 : vector<16xf32> to vector<16xf32>
    tpu.vector_store %arg7[%swap3A_49], %swap3A_52 {strides = array<i32>} : memref<640xf32, #tpu.memory_space<vmem>>, vector<16xf32>,
    %broadcast_in_dim3A_53 = arith.constant 0.000000e+00 : f32
    %broadcast_in_dim3A_54 = vector.broadcast %broadcast_in_dim3A_53 : f32 to vector<16xf32>
    %swap3A_55 = arith.constant 64 : index
    %swap3A_56 = tpu.vector_load %arg7[%swap3A_55] {strides = array<i32>} : memref<640xf32, #tpu.memory_space<vmem>>, vector<16xf32>,
    %swap3A_57 = vector.shape_cast %swap3A_56 : vector<16xf32> to vector<16xf32>
    %swap3A_58 = vector.shape_cast %broadcast_in_dim3A_54 : vector<16xf32> to vector<16xf32>
    tpu.vector_store %arg7[%swap3A_55], %swap3A_58 {strides = array<i32>} : memref<640xf32, #tpu.memory_space<vmem>>, vector<16xf32>,
    %broadcast_in_dim3A_59 = arith.constant 0.000000e+00 : f32
    %broadcast_in_dim3A_60 = vector.broadcast %broadcast_in_dim3A_59 : f32 to vector<16xf32>
    %swap3A_61 = arith.constant 80 : index
    %swap3A_62 = tpu.vector_load %arg7[%swap3A_61] {strides = array<i32>} : memref<640xf32, #tpu.memory_space<vmem>>, vector<16xf32>,
    %swap3A_63 = vector.shape_cast %swap3A_62 : vector<16xf32> to vector<16xf32>
    %swap3A_64 = vector.shape_cast %broadcast_in_dim3A_60 : vector<16xf32> to vector<16xf32>
    tpu.vector_store %arg7[%swap3A_61], %swap3A_64 {strides = array<i32>} : memref<640xf32, #tpu.memory_space<vmem>>, vector<16xf32>,
    %broadcast_in_dim3A_65 = arith.constant 0.000000e+00 : f32
    %broadcast_in_dim3A_66 = vector.broadcast %broadcast_in_dim3A_65 : f32 to vector<16xf32>
    %swap3A_67 = arith.constant 96 : index
    %swap3A_68 = tpu.vector_load %arg7[%swap3A_67] {strides = array<i32>} : memref<640xf32, #tpu.memory_space<vmem>>, vector<16xf32>,
    %swap3A_69 = vector.shape_cast %swap3A_68 : vector<16xf32> to vector<16xf32>
    %swap3A_70 = vector.shape_cast %broadcast_in_dim3A_66 : vector<16xf32> to vector<16xf32>
    tpu.vector_store %arg7[%swap3A_67], %swap3A_70 {strides = array<i32>} : memref<640xf32, #tpu.memory_space<vmem>>, vector<16xf32>,
    %broadcast_in_dim3A_71 = arith.constant 0.000000e+00 : f32
    %broadcast_in_dim3A_72 = vector.broadcast %broadcast_in_dim3A_71 : f32 to vector<16xf32>
    %swap3A_73 = arith.constant 112 : index
    %swap3A_74 = tpu.vector_load %arg7[%swap3A_73] {strides = array<i32>} : memref<640xf32, #tpu.memory_space<vmem>>, vector<16xf32>,
    %swap3A_75 = vector.shape_cast %swap3A_74 : vector<16xf32> to vector<16xf32>
    %swap3A_76 = vector.shape_cast %broadcast_in_dim3A_72 : vector<16xf32> to vector<16xf32>
    tpu.vector_store %arg7[%swap3A_73], %swap3A_76 {strides = array<i32>} : memref<640xf32, #tpu.memory_space<vmem>>, vector<16xf32>,
    %broadcast_in_dim3A_77 = arith.constant 0.000000e+00 : f32
    %broadcast_in_dim3A_78 = vector.broadcast %broadcast_in_dim3A_77 : f32 to vector<16xf32>
    %swap3A_79 = arith.constant 128 : index
    %swap3A_80 = tpu.vector_load %arg7[%swap3A_79] {strides = array<i32>} : memref<640xf32, #tpu.memory_space<vmem>>, vector<16xf32>,
    %swap3A_81 = vector.shape_cast %swap3A_80 : vector<16xf32> to vector<16xf32>
    %swap3A_82 = vector.shape_cast %broadcast_in_dim3A_78 : vector<16xf32> to vector<16xf32>
    tpu.vector_store %arg7[%swap3A_79], %swap3A_82 {strides = array<i32>} : memref<640xf32, #tpu.memory_space<vmem>>, vector<16xf32>,
    %broadcast_in_dim3A_83 = arith.constant 0.000000e+00 : f32
    %broadcast_in_dim3A_84 = vector.broadcast %broadcast_in_dim3A_83 : f32 to vector<16xf32>
    %swap3A_85 = arith.constant 144 : index
    %swap3A_86 = tpu.vector_load %arg7[%swap3A_85] {strides = array<i32>} : memref<640xf32, #tpu.memory_space<vmem>>, vector<16xf32>,
    %swap3A_87 = vector.shape_cast %swap3A_86 : vector<16xf32> to vector<16xf32>
    %swap3A_88 = vector.shape_cast %broadcast_in_dim3A_84 : vector<16xf32> to vector<16xf32>
    tpu.vector_store %arg7[%swap3A_85], %swap3A_88 {strides = array<i32>} : memref<640xf32, #tpu.memory_space<vmem>>, vector<16xf32>,
    %broadcast_in_dim3A_89 = arith.constant 0.000000e+00 : f32
    %broadcast_in_dim3A_90 = vector.broadcast %broadcast_in_dim3A_89 : f32 to vector<16xf32>
    %swap3A_91 = arith.constant 160 : index
    %swap3A_92 = tpu.vector_load %arg7[%swap3A_91] {strides = array<i32>} : memref<640xf32, #tpu.memory_space<vmem>>, vector<16xf32>,
    %swap3A_93 = vector.shape_cast %swap3A_92 : vector<16xf32> to vector<16xf32>
    %swap3A_94 = vector.shape_cast %broadcast_in_dim3A_90 : vector<16xf32> to vector<16xf32>
    tpu.vector_store %arg7[%swap3A_91], %swap3A_94 {strides = array<i32>} : memref<640xf32, #tpu.memory_space<vmem>>, vector<16xf32>,
    %broadcast_in_dim3A_95 = arith.constant 0.000000e+00 : f32
    %broadcast_in_dim3A_96 = vector.broadcast %broadcast_in_dim3A_95 : f32 to vector<16xf32>
    %swap3A_97 = arith.constant 176 : index
    %swap3A_98 = tpu.vector_load %arg7[%swap3A_97] {strides = array<i32>} : memref<640xf32, #tpu.memory_space<vmem>>, vector<16xf32>,
    %swap3A_99 = vector.shape_cast %swap3A_98 : vector<16xf32> to vector<16xf32>
    %swap3A_100 = vector.shape_cast %broadcast_in_dim3A_96 : vector<16xf32> to vector<16xf32>
    tpu.vector_store %arg7[%swap3A_97], %swap3A_100 {strides = array<i32>} : memref<640xf32, #tpu.memory_space<vmem>>, vector<16xf32>,
    %broadcast_in_dim3A_101 = arith.constant 0.000000e+00 : f32
    %broadcast_in_dim3A_102 = vector.broadcast %broadcast_in_dim3A_101 : f32 to vector<16xf32>
    %swap3A_103 = arith.constant 192 : index
    %swap3A_104 = tpu.vector_load %arg7[%swap3A_103] {strides = array<i32>} : memref<640xf32, #tpu.memory_space<vmem>>, vector<16xf32>,
    %swap3A_105 = vector.shape_cast %swap3A_104 : vector<16xf32> to vector<16xf32>
    %swap3A_106 = vector.shape_cast %broadcast_in_dim3A_102 : vector<16xf32> to vector<16xf32>
    tpu.vector_store %arg7[%swap3A_103], %swap3A_106 {strides = array<i32>} : memref<640xf32, #tpu.memory_space<vmem>>, vector<16xf32>,
    %broadcast_in_dim3A_107 = arith.constant 0.000000e+00 : f32
    %broadcast_in_dim3A_108 = vector.broadcast %broadcast_in_dim3A_107 : f32 to vector<16xf32>
    %swap3A_109 = arith.constant 208 : index
    %swap3A_110 = tpu.vector_load %arg7[%swap3A_109] {strides = array<i32>} : memref<640xf32, #tpu.memory_space<vmem>>, vector<16xf32>,
    %swap3A_111 = vector.shape_cast %swap3A_110 : vector<16xf32> to vector<16xf32>
    %swap3A_112 = vector.shape_cast %broadcast_in_dim3A_108 : vector<16xf32> to vector<16xf32>
    tpu.vector_store %arg7[%swap3A_109], %swap3A_112 {strides = array<i32>} : memref<640xf32, #tpu.memory_space<vmem>>, vector<16xf32>,
    %broadcast_in_dim3A_113 = arith.constant 0.000000e+00 : f32
    %broadcast_in_dim3A_114 = vector.broadcast %broadcast_in_dim3A_113 : f32 to vector<16xf32>
    %swap3A_115 = arith.constant 224 : index
    %swap3A_116 = tpu.vector_load %arg7[%swap3A_115] {strides = array<i32>} : memref<640xf32, #tpu.memory_space<vmem>>, vector<16xf32>,
    %swap3A_117 = vector.shape_cast %swap3A_116 : vector<16xf32> to vector<16xf32>
    %swap3A_118 = vector.shape_cast %broadcast_in_dim3A_114 : vector<16xf32> to vector<16xf32>
    tpu.vector_store %arg7[%swap3A_115], %swap3A_118 {strides = array<i32>} : memref<640xf32, #tpu.memory_space<vmem>>, vector<16xf32>,
    %broadcast_in_dim3A_119 = arith.constant 0.000000e+00 : f32
    %broadcast_in_dim3A_120 = vector.broadcast %broadcast_in_dim3A_119 : f32 to vector<16xf32>
    %swap3A_121 = arith.constant 240 : index
    %swap3A_122 = tpu.vector_load %arg7[%swap3A_121] {strides = array<i32>} : memref<640xf32, #tpu.memory_space<vmem>>, vector<16xf32>,
    %swap3A_123 = vector.shape_cast %swap3A_122 : vector<16xf32> to vector<16xf32>
    %swap3A_124 = vector.shape_cast %broadcast_in_dim3A_120 : vector<16xf32> to vector<16xf32>
    tpu.vector_store %arg7[%swap3A_121], %swap3A_124 {strides = array<i32>} : memref<640xf32, #tpu.memory_space<vmem>>, vector<16xf32>,
    %broadcast_in_dim3A_125 = arith.constant 0.000000e+00 : f32
    %broadcast_in_dim3A_126 = vector.broadcast %broadcast_in_dim3A_125 : f32 to vector<16xf32>
    %swap3A_127 = arith.constant 256 : index
    %swap3A_128 = tpu.vector_load %arg7[%swap3A_127] {strides = array<i32>} : memref<640xf32, #tpu.memory_space<vmem>>, vector<16xf32>,
    %swap3A_129 = vector.shape_cast %swap3A_128 : vector<16xf32> to vector<16xf32>
    %swap3A_130 = vector.shape_cast %broadcast_in_dim3A_126 : vector<16xf32> to vector<16xf32>
    tpu.vector_store %arg7[%swap3A_127], %swap3A_130 {strides = array<i32>} : memref<640xf32, #tpu.memory_space<vmem>>, vector<16xf32>,
    %broadcast_in_dim3A_131 = arith.constant 0.000000e+00 : f32
    %broadcast_in_dim3A_132 = vector.broadcast %broadcast_in_dim3A_131 : f32 to vector<16xf32>
    %swap3A_133 = arith.constant 272 : index
    %swap3A_134 = tpu.vector_load %arg7[%swap3A_133] {strides = array<i32>} : memref<640xf32, #tpu.memory_space<vmem>>, vector<16xf32>,
    %swap3A_135 = vector.shape_cast %swap3A_134 : vector<16xf32> to vector<16xf32>
    %swap3A_136 = vector.shape_cast %broadcast_in_dim3A_132 : vector<16xf32> to vector<16xf32>
    tpu.vector_store %arg7[%swap3A_133], %swap3A_136 {strides = array<i32>} : memref<640xf32, #tpu.memory_space<vmem>>, vector<16xf32>,
    %broadcast_in_dim3A_137 = arith.constant 0.000000e+00 : f32
    %broadcast_in_dim3A_138 = vector.broadcast %broadcast_in_dim3A_137 : f32 to vector<16xf32>
    %swap3A_139 = arith.constant 288 : index
    %swap3A_140 = tpu.vector_load %arg7[%swap3A_139] {strides = array<i32>} : memref<640xf32, #tpu.memory_space<vmem>>, vector<16xf32>,
    %swap3A_141 = vector.shape_cast %swap3A_140 : vector<16xf32> to vector<16xf32>
    %swap3A_142 = vector.shape_cast %broadcast_in_dim3A_138 : vector<16xf32> to vector<16xf32>
    tpu.vector_store %arg7[%swap3A_139], %swap3A_142 {strides = array<i32>} : memref<640xf32, #tpu.memory_space<vmem>>, vector<16xf32>,
    %broadcast_in_dim3A_143 = arith.constant 0.000000e+00 : f32
    %broadcast_in_dim3A_144 = vector.broadcast %broadcast_in_dim3A_143 : f32 to vector<16xf32>
    %swap3A_145 = arith.constant 304 : index
    %swap3A_146 = tpu.vector_load %arg7[%swap3A_145] {strides = array<i32>} : memref<640xf32, #tpu.memory_space<vmem>>, vector<16xf32>,
    %swap3A_147 = vector.shape_cast %swap3A_146 : vector<16xf32> to vector<16xf32>
    %swap3A_148 = vector.shape_cast %broadcast_in_dim3A_144 : vector<16xf32> to vector<16xf32>
    tpu.vector_store %arg7[%swap3A_145], %swap3A_148 {strides = array<i32>} : memref<640xf32, #tpu.memory_space<vmem>>, vector<16xf32>,
    %broadcast_in_dim3A_149 = arith.constant 0.000000e+00 : f32
    %broadcast_in_dim3A_150 = vector.broadcast %broadcast_in_dim3A_149 : f32 to vector<16xf32>
    %swap3A_151 = arith.constant 320 : index
    %swap3A_152 = tpu.vector_load %arg7[%swap3A_151] {strides = array<i32>} : memref<640xf32, #tpu.memory_space<vmem>>, vector<16xf32>,
    %swap3A_153 = vector.shape_cast %swap3A_152 : vector<16xf32> to vector<16xf32>
    %swap3A_154 = vector.shape_cast %broadcast_in_dim3A_150 : vector<16xf32> to vector<16xf32>
    tpu.vector_store %arg7[%swap3A_151], %swap3A_154 {strides = array<i32>} : memref<640xf32, #tpu.memory_space<vmem>>, vector<16xf32>,
    %broadcast_in_dim3A_155 = arith.constant 0.000000e+00 : f32
    %broadcast_in_dim3A_156 = vector.broadcast %broadcast_in_dim3A_155 : f32 to vector<16xf32>
    %swap3A_157 = arith.constant 336 : index
    %swap3A_158 = tpu.vector_load %arg7[%swap3A_157] {strides = array<i32>} : memref<640xf32, #tpu.memory_space<vmem>>, vector<16xf32>,
    %swap3A_159 = vector.shape_cast %swap3A_158 : vector<16xf32> to vector<16xf32>
    %swap3A_160 = vector.shape_cast %broadcast_in_dim3A_156 : vector<16xf32> to vector<16xf32>
    tpu.vector_store %arg7[%swap3A_157], %swap3A_160 {strides = array<i32>} : memref<640xf32, #tpu.memory_space<vmem>>, vector<16xf32>,
    %broadcast_in_dim3A_161 = arith.constant 0.000000e+00 : f32
    %broadcast_in_dim3A_162 = vector.broadcast %broadcast_in_dim3A_161 : f32 to vector<16xf32>
    %swap3A_163 = arith.constant 352 : index
    %swap3A_164 = tpu.vector_load %arg7[%swap3A_163] {strides = array<i32>} : memref<640xf32, #tpu.memory_space<vmem>>, vector<16xf32>,
    %swap3A_165 = vector.shape_cast %swap3A_164 : vector<16xf32> to vector<16xf32>
    %swap3A_166 = vector.shape_cast %broadcast_in_dim3A_162 : vector<16xf32> to vector<16xf32>
    tpu.vector_store %arg7[%swap3A_163], %swap3A_166 {strides = array<i32>} : memref<640xf32, #tpu.memory_space<vmem>>, vector<16xf32>,
    %broadcast_in_dim3A_167 = arith.constant 0.000000e+00 : f32
    %broadcast_in_dim3A_168 = vector.broadcast %broadcast_in_dim3A_167 : f32 to vector<16xf32>
    %swap3A_169 = arith.constant 368 : index
    %swap3A_170 = tpu.vector_load %arg7[%swap3A_169] {strides = array<i32>} : memref<640xf32, #tpu.memory_space<vmem>>, vector<16xf32>,
    %swap3A_171 = vector.shape_cast %swap3A_170 : vector<16xf32> to vector<16xf32>
    %swap3A_172 = vector.shape_cast %broadcast_in_dim3A_168 : vector<16xf32> to vector<16xf32>
    tpu.vector_store %arg7[%swap3A_169], %swap3A_172 {strides = array<i32>} : memref<640xf32, #tpu.memory_space<vmem>>, vector<16xf32>,
    %broadcast_in_dim3A_173 = arith.constant 0.000000e+00 : f32
    %broadcast_in_dim3A_174 = vector.broadcast %broadcast_in_dim3A_173 : f32 to vector<16xf32>
    %swap3A_175 = arith.constant 384 : index
    %swap3A_176 = tpu.vector_load %arg7[%swap3A_175] {strides = array<i32>} : memref<640xf32, #tpu.memory_space<vmem>>, vector<16xf32>,
    %swap3A_177 = vector.shape_cast %swap3A_176 : vector<16xf32> to vector<16xf32>
    %swap3A_178 = vector.shape_cast %broadcast_in_dim3A_174 : vector<16xf32> to vector<16xf32>
    tpu.vector_store %arg7[%swap3A_175], %swap3A_178 {strides = array<i32>} : memref<640xf32, #tpu.memory_space<vmem>>, vector<16xf32>,
    %broadcast_in_dim3A_179 = arith.constant 0.000000e+00 : f32
    %broadcast_in_dim3A_180 = vector.broadcast %broadcast_in_dim3A_179 : f32 to vector<16xf32>
    %swap3A_181 = arith.constant 400 : index
    %swap3A_182 = tpu.vector_load %arg7[%swap3A_181] {strides = array<i32>} : memref<640xf32, #tpu.memory_space<vmem>>, vector<16xf32>,
    %swap3A_183 = vector.shape_cast %swap3A_182 : vector<16xf32> to vector<16xf32>
    %swap3A_184 = vector.shape_cast %broadcast_in_dim3A_180 : vector<16xf32> to vector<16xf32>
    tpu.vector_store %arg7[%swap3A_181], %swap3A_184 {strides = array<i32>} : memref<640xf32, #tpu.memory_space<vmem>>, vector<16xf32>,
    %broadcast_in_dim3A_185 = arith.constant 0.000000e+00 : f32
    %broadcast_in_dim3A_186 = vector.broadcast %broadcast_in_dim3A_185 : f32 to vector<16xf32>
    %swap3A_187 = arith.constant 416 : index
    %swap3A_188 = tpu.vector_load %arg7[%swap3A_187] {strides = array<i32>} : memref<640xf32, #tpu.memory_space<vmem>>, vector<16xf32>,
    %swap3A_189 = vector.shape_cast %swap3A_188 : vector<16xf32> to vector<16xf32>
    %swap3A_190 = vector.shape_cast %broadcast_in_dim3A_186 : vector<16xf32> to vector<16xf32>
    tpu.vector_store %arg7[%swap3A_187], %swap3A_190 {strides = array<i32>} : memref<640xf32, #tpu.memory_space<vmem>>, vector<16xf32>,
    %broadcast_in_dim3A_191 = arith.constant 0.000000e+00 : f32
    %broadcast_in_dim3A_192 = vector.broadcast %broadcast_in_dim3A_191 : f32 to vector<16xf32>
    %swap3A_193 = arith.constant 432 : index
    %swap3A_194 = tpu.vector_load %arg7[%swap3A_193] {strides = array<i32>} : memref<640xf32, #tpu.memory_space<vmem>>, vector<16xf32>,
    %swap3A_195 = vector.shape_cast %swap3A_194 : vector<16xf32> to vector<16xf32>
    %swap3A_196 = vector.shape_cast %broadcast_in_dim3A_192 : vector<16xf32> to vector<16xf32>
    tpu.vector_store %arg7[%swap3A_193], %swap3A_196 {strides = array<i32>} : memref<640xf32, #tpu.memory_space<vmem>>, vector<16xf32>,
    %broadcast_in_dim3A_197 = arith.constant 0.000000e+00 : f32
    %broadcast_in_dim3A_198 = vector.broadcast %broadcast_in_dim3A_197 : f32 to vector<16xf32>
    %swap3A_199 = arith.constant 448 : index
    %swap3A_200 = tpu.vector_load %arg7[%swap3A_199] {strides = array<i32>} : memref<640xf32, #tpu.memory_space<vmem>>, vector<16xf32>,
    %swap3A_201 = vector.shape_cast %swap3A_200 : vector<16xf32> to vector<16xf32>
    %swap3A_202 = vector.shape_cast %broadcast_in_dim3A_198 : vector<16xf32> to vector<16xf32>
    tpu.vector_store %arg7[%swap3A_199], %swap3A_202 {strides = array<i32>} : memref<640xf32, #tpu.memory_space<vmem>>, vector<16xf32>,
    %broadcast_in_dim3A_203 = arith.constant 0.000000e+00 : f32
    %broadcast_in_dim3A_204 = vector.broadcast %broadcast_in_dim3A_203 : f32 to vector<16xf32>
    %swap3A_205 = arith.constant 464 : index
    %swap3A_206 = tpu.vector_load %arg7[%swap3A_205] {strides = array<i32>} : memref<640xf32, #tpu.memory_space<vmem>>, vector<16xf32>,
    %swap3A_207 = vector.shape_cast %swap3A_206 : vector<16xf32> to vector<16xf32>
    %swap3A_208 = vector.shape_cast %broadcast_in_dim3A_204 : vector<16xf32> to vector<16xf32>
    tpu.vector_store %arg7[%swap3A_205], %swap3A_208 {strides = array<i32>} : memref<640xf32, #tpu.memory_space<vmem>>, vector<16xf32>,
    %broadcast_in_dim3A_209 = arith.constant 0.000000e+00 : f32
    %broadcast_in_dim3A_210 = vector.broadcast %broadcast_in_dim3A_209 : f32 to vector<16xf32>
    %swap3A_211 = arith.constant 480 : index
    %swap3A_212 = tpu.vector_load %arg7[%swap3A_211] {strides = array<i32>} : memref<640xf32, #tpu.memory_space<vmem>>, vector<16xf32>,
    %swap3A_213 = vector.shape_cast %swap3A_212 : vector<16xf32> to vector<16xf32>
    %swap3A_214 = vector.shape_cast %broadcast_in_dim3A_210 : vector<16xf32> to vector<16xf32>
    tpu.vector_store %arg7[%swap3A_211], %swap3A_214 {strides = array<i32>} : memref<640xf32, #tpu.memory_space<vmem>>, vector<16xf32>,
    %broadcast_in_dim3A_215 = arith.constant 0.000000e+00 : f32
    %broadcast_in_dim3A_216 = vector.broadcast %broadcast_in_dim3A_215 : f32 to vector<16xf32>
    %swap3A_217 = arith.constant 496 : index
    %swap3A_218 = tpu.vector_load %arg7[%swap3A_217] {strides = array<i32>} : memref<640xf32, #tpu.memory_space<vmem>>, vector<16xf32>,
    %swap3A_219 = vector.shape_cast %swap3A_218 : vector<16xf32> to vector<16xf32>
    %swap3A_220 = vector.shape_cast %broadcast_in_dim3A_216 : vector<16xf32> to vector<16xf32>
    tpu.vector_store %arg7[%swap3A_217], %swap3A_220 {strides = array<i32>} : memref<640xf32, #tpu.memory_space<vmem>>, vector<16xf32>,
    %broadcast_in_dim3A_221 = arith.constant 0.000000e+00 : f32
    %broadcast_in_dim3A_222 = vector.broadcast %broadcast_in_dim3A_221 : f32 to vector<16xf32>
    %swap3A_223 = arith.constant 512 : index
    %swap3A_224 = tpu.vector_load %arg7[%swap3A_223] {strides = array<i32>} : memref<640xf32, #tpu.memory_space<vmem>>, vector<16xf32>,
    %swap3A_225 = vector.shape_cast %swap3A_224 : vector<16xf32> to vector<16xf32>
    %swap3A_226 = vector.shape_cast %broadcast_in_dim3A_222 : vector<16xf32> to vector<16xf32>
    tpu.vector_store %arg7[%swap3A_223], %swap3A_226 {strides = array<i32>} : memref<640xf32, #tpu.memory_space<vmem>>, vector<16xf32>,
    %broadcast_in_dim3A_227 = arith.constant 0.000000e+00 : f32
    %broadcast_in_dim3A_228 = vector.broadcast %broadcast_in_dim3A_227 : f32 to vector<16xf32>
    %swap3A_229 = arith.constant 528 : index
    %swap3A_230 = tpu.vector_load %arg7[%swap3A_229] {strides = array<i32>} : memref<640xf32, #tpu.memory_space<vmem>>, vector<16xf32>,
    %swap3A_231 = vector.shape_cast %swap3A_230 : vector<16xf32> to vector<16xf32>
    %swap3A_232 = vector.shape_cast %broadcast_in_dim3A_228 : vector<16xf32> to vector<16xf32>
    tpu.vector_store %arg7[%swap3A_229], %swap3A_232 {strides = array<i32>} : memref<640xf32, #tpu.memory_space<vmem>>, vector<16xf32>,
    %broadcast_in_dim3A_233 = arith.constant 0.000000e+00 : f32
    %broadcast_in_dim3A_234 = vector.broadcast %broadcast_in_dim3A_233 : f32 to vector<16xf32>
    %swap3A_235 = arith.constant 544 : index
    %swap3A_236 = tpu.vector_load %arg7[%swap3A_235] {strides = array<i32>} : memref<640xf32, #tpu.memory_space<vmem>>, vector<16xf32>,
    %swap3A_237 = vector.shape_cast %swap3A_236 : vector<16xf32> to vector<16xf32>
    %swap3A_238 = vector.shape_cast %broadcast_in_dim3A_234 : vector<16xf32> to vector<16xf32>
    tpu.vector_store %arg7[%swap3A_235], %swap3A_238 {strides = array<i32>} : memref<640xf32, #tpu.memory_space<vmem>>, vector<16xf32>,
    %broadcast_in_dim3A_239 = arith.constant 0.000000e+00 : f32
    %broadcast_in_dim3A_240 = vector.broadcast %broadcast_in_dim3A_239 : f32 to vector<16xf32>
    %swap3A_241 = arith.constant 560 : index
    %swap3A_242 = tpu.vector_load %arg7[%swap3A_241] {strides = array<i32>} : memref<640xf32, #tpu.memory_space<vmem>>, vector<16xf32>,
    %swap3A_243 = vector.shape_cast %swap3A_242 : vector<16xf32> to vector<16xf32>
    %swap3A_244 = vector.shape_cast %broadcast_in_dim3A_240 : vector<16xf32> to vector<16xf32>
    tpu.vector_store %arg7[%swap3A_241], %swap3A_244 {strides = array<i32>} : memref<640xf32, #tpu.memory_space<vmem>>, vector<16xf32>,
    %broadcast_in_dim3A_245 = arith.constant 0.000000e+00 : f32
    %broadcast_in_dim3A_246 = vector.broadcast %broadcast_in_dim3A_245 : f32 to vector<16xf32>
    %swap3A_247 = arith.constant 576 : index
    %swap3A_248 = tpu.vector_load %arg7[%swap3A_247] {strides = array<i32>} : memref<640xf32, #tpu.memory_space<vmem>>, vector<16xf32>,
    %swap3A_249 = vector.shape_cast %swap3A_248 : vector<16xf32> to vector<16xf32>
    %swap3A_250 = vector.shape_cast %broadcast_in_dim3A_246 : vector<16xf32> to vector<16xf32>
    tpu.vector_store %arg7[%swap3A_247], %swap3A_250 {strides = array<i32>} : memref<640xf32, #tpu.memory_space<vmem>>, vector<16xf32>,
    %broadcast_in_dim3A_251 = arith.constant 0.000000e+00 : f32
    %broadcast_in_dim3A_252 = vector.broadcast %broadcast_in_dim3A_251 : f32 to vector<16xf32>
    %swap3A_253 = arith.constant 592 : index
    %swap3A_254 = tpu.vector_load %arg7[%swap3A_253] {strides = array<i32>} : memref<640xf32, #tpu.memory_space<vmem>>, vector<16xf32>,
    %swap3A_255 = vector.shape_cast %swap3A_254 : vector<16xf32> to vector<16xf32>
    %swap3A_256 = vector.shape_cast %broadcast_in_dim3A_252 : vector<16xf32> to vector<16xf32>
    tpu.vector_store %arg7[%swap3A_253], %swap3A_256 {strides = array<i32>} : memref<640xf32, #tpu.memory_space<vmem>>, vector<16xf32>,
    %broadcast_in_dim3A_257 = arith.constant 0.000000e+00 : f32
    %broadcast_in_dim3A_258 = vector.broadcast %broadcast_in_dim3A_257 : f32 to vector<16xf32>
    %swap3A_259 = arith.constant 608 : index
    %swap3A_260 = tpu.vector_load %arg7[%swap3A_259] {strides = array<i32>} : memref<640xf32, #tpu.memory_space<vmem>>, vector<16xf32>,
    %swap3A_261 = vector.shape_cast %swap3A_260 : vector<16xf32> to vector<16xf32>
    %swap3A_262 = vector.shape_cast %broadcast_in_dim3A_258 : vector<16xf32> to vector<16xf32>
    tpu.vector_store %arg7[%swap3A_259], %swap3A_262 {strides = array<i32>} : memref<640xf32, #tpu.memory_space<vmem>>, vector<16xf32>,
    %broadcast_in_dim3A_263 = arith.constant 0.000000e+00 : f32
    %broadcast_in_dim3A_264 = vector.broadcast %broadcast_in_dim3A_263 : f32 to vector<16xf32>
    %swap3A_265 = arith.constant 624 : index
    %swap3A_266 = tpu.vector_load %arg7[%swap3A_265] {strides = array<i32>} : memref<640xf32, #tpu.memory_space<vmem>>, vector<16xf32>,
    %swap3A_267 = vector.shape_cast %swap3A_266 : vector<16xf32> to vector<16xf32>
    %swap3A_268 = vector.shape_cast %broadcast_in_dim3A_264 : vector<16xf32> to vector<16xf32>
    tpu.vector_store %arg7[%swap3A_265], %swap3A_268 {strides = array<i32>} : memref<640xf32, #tpu.memory_space<vmem>>, vector<16xf32>,
    %mul3A_269 = arith.constant 640 : i32
    %mul3A_270 = arith.muli %arg1, %mul3A_269 : i32
    "tpu.region"() ({
      %run_scoped3A_285 = tpu.sem_alloc : memref<!tpu.dma_semaphore, #tpu.memory_space<semaphore_mem>>
      %dma_start3A_286 = tpu.memref_slice %arg8[%mul3A_270] : memref<10240xf32, #tpu.memory_space<vmem_shared>> -> memref<640xf32, #tpu.memory_space<vmem_shared>>
      %dma_start3A_287 = tpu.memref_slice %arg8[%mul3A_270] : memref<10240xf32, #tpu.memory_space<vmem_shared>> -> memref<640xf32, #tpu.memory_space<vmem_shared>>
      tpu.enqueue_dma source(%arg7 : memref<640xf32, #tpu.memory_space<vmem>>) target(%dma_start3A_287 : memref<640xf32, #tpu.memory_space<vmem_shared>>) target_semaphore(%run_scoped3A_285 : memref<!tpu.dma_semaphore, #tpu.memory_space<semaphore_mem>>)
      %dma_wait3A_288 = tpu.memref_slice %arg8[%mul3A_270] : memref<10240xf32, #tpu.memory_space<vmem_shared>> -> memref<640xf32, #tpu.memory_space<vmem_shared>>
      %dma_wait3A_289 = tpu.memref_slice %arg8[%mul3A_270] : memref<10240xf32, #tpu.memory_space<vmem_shared>> -> memref<640xf32, #tpu.memory_space<vmem_shared>>
      tpu.wait_dma2 semaphore(%run_scoped3A_285 : memref<!tpu.dma_semaphore, #tpu.memory_space<semaphore_mem>>) src(%arg7 : memref<640xf32, #tpu.memory_space<vmem>>) dst(%dma_wait3A_289 : memref<640xf32, #tpu.memory_space<vmem_shared>>)
      tpu.yield
    }) : () -> ()
    %barrier3A = arith.constant 0 : index
    tpu.barrier barrier_id(%barrier3A)
    %mul3A_271 = arith.constant 10000 : i32
    %mul3A_272 = arith.muli %add3A, %mul3A_271 : i32
    "tpu.region"() ({
      %run_scoped3A_285 = tpu.sem_alloc : memref<!tpu.dma_semaphore, #tpu.memory_space<semaphore_mem>>
      %dma_start3A_286 = tpu.memref_slice %arg2[%mul3A_272] : memref<320000xi32, #tpu.memory_space<hbm>> -> memref<80xi32, #tpu.memory_space<hbm>>
      %dma_start3A_287 = tpu.memref_slice %arg2[%mul3A_272] : memref<320000xi32, #tpu.memory_space<hbm>> -> memref<80xi32, #tpu.memory_space<hbm>>
      tpu.enqueue_dma source(%dma_start3A_287 : memref<80xi32, #tpu.memory_space<hbm>>) target(%arg5 : memref<80xi32, #tpu.memory_space<vmem>>) target_semaphore(%run_scoped3A_285 : memref<!tpu.dma_semaphore, #tpu.memory_space<semaphore_mem>>)
      %dma_wait3A_288 = tpu.memref_slice %arg2[%mul3A_272] : memref<320000xi32, #tpu.memory_space<hbm>> -> memref<80xi32, #tpu.memory_space<hbm>>
      %dma_wait3A_289 = tpu.memref_slice %arg2[%mul3A_272] : memref<320000xi32, #tpu.memory_space<hbm>> -> memref<80xi32, #tpu.memory_space<hbm>>
      tpu.wait_dma2 semaphore(%run_scoped3A_285 : memref<!tpu.dma_semaphore, #tpu.memory_space<semaphore_mem>>) src(%dma_wait3A_289 : memref<80xi32, #tpu.memory_space<hbm>>) dst(%arg5 : memref<80xi32, #tpu.memory_space<vmem>>)
      tpu.yield
    }) : () -> ()
    %dma_start3A = arith.constant 0 : i32
    %dma_start3A_273 = tpu.memref_slice %arg8[%dma_start3A] : memref<10240xf32, #tpu.memory_space<vmem_shared>> -> memref<10240xf32, #tpu.memory_space<vmem_shared>>
    tpu.enqueue_indirect_dma source(%arg4 : memref<80xf32, #tpu.memory_space<vmem>>) target(%dma_start3A_273 : memref<10240xf32, #tpu.memory_space<vmem_shared>>) offsets(%arg5 : memref<80xi32, #tpu.memory_space<vmem>>) semaphore(%arg9 : memref<!tpu.dma_semaphore, #tpu.memory_space<semaphore_mem>>) {add = true}
    %scan3A = arith.constant 0 : i32
    %scan3A_274 = arith.constant 0 : i32
    %scan3A_275 = arith.constant 62 : i32
    %scan3A_276 = arith.addi %scan3A_274, %scan3A_275 : i32
    %scan3A_277 = arith.constant 1 : i32
    scf.for %scan3A_285 = %scan3A_274 to %scan3A_276 step %scan3A_277  : i32 {
      %mul3A_286 = arith.constant 10000 : i32
      %mul3A_287 = arith.muli %add3A, %mul3A_286 : i32
      %mul3A_288 = arith.constant 2 : i32
      %mul3A_289 = arith.muli %mul3A_288, %scan3A_285 : i32
      %add3A_290 = arith.constant 1 : i32
      %add3A_291 = arith.addi %mul3A_289, %add3A_290 : i32
      %mul3A_292 = arith.constant 80 : i32
      %mul3A_293 = arith.muli %add3A_291, %mul3A_292 : i32
      %add3A_294 = arith.addi %mul3A_287, %mul3A_293 : i32
      "tpu.region"() ({
        %run_scoped3A_305 = tpu.sem_alloc : memref<!tpu.dma_semaphore, #tpu.memory_space<semaphore_mem>>
        %dma_start3A_306 = tpu.memref_slice %arg2[%add3A_294] : memref<320000xi32, #tpu.memory_space<hbm>> -> memref<80xi32, #tpu.memory_space<hbm>>
        %dma_start3A_307 = tpu.memref_slice %arg2[%add3A_294] : memref<320000xi32, #tpu.memory_space<hbm>> -> memref<80xi32, #tpu.memory_space<hbm>>
        tpu.enqueue_dma source(%dma_start3A_307 : memref<80xi32, #tpu.memory_space<hbm>>) target(%arg6 : memref<80xi32, #tpu.memory_space<vmem>>) target_semaphore(%run_scoped3A_305 : memref<!tpu.dma_semaphore, #tpu.memory_space<semaphore_mem>>)
        %dma_wait3A_308 = tpu.memref_slice %arg2[%add3A_294] : memref<320000xi32, #tpu.memory_space<hbm>> -> memref<80xi32, #tpu.memory_space<hbm>>
        %dma_wait3A_309 = tpu.memref_slice %arg2[%add3A_294] : memref<320000xi32, #tpu.memory_space<hbm>> -> memref<80xi32, #tpu.memory_space<hbm>>
        tpu.wait_dma2 semaphore(%run_scoped3A_305 : memref<!tpu.dma_semaphore, #tpu.memory_space<semaphore_mem>>) src(%dma_wait3A_309 : memref<80xi32, #tpu.memory_space<hbm>>) dst(%arg6 : memref<80xi32, #tpu.memory_space<vmem>>)
        tpu.yield
      }) : () -> ()
      %dma_wait3A_295 = arith.constant 0 : i32
      %dma_wait3A_296 = tpu.memref_slice %arg8[%dma_wait3A_295] : memref<10240xf32, #tpu.memory_space<vmem_shared>> -> memref<10240xf32, #tpu.memory_space<vmem_shared>>
      tpu.wait_indirect_dma semaphore(%arg9 : memref<!tpu.dma_semaphore, #tpu.memory_space<semaphore_mem>>) src(%arg4 : memref<80xf32, #tpu.memory_space<vmem>>) dst(%dma_wait3A_296 : memref<10240xf32, #tpu.memory_space<vmem_shared>>)
      %dma_start3A_297 = arith.constant 0 : i32
      %dma_start3A_298 = tpu.memref_slice %arg8[%dma_start3A_297] : memref<10240xf32, #tpu.memory_space<vmem_shared>> -> memref<10240xf32, #tpu.memory_space<vmem_shared>>
      tpu.enqueue_indirect_dma source(%arg4 : memref<80xf32, #tpu.memory_space<vmem>>) target(%dma_start3A_298 : memref<10240xf32, #tpu.memory_space<vmem_shared>>) offsets(%arg6 : memref<80xi32, #tpu.memory_space<vmem>>) semaphore(%arg9 : memref<!tpu.dma_semaphore, #tpu.memory_space<semaphore_mem>>) {add = true}
      %add3A_299 = arith.constant 80 : i32
      %add3A_300 = arith.addi %add3A_294, %add3A_299 : i32
      "tpu.region"() ({
        %run_scoped3A_305 = tpu.sem_alloc : memref<!tpu.dma_semaphore, #tpu.memory_space<semaphore_mem>>
        %dma_start3A_306 = tpu.memref_slice %arg2[%add3A_300] : memref<320000xi32, #tpu.memory_space<hbm>> -> memref<80xi32, #tpu.memory_space<hbm>>
        %dma_start3A_307 = tpu.memref_slice %arg2[%add3A_300] : memref<320000xi32, #tpu.memory_space<hbm>> -> memref<80xi32, #tpu.memory_space<hbm>>
        tpu.enqueue_dma source(%dma_start3A_307 : memref<80xi32, #tpu.memory_space<hbm>>) target(%arg5 : memref<80xi32, #tpu.memory_space<vmem>>) target_semaphore(%run_scoped3A_305 : memref<!tpu.dma_semaphore, #tpu.memory_space<semaphore_mem>>)
        %dma_wait3A_308 = tpu.memref_slice %arg2[%add3A_300] : memref<320000xi32, #tpu.memory_space<hbm>> -> memref<80xi32, #tpu.memory_space<hbm>>
        %dma_wait3A_309 = tpu.memref_slice %arg2[%add3A_300] : memref<320000xi32, #tpu.memory_space<hbm>> -> memref<80xi32, #tpu.memory_space<hbm>>
        tpu.wait_dma2 semaphore(%run_scoped3A_305 : memref<!tpu.dma_semaphore, #tpu.memory_space<semaphore_mem>>) src(%dma_wait3A_309 : memref<80xi32, #tpu.memory_space<hbm>>) dst(%arg5 : memref<80xi32, #tpu.memory_space<vmem>>)
        tpu.yield
      }) : () -> ()
      %dma_wait3A_301 = arith.constant 0 : i32
      %dma_wait3A_302 = tpu.memref_slice %arg8[%dma_wait3A_301] : memref<10240xf32, #tpu.memory_space<vmem_shared>> -> memref<10240xf32, #tpu.memory_space<vmem_shared>>
      tpu.wait_indirect_dma semaphore(%arg9 : memref<!tpu.dma_semaphore, #tpu.memory_space<semaphore_mem>>) src(%arg4 : memref<80xf32, #tpu.memory_space<vmem>>) dst(%dma_wait3A_302 : memref<10240xf32, #tpu.memory_space<vmem_shared>>)
      %dma_start3A_303 = arith.constant 0 : i32
      %dma_start3A_304 = tpu.memref_slice %arg8[%dma_start3A_303] : memref<10240xf32, #tpu.memory_space<vmem_shared>> -> memref<10240xf32, #tpu.memory_space<vmem_shared>>
      tpu.enqueue_indirect_dma source(%arg4 : memref<80xf32, #tpu.memory_space<vmem>>) target(%dma_start3A_304 : memref<10240xf32, #tpu.memory_space<vmem_shared>>) offsets(%arg5 : memref<80xi32, #tpu.memory_space<vmem>>) semaphore(%arg9 : memref<!tpu.dma_semaphore, #tpu.memory_space<semaphore_mem>>) {add = true}
    }
    %scan3A_278 = arith.constant 62 : i32
    %dma_wait3A = arith.constant 0 : i32
    %dma_wait3A_279 = tpu.memref_slice %arg8[%dma_wait3A] : memref<10240xf32, #tpu.memory_space<vmem_shared>> -> memref<10240xf32, #tpu.memory_space<vmem_shared>>
    tpu.wait_indirect_dma semaphore(%arg9 : memref<!tpu.dma_semaphore, #tpu.memory_space<semaphore_mem>>) src(%arg4 : memref<80xf32, #tpu.memory_space<vmem>>) dst(%dma_wait3A_279 : memref<10240xf32, #tpu.memory_space<vmem_shared>>)
    %barrier3A_280 = arith.constant 0 : index
    tpu.barrier barrier_id(%barrier3A_280)
    %mul3A_281 = arith.constant 640 : i32
    %mul3A_282 = arith.muli %arg1, %mul3A_281 : i32
    "tpu.region"() ({
      %run_scoped3A_285 = tpu.sem_alloc : memref<!tpu.dma_semaphore, #tpu.memory_space<semaphore_mem>>
      %dma_start3A_286 = tpu.memref_slice %arg8[%mul3A_282] : memref<10240xf32, #tpu.memory_space<vmem_shared>> -> memref<640xf32, #tpu.memory_space<vmem_shared>>
      %dma_start3A_287 = tpu.memref_slice %arg8[%mul3A_282] : memref<10240xf32, #tpu.memory_space<vmem_shared>> -> memref<640xf32, #tpu.memory_space<vmem_shared>>
      tpu.enqueue_dma source(%dma_start3A_287 : memref<640xf32, #tpu.memory_space<vmem_shared>>) target(%arg7 : memref<640xf32, #tpu.memory_space<vmem>>) target_semaphore(%run_scoped3A_285 : memref<!tpu.dma_semaphore, #tpu.memory_space<semaphore_mem>>)
      %dma_wait3A_288 = tpu.memref_slice %arg8[%mul3A_282] : memref<10240xf32, #tpu.memory_space<vmem_shared>> -> memref<640xf32, #tpu.memory_space<vmem_shared>>
      %dma_wait3A_289 = tpu.memref_slice %arg8[%mul3A_282] : memref<10240xf32, #tpu.memory_space<vmem_shared>> -> memref<640xf32, #tpu.memory_space<vmem_shared>>
      tpu.wait_dma2 semaphore(%run_scoped3A_285 : memref<!tpu.dma_semaphore, #tpu.memory_space<semaphore_mem>>) src(%dma_wait3A_289 : memref<640xf32, #tpu.memory_space<vmem_shared>>) dst(%arg7 : memref<640xf32, #tpu.memory_space<vmem>>)
      tpu.yield
    }) : () -> ()
    %mul3A_283 = arith.constant 640 : i32
    %mul3A_284 = arith.muli %arg1, %mul3A_283 : i32
    %run_scoped3A = arith.constant 0 : i32
    "tpu.region"() ({
      %run_scoped3A_285 = tpu.sem_alloc : memref<!tpu.dma_semaphore, #tpu.memory_space<semaphore_mem>>
      %dma_start3A_286 = tpu.memref_slice %arg3[%arg0, %run_scoped3A, %mul3A_284] : memref<2x1x10240xf32, #tpu.memory_space<hbm>> -> memref<1x1x640xf32, #tpu.memory_space<hbm>>
      %dma_start3A_287 = tpu.memref_squeeze %dma_start3A_286 : memref<1x1x640xf32, #tpu.memory_space<hbm>> -> memref<640xf32, #tpu.memory_space<hbm>>
      %dma_start3A_288 = tpu.memref_slice %arg3[%arg0, %run_scoped3A, %mul3A_284] : memref<2x1x10240xf32, #tpu.memory_space<hbm>> -> memref<1x1x640xf32, #tpu.memory_space<hbm>>
      %dma_start3A_289 = tpu.memref_squeeze %dma_start3A_288 : memref<1x1x640xf32, #tpu.memory_space<hbm>> -> memref<640xf32, #tpu.memory_space<hbm>>
      tpu.enqueue_dma source(%arg7 : memref<640xf32, #tpu.memory_space<vmem>>) target(%dma_start3A_289 : memref<640xf32, #tpu.memory_space<hbm>>) target_semaphore(%run_scoped3A_285 : memref<!tpu.dma_semaphore, #tpu.memory_space<semaphore_mem>>)
      %dma_wait3A_290 = tpu.memref_slice %arg3[%arg0, %run_scoped3A, %mul3A_284] : memref<2x1x10240xf32, #tpu.memory_space<hbm>> -> memref<1x1x640xf32, #tpu.memory_space<hbm>>
      %dma_wait3A_291 = tpu.memref_squeeze %dma_wait3A_290 : memref<1x1x640xf32, #tpu.memory_space<hbm>> -> memref<640xf32, #tpu.memory_space<hbm>>
      %dma_wait3A_292 = tpu.memref_slice %arg3[%arg0, %run_scoped3A, %mul3A_284] : memref<2x1x10240xf32, #tpu.memory_space<hbm>> -> memref<1x1x640xf32, #tpu.memory_space<hbm>>
      %dma_wait3A_293 = tpu.memref_squeeze %dma_wait3A_292 : memref<1x1x640xf32, #tpu.memory_space<hbm>> -> memref<640xf32, #tpu.memory_space<hbm>>
      tpu.wait_dma2 semaphore(%run_scoped3A_285 : memref<!tpu.dma_semaphore, #tpu.memory_space<semaphore_mem>>) src(%arg7 : memref<640xf32, #tpu.memory_space<vmem>>) dst(%dma_wait3A_293 : memref<640xf32, #tpu.memory_space<hbm>>)
      tpu.yield
    }) : () -> ()
    return
  }
}

#map = affine_map<(d0, d1) -> (0, 0)>
#map1 = affine_map<(d0, d1) -> (0, 0, 0, 0, 0)>
#map2 = affine_map<(d0, d1) -> (0, 0, 0)>
module attributes {stable_mosaic.version = 14 : i64} {
  func.func @_sc_prop_body(%arg0: i32, %arg1: i32, %arg2: memref<10000x128xf32, #tpu.memory_space<hbm>>, %arg3: memref<32x31x4x2x80xi32, #tpu.memory_space<hbm>>, %arg4: memref<32x2x80xi32, #tpu.memory_space<hbm>>, %arg5: memref<2x10240x128xf32, #tpu.memory_space<hbm>>, %arg6: memref<2x80xi32, #tpu.memory_space<vmem>>, %arg7: memref<4x2x80xi32, #tpu.memory_space<vmem>>, %arg8: memref<4x2x80xi32, #tpu.memory_space<vmem>>, %arg9: memref<80x128xf32, #tpu.memory_space<vmem>>, %arg10: memref<80x128xf32, #tpu.memory_space<vmem>>, %arg11: memref<128x128xf32, #tpu.memory_space<vmem>>, %arg12: memref<10240x128xf32, #tpu.memory_space<vmem_shared>>, %arg13: memref<!tpu.dma_semaphore, #tpu.memory_space<semaphore_mem>>) attributes {dimension_semantics = [#tpu.dimension_semantics<core_parallel>, #tpu.dimension_semantics<subcore_parallel>], iteration_bounds = array<i64: 2, 16>, scalar_prefetch = 0 : i64, scratch_operands = 8 : i64, tpu.core_type = #tpu.core_type<sc_vector_subcore>, window_params = [{transform_indices = #map}, {transform_indices = #map1}, {transform_indices = #map2}, {transform_indices = #map2}]} {
    %mul3A = arith.constant 16 : i32
    %mul3A_0 = arith.muli %arg0, %mul3A : i32
    %add3A = arith.addi %mul3A_0, %arg1 : i32
    %scan3A = arith.constant 0 : i32
    %scan3A_1 = arith.constant 0 : i32
    %scan3A_2 = arith.constant 128 : i32
    %scan3A_3 = arith.addi %scan3A_1, %scan3A_2 : i32
    %scan3A_4 = arith.constant 1 : i32
    scf.for %scan3A_158 = %scan3A_1 to %scan3A_3 step %scan3A_4  : i32 {
      %broadcast_in_dim3A = arith.constant 0.000000e+00 : f32
      %broadcast_in_dim3A_159 = vector.broadcast %broadcast_in_dim3A : f32 to vector<16xf32>
      %swap3A = arith.index_cast %scan3A_158 : i32 to index
      %swap3A_160 = arith.constant 0 : index
      %swap3A_161 = tpu.vector_load %arg11[%swap3A, %swap3A_160] {strides = array<i32>} : memref<128x128xf32, #tpu.memory_space<vmem>>, vector<1x16xf32>,
      %swap3A_162 = vector.shape_cast %swap3A_161 : vector<1x16xf32> to vector<16xf32>
      %swap3A_163 = vector.shape_cast %broadcast_in_dim3A_159 : vector<16xf32> to vector<1x16xf32>
      tpu.vector_store %arg11[%swap3A, %swap3A_160], %swap3A_163 {strides = array<i32>} : memref<128x128xf32, #tpu.memory_space<vmem>>, vector<1x16xf32>,
      %broadcast_in_dim3A_164 = arith.constant 0.000000e+00 : f32
      %broadcast_in_dim3A_165 = vector.broadcast %broadcast_in_dim3A_164 : f32 to vector<16xf32>
      %swap3A_166 = arith.index_cast %scan3A_158 : i32 to index
      %swap3A_167 = arith.constant 16 : index
      %swap3A_168 = tpu.vector_load %arg11[%swap3A_166, %swap3A_167] {strides = array<i32>} : memref<128x128xf32, #tpu.memory_space<vmem>>, vector<1x16xf32>,
      %swap3A_169 = vector.shape_cast %swap3A_168 : vector<1x16xf32> to vector<16xf32>
      %swap3A_170 = vector.shape_cast %broadcast_in_dim3A_165 : vector<16xf32> to vector<1x16xf32>
      tpu.vector_store %arg11[%swap3A_166, %swap3A_167], %swap3A_170 {strides = array<i32>} : memref<128x128xf32, #tpu.memory_space<vmem>>, vector<1x16xf32>,
      %broadcast_in_dim3A_171 = arith.constant 0.000000e+00 : f32
      %broadcast_in_dim3A_172 = vector.broadcast %broadcast_in_dim3A_171 : f32 to vector<16xf32>
      %swap3A_173 = arith.index_cast %scan3A_158 : i32 to index
      %swap3A_174 = arith.constant 32 : index
      %swap3A_175 = tpu.vector_load %arg11[%swap3A_173, %swap3A_174] {strides = array<i32>} : memref<128x128xf32, #tpu.memory_space<vmem>>, vector<1x16xf32>,
      %swap3A_176 = vector.shape_cast %swap3A_175 : vector<1x16xf32> to vector<16xf32>
      %swap3A_177 = vector.shape_cast %broadcast_in_dim3A_172 : vector<16xf32> to vector<1x16xf32>
      tpu.vector_store %arg11[%swap3A_173, %swap3A_174], %swap3A_177 {strides = array<i32>} : memref<128x128xf32, #tpu.memory_space<vmem>>, vector<1x16xf32>,
      %broadcast_in_dim3A_178 = arith.constant 0.000000e+00 : f32
      %broadcast_in_dim3A_179 = vector.broadcast %broadcast_in_dim3A_178 : f32 to vector<16xf32>
      %swap3A_180 = arith.index_cast %scan3A_158 : i32 to index
      %swap3A_181 = arith.constant 48 : index
      %swap3A_182 = tpu.vector_load %arg11[%swap3A_180, %swap3A_181] {strides = array<i32>} : memref<128x128xf32, #tpu.memory_space<vmem>>, vector<1x16xf32>,
      %swap3A_183 = vector.shape_cast %swap3A_182 : vector<1x16xf32> to vector<16xf32>
      %swap3A_184 = vector.shape_cast %broadcast_in_dim3A_179 : vector<16xf32> to vector<1x16xf32>
      tpu.vector_store %arg11[%swap3A_180, %swap3A_181], %swap3A_184 {strides = array<i32>} : memref<128x128xf32, #tpu.memory_space<vmem>>, vector<1x16xf32>,
      %broadcast_in_dim3A_185 = arith.constant 0.000000e+00 : f32
      %broadcast_in_dim3A_186 = vector.broadcast %broadcast_in_dim3A_185 : f32 to vector<16xf32>
      %swap3A_187 = arith.index_cast %scan3A_158 : i32 to index
      %swap3A_188 = arith.constant 64 : index
      %swap3A_189 = tpu.vector_load %arg11[%swap3A_187, %swap3A_188] {strides = array<i32>} : memref<128x128xf32, #tpu.memory_space<vmem>>, vector<1x16xf32>,
      %swap3A_190 = vector.shape_cast %swap3A_189 : vector<1x16xf32> to vector<16xf32>
      %swap3A_191 = vector.shape_cast %broadcast_in_dim3A_186 : vector<16xf32> to vector<1x16xf32>
      tpu.vector_store %arg11[%swap3A_187, %swap3A_188], %swap3A_191 {strides = array<i32>} : memref<128x128xf32, #tpu.memory_space<vmem>>, vector<1x16xf32>,
      %broadcast_in_dim3A_192 = arith.constant 0.000000e+00 : f32
      %broadcast_in_dim3A_193 = vector.broadcast %broadcast_in_dim3A_192 : f32 to vector<16xf32>
      %swap3A_194 = arith.index_cast %scan3A_158 : i32 to index
      %swap3A_195 = arith.constant 80 : index
      %swap3A_196 = tpu.vector_load %arg11[%swap3A_194, %swap3A_195] {strides = array<i32>} : memref<128x128xf32, #tpu.memory_space<vmem>>, vector<1x16xf32>,
      %swap3A_197 = vector.shape_cast %swap3A_196 : vector<1x16xf32> to vector<16xf32>
      %swap3A_198 = vector.shape_cast %broadcast_in_dim3A_193 : vector<16xf32> to vector<1x16xf32>
      tpu.vector_store %arg11[%swap3A_194, %swap3A_195], %swap3A_198 {strides = array<i32>} : memref<128x128xf32, #tpu.memory_space<vmem>>, vector<1x16xf32>,
      %broadcast_in_dim3A_199 = arith.constant 0.000000e+00 : f32
      %broadcast_in_dim3A_200 = vector.broadcast %broadcast_in_dim3A_199 : f32 to vector<16xf32>
      %swap3A_201 = arith.index_cast %scan3A_158 : i32 to index
      %swap3A_202 = arith.constant 96 : index
      %swap3A_203 = tpu.vector_load %arg11[%swap3A_201, %swap3A_202] {strides = array<i32>} : memref<128x128xf32, #tpu.memory_space<vmem>>, vector<1x16xf32>,
      %swap3A_204 = vector.shape_cast %swap3A_203 : vector<1x16xf32> to vector<16xf32>
      %swap3A_205 = vector.shape_cast %broadcast_in_dim3A_200 : vector<16xf32> to vector<1x16xf32>
      tpu.vector_store %arg11[%swap3A_201, %swap3A_202], %swap3A_205 {strides = array<i32>} : memref<128x128xf32, #tpu.memory_space<vmem>>, vector<1x16xf32>,
      %broadcast_in_dim3A_206 = arith.constant 0.000000e+00 : f32
      %broadcast_in_dim3A_207 = vector.broadcast %broadcast_in_dim3A_206 : f32 to vector<16xf32>
      %swap3A_208 = arith.index_cast %scan3A_158 : i32 to index
      %swap3A_209 = arith.constant 112 : index
      %swap3A_210 = tpu.vector_load %arg11[%swap3A_208, %swap3A_209] {strides = array<i32>} : memref<128x128xf32, #tpu.memory_space<vmem>>, vector<1x16xf32>,
      %swap3A_211 = vector.shape_cast %swap3A_210 : vector<1x16xf32> to vector<16xf32>
      %swap3A_212 = vector.shape_cast %broadcast_in_dim3A_207 : vector<16xf32> to vector<1x16xf32>
      tpu.vector_store %arg11[%swap3A_208, %swap3A_209], %swap3A_212 {strides = array<i32>} : memref<128x128xf32, #tpu.memory_space<vmem>>, vector<1x16xf32>,
    }
    %scan3A_5 = arith.constant 128 : i32
    %mul3A_6 = arith.constant 640 : i32
    %mul3A_7 = arith.muli %arg1, %mul3A_6 : i32
    %add3A_8 = arith.constant 0 : i32
    %add3A_9 = arith.addi %mul3A_7, %add3A_8 : i32
    "tpu.region"() ({
      %run_scoped3A_158 = tpu.sem_alloc : memref<!tpu.dma_semaphore, #tpu.memory_space<semaphore_mem>>
      %dma_start3A_159 = arith.constant 0 : i32
      %dma_start3A_160 = tpu.memref_slice %arg12[%add3A_9, %dma_start3A_159] : memref<10240x128xf32, #tpu.memory_space<vmem_shared>> -> memref<128x128xf32, #tpu.memory_space<vmem_shared>>
      %dma_start3A_161 = arith.constant 0 : i32
      %dma_start3A_162 = tpu.memref_slice %arg12[%add3A_9, %dma_start3A_161] : memref<10240x128xf32, #tpu.memory_space<vmem_shared>> -> memref<128x128xf32, #tpu.memory_space<vmem_shared>>
      tpu.enqueue_dma source(%arg11 : memref<128x128xf32, #tpu.memory_space<vmem>>) target(%dma_start3A_162 : memref<128x128xf32, #tpu.memory_space<vmem_shared>>) target_semaphore(%run_scoped3A_158 : memref<!tpu.dma_semaphore, #tpu.memory_space<semaphore_mem>>)
      %dma_wait3A_163 = arith.constant 0 : i32
      %dma_wait3A_164 = tpu.memref_slice %arg12[%add3A_9, %dma_wait3A_163] : memref<10240x128xf32, #tpu.memory_space<vmem_shared>> -> memref<128x128xf32, #tpu.memory_space<vmem_shared>>
      %dma_wait3A_165 = arith.constant 0 : i32
      %dma_wait3A_166 = tpu.memref_slice %arg12[%add3A_9, %dma_wait3A_165] : memref<10240x128xf32, #tpu.memory_space<vmem_shared>> -> memref<128x128xf32, #tpu.memory_space<vmem_shared>>
      tpu.wait_dma2 semaphore(%run_scoped3A_158 : memref<!tpu.dma_semaphore, #tpu.memory_space<semaphore_mem>>) src(%arg11 : memref<128x128xf32, #tpu.memory_space<vmem>>) dst(%dma_wait3A_166 : memref<128x128xf32, #tpu.memory_space<vmem_shared>>)
      tpu.yield
    }) : () -> ()
    %mul3A_10 = arith.constant 640 : i32
    %mul3A_11 = arith.muli %arg1, %mul3A_10 : i32
    %add3A_12 = arith.constant 128 : i32
    %add3A_13 = arith.addi %mul3A_11, %add3A_12 : i32
    "tpu.region"() ({
      %run_scoped3A_158 = tpu.sem_alloc : memref<!tpu.dma_semaphore, #tpu.memory_space<semaphore_mem>>
      %dma_start3A_159 = arith.constant 0 : i32
      %dma_start3A_160 = tpu.memref_slice %arg12[%add3A_13, %dma_start3A_159] : memref<10240x128xf32, #tpu.memory_space<vmem_shared>> -> memref<128x128xf32, #tpu.memory_space<vmem_shared>>
      %dma_start3A_161 = arith.constant 0 : i32
      %dma_start3A_162 = tpu.memref_slice %arg12[%add3A_13, %dma_start3A_161] : memref<10240x128xf32, #tpu.memory_space<vmem_shared>> -> memref<128x128xf32, #tpu.memory_space<vmem_shared>>
      tpu.enqueue_dma source(%arg11 : memref<128x128xf32, #tpu.memory_space<vmem>>) target(%dma_start3A_162 : memref<128x128xf32, #tpu.memory_space<vmem_shared>>) target_semaphore(%run_scoped3A_158 : memref<!tpu.dma_semaphore, #tpu.memory_space<semaphore_mem>>)
      %dma_wait3A_163 = arith.constant 0 : i32
      %dma_wait3A_164 = tpu.memref_slice %arg12[%add3A_13, %dma_wait3A_163] : memref<10240x128xf32, #tpu.memory_space<vmem_shared>> -> memref<128x128xf32, #tpu.memory_space<vmem_shared>>
      %dma_wait3A_165 = arith.constant 0 : i32
      %dma_wait3A_166 = tpu.memref_slice %arg12[%add3A_13, %dma_wait3A_165] : memref<10240x128xf32, #tpu.memory_space<vmem_shared>> -> memref<128x128xf32, #tpu.memory_space<vmem_shared>>
      tpu.wait_dma2 semaphore(%run_scoped3A_158 : memref<!tpu.dma_semaphore, #tpu.memory_space<semaphore_mem>>) src(%arg11 : memref<128x128xf32, #tpu.memory_space<vmem>>) dst(%dma_wait3A_166 : memref<128x128xf32, #tpu.memory_space<vmem_shared>>)
      tpu.yield
    }) : () -> ()
    %mul3A_14 = arith.constant 640 : i32
    %mul3A_15 = arith.muli %arg1, %mul3A_14 : i32
    %add3A_16 = arith.constant 256 : i32
    %add3A_17 = arith.addi %mul3A_15, %add3A_16 : i32
    "tpu.region"() ({
      %run_scoped3A_158 = tpu.sem_alloc : memref<!tpu.dma_semaphore, #tpu.memory_space<semaphore_mem>>
      %dma_start3A_159 = arith.constant 0 : i32
      %dma_start3A_160 = tpu.memref_slice %arg12[%add3A_17, %dma_start3A_159] : memref<10240x128xf32, #tpu.memory_space<vmem_shared>> -> memref<128x128xf32, #tpu.memory_space<vmem_shared>>
      %dma_start3A_161 = arith.constant 0 : i32
      %dma_start3A_162 = tpu.memref_slice %arg12[%add3A_17, %dma_start3A_161] : memref<10240x128xf32, #tpu.memory_space<vmem_shared>> -> memref<128x128xf32, #tpu.memory_space<vmem_shared>>
      tpu.enqueue_dma source(%arg11 : memref<128x128xf32, #tpu.memory_space<vmem>>) target(%dma_start3A_162 : memref<128x128xf32, #tpu.memory_space<vmem_shared>>) target_semaphore(%run_scoped3A_158 : memref<!tpu.dma_semaphore, #tpu.memory_space<semaphore_mem>>)
      %dma_wait3A_163 = arith.constant 0 : i32
      %dma_wait3A_164 = tpu.memref_slice %arg12[%add3A_17, %dma_wait3A_163] : memref<10240x128xf32, #tpu.memory_space<vmem_shared>> -> memref<128x128xf32, #tpu.memory_space<vmem_shared>>
      %dma_wait3A_165 = arith.constant 0 : i32
      %dma_wait3A_166 = tpu.memref_slice %arg12[%add3A_17, %dma_wait3A_165] : memref<10240x128xf32, #tpu.memory_space<vmem_shared>> -> memref<128x128xf32, #tpu.memory_space<vmem_shared>>
      tpu.wait_dma2 semaphore(%run_scoped3A_158 : memref<!tpu.dma_semaphore, #tpu.memory_space<semaphore_mem>>) src(%arg11 : memref<128x128xf32, #tpu.memory_space<vmem>>) dst(%dma_wait3A_166 : memref<128x128xf32, #tpu.memory_space<vmem_shared>>)
      tpu.yield
    }) : () -> ()
    %mul3A_18 = arith.constant 640 : i32
    %mul3A_19 = arith.muli %arg1, %mul3A_18 : i32
    %add3A_20 = arith.constant 384 : i32
    %add3A_21 = arith.addi %mul3A_19, %add3A_20 : i32
    "tpu.region"() ({
      %run_scoped3A_158 = tpu.sem_alloc : memref<!tpu.dma_semaphore, #tpu.memory_space<semaphore_mem>>
      %dma_start3A_159 = arith.constant 0 : i32
      %dma_start3A_160 = tpu.memref_slice %arg12[%add3A_21, %dma_start3A_159] : memref<10240x128xf32, #tpu.memory_space<vmem_shared>> -> memref<128x128xf32, #tpu.memory_space<vmem_shared>>
      %dma_start3A_161 = arith.constant 0 : i32
      %dma_start3A_162 = tpu.memref_slice %arg12[%add3A_21, %dma_start3A_161] : memref<10240x128xf32, #tpu.memory_space<vmem_shared>> -> memref<128x128xf32, #tpu.memory_space<vmem_shared>>
      tpu.enqueue_dma source(%arg11 : memref<128x128xf32, #tpu.memory_space<vmem>>) target(%dma_start3A_162 : memref<128x128xf32, #tpu.memory_space<vmem_shared>>) target_semaphore(%run_scoped3A_158 : memref<!tpu.dma_semaphore, #tpu.memory_space<semaphore_mem>>)
      %dma_wait3A_163 = arith.constant 0 : i32
      %dma_wait3A_164 = tpu.memref_slice %arg12[%add3A_21, %dma_wait3A_163] : memref<10240x128xf32, #tpu.memory_space<vmem_shared>> -> memref<128x128xf32, #tpu.memory_space<vmem_shared>>
      %dma_wait3A_165 = arith.constant 0 : i32
      %dma_wait3A_166 = tpu.memref_slice %arg12[%add3A_21, %dma_wait3A_165] : memref<10240x128xf32, #tpu.memory_space<vmem_shared>> -> memref<128x128xf32, #tpu.memory_space<vmem_shared>>
      tpu.wait_dma2 semaphore(%run_scoped3A_158 : memref<!tpu.dma_semaphore, #tpu.memory_space<semaphore_mem>>) src(%arg11 : memref<128x128xf32, #tpu.memory_space<vmem>>) dst(%dma_wait3A_166 : memref<128x128xf32, #tpu.memory_space<vmem_shared>>)
      tpu.yield
    }) : () -> ()
    %mul3A_22 = arith.constant 640 : i32
    %mul3A_23 = arith.muli %arg1, %mul3A_22 : i32
    %add3A_24 = arith.constant 512 : i32
    %add3A_25 = arith.addi %mul3A_23, %add3A_24 : i32
    "tpu.region"() ({
      %run_scoped3A_158 = tpu.sem_alloc : memref<!tpu.dma_semaphore, #tpu.memory_space<semaphore_mem>>
      %dma_start3A_159 = arith.constant 0 : i32
      %dma_start3A_160 = tpu.memref_slice %arg12[%add3A_25, %dma_start3A_159] : memref<10240x128xf32, #tpu.memory_space<vmem_shared>> -> memref<128x128xf32, #tpu.memory_space<vmem_shared>>
      %dma_start3A_161 = arith.constant 0 : i32
      %dma_start3A_162 = tpu.memref_slice %arg12[%add3A_25, %dma_start3A_161] : memref<10240x128xf32, #tpu.memory_space<vmem_shared>> -> memref<128x128xf32, #tpu.memory_space<vmem_shared>>
      tpu.enqueue_dma source(%arg11 : memref<128x128xf32, #tpu.memory_space<vmem>>) target(%dma_start3A_162 : memref<128x128xf32, #tpu.memory_space<vmem_shared>>) target_semaphore(%run_scoped3A_158 : memref<!tpu.dma_semaphore, #tpu.memory_space<semaphore_mem>>)
      %dma_wait3A_163 = arith.constant 0 : i32
      %dma_wait3A_164 = tpu.memref_slice %arg12[%add3A_25, %dma_wait3A_163] : memref<10240x128xf32, #tpu.memory_space<vmem_shared>> -> memref<128x128xf32, #tpu.memory_space<vmem_shared>>
      %dma_wait3A_165 = arith.constant 0 : i32
      %dma_wait3A_166 = tpu.memref_slice %arg12[%add3A_25, %dma_wait3A_165] : memref<10240x128xf32, #tpu.memory_space<vmem_shared>> -> memref<128x128xf32, #tpu.memory_space<vmem_shared>>
      tpu.wait_dma2 semaphore(%run_scoped3A_158 : memref<!tpu.dma_semaphore, #tpu.memory_space<semaphore_mem>>) src(%arg11 : memref<128x128xf32, #tpu.memory_space<vmem>>) dst(%dma_wait3A_166 : memref<128x128xf32, #tpu.memory_space<vmem_shared>>)
      tpu.yield
    }) : () -> ()
    %barrier3A = arith.constant 0 : index
    tpu.barrier barrier_id(%barrier3A)
    %run_scoped3A = arith.constant 0 : i32
    "tpu.region"() ({
      %run_scoped3A_158 = tpu.sem_alloc : memref<!tpu.dma_semaphore, #tpu.memory_space<semaphore_mem>>
      %dma_start3A_159 = arith.constant 0 : i32
      %dma_start3A_160 = arith.constant 0 : i32
      %dma_start3A_161 = arith.constant 0 : i32
      %dma_start3A_162 = tpu.memref_slice %arg3[%add3A, %run_scoped3A, %dma_start3A_159, %dma_start3A_160, %dma_start3A_161] : memref<32x31x4x2x80xi32, #tpu.memory_space<hbm>> -> memref<1x1x4x2x80xi32, #tpu.memory_space<hbm>>
      %dma_start3A_163 = tpu.memref_squeeze %dma_start3A_162 : memref<1x1x4x2x80xi32, #tpu.memory_space<hbm>> -> memref<4x2x80xi32, #tpu.memory_space<hbm>>
      %dma_start3A_164 = arith.constant 0 : i32
      %dma_start3A_165 = arith.constant 0 : i32
      %dma_start3A_166 = arith.constant 0 : i32
      %dma_start3A_167 = tpu.memref_slice %arg3[%add3A, %run_scoped3A, %dma_start3A_164, %dma_start3A_165, %dma_start3A_166] : memref<32x31x4x2x80xi32, #tpu.memory_space<hbm>> -> memref<1x1x4x2x80xi32, #tpu.memory_space<hbm>>
      %dma_start3A_168 = tpu.memref_squeeze %dma_start3A_167 : memref<1x1x4x2x80xi32, #tpu.memory_space<hbm>> -> memref<4x2x80xi32, #tpu.memory_space<hbm>>
      tpu.enqueue_dma source(%dma_start3A_168 : memref<4x2x80xi32, #tpu.memory_space<hbm>>) target(%arg7 : memref<4x2x80xi32, #tpu.memory_space<vmem>>) target_semaphore(%run_scoped3A_158 : memref<!tpu.dma_semaphore, #tpu.memory_space<semaphore_mem>>)
      %dma_wait3A_169 = arith.constant 0 : i32
      %dma_wait3A_170 = arith.constant 0 : i32
      %dma_wait3A_171 = arith.constant 0 : i32
      %dma_wait3A_172 = tpu.memref_slice %arg3[%add3A, %run_scoped3A, %dma_wait3A_169, %dma_wait3A_170, %dma_wait3A_171] : memref<32x31x4x2x80xi32, #tpu.memory_space<hbm>> -> memref<1x1x4x2x80xi32, #tpu.memory_space<hbm>>
      %dma_wait3A_173 = tpu.memref_squeeze %dma_wait3A_172 : memref<1x1x4x2x80xi32, #tpu.memory_space<hbm>> -> memref<4x2x80xi32, #tpu.memory_space<hbm>>
      %dma_wait3A_174 = arith.constant 0 : i32
      %dma_wait3A_175 = arith.constant 0 : i32
      %dma_wait3A_176 = arith.constant 0 : i32
      %dma_wait3A_177 = tpu.memref_slice %arg3[%add3A, %run_scoped3A, %dma_wait3A_174, %dma_wait3A_175, %dma_wait3A_176] : memref<32x31x4x2x80xi32, #tpu.memory_space<hbm>> -> memref<1x1x4x2x80xi32, #tpu.memory_space<hbm>>
      %dma_wait3A_178 = tpu.memref_squeeze %dma_wait3A_177 : memref<1x1x4x2x80xi32, #tpu.memory_space<hbm>> -> memref<4x2x80xi32, #tpu.memory_space<hbm>>
      tpu.wait_dma2 semaphore(%run_scoped3A_158 : memref<!tpu.dma_semaphore, #tpu.memory_space<semaphore_mem>>) src(%dma_wait3A_178 : memref<4x2x80xi32, #tpu.memory_space<hbm>>) dst(%arg7 : memref<4x2x80xi32, #tpu.memory_space<vmem>>)
      tpu.yield
    }) : () -> ()
    %dma_start3A = arith.constant 0 : i32
    %dma_start3A_26 = arith.constant 0 : i32
    %dma_start3A_27 = arith.constant 0 : i32
    %dma_start3A_28 = tpu.memref_slice %arg7[%dma_start3A, %dma_start3A_26, %dma_start3A_27] : memref<4x2x80xi32, #tpu.memory_space<vmem>> -> memref<1x1x80xi32, #tpu.memory_space<vmem>>
    %dma_start3A_29 = tpu.memref_squeeze %dma_start3A_28 : memref<1x1x80xi32, #tpu.memory_space<vmem>> -> memref<80xi32, #tpu.memory_space<vmem>>
    %dma_start3A_30 = arith.constant 0 : i32
    %dma_start3A_31 = arith.constant 0 : i32
    %dma_start3A_32 = tpu.memref_slice %arg2[%dma_start3A_30, %dma_start3A_31] : memref<10000x128xf32, #tpu.memory_space<hbm>> -> memref<10000x128xf32, #tpu.memory_space<hbm>>
    tpu.enqueue_indirect_dma source(%dma_start3A_32 : memref<10000x128xf32, #tpu.memory_space<hbm>>) target(%arg9 : memref<80x128xf32, #tpu.memory_space<vmem>>) offsets(%dma_start3A_29 : memref<80xi32, #tpu.memory_space<vmem>>) semaphore(%arg13 : memref<!tpu.dma_semaphore, #tpu.memory_space<semaphore_mem>>)
    %scan3A_33 = arith.constant 0 : i32
    %scan3A_34 = arith.constant 0 : i32
    %scan3A_35 = arith.constant 15 : i32
    %scan3A_36 = arith.addi %scan3A_34, %scan3A_35 : i32
    %scan3A_37 = arith.constant 1 : i32
    scf.for %scan3A_158 = %scan3A_34 to %scan3A_36 step %scan3A_37  : i32 {
      %mul3A_159 = arith.constant 2 : i32
      %mul3A_160 = arith.muli %mul3A_159, %scan3A_158 : i32
      %add3A_161 = arith.constant 1 : i32
      %add3A_162 = arith.addi %mul3A_160, %add3A_161 : i32
      %dma_start3A_163 = arith.constant 1 : i32
      %dma_start3A_164 = arith.constant 0 : i32
      %dma_start3A_165 = arith.constant 0 : i32
      %dma_start3A_166 = tpu.memref_slice %arg7[%dma_start3A_163, %dma_start3A_164, %dma_start3A_165] : memref<4x2x80xi32, #tpu.memory_space<vmem>> -> memref<1x1x80xi32, #tpu.memory_space<vmem>>
      %dma_start3A_167 = tpu.memref_squeeze %dma_start3A_166 : memref<1x1x80xi32, #tpu.memory_space<vmem>> -> memref<80xi32, #tpu.memory_space<vmem>>
      %dma_start3A_168 = arith.constant 0 : i32
      %dma_start3A_169 = arith.constant 0 : i32
      %dma_start3A_170 = tpu.memref_slice %arg2[%dma_start3A_168, %dma_start3A_169] : memref<10000x128xf32, #tpu.memory_space<hbm>> -> memref<10000x128xf32, #tpu.memory_space<hbm>>
      tpu.enqueue_indirect_dma source(%dma_start3A_170 : memref<10000x128xf32, #tpu.memory_space<hbm>>) target(%arg10 : memref<80x128xf32, #tpu.memory_space<vmem>>) offsets(%dma_start3A_167 : memref<80xi32, #tpu.memory_space<vmem>>) semaphore(%arg13 : memref<!tpu.dma_semaphore, #tpu.memory_space<semaphore_mem>>)
      %dma_wait3A_171 = arith.constant 0 : i32
      %dma_wait3A_172 = arith.constant 0 : i32
      %dma_wait3A_173 = arith.constant 0 : i32
      %dma_wait3A_174 = tpu.memref_slice %arg7[%dma_wait3A_171, %dma_wait3A_172, %dma_wait3A_173] : memref<4x2x80xi32, #tpu.memory_space<vmem>> -> memref<1x1x80xi32, #tpu.memory_space<vmem>>
      %dma_wait3A_175 = tpu.memref_squeeze %dma_wait3A_174 : memref<1x1x80xi32, #tpu.memory_space<vmem>> -> memref<80xi32, #tpu.memory_space<vmem>>
      %dma_wait3A_176 = arith.constant 0 : i32
      %dma_wait3A_177 = arith.constant 0 : i32
      %dma_wait3A_178 = tpu.memref_slice %arg2[%dma_wait3A_176, %dma_wait3A_177] : memref<10000x128xf32, #tpu.memory_space<hbm>> -> memref<10000x128xf32, #tpu.memory_space<hbm>>
      tpu.wait_indirect_dma semaphore(%arg13 : memref<!tpu.dma_semaphore, #tpu.memory_space<semaphore_mem>>) src(%dma_wait3A_178 : memref<10000x128xf32, #tpu.memory_space<hbm>>) dst(%arg9 : memref<80x128xf32, #tpu.memory_space<vmem>>)
      %run_scoped3A_179 = arith.constant 0 : i32
      %run_scoped3A_180 = arith.constant 1 : i32
      "tpu.region"() ({
        %run_scoped3A_311 = tpu.sem_alloc : memref<!tpu.dma_semaphore, #tpu.memory_space<semaphore_mem>>
        %dma_start3A_312 = arith.constant 0 : i32
        %dma_start3A_313 = tpu.memref_slice %arg7[%run_scoped3A_179, %run_scoped3A_180, %dma_start3A_312] : memref<4x2x80xi32, #tpu.memory_space<vmem>> -> memref<1x1x80xi32, #tpu.memory_space<vmem>>
        %dma_start3A_314 = tpu.memref_squeeze %dma_start3A_313 : memref<1x1x80xi32, #tpu.memory_space<vmem>> -> memref<80xi32, #tpu.memory_space<vmem>>
        %dma_start3A_315 = arith.constant 0 : i32
        %dma_start3A_316 = arith.constant 0 : i32
        %dma_start3A_317 = tpu.memref_slice %arg12[%dma_start3A_315, %dma_start3A_316] : memref<10240x128xf32, #tpu.memory_space<vmem_shared>> -> memref<10240x128xf32, #tpu.memory_space<vmem_shared>>
        tpu.enqueue_indirect_dma source(%arg9 : memref<80x128xf32, #tpu.memory_space<vmem>>) target(%dma_start3A_317 : memref<10240x128xf32, #tpu.memory_space<vmem_shared>>) offsets(%dma_start3A_314 : memref<80xi32, #tpu.memory_space<vmem>>) semaphore(%run_scoped3A_311 : memref<!tpu.dma_semaphore, #tpu.memory_space<semaphore_mem>>) {add = true}
        %dma_wait3A_318 = arith.constant 0 : i32
        %dma_wait3A_319 = tpu.memref_slice %arg7[%run_scoped3A_179, %run_scoped3A_180, %dma_wait3A_318] : memref<4x2x80xi32, #tpu.memory_space<vmem>> -> memref<1x1x80xi32, #tpu.memory_space<vmem>>
        %dma_wait3A_320 = tpu.memref_squeeze %dma_wait3A_319 : memref<1x1x80xi32, #tpu.memory_space<vmem>> -> memref<80xi32, #tpu.memory_space<vmem>>
        %dma_wait3A_321 = arith.constant 0 : i32
        %dma_wait3A_322 = arith.constant 0 : i32
        %dma_wait3A_323 = tpu.memref_slice %arg12[%dma_wait3A_321, %dma_wait3A_322] : memref<10240x128xf32, #tpu.memory_space<vmem_shared>> -> memref<10240x128xf32, #tpu.memory_space<vmem_shared>>
        tpu.wait_indirect_dma semaphore(%run_scoped3A_311 : memref<!tpu.dma_semaphore, #tpu.memory_space<semaphore_mem>>) src(%arg9 : memref<80x128xf32, #tpu.memory_space<vmem>>) dst(%dma_wait3A_323 : memref<10240x128xf32, #tpu.memory_space<vmem_shared>>)
        tpu.yield
      }) : () -> ()
      %dma_start3A_181 = arith.constant 2 : i32
      %dma_start3A_182 = arith.constant 0 : i32
      %dma_start3A_183 = arith.constant 0 : i32
      %dma_start3A_184 = tpu.memref_slice %arg7[%dma_start3A_181, %dma_start3A_182, %dma_start3A_183] : memref<4x2x80xi32, #tpu.memory_space<vmem>> -> memref<1x1x80xi32, #tpu.memory_space<vmem>>
      %dma_start3A_185 = tpu.memref_squeeze %dma_start3A_184 : memref<1x1x80xi32, #tpu.memory_space<vmem>> -> memref<80xi32, #tpu.memory_space<vmem>>
      %dma_start3A_186 = arith.constant 0 : i32
      %dma_start3A_187 = arith.constant 0 : i32
      %dma_start3A_188 = tpu.memref_slice %arg2[%dma_start3A_186, %dma_start3A_187] : memref<10000x128xf32, #tpu.memory_space<hbm>> -> memref<10000x128xf32, #tpu.memory_space<hbm>>
      tpu.enqueue_indirect_dma source(%dma_start3A_188 : memref<10000x128xf32, #tpu.memory_space<hbm>>) target(%arg9 : memref<80x128xf32, #tpu.memory_space<vmem>>) offsets(%dma_start3A_185 : memref<80xi32, #tpu.memory_space<vmem>>) semaphore(%arg13 : memref<!tpu.dma_semaphore, #tpu.memory_space<semaphore_mem>>)
      %dma_wait3A_189 = arith.constant 1 : i32
      %dma_wait3A_190 = arith.constant 0 : i32
      %dma_wait3A_191 = arith.constant 0 : i32
      %dma_wait3A_192 = tpu.memref_slice %arg7[%dma_wait3A_189, %dma_wait3A_190, %dma_wait3A_191] : memref<4x2x80xi32, #tpu.memory_space<vmem>> -> memref<1x1x80xi32, #tpu.memory_space<vmem>>
      %dma_wait3A_193 = tpu.memref_squeeze %dma_wait3A_192 : memref<1x1x80xi32, #tpu.memory_space<vmem>> -> memref<80xi32, #tpu.memory_space<vmem>>
      %dma_wait3A_194 = arith.constant 0 : i32
      %dma_wait3A_195 = arith.constant 0 : i32
      %dma_wait3A_196 = tpu.memref_slice %arg2[%dma_wait3A_194, %dma_wait3A_195] : memref<10000x128xf32, #tpu.memory_space<hbm>> -> memref<10000x128xf32, #tpu.memory_space<hbm>>
      tpu.wait_indirect_dma semaphore(%arg13 : memref<!tpu.dma_semaphore, #tpu.memory_space<semaphore_mem>>) src(%dma_wait3A_196 : memref<10000x128xf32, #tpu.memory_space<hbm>>) dst(%arg10 : memref<80x128xf32, #tpu.memory_space<vmem>>)
      %run_scoped3A_197 = arith.constant 1 : i32
      %run_scoped3A_198 = arith.constant 1 : i32
      "tpu.region"() ({
        %run_scoped3A_311 = tpu.sem_alloc : memref<!tpu.dma_semaphore, #tpu.memory_space<semaphore_mem>>
        %dma_start3A_312 = arith.constant 0 : i32
        %dma_start3A_313 = tpu.memref_slice %arg7[%run_scoped3A_197, %run_scoped3A_198, %dma_start3A_312] : memref<4x2x80xi32, #tpu.memory_space<vmem>> -> memref<1x1x80xi32, #tpu.memory_space<vmem>>
        %dma_start3A_314 = tpu.memref_squeeze %dma_start3A_313 : memref<1x1x80xi32, #tpu.memory_space<vmem>> -> memref<80xi32, #tpu.memory_space<vmem>>
        %dma_start3A_315 = arith.constant 0 : i32
        %dma_start3A_316 = arith.constant 0 : i32
        %dma_start3A_317 = tpu.memref_slice %arg12[%dma_start3A_315, %dma_start3A_316] : memref<10240x128xf32, #tpu.memory_space<vmem_shared>> -> memref<10240x128xf32, #tpu.memory_space<vmem_shared>>
        tpu.enqueue_indirect_dma source(%arg10 : memref<80x128xf32, #tpu.memory_space<vmem>>) target(%dma_start3A_317 : memref<10240x128xf32, #tpu.memory_space<vmem_shared>>) offsets(%dma_start3A_314 : memref<80xi32, #tpu.memory_space<vmem>>) semaphore(%run_scoped3A_311 : memref<!tpu.dma_semaphore, #tpu.memory_space<semaphore_mem>>) {add = true}
        %dma_wait3A_318 = arith.constant 0 : i32
        %dma_wait3A_319 = tpu.memref_slice %arg7[%run_scoped3A_197, %run_scoped3A_198, %dma_wait3A_318] : memref<4x2x80xi32, #tpu.memory_space<vmem>> -> memref<1x1x80xi32, #tpu.memory_space<vmem>>
        %dma_wait3A_320 = tpu.memref_squeeze %dma_wait3A_319 : memref<1x1x80xi32, #tpu.memory_space<vmem>> -> memref<80xi32, #tpu.memory_space<vmem>>
        %dma_wait3A_321 = arith.constant 0 : i32
        %dma_wait3A_322 = arith.constant 0 : i32
        %dma_wait3A_323 = tpu.memref_slice %arg12[%dma_wait3A_321, %dma_wait3A_322] : memref<10240x128xf32, #tpu.memory_space<vmem_shared>> -> memref<10240x128xf32, #tpu.memory_space<vmem_shared>>
        tpu.wait_indirect_dma semaphore(%run_scoped3A_311 : memref<!tpu.dma_semaphore, #tpu.memory_space<semaphore_mem>>) src(%arg10 : memref<80x128xf32, #tpu.memory_space<vmem>>) dst(%dma_wait3A_323 : memref<10240x128xf32, #tpu.memory_space<vmem_shared>>)
        tpu.yield
      }) : () -> ()
      %dma_start3A_199 = arith.constant 3 : i32
      %dma_start3A_200 = arith.constant 0 : i32
      %dma_start3A_201 = arith.constant 0 : i32
      %dma_start3A_202 = tpu.memref_slice %arg7[%dma_start3A_199, %dma_start3A_200, %dma_start3A_201] : memref<4x2x80xi32, #tpu.memory_space<vmem>> -> memref<1x1x80xi32, #tpu.memory_space<vmem>>
      %dma_start3A_203 = tpu.memref_squeeze %dma_start3A_202 : memref<1x1x80xi32, #tpu.memory_space<vmem>> -> memref<80xi32, #tpu.memory_space<vmem>>
      %dma_start3A_204 = arith.constant 0 : i32
      %dma_start3A_205 = arith.constant 0 : i32
      %dma_start3A_206 = tpu.memref_slice %arg2[%dma_start3A_204, %dma_start3A_205] : memref<10000x128xf32, #tpu.memory_space<hbm>> -> memref<10000x128xf32, #tpu.memory_space<hbm>>
      tpu.enqueue_indirect_dma source(%dma_start3A_206 : memref<10000x128xf32, #tpu.memory_space<hbm>>) target(%arg10 : memref<80x128xf32, #tpu.memory_space<vmem>>) offsets(%dma_start3A_203 : memref<80xi32, #tpu.memory_space<vmem>>) semaphore(%arg13 : memref<!tpu.dma_semaphore, #tpu.memory_space<semaphore_mem>>)
      %dma_wait3A_207 = arith.constant 2 : i32
      %dma_wait3A_208 = arith.constant 0 : i32
      %dma_wait3A_209 = arith.constant 0 : i32
      %dma_wait3A_210 = tpu.memref_slice %arg7[%dma_wait3A_207, %dma_wait3A_208, %dma_wait3A_209] : memref<4x2x80xi32, #tpu.memory_space<vmem>> -> memref<1x1x80xi32, #tpu.memory_space<vmem>>
      %dma_wait3A_211 = tpu.memref_squeeze %dma_wait3A_210 : memref<1x1x80xi32, #tpu.memory_space<vmem>> -> memref<80xi32, #tpu.memory_space<vmem>>
      %dma_wait3A_212 = arith.constant 0 : i32
      %dma_wait3A_213 = arith.constant 0 : i32
      %dma_wait3A_214 = tpu.memref_slice %arg2[%dma_wait3A_212, %dma_wait3A_213] : memref<10000x128xf32, #tpu.memory_space<hbm>> -> memref<10000x128xf32, #tpu.memory_space<hbm>>
      tpu.wait_indirect_dma semaphore(%arg13 : memref<!tpu.dma_semaphore, #tpu.memory_space<semaphore_mem>>) src(%dma_wait3A_214 : memref<10000x128xf32, #tpu.memory_space<hbm>>) dst(%arg9 : memref<80x128xf32, #tpu.memory_space<vmem>>)
      %run_scoped3A_215 = arith.constant 2 : i32
      %run_scoped3A_216 = arith.constant 1 : i32
      "tpu.region"() ({
        %run_scoped3A_311 = tpu.sem_alloc : memref<!tpu.dma_semaphore, #tpu.memory_space<semaphore_mem>>
        %dma_start3A_312 = arith.constant 0 : i32
        %dma_start3A_313 = tpu.memref_slice %arg7[%run_scoped3A_215, %run_scoped3A_216, %dma_start3A_312] : memref<4x2x80xi32, #tpu.memory_space<vmem>> -> memref<1x1x80xi32, #tpu.memory_space<vmem>>
        %dma_start3A_314 = tpu.memref_squeeze %dma_start3A_313 : memref<1x1x80xi32, #tpu.memory_space<vmem>> -> memref<80xi32, #tpu.memory_space<vmem>>
        %dma_start3A_315 = arith.constant 0 : i32
        %dma_start3A_316 = arith.constant 0 : i32
        %dma_start3A_317 = tpu.memref_slice %arg12[%dma_start3A_315, %dma_start3A_316] : memref<10240x128xf32, #tpu.memory_space<vmem_shared>> -> memref<10240x128xf32, #tpu.memory_space<vmem_shared>>
        tpu.enqueue_indirect_dma source(%arg9 : memref<80x128xf32, #tpu.memory_space<vmem>>) target(%dma_start3A_317 : memref<10240x128xf32, #tpu.memory_space<vmem_shared>>) offsets(%dma_start3A_314 : memref<80xi32, #tpu.memory_space<vmem>>) semaphore(%run_scoped3A_311 : memref<!tpu.dma_semaphore, #tpu.memory_space<semaphore_mem>>) {add = true}
        %dma_wait3A_318 = arith.constant 0 : i32
        %dma_wait3A_319 = tpu.memref_slice %arg7[%run_scoped3A_215, %run_scoped3A_216, %dma_wait3A_318] : memref<4x2x80xi32, #tpu.memory_space<vmem>> -> memref<1x1x80xi32, #tpu.memory_space<vmem>>
        %dma_wait3A_320 = tpu.memref_squeeze %dma_wait3A_319 : memref<1x1x80xi32, #tpu.memory_space<vmem>> -> memref<80xi32, #tpu.memory_space<vmem>>
        %dma_wait3A_321 = arith.constant 0 : i32
        %dma_wait3A_322 = arith.constant 0 : i32
        %dma_wait3A_323 = tpu.memref_slice %arg12[%dma_wait3A_321, %dma_wait3A_322] : memref<10240x128xf32, #tpu.memory_space<vmem_shared>> -> memref<10240x128xf32, #tpu.memory_space<vmem_shared>>
        tpu.wait_indirect_dma semaphore(%run_scoped3A_311 : memref<!tpu.dma_semaphore, #tpu.memory_space<semaphore_mem>>) src(%arg9 : memref<80x128xf32, #tpu.memory_space<vmem>>) dst(%dma_wait3A_323 : memref<10240x128xf32, #tpu.memory_space<vmem_shared>>)
        tpu.yield
      }) : () -> ()
      "tpu.region"() ({
        %run_scoped3A_311 = tpu.sem_alloc : memref<!tpu.dma_semaphore, #tpu.memory_space<semaphore_mem>>
        %dma_start3A_312 = arith.constant 0 : i32
        %dma_start3A_313 = arith.constant 0 : i32
        %dma_start3A_314 = arith.constant 0 : i32
        %dma_start3A_315 = tpu.memref_slice %arg3[%add3A, %add3A_162, %dma_start3A_312, %dma_start3A_313, %dma_start3A_314] : memref<32x31x4x2x80xi32, #tpu.memory_space<hbm>> -> memref<1x1x4x2x80xi32, #tpu.memory_space<hbm>>
        %dma_start3A_316 = tpu.memref_squeeze %dma_start3A_315 : memref<1x1x4x2x80xi32, #tpu.memory_space<hbm>> -> memref<4x2x80xi32, #tpu.memory_space<hbm>>
        %dma_start3A_317 = arith.constant 0 : i32
        %dma_start3A_318 = arith.constant 0 : i32
        %dma_start3A_319 = arith.constant 0 : i32
        %dma_start3A_320 = tpu.memref_slice %arg3[%add3A, %add3A_162, %dma_start3A_317, %dma_start3A_318, %dma_start3A_319] : memref<32x31x4x2x80xi32, #tpu.memory_space<hbm>> -> memref<1x1x4x2x80xi32, #tpu.memory_space<hbm>>
        %dma_start3A_321 = tpu.memref_squeeze %dma_start3A_320 : memref<1x1x4x2x80xi32, #tpu.memory_space<hbm>> -> memref<4x2x80xi32, #tpu.memory_space<hbm>>
        tpu.enqueue_dma source(%dma_start3A_321 : memref<4x2x80xi32, #tpu.memory_space<hbm>>) target(%arg8 : memref<4x2x80xi32, #tpu.memory_space<vmem>>) target_semaphore(%run_scoped3A_311 : memref<!tpu.dma_semaphore, #tpu.memory_space<semaphore_mem>>)
        %dma_wait3A_322 = arith.constant 0 : i32
        %dma_wait3A_323 = arith.constant 0 : i32
        %dma_wait3A_324 = arith.constant 0 : i32
        %dma_wait3A_325 = tpu.memref_slice %arg3[%add3A, %add3A_162, %dma_wait3A_322, %dma_wait3A_323, %dma_wait3A_324] : memref<32x31x4x2x80xi32, #tpu.memory_space<hbm>> -> memref<1x1x4x2x80xi32, #tpu.memory_space<hbm>>
        %dma_wait3A_326 = tpu.memref_squeeze %dma_wait3A_325 : memref<1x1x4x2x80xi32, #tpu.memory_space<hbm>> -> memref<4x2x80xi32, #tpu.memory_space<hbm>>
        %dma_wait3A_327 = arith.constant 0 : i32
        %dma_wait3A_328 = arith.constant 0 : i32
        %dma_wait3A_329 = arith.constant 0 : i32
        %dma_wait3A_330 = tpu.memref_slice %arg3[%add3A, %add3A_162, %dma_wait3A_327, %dma_wait3A_328, %dma_wait3A_329] : memref<32x31x4x2x80xi32, #tpu.memory_space<hbm>> -> memref<1x1x4x2x80xi32, #tpu.memory_space<hbm>>
        %dma_wait3A_331 = tpu.memref_squeeze %dma_wait3A_330 : memref<1x1x4x2x80xi32, #tpu.memory_space<hbm>> -> memref<4x2x80xi32, #tpu.memory_space<hbm>>
        tpu.wait_dma2 semaphore(%run_scoped3A_311 : memref<!tpu.dma_semaphore, #tpu.memory_space<semaphore_mem>>) src(%dma_wait3A_331 : memref<4x2x80xi32, #tpu.memory_space<hbm>>) dst(%arg8 : memref<4x2x80xi32, #tpu.memory_space<vmem>>)
        tpu.yield
      }) : () -> ()
      %dma_start3A_217 = arith.constant 0 : i32
      %dma_start3A_218 = arith.constant 0 : i32
      %dma_start3A_219 = arith.constant 0 : i32
      %dma_start3A_220 = tpu.memref_slice %arg8[%dma_start3A_217, %dma_start3A_218, %dma_start3A_219] : memref<4x2x80xi32, #tpu.memory_space<vmem>> -> memref<1x1x80xi32, #tpu.memory_space<vmem>>
      %dma_start3A_221 = tpu.memref_squeeze %dma_start3A_220 : memref<1x1x80xi32, #tpu.memory_space<vmem>> -> memref<80xi32, #tpu.memory_space<vmem>>
      %dma_start3A_222 = arith.constant 0 : i32
      %dma_start3A_223 = arith.constant 0 : i32
      %dma_start3A_224 = tpu.memref_slice %arg2[%dma_start3A_222, %dma_start3A_223] : memref<10000x128xf32, #tpu.memory_space<hbm>> -> memref<10000x128xf32, #tpu.memory_space<hbm>>
      tpu.enqueue_indirect_dma source(%dma_start3A_224 : memref<10000x128xf32, #tpu.memory_space<hbm>>) target(%arg9 : memref<80x128xf32, #tpu.memory_space<vmem>>) offsets(%dma_start3A_221 : memref<80xi32, #tpu.memory_space<vmem>>) semaphore(%arg13 : memref<!tpu.dma_semaphore, #tpu.memory_space<semaphore_mem>>)
      %dma_wait3A_225 = arith.constant 3 : i32
      %dma_wait3A_226 = arith.constant 0 : i32
      %dma_wait3A_227 = arith.constant 0 : i32
      %dma_wait3A_228 = tpu.memref_slice %arg7[%dma_wait3A_225, %dma_wait3A_226, %dma_wait3A_227] : memref<4x2x80xi32, #tpu.memory_space<vmem>> -> memref<1x1x80xi32, #tpu.memory_space<vmem>>
      %dma_wait3A_229 = tpu.memref_squeeze %dma_wait3A_228 : memref<1x1x80xi32, #tpu.memory_space<vmem>> -> memref<80xi32, #tpu.memory_space<vmem>>
      %dma_wait3A_230 = arith.constant 0 : i32
      %dma_wait3A_231 = arith.constant 0 : i32
      %dma_wait3A_232 = tpu.memref_slice %arg2[%dma_wait3A_230, %dma_wait3A_231] : memref<10000x128xf32, #tpu.memory_space<hbm>> -> memref<10000x128xf32, #tpu.memory_space<hbm>>
      tpu.wait_indirect_dma semaphore(%arg13 : memref<!tpu.dma_semaphore, #tpu.memory_space<semaphore_mem>>) src(%dma_wait3A_232 : memref<10000x128xf32, #tpu.memory_space<hbm>>) dst(%arg10 : memref<80x128xf32, #tpu.memory_space<vmem>>)
      %run_scoped3A_233 = arith.constant 3 : i32
      %run_scoped3A_234 = arith.constant 1 : i32
      "tpu.region"() ({
        %run_scoped3A_311 = tpu.sem_alloc : memref<!tpu.dma_semaphore, #tpu.memory_space<semaphore_mem>>
        %dma_start3A_312 = arith.constant 0 : i32
        %dma_start3A_313 = tpu.memref_slice %arg7[%run_scoped3A_233, %run_scoped3A_234, %dma_start3A_312] : memref<4x2x80xi32, #tpu.memory_space<vmem>> -> memref<1x1x80xi32, #tpu.memory_space<vmem>>
        %dma_start3A_314 = tpu.memref_squeeze %dma_start3A_313 : memref<1x1x80xi32, #tpu.memory_space<vmem>> -> memref<80xi32, #tpu.memory_space<vmem>>
        %dma_start3A_315 = arith.constant 0 : i32
        %dma_start3A_316 = arith.constant 0 : i32
        %dma_start3A_317 = tpu.memref_slice %arg12[%dma_start3A_315, %dma_start3A_316] : memref<10240x128xf32, #tpu.memory_space<vmem_shared>> -> memref<10240x128xf32, #tpu.memory_space<vmem_shared>>
        tpu.enqueue_indirect_dma source(%arg10 : memref<80x128xf32, #tpu.memory_space<vmem>>) target(%dma_start3A_317 : memref<10240x128xf32, #tpu.memory_space<vmem_shared>>) offsets(%dma_start3A_314 : memref<80xi32, #tpu.memory_space<vmem>>) semaphore(%run_scoped3A_311 : memref<!tpu.dma_semaphore, #tpu.memory_space<semaphore_mem>>) {add = true}
        %dma_wait3A_318 = arith.constant 0 : i32
        %dma_wait3A_319 = tpu.memref_slice %arg7[%run_scoped3A_233, %run_scoped3A_234, %dma_wait3A_318] : memref<4x2x80xi32, #tpu.memory_space<vmem>> -> memref<1x1x80xi32, #tpu.memory_space<vmem>>
        %dma_wait3A_320 = tpu.memref_squeeze %dma_wait3A_319 : memref<1x1x80xi32, #tpu.memory_space<vmem>> -> memref<80xi32, #tpu.memory_space<vmem>>
        %dma_wait3A_321 = arith.constant 0 : i32
        %dma_wait3A_322 = arith.constant 0 : i32
        %dma_wait3A_323 = tpu.memref_slice %arg12[%dma_wait3A_321, %dma_wait3A_322] : memref<10240x128xf32, #tpu.memory_space<vmem_shared>> -> memref<10240x128xf32, #tpu.memory_space<vmem_shared>>
        tpu.wait_indirect_dma semaphore(%run_scoped3A_311 : memref<!tpu.dma_semaphore, #tpu.memory_space<semaphore_mem>>) src(%arg10 : memref<80x128xf32, #tpu.memory_space<vmem>>) dst(%dma_wait3A_323 : memref<10240x128xf32, #tpu.memory_space<vmem_shared>>)
        tpu.yield
      }) : () -> ()
      %mul3A_235 = arith.constant 2 : i32
      %mul3A_236 = arith.muli %mul3A_235, %scan3A_158 : i32
      %add3A_237 = arith.constant 2 : i32
      %add3A_238 = arith.addi %mul3A_236, %add3A_237 : i32
      %dma_start3A_239 = arith.constant 1 : i32
      %dma_start3A_240 = arith.constant 0 : i32
      %dma_start3A_241 = arith.constant 0 : i32
      %dma_start3A_242 = tpu.memref_slice %arg8[%dma_start3A_239, %dma_start3A_240, %dma_start3A_241] : memref<4x2x80xi32, #tpu.memory_space<vmem>> -> memref<1x1x80xi32, #tpu.memory_space<vmem>>
      %dma_start3A_243 = tpu.memref_squeeze %dma_start3A_242 : memref<1x1x80xi32, #tpu.memory_space<vmem>> -> memref<80xi32, #tpu.memory_space<vmem>>
      %dma_start3A_244 = arith.constant 0 : i32
      %dma_start3A_245 = arith.constant 0 : i32
      %dma_start3A_246 = tpu.memref_slice %arg2[%dma_start3A_244, %dma_start3A_245] : memref<10000x128xf32, #tpu.memory_space<hbm>> -> memref<10000x128xf32, #tpu.memory_space<hbm>>
      tpu.enqueue_indirect_dma source(%dma_start3A_246 : memref<10000x128xf32, #tpu.memory_space<hbm>>) target(%arg10 : memref<80x128xf32, #tpu.memory_space<vmem>>) offsets(%dma_start3A_243 : memref<80xi32, #tpu.memory_space<vmem>>) semaphore(%arg13 : memref<!tpu.dma_semaphore, #tpu.memory_space<semaphore_mem>>)
      %dma_wait3A_247 = arith.constant 0 : i32
      %dma_wait3A_248 = arith.constant 0 : i32
      %dma_wait3A_249 = arith.constant 0 : i32
      %dma_wait3A_250 = tpu.memref_slice %arg8[%dma_wait3A_247, %dma_wait3A_248, %dma_wait3A_249] : memref<4x2x80xi32, #tpu.memory_space<vmem>> -> memref<1x1x80xi32, #tpu.memory_space<vmem>>
      %dma_wait3A_251 = tpu.memref_squeeze %dma_wait3A_250 : memref<1x1x80xi32, #tpu.memory_space<vmem>> -> memref<80xi32, #tpu.memory_space<vmem>>
      %dma_wait3A_252 = arith.constant 0 : i32
      %dma_wait3A_253 = arith.constant 0 : i32
      %dma_wait3A_254 = tpu.memref_slice %arg2[%dma_wait3A_252, %dma_wait3A_253] : memref<10000x128xf32, #tpu.memory_space<hbm>> -> memref<10000x128xf32, #tpu.memory_space<hbm>>
      tpu.wait_indirect_dma semaphore(%arg13 : memref<!tpu.dma_semaphore, #tpu.memory_space<semaphore_mem>>) src(%dma_wait3A_254 : memref<10000x128xf32, #tpu.memory_space<hbm>>) dst(%arg9 : memref<80x128xf32, #tpu.memory_space<vmem>>)
      %run_scoped3A_255 = arith.constant 0 : i32
      %run_scoped3A_256 = arith.constant 1 : i32
      "tpu.region"() ({
        %run_scoped3A_311 = tpu.sem_alloc : memref<!tpu.dma_semaphore, #tpu.memory_space<semaphore_mem>>
        %dma_start3A_312 = arith.constant 0 : i32
        %dma_start3A_313 = tpu.memref_slice %arg8[%run_scoped3A_255, %run_scoped3A_256, %dma_start3A_312] : memref<4x2x80xi32, #tpu.memory_space<vmem>> -> memref<1x1x80xi32, #tpu.memory_space<vmem>>
        %dma_start3A_314 = tpu.memref_squeeze %dma_start3A_313 : memref<1x1x80xi32, #tpu.memory_space<vmem>> -> memref<80xi32, #tpu.memory_space<vmem>>
        %dma_start3A_315 = arith.constant 0 : i32
        %dma_start3A_316 = arith.constant 0 : i32
        %dma_start3A_317 = tpu.memref_slice %arg12[%dma_start3A_315, %dma_start3A_316] : memref<10240x128xf32, #tpu.memory_space<vmem_shared>> -> memref<10240x128xf32, #tpu.memory_space<vmem_shared>>
        tpu.enqueue_indirect_dma source(%arg9 : memref<80x128xf32, #tpu.memory_space<vmem>>) target(%dma_start3A_317 : memref<10240x128xf32, #tpu.memory_space<vmem_shared>>) offsets(%dma_start3A_314 : memref<80xi32, #tpu.memory_space<vmem>>) semaphore(%run_scoped3A_311 : memref<!tpu.dma_semaphore, #tpu.memory_space<semaphore_mem>>) {add = true}
        %dma_wait3A_318 = arith.constant 0 : i32
        %dma_wait3A_319 = tpu.memref_slice %arg8[%run_scoped3A_255, %run_scoped3A_256, %dma_wait3A_318] : memref<4x2x80xi32, #tpu.memory_space<vmem>> -> memref<1x1x80xi32, #tpu.memory_space<vmem>>
        %dma_wait3A_320 = tpu.memref_squeeze %dma_wait3A_319 : memref<1x1x80xi32, #tpu.memory_space<vmem>> -> memref<80xi32, #tpu.memory_space<vmem>>
        %dma_wait3A_321 = arith.constant 0 : i32
        %dma_wait3A_322 = arith.constant 0 : i32
        %dma_wait3A_323 = tpu.memref_slice %arg12[%dma_wait3A_321, %dma_wait3A_322] : memref<10240x128xf32, #tpu.memory_space<vmem_shared>> -> memref<10240x128xf32, #tpu.memory_space<vmem_shared>>
        tpu.wait_indirect_dma semaphore(%run_scoped3A_311 : memref<!tpu.dma_semaphore, #tpu.memory_space<semaphore_mem>>) src(%arg9 : memref<80x128xf32, #tpu.memory_space<vmem>>) dst(%dma_wait3A_323 : memref<10240x128xf32, #tpu.memory_space<vmem_shared>>)
        tpu.yield
      }) : () -> ()
      %dma_start3A_257 = arith.constant 2 : i32
      %dma_start3A_258 = arith.constant 0 : i32
      %dma_start3A_259 = arith.constant 0 : i32
      %dma_start3A_260 = tpu.memref_slice %arg8[%dma_start3A_257, %dma_start3A_258, %dma_start3A_259] : memref<4x2x80xi32, #tpu.memory_space<vmem>> -> memref<1x1x80xi32, #tpu.memory_space<vmem>>
      %dma_start3A_261 = tpu.memref_squeeze %dma_start3A_260 : memref<1x1x80xi32, #tpu.memory_space<vmem>> -> memref<80xi32, #tpu.memory_space<vmem>>
      %dma_start3A_262 = arith.constant 0 : i32
      %dma_start3A_263 = arith.constant 0 : i32
      %dma_start3A_264 = tpu.memref_slice %arg2[%dma_start3A_262, %dma_start3A_263] : memref<10000x128xf32, #tpu.memory_space<hbm>> -> memref<10000x128xf32, #tpu.memory_space<hbm>>
      tpu.enqueue_indirect_dma source(%dma_start3A_264 : memref<10000x128xf32, #tpu.memory_space<hbm>>) target(%arg9 : memref<80x128xf32, #tpu.memory_space<vmem>>) offsets(%dma_start3A_261 : memref<80xi32, #tpu.memory_space<vmem>>) semaphore(%arg13 : memref<!tpu.dma_semaphore, #tpu.memory_space<semaphore_mem>>)
      %dma_wait3A_265 = arith.constant 1 : i32
      %dma_wait3A_266 = arith.constant 0 : i32
      %dma_wait3A_267 = arith.constant 0 : i32
      %dma_wait3A_268 = tpu.memref_slice %arg8[%dma_wait3A_265, %dma_wait3A_266, %dma_wait3A_267] : memref<4x2x80xi32, #tpu.memory_space<vmem>> -> memref<1x1x80xi32, #tpu.memory_space<vmem>>
      %dma_wait3A_269 = tpu.memref_squeeze %dma_wait3A_268 : memref<1x1x80xi32, #tpu.memory_space<vmem>> -> memref<80xi32, #tpu.memory_space<vmem>>
      %dma_wait3A_270 = arith.constant 0 : i32
      %dma_wait3A_271 = arith.constant 0 : i32
      %dma_wait3A_272 = tpu.memref_slice %arg2[%dma_wait3A_270, %dma_wait3A_271] : memref<10000x128xf32, #tpu.memory_space<hbm>> -> memref<10000x128xf32, #tpu.memory_space<hbm>>
      tpu.wait_indirect_dma semaphore(%arg13 : memref<!tpu.dma_semaphore, #tpu.memory_space<semaphore_mem>>) src(%dma_wait3A_272 : memref<10000x128xf32, #tpu.memory_space<hbm>>) dst(%arg10 : memref<80x128xf32, #tpu.memory_space<vmem>>)
      %run_scoped3A_273 = arith.constant 1 : i32
      %run_scoped3A_274 = arith.constant 1 : i32
      "tpu.region"() ({
        %run_scoped3A_311 = tpu.sem_alloc : memref<!tpu.dma_semaphore, #tpu.memory_space<semaphore_mem>>
        %dma_start3A_312 = arith.constant 0 : i32
        %dma_start3A_313 = tpu.memref_slice %arg8[%run_scoped3A_273, %run_scoped3A_274, %dma_start3A_312] : memref<4x2x80xi32, #tpu.memory_space<vmem>> -> memref<1x1x80xi32, #tpu.memory_space<vmem>>
        %dma_start3A_314 = tpu.memref_squeeze %dma_start3A_313 : memref<1x1x80xi32, #tpu.memory_space<vmem>> -> memref<80xi32, #tpu.memory_space<vmem>>
        %dma_start3A_315 = arith.constant 0 : i32
        %dma_start3A_316 = arith.constant 0 : i32
        %dma_start3A_317 = tpu.memref_slice %arg12[%dma_start3A_315, %dma_start3A_316] : memref<10240x128xf32, #tpu.memory_space<vmem_shared>> -> memref<10240x128xf32, #tpu.memory_space<vmem_shared>>
        tpu.enqueue_indirect_dma source(%arg10 : memref<80x128xf32, #tpu.memory_space<vmem>>) target(%dma_start3A_317 : memref<10240x128xf32, #tpu.memory_space<vmem_shared>>) offsets(%dma_start3A_314 : memref<80xi32, #tpu.memory_space<vmem>>) semaphore(%run_scoped3A_311 : memref<!tpu.dma_semaphore, #tpu.memory_space<semaphore_mem>>) {add = true}
        %dma_wait3A_318 = arith.constant 0 : i32
        %dma_wait3A_319 = tpu.memref_slice %arg8[%run_scoped3A_273, %run_scoped3A_274, %dma_wait3A_318] : memref<4x2x80xi32, #tpu.memory_space<vmem>> -> memref<1x1x80xi32, #tpu.memory_space<vmem>>
        %dma_wait3A_320 = tpu.memref_squeeze %dma_wait3A_319 : memref<1x1x80xi32, #tpu.memory_space<vmem>> -> memref<80xi32, #tpu.memory_space<vmem>>
        %dma_wait3A_321 = arith.constant 0 : i32
        %dma_wait3A_322 = arith.constant 0 : i32
        %dma_wait3A_323 = tpu.memref_slice %arg12[%dma_wait3A_321, %dma_wait3A_322] : memref<10240x128xf32, #tpu.memory_space<vmem_shared>> -> memref<10240x128xf32, #tpu.memory_space<vmem_shared>>
        tpu.wait_indirect_dma semaphore(%run_scoped3A_311 : memref<!tpu.dma_semaphore, #tpu.memory_space<semaphore_mem>>) src(%arg10 : memref<80x128xf32, #tpu.memory_space<vmem>>) dst(%dma_wait3A_323 : memref<10240x128xf32, #tpu.memory_space<vmem_shared>>)
        tpu.yield
      }) : () -> ()
      %dma_start3A_275 = arith.constant 3 : i32
      %dma_start3A_276 = arith.constant 0 : i32
      %dma_start3A_277 = arith.constant 0 : i32
      %dma_start3A_278 = tpu.memref_slice %arg8[%dma_start3A_275, %dma_start3A_276, %dma_start3A_277] : memref<4x2x80xi32, #tpu.memory_space<vmem>> -> memref<1x1x80xi32, #tpu.memory_space<vmem>>
      %dma_start3A_279 = tpu.memref_squeeze %dma_start3A_278 : memref<1x1x80xi32, #tpu.memory_space<vmem>> -> memref<80xi32, #tpu.memory_space<vmem>>
      %dma_start3A_280 = arith.constant 0 : i32
      %dma_start3A_281 = arith.constant 0 : i32
      %dma_start3A_282 = tpu.memref_slice %arg2[%dma_start3A_280, %dma_start3A_281] : memref<10000x128xf32, #tpu.memory_space<hbm>> -> memref<10000x128xf32, #tpu.memory_space<hbm>>
      tpu.enqueue_indirect_dma source(%dma_start3A_282 : memref<10000x128xf32, #tpu.memory_space<hbm>>) target(%arg10 : memref<80x128xf32, #tpu.memory_space<vmem>>) offsets(%dma_start3A_279 : memref<80xi32, #tpu.memory_space<vmem>>) semaphore(%arg13 : memref<!tpu.dma_semaphore, #tpu.memory_space<semaphore_mem>>)
      %dma_wait3A_283 = arith.constant 2 : i32
      %dma_wait3A_284 = arith.constant 0 : i32
      %dma_wait3A_285 = arith.constant 0 : i32
      %dma_wait3A_286 = tpu.memref_slice %arg8[%dma_wait3A_283, %dma_wait3A_284, %dma_wait3A_285] : memref<4x2x80xi32, #tpu.memory_space<vmem>> -> memref<1x1x80xi32, #tpu.memory_space<vmem>>
      %dma_wait3A_287 = tpu.memref_squeeze %dma_wait3A_286 : memref<1x1x80xi32, #tpu.memory_space<vmem>> -> memref<80xi32, #tpu.memory_space<vmem>>
      %dma_wait3A_288 = arith.constant 0 : i32
      %dma_wait3A_289 = arith.constant 0 : i32
      %dma_wait3A_290 = tpu.memref_slice %arg2[%dma_wait3A_288, %dma_wait3A_289] : memref<10000x128xf32, #tpu.memory_space<hbm>> -> memref<10000x128xf32, #tpu.memory_space<hbm>>
      tpu.wait_indirect_dma semaphore(%arg13 : memref<!tpu.dma_semaphore, #tpu.memory_space<semaphore_mem>>) src(%dma_wait3A_290 : memref<10000x128xf32, #tpu.memory_space<hbm>>) dst(%arg9 : memref<80x128xf32, #tpu.memory_space<vmem>>)
      %run_scoped3A_291 = arith.constant 2 : i32
      %run_scoped3A_292 = arith.constant 1 : i32
      "tpu.region"() ({
        %run_scoped3A_311 = tpu.sem_alloc : memref<!tpu.dma_semaphore, #tpu.memory_space<semaphore_mem>>
        %dma_start3A_312 = arith.constant 0 : i32
        %dma_start3A_313 = tpu.memref_slice %arg8[%run_scoped3A_291, %run_scoped3A_292, %dma_start3A_312] : memref<4x2x80xi32, #tpu.memory_space<vmem>> -> memref<1x1x80xi32, #tpu.memory_space<vmem>>
        %dma_start3A_314 = tpu.memref_squeeze %dma_start3A_313 : memref<1x1x80xi32, #tpu.memory_space<vmem>> -> memref<80xi32, #tpu.memory_space<vmem>>
        %dma_start3A_315 = arith.constant 0 : i32
        %dma_start3A_316 = arith.constant 0 : i32
        %dma_start3A_317 = tpu.memref_slice %arg12[%dma_start3A_315, %dma_start3A_316] : memref<10240x128xf32, #tpu.memory_space<vmem_shared>> -> memref<10240x128xf32, #tpu.memory_space<vmem_shared>>
        tpu.enqueue_indirect_dma source(%arg9 : memref<80x128xf32, #tpu.memory_space<vmem>>) target(%dma_start3A_317 : memref<10240x128xf32, #tpu.memory_space<vmem_shared>>) offsets(%dma_start3A_314 : memref<80xi32, #tpu.memory_space<vmem>>) semaphore(%run_scoped3A_311 : memref<!tpu.dma_semaphore, #tpu.memory_space<semaphore_mem>>) {add = true}
        %dma_wait3A_318 = arith.constant 0 : i32
        %dma_wait3A_319 = tpu.memref_slice %arg8[%run_scoped3A_291, %run_scoped3A_292, %dma_wait3A_318] : memref<4x2x80xi32, #tpu.memory_space<vmem>> -> memref<1x1x80xi32, #tpu.memory_space<vmem>>
        %dma_wait3A_320 = tpu.memref_squeeze %dma_wait3A_319 : memref<1x1x80xi32, #tpu.memory_space<vmem>> -> memref<80xi32, #tpu.memory_space<vmem>>
        %dma_wait3A_321 = arith.constant 0 : i32
        %dma_wait3A_322 = arith.constant 0 : i32
        %dma_wait3A_323 = tpu.memref_slice %arg12[%dma_wait3A_321, %dma_wait3A_322] : memref<10240x128xf32, #tpu.memory_space<vmem_shared>> -> memref<10240x128xf32, #tpu.memory_space<vmem_shared>>
        tpu.wait_indirect_dma semaphore(%run_scoped3A_311 : memref<!tpu.dma_semaphore, #tpu.memory_space<semaphore_mem>>) src(%arg9 : memref<80x128xf32, #tpu.memory_space<vmem>>) dst(%dma_wait3A_323 : memref<10240x128xf32, #tpu.memory_space<vmem_shared>>)
        tpu.yield
      }) : () -> ()
      "tpu.region"() ({
        %run_scoped3A_311 = tpu.sem_alloc : memref<!tpu.dma_semaphore, #tpu.memory_space<semaphore_mem>>
        %dma_start3A_312 = arith.constant 0 : i32
        %dma_start3A_313 = arith.constant 0 : i32
        %dma_start3A_314 = arith.constant 0 : i32
        %dma_start3A_315 = tpu.memref_slice %arg3[%add3A, %add3A_238, %dma_start3A_312, %dma_start3A_313, %dma_start3A_314] : memref<32x31x4x2x80xi32, #tpu.memory_space<hbm>> -> memref<1x1x4x2x80xi32, #tpu.memory_space<hbm>>
        %dma_start3A_316 = tpu.memref_squeeze %dma_start3A_315 : memref<1x1x4x2x80xi32, #tpu.memory_space<hbm>> -> memref<4x2x80xi32, #tpu.memory_space<hbm>>
        %dma_start3A_317 = arith.constant 0 : i32
        %dma_start3A_318 = arith.constant 0 : i32
        %dma_start3A_319 = arith.constant 0 : i32
        %dma_start3A_320 = tpu.memref_slice %arg3[%add3A, %add3A_238, %dma_start3A_317, %dma_start3A_318, %dma_start3A_319] : memref<32x31x4x2x80xi32, #tpu.memory_space<hbm>> -> memref<1x1x4x2x80xi32, #tpu.memory_space<hbm>>
        %dma_start3A_321 = tpu.memref_squeeze %dma_start3A_320 : memref<1x1x4x2x80xi32, #tpu.memory_space<hbm>> -> memref<4x2x80xi32, #tpu.memory_space<hbm>>
        tpu.enqueue_dma source(%dma_start3A_321 : memref<4x2x80xi32, #tpu.memory_space<hbm>>) target(%arg7 : memref<4x2x80xi32, #tpu.memory_space<vmem>>) target_semaphore(%run_scoped3A_311 : memref<!tpu.dma_semaphore, #tpu.memory_space<semaphore_mem>>)
        %dma_wait3A_322 = arith.constant 0 : i32
        %dma_wait3A_323 = arith.constant 0 : i32
        %dma_wait3A_324 = arith.constant 0 : i32
        %dma_wait3A_325 = tpu.memref_slice %arg3[%add3A, %add3A_238, %dma_wait3A_322, %dma_wait3A_323, %dma_wait3A_324] : memref<32x31x4x2x80xi32, #tpu.memory_space<hbm>> -> memref<1x1x4x2x80xi32, #tpu.memory_space<hbm>>
        %dma_wait3A_326 = tpu.memref_squeeze %dma_wait3A_325 : memref<1x1x4x2x80xi32, #tpu.memory_space<hbm>> -> memref<4x2x80xi32, #tpu.memory_space<hbm>>
        %dma_wait3A_327 = arith.constant 0 : i32
        %dma_wait3A_328 = arith.constant 0 : i32
        %dma_wait3A_329 = arith.constant 0 : i32
        %dma_wait3A_330 = tpu.memref_slice %arg3[%add3A, %add3A_238, %dma_wait3A_327, %dma_wait3A_328, %dma_wait3A_329] : memref<32x31x4x2x80xi32, #tpu.memory_space<hbm>> -> memref<1x1x4x2x80xi32, #tpu.memory_space<hbm>>
        %dma_wait3A_331 = tpu.memref_squeeze %dma_wait3A_330 : memref<1x1x4x2x80xi32, #tpu.memory_space<hbm>> -> memref<4x2x80xi32, #tpu.memory_space<hbm>>
        tpu.wait_dma2 semaphore(%run_scoped3A_311 : memref<!tpu.dma_semaphore, #tpu.memory_space<semaphore_mem>>) src(%dma_wait3A_331 : memref<4x2x80xi32, #tpu.memory_space<hbm>>) dst(%arg7 : memref<4x2x80xi32, #tpu.memory_space<vmem>>)
        tpu.yield
      }) : () -> ()
      %dma_start3A_293 = arith.constant 0 : i32
      %dma_start3A_294 = arith.constant 0 : i32
      %dma_start3A_295 = arith.constant 0 : i32
      %dma_start3A_296 = tpu.memref_slice %arg7[%dma_start3A_293, %dma_start3A_294, %dma_start3A_295] : memref<4x2x80xi32, #tpu.memory_space<vmem>> -> memref<1x1x80xi32, #tpu.memory_space<vmem>>
      %dma_start3A_297 = tpu.memref_squeeze %dma_start3A_296 : memref<1x1x80xi32, #tpu.memory_space<vmem>> -> memref<80xi32, #tpu.memory_space<vmem>>
      %dma_start3A_298 = arith.constant 0 : i32
      %dma_start3A_299 = arith.constant 0 : i32
      %dma_start3A_300 = tpu.memref_slice %arg2[%dma_start3A_298, %dma_start3A_299] : memref<10000x128xf32, #tpu.memory_space<hbm>> -> memref<10000x128xf32, #tpu.memory_space<hbm>>
      tpu.enqueue_indirect_dma source(%dma_start3A_300 : memref<10000x128xf32, #tpu.memory_space<hbm>>) target(%arg9 : memref<80x128xf32, #tpu.memory_space<vmem>>) offsets(%dma_start3A_297 : memref<80xi32, #tpu.memory_space<vmem>>) semaphore(%arg13 : memref<!tpu.dma_semaphore, #tpu.memory_space<semaphore_mem>>)
      %dma_wait3A_301 = arith.constant 3 : i32
      %dma_wait3A_302 = arith.constant 0 : i32
      %dma_wait3A_303 = arith.constant 0 : i32
      %dma_wait3A_304 = tpu.memref_slice %arg8[%dma_wait3A_301, %dma_wait3A_302, %dma_wait3A_303] : memref<4x2x80xi32, #tpu.memory_space<vmem>> -> memref<1x1x80xi32, #tpu.memory_space<vmem>>
      %dma_wait3A_305 = tpu.memref_squeeze %dma_wait3A_304 : memref<1x1x80xi32, #tpu.memory_space<vmem>> -> memref<80xi32, #tpu.memory_space<vmem>>
      %dma_wait3A_306 = arith.constant 0 : i32
      %dma_wait3A_307 = arith.constant 0 : i32
      %dma_wait3A_308 = tpu.memref_slice %arg2[%dma_wait3A_306, %dma_wait3A_307] : memref<10000x128xf32, #tpu.memory_space<hbm>> -> memref<10000x128xf32, #tpu.memory_space<hbm>>
      tpu.wait_indirect_dma semaphore(%arg13 : memref<!tpu.dma_semaphore, #tpu.memory_space<semaphore_mem>>) src(%dma_wait3A_308 : memref<10000x128xf32, #tpu.memory_space<hbm>>) dst(%arg10 : memref<80x128xf32, #tpu.memory_space<vmem>>)
      %run_scoped3A_309 = arith.constant 3 : i32
      %run_scoped3A_310 = arith.constant 1 : i32
      "tpu.region"() ({
        %run_scoped3A_311 = tpu.sem_alloc : memref<!tpu.dma_semaphore, #tpu.memory_space<semaphore_mem>>
        %dma_start3A_312 = arith.constant 0 : i32
        %dma_start3A_313 = tpu.memref_slice %arg8[%run_scoped3A_309, %run_scoped3A_310, %dma_start3A_312] : memref<4x2x80xi32, #tpu.memory_space<vmem>> -> memref<1x1x80xi32, #tpu.memory_space<vmem>>
        %dma_start3A_314 = tpu.memref_squeeze %dma_start3A_313 : memref<1x1x80xi32, #tpu.memory_space<vmem>> -> memref<80xi32, #tpu.memory_space<vmem>>
        %dma_start3A_315 = arith.constant 0 : i32
        %dma_start3A_316 = arith.constant 0 : i32
        %dma_start3A_317 = tpu.memref_slice %arg12[%dma_start3A_315, %dma_start3A_316] : memref<10240x128xf32, #tpu.memory_space<vmem_shared>> -> memref<10240x128xf32, #tpu.memory_space<vmem_shared>>
        tpu.enqueue_indirect_dma source(%arg10 : memref<80x128xf32, #tpu.memory_space<vmem>>) target(%dma_start3A_317 : memref<10240x128xf32, #tpu.memory_space<vmem_shared>>) offsets(%dma_start3A_314 : memref<80xi32, #tpu.memory_space<vmem>>) semaphore(%run_scoped3A_311 : memref<!tpu.dma_semaphore, #tpu.memory_space<semaphore_mem>>) {add = true}
        %dma_wait3A_318 = arith.constant 0 : i32
        %dma_wait3A_319 = tpu.memref_slice %arg8[%run_scoped3A_309, %run_scoped3A_310, %dma_wait3A_318] : memref<4x2x80xi32, #tpu.memory_space<vmem>> -> memref<1x1x80xi32, #tpu.memory_space<vmem>>
        %dma_wait3A_320 = tpu.memref_squeeze %dma_wait3A_319 : memref<1x1x80xi32, #tpu.memory_space<vmem>> -> memref<80xi32, #tpu.memory_space<vmem>>
        %dma_wait3A_321 = arith.constant 0 : i32
        %dma_wait3A_322 = arith.constant 0 : i32
        %dma_wait3A_323 = tpu.memref_slice %arg12[%dma_wait3A_321, %dma_wait3A_322] : memref<10240x128xf32, #tpu.memory_space<vmem_shared>> -> memref<10240x128xf32, #tpu.memory_space<vmem_shared>>
        tpu.wait_indirect_dma semaphore(%run_scoped3A_311 : memref<!tpu.dma_semaphore, #tpu.memory_space<semaphore_mem>>) src(%arg10 : memref<80x128xf32, #tpu.memory_space<vmem>>) dst(%dma_wait3A_323 : memref<10240x128xf32, #tpu.memory_space<vmem_shared>>)
        tpu.yield
      }) : () -> ()
    }
    %scan3A_38 = arith.constant 15 : i32
    %dma_start3A_39 = arith.constant 1 : i32
    %dma_start3A_40 = arith.constant 0 : i32
    %dma_start3A_41 = arith.constant 0 : i32
    %dma_start3A_42 = tpu.memref_slice %arg7[%dma_start3A_39, %dma_start3A_40, %dma_start3A_41] : memref<4x2x80xi32, #tpu.memory_space<vmem>> -> memref<1x1x80xi32, #tpu.memory_space<vmem>>
    %dma_start3A_43 = tpu.memref_squeeze %dma_start3A_42 : memref<1x1x80xi32, #tpu.memory_space<vmem>> -> memref<80xi32, #tpu.memory_space<vmem>>
    %dma_start3A_44 = arith.constant 0 : i32
    %dma_start3A_45 = arith.constant 0 : i32
    %dma_start3A_46 = tpu.memref_slice %arg2[%dma_start3A_44, %dma_start3A_45] : memref<10000x128xf32, #tpu.memory_space<hbm>> -> memref<10000x128xf32, #tpu.memory_space<hbm>>
    tpu.enqueue_indirect_dma source(%dma_start3A_46 : memref<10000x128xf32, #tpu.memory_space<hbm>>) target(%arg10 : memref<80x128xf32, #tpu.memory_space<vmem>>) offsets(%dma_start3A_43 : memref<80xi32, #tpu.memory_space<vmem>>) semaphore(%arg13 : memref<!tpu.dma_semaphore, #tpu.memory_space<semaphore_mem>>)
    %dma_wait3A = arith.constant 0 : i32
    %dma_wait3A_47 = arith.constant 0 : i32
    %dma_wait3A_48 = arith.constant 0 : i32
    %dma_wait3A_49 = tpu.memref_slice %arg7[%dma_wait3A, %dma_wait3A_47, %dma_wait3A_48] : memref<4x2x80xi32, #tpu.memory_space<vmem>> -> memref<1x1x80xi32, #tpu.memory_space<vmem>>
    %dma_wait3A_50 = tpu.memref_squeeze %dma_wait3A_49 : memref<1x1x80xi32, #tpu.memory_space<vmem>> -> memref<80xi32, #tpu.memory_space<vmem>>
    %dma_wait3A_51 = arith.constant 0 : i32
    %dma_wait3A_52 = arith.constant 0 : i32
    %dma_wait3A_53 = tpu.memref_slice %arg2[%dma_wait3A_51, %dma_wait3A_52] : memref<10000x128xf32, #tpu.memory_space<hbm>> -> memref<10000x128xf32, #tpu.memory_space<hbm>>
    tpu.wait_indirect_dma semaphore(%arg13 : memref<!tpu.dma_semaphore, #tpu.memory_space<semaphore_mem>>) src(%dma_wait3A_53 : memref<10000x128xf32, #tpu.memory_space<hbm>>) dst(%arg9 : memref<80x128xf32, #tpu.memory_space<vmem>>)
    %run_scoped3A_54 = arith.constant 0 : i32
    %run_scoped3A_55 = arith.constant 1 : i32
    "tpu.region"() ({
      %run_scoped3A_158 = tpu.sem_alloc : memref<!tpu.dma_semaphore, #tpu.memory_space<semaphore_mem>>
      %dma_start3A_159 = arith.constant 0 : i32
      %dma_start3A_160 = tpu.memref_slice %arg7[%run_scoped3A_54, %run_scoped3A_55, %dma_start3A_159] : memref<4x2x80xi32, #tpu.memory_space<vmem>> -> memref<1x1x80xi32, #tpu.memory_space<vmem>>
      %dma_start3A_161 = tpu.memref_squeeze %dma_start3A_160 : memref<1x1x80xi32, #tpu.memory_space<vmem>> -> memref<80xi32, #tpu.memory_space<vmem>>
      %dma_start3A_162 = arith.constant 0 : i32
      %dma_start3A_163 = arith.constant 0 : i32
      %dma_start3A_164 = tpu.memref_slice %arg12[%dma_start3A_162, %dma_start3A_163] : memref<10240x128xf32, #tpu.memory_space<vmem_shared>> -> memref<10240x128xf32, #tpu.memory_space<vmem_shared>>
      tpu.enqueue_indirect_dma source(%arg9 : memref<80x128xf32, #tpu.memory_space<vmem>>) target(%dma_start3A_164 : memref<10240x128xf32, #tpu.memory_space<vmem_shared>>) offsets(%dma_start3A_161 : memref<80xi32, #tpu.memory_space<vmem>>) semaphore(%run_scoped3A_158 : memref<!tpu.dma_semaphore, #tpu.memory_space<semaphore_mem>>) {add = true}
      %dma_wait3A_165 = arith.constant 0 : i32
      %dma_wait3A_166 = tpu.memref_slice %arg7[%run_scoped3A_54, %run_scoped3A_55, %dma_wait3A_165] : memref<4x2x80xi32, #tpu.memory_space<vmem>> -> memref<1x1x80xi32, #tpu.memory_space<vmem>>
      %dma_wait3A_167 = tpu.memref_squeeze %dma_wait3A_166 : memref<1x1x80xi32, #tpu.memory_space<vmem>> -> memref<80xi32, #tpu.memory_space<vmem>>
      %dma_wait3A_168 = arith.constant 0 : i32
      %dma_wait3A_169 = arith.constant 0 : i32
      %dma_wait3A_170 = tpu.memref_slice %arg12[%dma_wait3A_168, %dma_wait3A_169] : memref<10240x128xf32, #tpu.memory_space<vmem_shared>> -> memref<10240x128xf32, #tpu.memory_space<vmem_shared>>
      tpu.wait_indirect_dma semaphore(%run_scoped3A_158 : memref<!tpu.dma_semaphore, #tpu.memory_space<semaphore_mem>>) src(%arg9 : memref<80x128xf32, #tpu.memory_space<vmem>>) dst(%dma_wait3A_170 : memref<10240x128xf32, #tpu.memory_space<vmem_shared>>)
      tpu.yield
    }) : () -> ()
    %dma_start3A_56 = arith.constant 2 : i32
    %dma_start3A_57 = arith.constant 0 : i32
    %dma_start3A_58 = arith.constant 0 : i32
    %dma_start3A_59 = tpu.memref_slice %arg7[%dma_start3A_56, %dma_start3A_57, %dma_start3A_58] : memref<4x2x80xi32, #tpu.memory_space<vmem>> -> memref<1x1x80xi32, #tpu.memory_space<vmem>>
    %dma_start3A_60 = tpu.memref_squeeze %dma_start3A_59 : memref<1x1x80xi32, #tpu.memory_space<vmem>> -> memref<80xi32, #tpu.memory_space<vmem>>
    %dma_start3A_61 = arith.constant 0 : i32
    %dma_start3A_62 = arith.constant 0 : i32
    %dma_start3A_63 = tpu.memref_slice %arg2[%dma_start3A_61, %dma_start3A_62] : memref<10000x128xf32, #tpu.memory_space<hbm>> -> memref<10000x128xf32, #tpu.memory_space<hbm>>
    tpu.enqueue_indirect_dma source(%dma_start3A_63 : memref<10000x128xf32, #tpu.memory_space<hbm>>) target(%arg9 : memref<80x128xf32, #tpu.memory_space<vmem>>) offsets(%dma_start3A_60 : memref<80xi32, #tpu.memory_space<vmem>>) semaphore(%arg13 : memref<!tpu.dma_semaphore, #tpu.memory_space<semaphore_mem>>)
    %dma_wait3A_64 = arith.constant 1 : i32
    %dma_wait3A_65 = arith.constant 0 : i32
    %dma_wait3A_66 = arith.constant 0 : i32
    %dma_wait3A_67 = tpu.memref_slice %arg7[%dma_wait3A_64, %dma_wait3A_65, %dma_wait3A_66] : memref<4x2x80xi32, #tpu.memory_space<vmem>> -> memref<1x1x80xi32, #tpu.memory_space<vmem>>
    %dma_wait3A_68 = tpu.memref_squeeze %dma_wait3A_67 : memref<1x1x80xi32, #tpu.memory_space<vmem>> -> memref<80xi32, #tpu.memory_space<vmem>>
    %dma_wait3A_69 = arith.constant 0 : i32
    %dma_wait3A_70 = arith.constant 0 : i32
    %dma_wait3A_71 = tpu.memref_slice %arg2[%dma_wait3A_69, %dma_wait3A_70] : memref<10000x128xf32, #tpu.memory_space<hbm>> -> memref<10000x128xf32, #tpu.memory_space<hbm>>
    tpu.wait_indirect_dma semaphore(%arg13 : memref<!tpu.dma_semaphore, #tpu.memory_space<semaphore_mem>>) src(%dma_wait3A_71 : memref<10000x128xf32, #tpu.memory_space<hbm>>) dst(%arg10 : memref<80x128xf32, #tpu.memory_space<vmem>>)
    %run_scoped3A_72 = arith.constant 1 : i32
    %run_scoped3A_73 = arith.constant 1 : i32
    "tpu.region"() ({
      %run_scoped3A_158 = tpu.sem_alloc : memref<!tpu.dma_semaphore, #tpu.memory_space<semaphore_mem>>
      %dma_start3A_159 = arith.constant 0 : i32
      %dma_start3A_160 = tpu.memref_slice %arg7[%run_scoped3A_72, %run_scoped3A_73, %dma_start3A_159] : memref<4x2x80xi32, #tpu.memory_space<vmem>> -> memref<1x1x80xi32, #tpu.memory_space<vmem>>
      %dma_start3A_161 = tpu.memref_squeeze %dma_start3A_160 : memref<1x1x80xi32, #tpu.memory_space<vmem>> -> memref<80xi32, #tpu.memory_space<vmem>>
      %dma_start3A_162 = arith.constant 0 : i32
      %dma_start3A_163 = arith.constant 0 : i32
      %dma_start3A_164 = tpu.memref_slice %arg12[%dma_start3A_162, %dma_start3A_163] : memref<10240x128xf32, #tpu.memory_space<vmem_shared>> -> memref<10240x128xf32, #tpu.memory_space<vmem_shared>>
      tpu.enqueue_indirect_dma source(%arg10 : memref<80x128xf32, #tpu.memory_space<vmem>>) target(%dma_start3A_164 : memref<10240x128xf32, #tpu.memory_space<vmem_shared>>) offsets(%dma_start3A_161 : memref<80xi32, #tpu.memory_space<vmem>>) semaphore(%run_scoped3A_158 : memref<!tpu.dma_semaphore, #tpu.memory_space<semaphore_mem>>) {add = true}
      %dma_wait3A_165 = arith.constant 0 : i32
      %dma_wait3A_166 = tpu.memref_slice %arg7[%run_scoped3A_72, %run_scoped3A_73, %dma_wait3A_165] : memref<4x2x80xi32, #tpu.memory_space<vmem>> -> memref<1x1x80xi32, #tpu.memory_space<vmem>>
      %dma_wait3A_167 = tpu.memref_squeeze %dma_wait3A_166 : memref<1x1x80xi32, #tpu.memory_space<vmem>> -> memref<80xi32, #tpu.memory_space<vmem>>
      %dma_wait3A_168 = arith.constant 0 : i32
      %dma_wait3A_169 = arith.constant 0 : i32
      %dma_wait3A_170 = tpu.memref_slice %arg12[%dma_wait3A_168, %dma_wait3A_169] : memref<10240x128xf32, #tpu.memory_space<vmem_shared>> -> memref<10240x128xf32, #tpu.memory_space<vmem_shared>>
      tpu.wait_indirect_dma semaphore(%run_scoped3A_158 : memref<!tpu.dma_semaphore, #tpu.memory_space<semaphore_mem>>) src(%arg10 : memref<80x128xf32, #tpu.memory_space<vmem>>) dst(%dma_wait3A_170 : memref<10240x128xf32, #tpu.memory_space<vmem_shared>>)
      tpu.yield
    }) : () -> ()
    %dma_start3A_74 = arith.constant 3 : i32
    %dma_start3A_75 = arith.constant 0 : i32
    %dma_start3A_76 = arith.constant 0 : i32
    %dma_start3A_77 = tpu.memref_slice %arg7[%dma_start3A_74, %dma_start3A_75, %dma_start3A_76] : memref<4x2x80xi32, #tpu.memory_space<vmem>> -> memref<1x1x80xi32, #tpu.memory_space<vmem>>
    %dma_start3A_78 = tpu.memref_squeeze %dma_start3A_77 : memref<1x1x80xi32, #tpu.memory_space<vmem>> -> memref<80xi32, #tpu.memory_space<vmem>>
    %dma_start3A_79 = arith.constant 0 : i32
    %dma_start3A_80 = arith.constant 0 : i32
    %dma_start3A_81 = tpu.memref_slice %arg2[%dma_start3A_79, %dma_start3A_80] : memref<10000x128xf32, #tpu.memory_space<hbm>> -> memref<10000x128xf32, #tpu.memory_space<hbm>>
    tpu.enqueue_indirect_dma source(%dma_start3A_81 : memref<10000x128xf32, #tpu.memory_space<hbm>>) target(%arg10 : memref<80x128xf32, #tpu.memory_space<vmem>>) offsets(%dma_start3A_78 : memref<80xi32, #tpu.memory_space<vmem>>) semaphore(%arg13 : memref<!tpu.dma_semaphore, #tpu.memory_space<semaphore_mem>>)
    %dma_wait3A_82 = arith.constant 2 : i32
    %dma_wait3A_83 = arith.constant 0 : i32
    %dma_wait3A_84 = arith.constant 0 : i32
    %dma_wait3A_85 = tpu.memref_slice %arg7[%dma_wait3A_82, %dma_wait3A_83, %dma_wait3A_84] : memref<4x2x80xi32, #tpu.memory_space<vmem>> -> memref<1x1x80xi32, #tpu.memory_space<vmem>>
    %dma_wait3A_86 = tpu.memref_squeeze %dma_wait3A_85 : memref<1x1x80xi32, #tpu.memory_space<vmem>> -> memref<80xi32, #tpu.memory_space<vmem>>
    %dma_wait3A_87 = arith.constant 0 : i32
    %dma_wait3A_88 = arith.constant 0 : i32
    %dma_wait3A_89 = tpu.memref_slice %arg2[%dma_wait3A_87, %dma_wait3A_88] : memref<10000x128xf32, #tpu.memory_space<hbm>> -> memref<10000x128xf32, #tpu.memory_space<hbm>>
    tpu.wait_indirect_dma semaphore(%arg13 : memref<!tpu.dma_semaphore, #tpu.memory_space<semaphore_mem>>) src(%dma_wait3A_89 : memref<10000x128xf32, #tpu.memory_space<hbm>>) dst(%arg9 : memref<80x128xf32, #tpu.memory_space<vmem>>)
    %run_scoped3A_90 = arith.constant 2 : i32
    %run_scoped3A_91 = arith.constant 1 : i32
    "tpu.region"() ({
      %run_scoped3A_158 = tpu.sem_alloc : memref<!tpu.dma_semaphore, #tpu.memory_space<semaphore_mem>>
      %dma_start3A_159 = arith.constant 0 : i32
      %dma_start3A_160 = tpu.memref_slice %arg7[%run_scoped3A_90, %run_scoped3A_91, %dma_start3A_159] : memref<4x2x80xi32, #tpu.memory_space<vmem>> -> memref<1x1x80xi32, #tpu.memory_space<vmem>>
      %dma_start3A_161 = tpu.memref_squeeze %dma_start3A_160 : memref<1x1x80xi32, #tpu.memory_space<vmem>> -> memref<80xi32, #tpu.memory_space<vmem>>
      %dma_start3A_162 = arith.constant 0 : i32
      %dma_start3A_163 = arith.constant 0 : i32
      %dma_start3A_164 = tpu.memref_slice %arg12[%dma_start3A_162, %dma_start3A_163] : memref<10240x128xf32, #tpu.memory_space<vmem_shared>> -> memref<10240x128xf32, #tpu.memory_space<vmem_shared>>
      tpu.enqueue_indirect_dma source(%arg9 : memref<80x128xf32, #tpu.memory_space<vmem>>) target(%dma_start3A_164 : memref<10240x128xf32, #tpu.memory_space<vmem_shared>>) offsets(%dma_start3A_161 : memref<80xi32, #tpu.memory_space<vmem>>) semaphore(%run_scoped3A_158 : memref<!tpu.dma_semaphore, #tpu.memory_space<semaphore_mem>>) {add = true}
      %dma_wait3A_165 = arith.constant 0 : i32
      %dma_wait3A_166 = tpu.memref_slice %arg7[%run_scoped3A_90, %run_scoped3A_91, %dma_wait3A_165] : memref<4x2x80xi32, #tpu.memory_space<vmem>> -> memref<1x1x80xi32, #tpu.memory_space<vmem>>
      %dma_wait3A_167 = tpu.memref_squeeze %dma_wait3A_166 : memref<1x1x80xi32, #tpu.memory_space<vmem>> -> memref<80xi32, #tpu.memory_space<vmem>>
      %dma_wait3A_168 = arith.constant 0 : i32
      %dma_wait3A_169 = arith.constant 0 : i32
      %dma_wait3A_170 = tpu.memref_slice %arg12[%dma_wait3A_168, %dma_wait3A_169] : memref<10240x128xf32, #tpu.memory_space<vmem_shared>> -> memref<10240x128xf32, #tpu.memory_space<vmem_shared>>
      tpu.wait_indirect_dma semaphore(%run_scoped3A_158 : memref<!tpu.dma_semaphore, #tpu.memory_space<semaphore_mem>>) src(%arg9 : memref<80x128xf32, #tpu.memory_space<vmem>>) dst(%dma_wait3A_170 : memref<10240x128xf32, #tpu.memory_space<vmem_shared>>)
      tpu.yield
    }) : () -> ()
    "tpu.region"() ({
      %run_scoped3A_158 = tpu.sem_alloc : memref<!tpu.dma_semaphore, #tpu.memory_space<semaphore_mem>>
      %dma_start3A_159 = arith.constant 0 : i32
      %dma_start3A_160 = arith.constant 0 : i32
      %dma_start3A_161 = tpu.memref_slice %arg4[%add3A, %dma_start3A_159, %dma_start3A_160] : memref<32x2x80xi32, #tpu.memory_space<hbm>> -> memref<1x2x80xi32, #tpu.memory_space<hbm>>
      %dma_start3A_162 = tpu.memref_squeeze %dma_start3A_161 : memref<1x2x80xi32, #tpu.memory_space<hbm>> -> memref<2x80xi32, #tpu.memory_space<hbm>>
      %dma_start3A_163 = arith.constant 0 : i32
      %dma_start3A_164 = arith.constant 0 : i32
      %dma_start3A_165 = tpu.memref_slice %arg4[%add3A, %dma_start3A_163, %dma_start3A_164] : memref<32x2x80xi32, #tpu.memory_space<hbm>> -> memref<1x2x80xi32, #tpu.memory_space<hbm>>
      %dma_start3A_166 = tpu.memref_squeeze %dma_start3A_165 : memref<1x2x80xi32, #tpu.memory_space<hbm>> -> memref<2x80xi32, #tpu.memory_space<hbm>>
      tpu.enqueue_dma source(%dma_start3A_166 : memref<2x80xi32, #tpu.memory_space<hbm>>) target(%arg6 : memref<2x80xi32, #tpu.memory_space<vmem>>) target_semaphore(%run_scoped3A_158 : memref<!tpu.dma_semaphore, #tpu.memory_space<semaphore_mem>>)
      %dma_wait3A_167 = arith.constant 0 : i32
      %dma_wait3A_168 = arith.constant 0 : i32
      %dma_wait3A_169 = tpu.memref_slice %arg4[%add3A, %dma_wait3A_167, %dma_wait3A_168] : memref<32x2x80xi32, #tpu.memory_space<hbm>> -> memref<1x2x80xi32, #tpu.memory_space<hbm>>
      %dma_wait3A_170 = tpu.memref_squeeze %dma_wait3A_169 : memref<1x2x80xi32, #tpu.memory_space<hbm>> -> memref<2x80xi32, #tpu.memory_space<hbm>>
      %dma_wait3A_171 = arith.constant 0 : i32
      %dma_wait3A_172 = arith.constant 0 : i32
      %dma_wait3A_173 = tpu.memref_slice %arg4[%add3A, %dma_wait3A_171, %dma_wait3A_172] : memref<32x2x80xi32, #tpu.memory_space<hbm>> -> memref<1x2x80xi32, #tpu.memory_space<hbm>>
      %dma_wait3A_174 = tpu.memref_squeeze %dma_wait3A_173 : memref<1x2x80xi32, #tpu.memory_space<hbm>> -> memref<2x80xi32, #tpu.memory_space<hbm>>
      tpu.wait_dma2 semaphore(%run_scoped3A_158 : memref<!tpu.dma_semaphore, #tpu.memory_space<semaphore_mem>>) src(%dma_wait3A_174 : memref<2x80xi32, #tpu.memory_space<hbm>>) dst(%arg6 : memref<2x80xi32, #tpu.memory_space<vmem>>)
      tpu.yield
    }) : () -> ()
    %dma_start3A_92 = arith.constant 0 : i32
    %dma_start3A_93 = arith.constant 0 : i32
    %dma_start3A_94 = tpu.memref_slice %arg6[%dma_start3A_92, %dma_start3A_93] : memref<2x80xi32, #tpu.memory_space<vmem>> -> memref<1x80xi32, #tpu.memory_space<vmem>>
    %dma_start3A_95 = tpu.memref_squeeze %dma_start3A_94 : memref<1x80xi32, #tpu.memory_space<vmem>> -> memref<80xi32, #tpu.memory_space<vmem>>
    %dma_start3A_96 = arith.constant 0 : i32
    %dma_start3A_97 = arith.constant 0 : i32
    %dma_start3A_98 = tpu.memref_slice %arg2[%dma_start3A_96, %dma_start3A_97] : memref<10000x128xf32, #tpu.memory_space<hbm>> -> memref<10000x128xf32, #tpu.memory_space<hbm>>
    tpu.enqueue_indirect_dma source(%dma_start3A_98 : memref<10000x128xf32, #tpu.memory_space<hbm>>) target(%arg9 : memref<80x128xf32, #tpu.memory_space<vmem>>) offsets(%dma_start3A_95 : memref<80xi32, #tpu.memory_space<vmem>>) semaphore(%arg13 : memref<!tpu.dma_semaphore, #tpu.memory_space<semaphore_mem>>)
    %dma_wait3A_99 = arith.constant 3 : i32
    %dma_wait3A_100 = arith.constant 0 : i32
    %dma_wait3A_101 = arith.constant 0 : i32
    %dma_wait3A_102 = tpu.memref_slice %arg7[%dma_wait3A_99, %dma_wait3A_100, %dma_wait3A_101] : memref<4x2x80xi32, #tpu.memory_space<vmem>> -> memref<1x1x80xi32, #tpu.memory_space<vmem>>
    %dma_wait3A_103 = tpu.memref_squeeze %dma_wait3A_102 : memref<1x1x80xi32, #tpu.memory_space<vmem>> -> memref<80xi32, #tpu.memory_space<vmem>>
    %dma_wait3A_104 = arith.constant 0 : i32
    %dma_wait3A_105 = arith.constant 0 : i32
    %dma_wait3A_106 = tpu.memref_slice %arg2[%dma_wait3A_104, %dma_wait3A_105] : memref<10000x128xf32, #tpu.memory_space<hbm>> -> memref<10000x128xf32, #tpu.memory_space<hbm>>
    tpu.wait_indirect_dma semaphore(%arg13 : memref<!tpu.dma_semaphore, #tpu.memory_space<semaphore_mem>>) src(%dma_wait3A_106 : memref<10000x128xf32, #tpu.memory_space<hbm>>) dst(%arg10 : memref<80x128xf32, #tpu.memory_space<vmem>>)
    %run_scoped3A_107 = arith.constant 3 : i32
    %run_scoped3A_108 = arith.constant 1 : i32
    "tpu.region"() ({
      %run_scoped3A_158 = tpu.sem_alloc : memref<!tpu.dma_semaphore, #tpu.memory_space<semaphore_mem>>
      %dma_start3A_159 = arith.constant 0 : i32
      %dma_start3A_160 = tpu.memref_slice %arg7[%run_scoped3A_107, %run_scoped3A_108, %dma_start3A_159] : memref<4x2x80xi32, #tpu.memory_space<vmem>> -> memref<1x1x80xi32, #tpu.memory_space<vmem>>
      %dma_start3A_161 = tpu.memref_squeeze %dma_start3A_160 : memref<1x1x80xi32, #tpu.memory_space<vmem>> -> memref<80xi32, #tpu.memory_space<vmem>>
      %dma_start3A_162 = arith.constant 0 : i32
      %dma_start3A_163 = arith.constant 0 : i32
      %dma_start3A_164 = tpu.memref_slice %arg12[%dma_start3A_162, %dma_start3A_163] : memref<10240x128xf32, #tpu.memory_space<vmem_shared>> -> memref<10240x128xf32, #tpu.memory_space<vmem_shared>>
      tpu.enqueue_indirect_dma source(%arg10 : memref<80x128xf32, #tpu.memory_space<vmem>>) target(%dma_start3A_164 : memref<10240x128xf32, #tpu.memory_space<vmem_shared>>) offsets(%dma_start3A_161 : memref<80xi32, #tpu.memory_space<vmem>>) semaphore(%run_scoped3A_158 : memref<!tpu.dma_semaphore, #tpu.memory_space<semaphore_mem>>) {add = true}
      %dma_wait3A_165 = arith.constant 0 : i32
      %dma_wait3A_166 = tpu.memref_slice %arg7[%run_scoped3A_107, %run_scoped3A_108, %dma_wait3A_165] : memref<4x2x80xi32, #tpu.memory_space<vmem>> -> memref<1x1x80xi32, #tpu.memory_space<vmem>>
      %dma_wait3A_167 = tpu.memref_squeeze %dma_wait3A_166 : memref<1x1x80xi32, #tpu.memory_space<vmem>> -> memref<80xi32, #tpu.memory_space<vmem>>
      %dma_wait3A_168 = arith.constant 0 : i32
      %dma_wait3A_169 = arith.constant 0 : i32
      %dma_wait3A_170 = tpu.memref_slice %arg12[%dma_wait3A_168, %dma_wait3A_169] : memref<10240x128xf32, #tpu.memory_space<vmem_shared>> -> memref<10240x128xf32, #tpu.memory_space<vmem_shared>>
      tpu.wait_indirect_dma semaphore(%run_scoped3A_158 : memref<!tpu.dma_semaphore, #tpu.memory_space<semaphore_mem>>) src(%arg10 : memref<80x128xf32, #tpu.memory_space<vmem>>) dst(%dma_wait3A_170 : memref<10240x128xf32, #tpu.memory_space<vmem_shared>>)
      tpu.yield
    }) : () -> ()
    %dma_wait3A_109 = arith.constant 0 : i32
    %dma_wait3A_110 = arith.constant 0 : i32
    %dma_wait3A_111 = tpu.memref_slice %arg6[%dma_wait3A_109, %dma_wait3A_110] : memref<2x80xi32, #tpu.memory_space<vmem>> -> memref<1x80xi32, #tpu.memory_space<vmem>>
    %dma_wait3A_112 = tpu.memref_squeeze %dma_wait3A_111 : memref<1x80xi32, #tpu.memory_space<vmem>> -> memref<80xi32, #tpu.memory_space<vmem>>
    %dma_wait3A_113 = arith.constant 0 : i32
    %dma_wait3A_114 = arith.constant 0 : i32
    %dma_wait3A_115 = tpu.memref_slice %arg2[%dma_wait3A_113, %dma_wait3A_114] : memref<10000x128xf32, #tpu.memory_space<hbm>> -> memref<10000x128xf32, #tpu.memory_space<hbm>>
    tpu.wait_indirect_dma semaphore(%arg13 : memref<!tpu.dma_semaphore, #tpu.memory_space<semaphore_mem>>) src(%dma_wait3A_115 : memref<10000x128xf32, #tpu.memory_space<hbm>>) dst(%arg9 : memref<80x128xf32, #tpu.memory_space<vmem>>)
    %run_scoped3A_116 = arith.constant 1 : i32
    "tpu.region"() ({
      %run_scoped3A_158 = tpu.sem_alloc : memref<!tpu.dma_semaphore, #tpu.memory_space<semaphore_mem>>
      %dma_start3A_159 = arith.constant 0 : i32
      %dma_start3A_160 = tpu.memref_slice %arg6[%run_scoped3A_116, %dma_start3A_159] : memref<2x80xi32, #tpu.memory_space<vmem>> -> memref<1x80xi32, #tpu.memory_space<vmem>>
      %dma_start3A_161 = tpu.memref_squeeze %dma_start3A_160 : memref<1x80xi32, #tpu.memory_space<vmem>> -> memref<80xi32, #tpu.memory_space<vmem>>
      %dma_start3A_162 = arith.constant 0 : i32
      %dma_start3A_163 = arith.constant 0 : i32
      %dma_start3A_164 = tpu.memref_slice %arg12[%dma_start3A_162, %dma_start3A_163] : memref<10240x128xf32, #tpu.memory_space<vmem_shared>> -> memref<10240x128xf32, #tpu.memory_space<vmem_shared>>
      tpu.enqueue_indirect_dma source(%arg9 : memref<80x128xf32, #tpu.memory_space<vmem>>) target(%dma_start3A_164 : memref<10240x128xf32, #tpu.memory_space<vmem_shared>>) offsets(%dma_start3A_161 : memref<80xi32, #tpu.memory_space<vmem>>) semaphore(%run_scoped3A_158 : memref<!tpu.dma_semaphore, #tpu.memory_space<semaphore_mem>>) {add = true}
      %dma_wait3A_165 = arith.constant 0 : i32
      %dma_wait3A_166 = tpu.memref_slice %arg6[%run_scoped3A_116, %dma_wait3A_165] : memref<2x80xi32, #tpu.memory_space<vmem>> -> memref<1x80xi32, #tpu.memory_space<vmem>>
      %dma_wait3A_167 = tpu.memref_squeeze %dma_wait3A_166 : memref<1x80xi32, #tpu.memory_space<vmem>> -> memref<80xi32, #tpu.memory_space<vmem>>
      %dma_wait3A_168 = arith.constant 0 : i32
      %dma_wait3A_169 = arith.constant 0 : i32
      %dma_wait3A_170 = tpu.memref_slice %arg12[%dma_wait3A_168, %dma_wait3A_169] : memref<10240x128xf32, #tpu.memory_space<vmem_shared>> -> memref<10240x128xf32, #tpu.memory_space<vmem_shared>>
      tpu.wait_indirect_dma semaphore(%run_scoped3A_158 : memref<!tpu.dma_semaphore, #tpu.memory_space<semaphore_mem>>) src(%arg9 : memref<80x128xf32, #tpu.memory_space<vmem>>) dst(%dma_wait3A_170 : memref<10240x128xf32, #tpu.memory_space<vmem_shared>>)
      tpu.yield
    }) : () -> ()
    %barrier3A_117 = arith.constant 0 : index
    tpu.barrier barrier_id(%barrier3A_117)
    %mul3A_118 = arith.constant 640 : i32
    %mul3A_119 = arith.muli %arg1, %mul3A_118 : i32
    %add3A_120 = arith.constant 0 : i32
    %add3A_121 = arith.addi %mul3A_119, %add3A_120 : i32
    "tpu.region"() ({
      %run_scoped3A_158 = tpu.sem_alloc : memref<!tpu.dma_semaphore, #tpu.memory_space<semaphore_mem>>
      %dma_start3A_159 = arith.constant 0 : i32
      %dma_start3A_160 = tpu.memref_slice %arg12[%add3A_121, %dma_start3A_159] : memref<10240x128xf32, #tpu.memory_space<vmem_shared>> -> memref<128x128xf32, #tpu.memory_space<vmem_shared>>
      %dma_start3A_161 = arith.constant 0 : i32
      %dma_start3A_162 = tpu.memref_slice %arg12[%add3A_121, %dma_start3A_161] : memref<10240x128xf32, #tpu.memory_space<vmem_shared>> -> memref<128x128xf32, #tpu.memory_space<vmem_shared>>
      tpu.enqueue_dma source(%dma_start3A_162 : memref<128x128xf32, #tpu.memory_space<vmem_shared>>) target(%arg11 : memref<128x128xf32, #tpu.memory_space<vmem>>) target_semaphore(%run_scoped3A_158 : memref<!tpu.dma_semaphore, #tpu.memory_space<semaphore_mem>>)
      %dma_wait3A_163 = arith.constant 0 : i32
      %dma_wait3A_164 = tpu.memref_slice %arg12[%add3A_121, %dma_wait3A_163] : memref<10240x128xf32, #tpu.memory_space<vmem_shared>> -> memref<128x128xf32, #tpu.memory_space<vmem_shared>>
      %dma_wait3A_165 = arith.constant 0 : i32
      %dma_wait3A_166 = tpu.memref_slice %arg12[%add3A_121, %dma_wait3A_165] : memref<10240x128xf32, #tpu.memory_space<vmem_shared>> -> memref<128x128xf32, #tpu.memory_space<vmem_shared>>
      tpu.wait_dma2 semaphore(%run_scoped3A_158 : memref<!tpu.dma_semaphore, #tpu.memory_space<semaphore_mem>>) src(%dma_wait3A_166 : memref<128x128xf32, #tpu.memory_space<vmem_shared>>) dst(%arg11 : memref<128x128xf32, #tpu.memory_space<vmem>>)
      tpu.yield
    }) : () -> ()
    %mul3A_122 = arith.constant 640 : i32
    %mul3A_123 = arith.muli %arg1, %mul3A_122 : i32
    %add3A_124 = arith.constant 0 : i32
    %add3A_125 = arith.addi %mul3A_123, %add3A_124 : i32
    "tpu.region"() ({
      %run_scoped3A_158 = tpu.sem_alloc : memref<!tpu.dma_semaphore, #tpu.memory_space<semaphore_mem>>
      %dma_start3A_159 = arith.constant 0 : i32
      %dma_start3A_160 = tpu.memref_slice %arg5[%arg0, %add3A_125, %dma_start3A_159] : memref<2x10240x128xf32, #tpu.memory_space<hbm>> -> memref<1x128x128xf32, #tpu.memory_space<hbm>>
      %dma_start3A_161 = tpu.memref_squeeze %dma_start3A_160 : memref<1x128x128xf32, #tpu.memory_space<hbm>> -> memref<128x128xf32, #tpu.memory_space<hbm>>
      %dma_start3A_162 = arith.constant 0 : i32
      %dma_start3A_163 = tpu.memref_slice %arg5[%arg0, %add3A_125, %dma_start3A_162] : memref<2x10240x128xf32, #tpu.memory_space<hbm>> -> memref<1x128x128xf32, #tpu.memory_space<hbm>>
      %dma_start3A_164 = tpu.memref_squeeze %dma_start3A_163 : memref<1x128x128xf32, #tpu.memory_space<hbm>> -> memref<128x128xf32, #tpu.memory_space<hbm>>
      tpu.enqueue_dma source(%arg11 : memref<128x128xf32, #tpu.memory_space<vmem>>) target(%dma_start3A_164 : memref<128x128xf32, #tpu.memory_space<hbm>>) target_semaphore(%run_scoped3A_158 : memref<!tpu.dma_semaphore, #tpu.memory_space<semaphore_mem>>)
      %dma_wait3A_165 = arith.constant 0 : i32
      %dma_wait3A_166 = tpu.memref_slice %arg5[%arg0, %add3A_125, %dma_wait3A_165] : memref<2x10240x128xf32, #tpu.memory_space<hbm>> -> memref<1x128x128xf32, #tpu.memory_space<hbm>>
      %dma_wait3A_167 = tpu.memref_squeeze %dma_wait3A_166 : memref<1x128x128xf32, #tpu.memory_space<hbm>> -> memref<128x128xf32, #tpu.memory_space<hbm>>
      %dma_wait3A_168 = arith.constant 0 : i32
      %dma_wait3A_169 = tpu.memref_slice %arg5[%arg0, %add3A_125, %dma_wait3A_168] : memref<2x10240x128xf32, #tpu.memory_space<hbm>> -> memref<1x128x128xf32, #tpu.memory_space<hbm>>
      %dma_wait3A_170 = tpu.memref_squeeze %dma_wait3A_169 : memref<1x128x128xf32, #tpu.memory_space<hbm>> -> memref<128x128xf32, #tpu.memory_space<hbm>>
      tpu.wait_dma2 semaphore(%run_scoped3A_158 : memref<!tpu.dma_semaphore, #tpu.memory_space<semaphore_mem>>) src(%arg11 : memref<128x128xf32, #tpu.memory_space<vmem>>) dst(%dma_wait3A_170 : memref<128x128xf32, #tpu.memory_space<hbm>>)
      tpu.yield
    }) : () -> ()
    %mul3A_126 = arith.constant 640 : i32
    %mul3A_127 = arith.muli %arg1, %mul3A_126 : i32
    %add3A_128 = arith.constant 128 : i32
    %add3A_129 = arith.addi %mul3A_127, %add3A_128 : i32
    "tpu.region"() ({
      %run_scoped3A_158 = tpu.sem_alloc : memref<!tpu.dma_semaphore, #tpu.memory_space<semaphore_mem>>
      %dma_start3A_159 = arith.constant 0 : i32
      %dma_start3A_160 = tpu.memref_slice %arg12[%add3A_129, %dma_start3A_159] : memref<10240x128xf32, #tpu.memory_space<vmem_shared>> -> memref<128x128xf32, #tpu.memory_space<vmem_shared>>
      %dma_start3A_161 = arith.constant 0 : i32
      %dma_start3A_162 = tpu.memref_slice %arg12[%add3A_129, %dma_start3A_161] : memref<10240x128xf32, #tpu.memory_space<vmem_shared>> -> memref<128x128xf32, #tpu.memory_space<vmem_shared>>
      tpu.enqueue_dma source(%dma_start3A_162 : memref<128x128xf32, #tpu.memory_space<vmem_shared>>) target(%arg11 : memref<128x128xf32, #tpu.memory_space<vmem>>) target_semaphore(%run_scoped3A_158 : memref<!tpu.dma_semaphore, #tpu.memory_space<semaphore_mem>>)
      %dma_wait3A_163 = arith.constant 0 : i32
      %dma_wait3A_164 = tpu.memref_slice %arg12[%add3A_129, %dma_wait3A_163] : memref<10240x128xf32, #tpu.memory_space<vmem_shared>> -> memref<128x128xf32, #tpu.memory_space<vmem_shared>>
      %dma_wait3A_165 = arith.constant 0 : i32
      %dma_wait3A_166 = tpu.memref_slice %arg12[%add3A_129, %dma_wait3A_165] : memref<10240x128xf32, #tpu.memory_space<vmem_shared>> -> memref<128x128xf32, #tpu.memory_space<vmem_shared>>
      tpu.wait_dma2 semaphore(%run_scoped3A_158 : memref<!tpu.dma_semaphore, #tpu.memory_space<semaphore_mem>>) src(%dma_wait3A_166 : memref<128x128xf32, #tpu.memory_space<vmem_shared>>) dst(%arg11 : memref<128x128xf32, #tpu.memory_space<vmem>>)
      tpu.yield
    }) : () -> ()
    %mul3A_130 = arith.constant 640 : i32
    %mul3A_131 = arith.muli %arg1, %mul3A_130 : i32
    %add3A_132 = arith.constant 128 : i32
    %add3A_133 = arith.addi %mul3A_131, %add3A_132 : i32
    "tpu.region"() ({
      %run_scoped3A_158 = tpu.sem_alloc : memref<!tpu.dma_semaphore, #tpu.memory_space<semaphore_mem>>
      %dma_start3A_159 = arith.constant 0 : i32
      %dma_start3A_160 = tpu.memref_slice %arg5[%arg0, %add3A_133, %dma_start3A_159] : memref<2x10240x128xf32, #tpu.memory_space<hbm>> -> memref<1x128x128xf32, #tpu.memory_space<hbm>>
      %dma_start3A_161 = tpu.memref_squeeze %dma_start3A_160 : memref<1x128x128xf32, #tpu.memory_space<hbm>> -> memref<128x128xf32, #tpu.memory_space<hbm>>
      %dma_start3A_162 = arith.constant 0 : i32
      %dma_start3A_163 = tpu.memref_slice %arg5[%arg0, %add3A_133, %dma_start3A_162] : memref<2x10240x128xf32, #tpu.memory_space<hbm>> -> memref<1x128x128xf32, #tpu.memory_space<hbm>>
      %dma_start3A_164 = tpu.memref_squeeze %dma_start3A_163 : memref<1x128x128xf32, #tpu.memory_space<hbm>> -> memref<128x128xf32, #tpu.memory_space<hbm>>
      tpu.enqueue_dma source(%arg11 : memref<128x128xf32, #tpu.memory_space<vmem>>) target(%dma_start3A_164 : memref<128x128xf32, #tpu.memory_space<hbm>>) target_semaphore(%run_scoped3A_158 : memref<!tpu.dma_semaphore, #tpu.memory_space<semaphore_mem>>)
      %dma_wait3A_165 = arith.constant 0 : i32
      %dma_wait3A_166 = tpu.memref_slice %arg5[%arg0, %add3A_133, %dma_wait3A_165] : memref<2x10240x128xf32, #tpu.memory_space<hbm>> -> memref<1x128x128xf32, #tpu.memory_space<hbm>>
      %dma_wait3A_167 = tpu.memref_squeeze %dma_wait3A_166 : memref<1x128x128xf32, #tpu.memory_space<hbm>> -> memref<128x128xf32, #tpu.memory_space<hbm>>
      %dma_wait3A_168 = arith.constant 0 : i32
      %dma_wait3A_169 = tpu.memref_slice %arg5[%arg0, %add3A_133, %dma_wait3A_168] : memref<2x10240x128xf32, #tpu.memory_space<hbm>> -> memref<1x128x128xf32, #tpu.memory_space<hbm>>
      %dma_wait3A_170 = tpu.memref_squeeze %dma_wait3A_169 : memref<1x128x128xf32, #tpu.memory_space<hbm>> -> memref<128x128xf32, #tpu.memory_space<hbm>>
      tpu.wait_dma2 semaphore(%run_scoped3A_158 : memref<!tpu.dma_semaphore, #tpu.memory_space<semaphore_mem>>) src(%arg11 : memref<128x128xf32, #tpu.memory_space<vmem>>) dst(%dma_wait3A_170 : memref<128x128xf32, #tpu.memory_space<hbm>>)
      tpu.yield
    }) : () -> ()
    %mul3A_134 = arith.constant 640 : i32
    %mul3A_135 = arith.muli %arg1, %mul3A_134 : i32
    %add3A_136 = arith.constant 256 : i32
    %add3A_137 = arith.addi %mul3A_135, %add3A_136 : i32
    "tpu.region"() ({
      %run_scoped3A_158 = tpu.sem_alloc : memref<!tpu.dma_semaphore, #tpu.memory_space<semaphore_mem>>
      %dma_start3A_159 = arith.constant 0 : i32
      %dma_start3A_160 = tpu.memref_slice %arg12[%add3A_137, %dma_start3A_159] : memref<10240x128xf32, #tpu.memory_space<vmem_shared>> -> memref<128x128xf32, #tpu.memory_space<vmem_shared>>
      %dma_start3A_161 = arith.constant 0 : i32
      %dma_start3A_162 = tpu.memref_slice %arg12[%add3A_137, %dma_start3A_161] : memref<10240x128xf32, #tpu.memory_space<vmem_shared>> -> memref<128x128xf32, #tpu.memory_space<vmem_shared>>
      tpu.enqueue_dma source(%dma_start3A_162 : memref<128x128xf32, #tpu.memory_space<vmem_shared>>) target(%arg11 : memref<128x128xf32, #tpu.memory_space<vmem>>) target_semaphore(%run_scoped3A_158 : memref<!tpu.dma_semaphore, #tpu.memory_space<semaphore_mem>>)
      %dma_wait3A_163 = arith.constant 0 : i32
      %dma_wait3A_164 = tpu.memref_slice %arg12[%add3A_137, %dma_wait3A_163] : memref<10240x128xf32, #tpu.memory_space<vmem_shared>> -> memref<128x128xf32, #tpu.memory_space<vmem_shared>>
      %dma_wait3A_165 = arith.constant 0 : i32
      %dma_wait3A_166 = tpu.memref_slice %arg12[%add3A_137, %dma_wait3A_165] : memref<10240x128xf32, #tpu.memory_space<vmem_shared>> -> memref<128x128xf32, #tpu.memory_space<vmem_shared>>
      tpu.wait_dma2 semaphore(%run_scoped3A_158 : memref<!tpu.dma_semaphore, #tpu.memory_space<semaphore_mem>>) src(%dma_wait3A_166 : memref<128x128xf32, #tpu.memory_space<vmem_shared>>) dst(%arg11 : memref<128x128xf32, #tpu.memory_space<vmem>>)
      tpu.yield
    }) : () -> ()
    %mul3A_138 = arith.constant 640 : i32
    %mul3A_139 = arith.muli %arg1, %mul3A_138 : i32
    %add3A_140 = arith.constant 256 : i32
    %add3A_141 = arith.addi %mul3A_139, %add3A_140 : i32
    "tpu.region"() ({
      %run_scoped3A_158 = tpu.sem_alloc : memref<!tpu.dma_semaphore, #tpu.memory_space<semaphore_mem>>
      %dma_start3A_159 = arith.constant 0 : i32
      %dma_start3A_160 = tpu.memref_slice %arg5[%arg0, %add3A_141, %dma_start3A_159] : memref<2x10240x128xf32, #tpu.memory_space<hbm>> -> memref<1x128x128xf32, #tpu.memory_space<hbm>>
      %dma_start3A_161 = tpu.memref_squeeze %dma_start3A_160 : memref<1x128x128xf32, #tpu.memory_space<hbm>> -> memref<128x128xf32, #tpu.memory_space<hbm>>
      %dma_start3A_162 = arith.constant 0 : i32
      %dma_start3A_163 = tpu.memref_slice %arg5[%arg0, %add3A_141, %dma_start3A_162] : memref<2x10240x128xf32, #tpu.memory_space<hbm>> -> memref<1x128x128xf32, #tpu.memory_space<hbm>>
      %dma_start3A_164 = tpu.memref_squeeze %dma_start3A_163 : memref<1x128x128xf32, #tpu.memory_space<hbm>> -> memref<128x128xf32, #tpu.memory_space<hbm>>
      tpu.enqueue_dma source(%arg11 : memref<128x128xf32, #tpu.memory_space<vmem>>) target(%dma_start3A_164 : memref<128x128xf32, #tpu.memory_space<hbm>>) target_semaphore(%run_scoped3A_158 : memref<!tpu.dma_semaphore, #tpu.memory_space<semaphore_mem>>)
      %dma_wait3A_165 = arith.constant 0 : i32
      %dma_wait3A_166 = tpu.memref_slice %arg5[%arg0, %add3A_141, %dma_wait3A_165] : memref<2x10240x128xf32, #tpu.memory_space<hbm>> -> memref<1x128x128xf32, #tpu.memory_space<hbm>>
      %dma_wait3A_167 = tpu.memref_squeeze %dma_wait3A_166 : memref<1x128x128xf32, #tpu.memory_space<hbm>> -> memref<128x128xf32, #tpu.memory_space<hbm>>
      %dma_wait3A_168 = arith.constant 0 : i32
      %dma_wait3A_169 = tpu.memref_slice %arg5[%arg0, %add3A_141, %dma_wait3A_168] : memref<2x10240x128xf32, #tpu.memory_space<hbm>> -> memref<1x128x128xf32, #tpu.memory_space<hbm>>
      %dma_wait3A_170 = tpu.memref_squeeze %dma_wait3A_169 : memref<1x128x128xf32, #tpu.memory_space<hbm>> -> memref<128x128xf32, #tpu.memory_space<hbm>>
      tpu.wait_dma2 semaphore(%run_scoped3A_158 : memref<!tpu.dma_semaphore, #tpu.memory_space<semaphore_mem>>) src(%arg11 : memref<128x128xf32, #tpu.memory_space<vmem>>) dst(%dma_wait3A_170 : memref<128x128xf32, #tpu.memory_space<hbm>>)
      tpu.yield
    }) : () -> ()
    %mul3A_142 = arith.constant 640 : i32
    %mul3A_143 = arith.muli %arg1, %mul3A_142 : i32
    %add3A_144 = arith.constant 384 : i32
    %add3A_145 = arith.addi %mul3A_143, %add3A_144 : i32
    "tpu.region"() ({
      %run_scoped3A_158 = tpu.sem_alloc : memref<!tpu.dma_semaphore, #tpu.memory_space<semaphore_mem>>
      %dma_start3A_159 = arith.constant 0 : i32
      %dma_start3A_160 = tpu.memref_slice %arg12[%add3A_145, %dma_start3A_159] : memref<10240x128xf32, #tpu.memory_space<vmem_shared>> -> memref<128x128xf32, #tpu.memory_space<vmem_shared>>
      %dma_start3A_161 = arith.constant 0 : i32
      %dma_start3A_162 = tpu.memref_slice %arg12[%add3A_145, %dma_start3A_161] : memref<10240x128xf32, #tpu.memory_space<vmem_shared>> -> memref<128x128xf32, #tpu.memory_space<vmem_shared>>
      tpu.enqueue_dma source(%dma_start3A_162 : memref<128x128xf32, #tpu.memory_space<vmem_shared>>) target(%arg11 : memref<128x128xf32, #tpu.memory_space<vmem>>) target_semaphore(%run_scoped3A_158 : memref<!tpu.dma_semaphore, #tpu.memory_space<semaphore_mem>>)
      %dma_wait3A_163 = arith.constant 0 : i32
      %dma_wait3A_164 = tpu.memref_slice %arg12[%add3A_145, %dma_wait3A_163] : memref<10240x128xf32, #tpu.memory_space<vmem_shared>> -> memref<128x128xf32, #tpu.memory_space<vmem_shared>>
      %dma_wait3A_165 = arith.constant 0 : i32
      %dma_wait3A_166 = tpu.memref_slice %arg12[%add3A_145, %dma_wait3A_165] : memref<10240x128xf32, #tpu.memory_space<vmem_shared>> -> memref<128x128xf32, #tpu.memory_space<vmem_shared>>
      tpu.wait_dma2 semaphore(%run_scoped3A_158 : memref<!tpu.dma_semaphore, #tpu.memory_space<semaphore_mem>>) src(%dma_wait3A_166 : memref<128x128xf32, #tpu.memory_space<vmem_shared>>) dst(%arg11 : memref<128x128xf32, #tpu.memory_space<vmem>>)
      tpu.yield
    }) : () -> ()
    %mul3A_146 = arith.constant 640 : i32
    %mul3A_147 = arith.muli %arg1, %mul3A_146 : i32
    %add3A_148 = arith.constant 384 : i32
    %add3A_149 = arith.addi %mul3A_147, %add3A_148 : i32
    "tpu.region"() ({
      %run_scoped3A_158 = tpu.sem_alloc : memref<!tpu.dma_semaphore, #tpu.memory_space<semaphore_mem>>
      %dma_start3A_159 = arith.constant 0 : i32
      %dma_start3A_160 = tpu.memref_slice %arg5[%arg0, %add3A_149, %dma_start3A_159] : memref<2x10240x128xf32, #tpu.memory_space<hbm>> -> memref<1x128x128xf32, #tpu.memory_space<hbm>>
      %dma_start3A_161 = tpu.memref_squeeze %dma_start3A_160 : memref<1x128x128xf32, #tpu.memory_space<hbm>> -> memref<128x128xf32, #tpu.memory_space<hbm>>
      %dma_start3A_162 = arith.constant 0 : i32
      %dma_start3A_163 = tpu.memref_slice %arg5[%arg0, %add3A_149, %dma_start3A_162] : memref<2x10240x128xf32, #tpu.memory_space<hbm>> -> memref<1x128x128xf32, #tpu.memory_space<hbm>>
      %dma_start3A_164 = tpu.memref_squeeze %dma_start3A_163 : memref<1x128x128xf32, #tpu.memory_space<hbm>> -> memref<128x128xf32, #tpu.memory_space<hbm>>
      tpu.enqueue_dma source(%arg11 : memref<128x128xf32, #tpu.memory_space<vmem>>) target(%dma_start3A_164 : memref<128x128xf32, #tpu.memory_space<hbm>>) target_semaphore(%run_scoped3A_158 : memref<!tpu.dma_semaphore, #tpu.memory_space<semaphore_mem>>)
      %dma_wait3A_165 = arith.constant 0 : i32
      %dma_wait3A_166 = tpu.memref_slice %arg5[%arg0, %add3A_149, %dma_wait3A_165] : memref<2x10240x128xf32, #tpu.memory_space<hbm>> -> memref<1x128x128xf32, #tpu.memory_space<hbm>>
      %dma_wait3A_167 = tpu.memref_squeeze %dma_wait3A_166 : memref<1x128x128xf32, #tpu.memory_space<hbm>> -> memref<128x128xf32, #tpu.memory_space<hbm>>
      %dma_wait3A_168 = arith.constant 0 : i32
      %dma_wait3A_169 = tpu.memref_slice %arg5[%arg0, %add3A_149, %dma_wait3A_168] : memref<2x10240x128xf32, #tpu.memory_space<hbm>> -> memref<1x128x128xf32, #tpu.memory_space<hbm>>
      %dma_wait3A_170 = tpu.memref_squeeze %dma_wait3A_169 : memref<1x128x128xf32, #tpu.memory_space<hbm>> -> memref<128x128xf32, #tpu.memory_space<hbm>>
      tpu.wait_dma2 semaphore(%run_scoped3A_158 : memref<!tpu.dma_semaphore, #tpu.memory_space<semaphore_mem>>) src(%arg11 : memref<128x128xf32, #tpu.memory_space<vmem>>) dst(%dma_wait3A_170 : memref<128x128xf32, #tpu.memory_space<hbm>>)
      tpu.yield
    }) : () -> ()
    %mul3A_150 = arith.constant 640 : i32
    %mul3A_151 = arith.muli %arg1, %mul3A_150 : i32
    %add3A_152 = arith.constant 512 : i32
    %add3A_153 = arith.addi %mul3A_151, %add3A_152 : i32
    "tpu.region"() ({
      %run_scoped3A_158 = tpu.sem_alloc : memref<!tpu.dma_semaphore, #tpu.memory_space<semaphore_mem>>
      %dma_start3A_159 = arith.constant 0 : i32
      %dma_start3A_160 = tpu.memref_slice %arg12[%add3A_153, %dma_start3A_159] : memref<10240x128xf32, #tpu.memory_space<vmem_shared>> -> memref<128x128xf32, #tpu.memory_space<vmem_shared>>
      %dma_start3A_161 = arith.constant 0 : i32
      %dma_start3A_162 = tpu.memref_slice %arg12[%add3A_153, %dma_start3A_161] : memref<10240x128xf32, #tpu.memory_space<vmem_shared>> -> memref<128x128xf32, #tpu.memory_space<vmem_shared>>
      tpu.enqueue_dma source(%dma_start3A_162 : memref<128x128xf32, #tpu.memory_space<vmem_shared>>) target(%arg11 : memref<128x128xf32, #tpu.memory_space<vmem>>) target_semaphore(%run_scoped3A_158 : memref<!tpu.dma_semaphore, #tpu.memory_space<semaphore_mem>>)
      %dma_wait3A_163 = arith.constant 0 : i32
      %dma_wait3A_164 = tpu.memref_slice %arg12[%add3A_153, %dma_wait3A_163] : memref<10240x128xf32, #tpu.memory_space<vmem_shared>> -> memref<128x128xf32, #tpu.memory_space<vmem_shared>>
      %dma_wait3A_165 = arith.constant 0 : i32
      %dma_wait3A_166 = tpu.memref_slice %arg12[%add3A_153, %dma_wait3A_165] : memref<10240x128xf32, #tpu.memory_space<vmem_shared>> -> memref<128x128xf32, #tpu.memory_space<vmem_shared>>
      tpu.wait_dma2 semaphore(%run_scoped3A_158 : memref<!tpu.dma_semaphore, #tpu.memory_space<semaphore_mem>>) src(%dma_wait3A_166 : memref<128x128xf32, #tpu.memory_space<vmem_shared>>) dst(%arg11 : memref<128x128xf32, #tpu.memory_space<vmem>>)
      tpu.yield
    }) : () -> ()
    %mul3A_154 = arith.constant 640 : i32
    %mul3A_155 = arith.muli %arg1, %mul3A_154 : i32
    %add3A_156 = arith.constant 512 : i32
    %add3A_157 = arith.addi %mul3A_155, %add3A_156 : i32
    "tpu.region"() ({
      %run_scoped3A_158 = tpu.sem_alloc : memref<!tpu.dma_semaphore, #tpu.memory_space<semaphore_mem>>
      %dma_start3A_159 = arith.constant 0 : i32
      %dma_start3A_160 = tpu.memref_slice %arg5[%arg0, %add3A_157, %dma_start3A_159] : memref<2x10240x128xf32, #tpu.memory_space<hbm>> -> memref<1x128x128xf32, #tpu.memory_space<hbm>>
      %dma_start3A_161 = tpu.memref_squeeze %dma_start3A_160 : memref<1x128x128xf32, #tpu.memory_space<hbm>> -> memref<128x128xf32, #tpu.memory_space<hbm>>
      %dma_start3A_162 = arith.constant 0 : i32
      %dma_start3A_163 = tpu.memref_slice %arg5[%arg0, %add3A_157, %dma_start3A_162] : memref<2x10240x128xf32, #tpu.memory_space<hbm>> -> memref<1x128x128xf32, #tpu.memory_space<hbm>>
      %dma_start3A_164 = tpu.memref_squeeze %dma_start3A_163 : memref<1x128x128xf32, #tpu.memory_space<hbm>> -> memref<128x128xf32, #tpu.memory_space<hbm>>
      tpu.enqueue_dma source(%arg11 : memref<128x128xf32, #tpu.memory_space<vmem>>) target(%dma_start3A_164 : memref<128x128xf32, #tpu.memory_space<hbm>>) target_semaphore(%run_scoped3A_158 : memref<!tpu.dma_semaphore, #tpu.memory_space<semaphore_mem>>)
      %dma_wait3A_165 = arith.constant 0 : i32
      %dma_wait3A_166 = tpu.memref_slice %arg5[%arg0, %add3A_157, %dma_wait3A_165] : memref<2x10240x128xf32, #tpu.memory_space<hbm>> -> memref<1x128x128xf32, #tpu.memory_space<hbm>>
      %dma_wait3A_167 = tpu.memref_squeeze %dma_wait3A_166 : memref<1x128x128xf32, #tpu.memory_space<hbm>> -> memref<128x128xf32, #tpu.memory_space<hbm>>
      %dma_wait3A_168 = arith.constant 0 : i32
      %dma_wait3A_169 = tpu.memref_slice %arg5[%arg0, %add3A_157, %dma_wait3A_168] : memref<2x10240x128xf32, #tpu.memory_space<hbm>> -> memref<1x128x128xf32, #tpu.memory_space<hbm>>
      %dma_wait3A_170 = tpu.memref_squeeze %dma_wait3A_169 : memref<1x128x128xf32, #tpu.memory_space<hbm>> -> memref<128x128xf32, #tpu.memory_space<hbm>>
      tpu.wait_dma2 semaphore(%run_scoped3A_158 : memref<!tpu.dma_semaphore, #tpu.memory_space<semaphore_mem>>) src(%arg11 : memref<128x128xf32, #tpu.memory_space<vmem>>) dst(%dma_wait3A_170 : memref<128x128xf32, #tpu.memory_space<hbm>>)
      tpu.yield
    }) : () -> ()
    return
  }
}

#map = affine_map<(d0, d1) -> (0, 0)>
#map1 = affine_map<(d0, d1) -> (0, 0, 0, 0, 0)>
#map2 = affine_map<(d0, d1) -> (0, 0, 0)>
module attributes {stable_mosaic.version = 14 : i64} {
  func.func @_sc_prop_body(%arg0: i32, %arg1: i32, %arg2: memref<10000x128xf32, #tpu.memory_space<hbm>>, %arg3: memref<32x31x4x2x80xi32, #tpu.memory_space<hbm>>, %arg4: memref<32x2x80xi32, #tpu.memory_space<hbm>>, %arg5: memref<2x10240x128xf32, #tpu.memory_space<hbm>>, %arg6: memref<2x80xi32, #tpu.memory_space<vmem>>, %arg7: memref<4x2x80xi32, #tpu.memory_space<vmem>>, %arg8: memref<4x2x80xi32, #tpu.memory_space<vmem>>, %arg9: memref<80x128xf32, #tpu.memory_space<vmem>>, %arg10: memref<80x128xf32, #tpu.memory_space<vmem>>, %arg11: memref<128x128xf32, #tpu.memory_space<vmem>>, %arg12: memref<10240x128xf32, #tpu.memory_space<vmem_shared>>, %arg13: memref<!tpu.dma_semaphore, #tpu.memory_space<semaphore_mem>>) attributes {dimension_semantics = [#tpu.dimension_semantics<core_parallel>, #tpu.dimension_semantics<subcore_parallel>], iteration_bounds = array<i64: 2, 16>, scalar_prefetch = 0 : i64, scratch_operands = 8 : i64, tpu.core_type = #tpu.core_type<sc_vector_subcore>, window_params = [{transform_indices = #map}, {transform_indices = #map1}, {transform_indices = #map2}, {transform_indices = #map2}]} {
    %mul3A = arith.constant 16 : i32
    %mul3A_0 = arith.muli %arg0, %mul3A : i32
    %add3A = arith.addi %mul3A_0, %arg1 : i32
    %scan3A = arith.constant 0 : i32
    %scan3A_1 = arith.constant 0 : i32
    %scan3A_2 = arith.constant 128 : i32
    %scan3A_3 = arith.addi %scan3A_1, %scan3A_2 : i32
    %scan3A_4 = arith.constant 1 : i32
    scf.for %scan3A_158 = %scan3A_1 to %scan3A_3 step %scan3A_4  : i32 {
      %broadcast_in_dim3A = arith.constant 0.000000e+00 : f32
      %broadcast_in_dim3A_159 = vector.broadcast %broadcast_in_dim3A : f32 to vector<16xf32>
      %swap3A = arith.index_cast %scan3A_158 : i32 to index
      %swap3A_160 = arith.constant 0 : index
      %swap3A_161 = tpu.vector_load %arg11[%swap3A, %swap3A_160] {strides = array<i32>} : memref<128x128xf32, #tpu.memory_space<vmem>>, vector<1x16xf32>,
      %swap3A_162 = vector.shape_cast %swap3A_161 : vector<1x16xf32> to vector<16xf32>
      %swap3A_163 = vector.shape_cast %broadcast_in_dim3A_159 : vector<16xf32> to vector<1x16xf32>
      tpu.vector_store %arg11[%swap3A, %swap3A_160], %swap3A_163 {strides = array<i32>} : memref<128x128xf32, #tpu.memory_space<vmem>>, vector<1x16xf32>,
      %broadcast_in_dim3A_164 = arith.constant 0.000000e+00 : f32
      %broadcast_in_dim3A_165 = vector.broadcast %broadcast_in_dim3A_164 : f32 to vector<16xf32>
      %swap3A_166 = arith.index_cast %scan3A_158 : i32 to index
      %swap3A_167 = arith.constant 16 : index
      %swap3A_168 = tpu.vector_load %arg11[%swap3A_166, %swap3A_167] {strides = array<i32>} : memref<128x128xf32, #tpu.memory_space<vmem>>, vector<1x16xf32>,
      %swap3A_169 = vector.shape_cast %swap3A_168 : vector<1x16xf32> to vector<16xf32>
      %swap3A_170 = vector.shape_cast %broadcast_in_dim3A_165 : vector<16xf32> to vector<1x16xf32>
      tpu.vector_store %arg11[%swap3A_166, %swap3A_167], %swap3A_170 {strides = array<i32>} : memref<128x128xf32, #tpu.memory_space<vmem>>, vector<1x16xf32>,
      %broadcast_in_dim3A_171 = arith.constant 0.000000e+00 : f32
      %broadcast_in_dim3A_172 = vector.broadcast %broadcast_in_dim3A_171 : f32 to vector<16xf32>
      %swap3A_173 = arith.index_cast %scan3A_158 : i32 to index
      %swap3A_174 = arith.constant 32 : index
      %swap3A_175 = tpu.vector_load %arg11[%swap3A_173, %swap3A_174] {strides = array<i32>} : memref<128x128xf32, #tpu.memory_space<vmem>>, vector<1x16xf32>,
      %swap3A_176 = vector.shape_cast %swap3A_175 : vector<1x16xf32> to vector<16xf32>
      %swap3A_177 = vector.shape_cast %broadcast_in_dim3A_172 : vector<16xf32> to vector<1x16xf32>
      tpu.vector_store %arg11[%swap3A_173, %swap3A_174], %swap3A_177 {strides = array<i32>} : memref<128x128xf32, #tpu.memory_space<vmem>>, vector<1x16xf32>,
      %broadcast_in_dim3A_178 = arith.constant 0.000000e+00 : f32
      %broadcast_in_dim3A_179 = vector.broadcast %broadcast_in_dim3A_178 : f32 to vector<16xf32>
      %swap3A_180 = arith.index_cast %scan3A_158 : i32 to index
      %swap3A_181 = arith.constant 48 : index
      %swap3A_182 = tpu.vector_load %arg11[%swap3A_180, %swap3A_181] {strides = array<i32>} : memref<128x128xf32, #tpu.memory_space<vmem>>, vector<1x16xf32>,
      %swap3A_183 = vector.shape_cast %swap3A_182 : vector<1x16xf32> to vector<16xf32>
      %swap3A_184 = vector.shape_cast %broadcast_in_dim3A_179 : vector<16xf32> to vector<1x16xf32>
      tpu.vector_store %arg11[%swap3A_180, %swap3A_181], %swap3A_184 {strides = array<i32>} : memref<128x128xf32, #tpu.memory_space<vmem>>, vector<1x16xf32>,
      %broadcast_in_dim3A_185 = arith.constant 0.000000e+00 : f32
      %broadcast_in_dim3A_186 = vector.broadcast %broadcast_in_dim3A_185 : f32 to vector<16xf32>
      %swap3A_187 = arith.index_cast %scan3A_158 : i32 to index
      %swap3A_188 = arith.constant 64 : index
      %swap3A_189 = tpu.vector_load %arg11[%swap3A_187, %swap3A_188] {strides = array<i32>} : memref<128x128xf32, #tpu.memory_space<vmem>>, vector<1x16xf32>,
      %swap3A_190 = vector.shape_cast %swap3A_189 : vector<1x16xf32> to vector<16xf32>
      %swap3A_191 = vector.shape_cast %broadcast_in_dim3A_186 : vector<16xf32> to vector<1x16xf32>
      tpu.vector_store %arg11[%swap3A_187, %swap3A_188], %swap3A_191 {strides = array<i32>} : memref<128x128xf32, #tpu.memory_space<vmem>>, vector<1x16xf32>,
      %broadcast_in_dim3A_192 = arith.constant 0.000000e+00 : f32
      %broadcast_in_dim3A_193 = vector.broadcast %broadcast_in_dim3A_192 : f32 to vector<16xf32>
      %swap3A_194 = arith.index_cast %scan3A_158 : i32 to index
      %swap3A_195 = arith.constant 80 : index
      %swap3A_196 = tpu.vector_load %arg11[%swap3A_194, %swap3A_195] {strides = array<i32>} : memref<128x128xf32, #tpu.memory_space<vmem>>, vector<1x16xf32>,
      %swap3A_197 = vector.shape_cast %swap3A_196 : vector<1x16xf32> to vector<16xf32>
      %swap3A_198 = vector.shape_cast %broadcast_in_dim3A_193 : vector<16xf32> to vector<1x16xf32>
      tpu.vector_store %arg11[%swap3A_194, %swap3A_195], %swap3A_198 {strides = array<i32>} : memref<128x128xf32, #tpu.memory_space<vmem>>, vector<1x16xf32>,
      %broadcast_in_dim3A_199 = arith.constant 0.000000e+00 : f32
      %broadcast_in_dim3A_200 = vector.broadcast %broadcast_in_dim3A_199 : f32 to vector<16xf32>
      %swap3A_201 = arith.index_cast %scan3A_158 : i32 to index
      %swap3A_202 = arith.constant 96 : index
      %swap3A_203 = tpu.vector_load %arg11[%swap3A_201, %swap3A_202] {strides = array<i32>} : memref<128x128xf32, #tpu.memory_space<vmem>>, vector<1x16xf32>,
      %swap3A_204 = vector.shape_cast %swap3A_203 : vector<1x16xf32> to vector<16xf32>
      %swap3A_205 = vector.shape_cast %broadcast_in_dim3A_200 : vector<16xf32> to vector<1x16xf32>
      tpu.vector_store %arg11[%swap3A_201, %swap3A_202], %swap3A_205 {strides = array<i32>} : memref<128x128xf32, #tpu.memory_space<vmem>>, vector<1x16xf32>,
      %broadcast_in_dim3A_206 = arith.constant 0.000000e+00 : f32
      %broadcast_in_dim3A_207 = vector.broadcast %broadcast_in_dim3A_206 : f32 to vector<16xf32>
      %swap3A_208 = arith.index_cast %scan3A_158 : i32 to index
      %swap3A_209 = arith.constant 112 : index
      %swap3A_210 = tpu.vector_load %arg11[%swap3A_208, %swap3A_209] {strides = array<i32>} : memref<128x128xf32, #tpu.memory_space<vmem>>, vector<1x16xf32>,
      %swap3A_211 = vector.shape_cast %swap3A_210 : vector<1x16xf32> to vector<16xf32>
      %swap3A_212 = vector.shape_cast %broadcast_in_dim3A_207 : vector<16xf32> to vector<1x16xf32>
      tpu.vector_store %arg11[%swap3A_208, %swap3A_209], %swap3A_212 {strides = array<i32>} : memref<128x128xf32, #tpu.memory_space<vmem>>, vector<1x16xf32>,
    }
    %scan3A_5 = arith.constant 128 : i32
    %mul3A_6 = arith.constant 640 : i32
    %mul3A_7 = arith.muli %arg1, %mul3A_6 : i32
    %add3A_8 = arith.constant 0 : i32
    %add3A_9 = arith.addi %mul3A_7, %add3A_8 : i32
    "tpu.region"() ({
      %run_scoped3A_158 = tpu.sem_alloc : memref<!tpu.dma_semaphore, #tpu.memory_space<semaphore_mem>>
      %dma_start3A_159 = arith.constant 0 : i32
      %dma_start3A_160 = tpu.memref_slice %arg12[%add3A_9, %dma_start3A_159] : memref<10240x128xf32, #tpu.memory_space<vmem_shared>> -> memref<128x128xf32, #tpu.memory_space<vmem_shared>>
      %dma_start3A_161 = arith.constant 0 : i32
      %dma_start3A_162 = tpu.memref_slice %arg12[%add3A_9, %dma_start3A_161] : memref<10240x128xf32, #tpu.memory_space<vmem_shared>> -> memref<128x128xf32, #tpu.memory_space<vmem_shared>>
      tpu.enqueue_dma source(%arg11 : memref<128x128xf32, #tpu.memory_space<vmem>>) target(%dma_start3A_162 : memref<128x128xf32, #tpu.memory_space<vmem_shared>>) target_semaphore(%run_scoped3A_158 : memref<!tpu.dma_semaphore, #tpu.memory_space<semaphore_mem>>)
      %dma_wait3A_163 = arith.constant 0 : i32
      %dma_wait3A_164 = tpu.memref_slice %arg12[%add3A_9, %dma_wait3A_163] : memref<10240x128xf32, #tpu.memory_space<vmem_shared>> -> memref<128x128xf32, #tpu.memory_space<vmem_shared>>
      %dma_wait3A_165 = arith.constant 0 : i32
      %dma_wait3A_166 = tpu.memref_slice %arg12[%add3A_9, %dma_wait3A_165] : memref<10240x128xf32, #tpu.memory_space<vmem_shared>> -> memref<128x128xf32, #tpu.memory_space<vmem_shared>>
      tpu.wait_dma2 semaphore(%run_scoped3A_158 : memref<!tpu.dma_semaphore, #tpu.memory_space<semaphore_mem>>) src(%arg11 : memref<128x128xf32, #tpu.memory_space<vmem>>) dst(%dma_wait3A_166 : memref<128x128xf32, #tpu.memory_space<vmem_shared>>)
      tpu.yield
    }) : () -> ()
    %mul3A_10 = arith.constant 640 : i32
    %mul3A_11 = arith.muli %arg1, %mul3A_10 : i32
    %add3A_12 = arith.constant 128 : i32
    %add3A_13 = arith.addi %mul3A_11, %add3A_12 : i32
    "tpu.region"() ({
      %run_scoped3A_158 = tpu.sem_alloc : memref<!tpu.dma_semaphore, #tpu.memory_space<semaphore_mem>>
      %dma_start3A_159 = arith.constant 0 : i32
      %dma_start3A_160 = tpu.memref_slice %arg12[%add3A_13, %dma_start3A_159] : memref<10240x128xf32, #tpu.memory_space<vmem_shared>> -> memref<128x128xf32, #tpu.memory_space<vmem_shared>>
      %dma_start3A_161 = arith.constant 0 : i32
      %dma_start3A_162 = tpu.memref_slice %arg12[%add3A_13, %dma_start3A_161] : memref<10240x128xf32, #tpu.memory_space<vmem_shared>> -> memref<128x128xf32, #tpu.memory_space<vmem_shared>>
      tpu.enqueue_dma source(%arg11 : memref<128x128xf32, #tpu.memory_space<vmem>>) target(%dma_start3A_162 : memref<128x128xf32, #tpu.memory_space<vmem_shared>>) target_semaphore(%run_scoped3A_158 : memref<!tpu.dma_semaphore, #tpu.memory_space<semaphore_mem>>)
      %dma_wait3A_163 = arith.constant 0 : i32
      %dma_wait3A_164 = tpu.memref_slice %arg12[%add3A_13, %dma_wait3A_163] : memref<10240x128xf32, #tpu.memory_space<vmem_shared>> -> memref<128x128xf32, #tpu.memory_space<vmem_shared>>
      %dma_wait3A_165 = arith.constant 0 : i32
      %dma_wait3A_166 = tpu.memref_slice %arg12[%add3A_13, %dma_wait3A_165] : memref<10240x128xf32, #tpu.memory_space<vmem_shared>> -> memref<128x128xf32, #tpu.memory_space<vmem_shared>>
      tpu.wait_dma2 semaphore(%run_scoped3A_158 : memref<!tpu.dma_semaphore, #tpu.memory_space<semaphore_mem>>) src(%arg11 : memref<128x128xf32, #tpu.memory_space<vmem>>) dst(%dma_wait3A_166 : memref<128x128xf32, #tpu.memory_space<vmem_shared>>)
      tpu.yield
    }) : () -> ()
    %mul3A_14 = arith.constant 640 : i32
    %mul3A_15 = arith.muli %arg1, %mul3A_14 : i32
    %add3A_16 = arith.constant 256 : i32
    %add3A_17 = arith.addi %mul3A_15, %add3A_16 : i32
    "tpu.region"() ({
      %run_scoped3A_158 = tpu.sem_alloc : memref<!tpu.dma_semaphore, #tpu.memory_space<semaphore_mem>>
      %dma_start3A_159 = arith.constant 0 : i32
      %dma_start3A_160 = tpu.memref_slice %arg12[%add3A_17, %dma_start3A_159] : memref<10240x128xf32, #tpu.memory_space<vmem_shared>> -> memref<128x128xf32, #tpu.memory_space<vmem_shared>>
      %dma_start3A_161 = arith.constant 0 : i32
      %dma_start3A_162 = tpu.memref_slice %arg12[%add3A_17, %dma_start3A_161] : memref<10240x128xf32, #tpu.memory_space<vmem_shared>> -> memref<128x128xf32, #tpu.memory_space<vmem_shared>>
      tpu.enqueue_dma source(%arg11 : memref<128x128xf32, #tpu.memory_space<vmem>>) target(%dma_start3A_162 : memref<128x128xf32, #tpu.memory_space<vmem_shared>>) target_semaphore(%run_scoped3A_158 : memref<!tpu.dma_semaphore, #tpu.memory_space<semaphore_mem>>)
      %dma_wait3A_163 = arith.constant 0 : i32
      %dma_wait3A_164 = tpu.memref_slice %arg12[%add3A_17, %dma_wait3A_163] : memref<10240x128xf32, #tpu.memory_space<vmem_shared>> -> memref<128x128xf32, #tpu.memory_space<vmem_shared>>
      %dma_wait3A_165 = arith.constant 0 : i32
      %dma_wait3A_166 = tpu.memref_slice %arg12[%add3A_17, %dma_wait3A_165] : memref<10240x128xf32, #tpu.memory_space<vmem_shared>> -> memref<128x128xf32, #tpu.memory_space<vmem_shared>>
      tpu.wait_dma2 semaphore(%run_scoped3A_158 : memref<!tpu.dma_semaphore, #tpu.memory_space<semaphore_mem>>) src(%arg11 : memref<128x128xf32, #tpu.memory_space<vmem>>) dst(%dma_wait3A_166 : memref<128x128xf32, #tpu.memory_space<vmem_shared>>)
      tpu.yield
    }) : () -> ()
    %mul3A_18 = arith.constant 640 : i32
    %mul3A_19 = arith.muli %arg1, %mul3A_18 : i32
    %add3A_20 = arith.constant 384 : i32
    %add3A_21 = arith.addi %mul3A_19, %add3A_20 : i32
    "tpu.region"() ({
      %run_scoped3A_158 = tpu.sem_alloc : memref<!tpu.dma_semaphore, #tpu.memory_space<semaphore_mem>>
      %dma_start3A_159 = arith.constant 0 : i32
      %dma_start3A_160 = tpu.memref_slice %arg12[%add3A_21, %dma_start3A_159] : memref<10240x128xf32, #tpu.memory_space<vmem_shared>> -> memref<128x128xf32, #tpu.memory_space<vmem_shared>>
      %dma_start3A_161 = arith.constant 0 : i32
      %dma_start3A_162 = tpu.memref_slice %arg12[%add3A_21, %dma_start3A_161] : memref<10240x128xf32, #tpu.memory_space<vmem_shared>> -> memref<128x128xf32, #tpu.memory_space<vmem_shared>>
      tpu.enqueue_dma source(%arg11 : memref<128x128xf32, #tpu.memory_space<vmem>>) target(%dma_start3A_162 : memref<128x128xf32, #tpu.memory_space<vmem_shared>>) target_semaphore(%run_scoped3A_158 : memref<!tpu.dma_semaphore, #tpu.memory_space<semaphore_mem>>)
      %dma_wait3A_163 = arith.constant 0 : i32
      %dma_wait3A_164 = tpu.memref_slice %arg12[%add3A_21, %dma_wait3A_163] : memref<10240x128xf32, #tpu.memory_space<vmem_shared>> -> memref<128x128xf32, #tpu.memory_space<vmem_shared>>
      %dma_wait3A_165 = arith.constant 0 : i32
      %dma_wait3A_166 = tpu.memref_slice %arg12[%add3A_21, %dma_wait3A_165] : memref<10240x128xf32, #tpu.memory_space<vmem_shared>> -> memref<128x128xf32, #tpu.memory_space<vmem_shared>>
      tpu.wait_dma2 semaphore(%run_scoped3A_158 : memref<!tpu.dma_semaphore, #tpu.memory_space<semaphore_mem>>) src(%arg11 : memref<128x128xf32, #tpu.memory_space<vmem>>) dst(%dma_wait3A_166 : memref<128x128xf32, #tpu.memory_space<vmem_shared>>)
      tpu.yield
    }) : () -> ()
    %mul3A_22 = arith.constant 640 : i32
    %mul3A_23 = arith.muli %arg1, %mul3A_22 : i32
    %add3A_24 = arith.constant 512 : i32
    %add3A_25 = arith.addi %mul3A_23, %add3A_24 : i32
    "tpu.region"() ({
      %run_scoped3A_158 = tpu.sem_alloc : memref<!tpu.dma_semaphore, #tpu.memory_space<semaphore_mem>>
      %dma_start3A_159 = arith.constant 0 : i32
      %dma_start3A_160 = tpu.memref_slice %arg12[%add3A_25, %dma_start3A_159] : memref<10240x128xf32, #tpu.memory_space<vmem_shared>> -> memref<128x128xf32, #tpu.memory_space<vmem_shared>>
      %dma_start3A_161 = arith.constant 0 : i32
      %dma_start3A_162 = tpu.memref_slice %arg12[%add3A_25, %dma_start3A_161] : memref<10240x128xf32, #tpu.memory_space<vmem_shared>> -> memref<128x128xf32, #tpu.memory_space<vmem_shared>>
      tpu.enqueue_dma source(%arg11 : memref<128x128xf32, #tpu.memory_space<vmem>>) target(%dma_start3A_162 : memref<128x128xf32, #tpu.memory_space<vmem_shared>>) target_semaphore(%run_scoped3A_158 : memref<!tpu.dma_semaphore, #tpu.memory_space<semaphore_mem>>)
      %dma_wait3A_163 = arith.constant 0 : i32
      %dma_wait3A_164 = tpu.memref_slice %arg12[%add3A_25, %dma_wait3A_163] : memref<10240x128xf32, #tpu.memory_space<vmem_shared>> -> memref<128x128xf32, #tpu.memory_space<vmem_shared>>
      %dma_wait3A_165 = arith.constant 0 : i32
      %dma_wait3A_166 = tpu.memref_slice %arg12[%add3A_25, %dma_wait3A_165] : memref<10240x128xf32, #tpu.memory_space<vmem_shared>> -> memref<128x128xf32, #tpu.memory_space<vmem_shared>>
      tpu.wait_dma2 semaphore(%run_scoped3A_158 : memref<!tpu.dma_semaphore, #tpu.memory_space<semaphore_mem>>) src(%arg11 : memref<128x128xf32, #tpu.memory_space<vmem>>) dst(%dma_wait3A_166 : memref<128x128xf32, #tpu.memory_space<vmem_shared>>)
      tpu.yield
    }) : () -> ()
    %barrier3A = arith.constant 0 : index
    tpu.barrier barrier_id(%barrier3A)
    %run_scoped3A = arith.constant 0 : i32
    "tpu.region"() ({
      %run_scoped3A_158 = tpu.sem_alloc : memref<!tpu.dma_semaphore, #tpu.memory_space<semaphore_mem>>
      %dma_start3A_159 = arith.constant 0 : i32
      %dma_start3A_160 = arith.constant 0 : i32
      %dma_start3A_161 = arith.constant 0 : i32
      %dma_start3A_162 = tpu.memref_slice %arg3[%add3A, %run_scoped3A, %dma_start3A_159, %dma_start3A_160, %dma_start3A_161] : memref<32x31x4x2x80xi32, #tpu.memory_space<hbm>> -> memref<1x1x4x2x80xi32, #tpu.memory_space<hbm>>
      %dma_start3A_163 = tpu.memref_squeeze %dma_start3A_162 : memref<1x1x4x2x80xi32, #tpu.memory_space<hbm>> -> memref<4x2x80xi32, #tpu.memory_space<hbm>>
      %dma_start3A_164 = arith.constant 0 : i32
      %dma_start3A_165 = arith.constant 0 : i32
      %dma_start3A_166 = arith.constant 0 : i32
      %dma_start3A_167 = tpu.memref_slice %arg3[%add3A, %run_scoped3A, %dma_start3A_164, %dma_start3A_165, %dma_start3A_166] : memref<32x31x4x2x80xi32, #tpu.memory_space<hbm>> -> memref<1x1x4x2x80xi32, #tpu.memory_space<hbm>>
      %dma_start3A_168 = tpu.memref_squeeze %dma_start3A_167 : memref<1x1x4x2x80xi32, #tpu.memory_space<hbm>> -> memref<4x2x80xi32, #tpu.memory_space<hbm>>
      tpu.enqueue_dma source(%dma_start3A_168 : memref<4x2x80xi32, #tpu.memory_space<hbm>>) target(%arg7 : memref<4x2x80xi32, #tpu.memory_space<vmem>>) target_semaphore(%run_scoped3A_158 : memref<!tpu.dma_semaphore, #tpu.memory_space<semaphore_mem>>)
      %dma_wait3A_169 = arith.constant 0 : i32
      %dma_wait3A_170 = arith.constant 0 : i32
      %dma_wait3A_171 = arith.constant 0 : i32
      %dma_wait3A_172 = tpu.memref_slice %arg3[%add3A, %run_scoped3A, %dma_wait3A_169, %dma_wait3A_170, %dma_wait3A_171] : memref<32x31x4x2x80xi32, #tpu.memory_space<hbm>> -> memref<1x1x4x2x80xi32, #tpu.memory_space<hbm>>
      %dma_wait3A_173 = tpu.memref_squeeze %dma_wait3A_172 : memref<1x1x4x2x80xi32, #tpu.memory_space<hbm>> -> memref<4x2x80xi32, #tpu.memory_space<hbm>>
      %dma_wait3A_174 = arith.constant 0 : i32
      %dma_wait3A_175 = arith.constant 0 : i32
      %dma_wait3A_176 = arith.constant 0 : i32
      %dma_wait3A_177 = tpu.memref_slice %arg3[%add3A, %run_scoped3A, %dma_wait3A_174, %dma_wait3A_175, %dma_wait3A_176] : memref<32x31x4x2x80xi32, #tpu.memory_space<hbm>> -> memref<1x1x4x2x80xi32, #tpu.memory_space<hbm>>
      %dma_wait3A_178 = tpu.memref_squeeze %dma_wait3A_177 : memref<1x1x4x2x80xi32, #tpu.memory_space<hbm>> -> memref<4x2x80xi32, #tpu.memory_space<hbm>>
      tpu.wait_dma2 semaphore(%run_scoped3A_158 : memref<!tpu.dma_semaphore, #tpu.memory_space<semaphore_mem>>) src(%dma_wait3A_178 : memref<4x2x80xi32, #tpu.memory_space<hbm>>) dst(%arg7 : memref<4x2x80xi32, #tpu.memory_space<vmem>>)
      tpu.yield
    }) : () -> ()
    %dma_start3A = arith.constant 0 : i32
    %dma_start3A_26 = arith.constant 0 : i32
    %dma_start3A_27 = arith.constant 0 : i32
    %dma_start3A_28 = tpu.memref_slice %arg7[%dma_start3A, %dma_start3A_26, %dma_start3A_27] : memref<4x2x80xi32, #tpu.memory_space<vmem>> -> memref<1x1x80xi32, #tpu.memory_space<vmem>>
    %dma_start3A_29 = tpu.memref_squeeze %dma_start3A_28 : memref<1x1x80xi32, #tpu.memory_space<vmem>> -> memref<80xi32, #tpu.memory_space<vmem>>
    %dma_start3A_30 = arith.constant 0 : i32
    %dma_start3A_31 = arith.constant 0 : i32
    %dma_start3A_32 = tpu.memref_slice %arg2[%dma_start3A_30, %dma_start3A_31] : memref<10000x128xf32, #tpu.memory_space<hbm>> -> memref<10000x128xf32, #tpu.memory_space<hbm>>
    tpu.enqueue_indirect_dma source(%dma_start3A_32 : memref<10000x128xf32, #tpu.memory_space<hbm>>) target(%arg9 : memref<80x128xf32, #tpu.memory_space<vmem>>) offsets(%dma_start3A_29 : memref<80xi32, #tpu.memory_space<vmem>>) semaphore(%arg13 : memref<!tpu.dma_semaphore, #tpu.memory_space<semaphore_mem>>)
    %scan3A_33 = arith.constant 0 : i32
    %scan3A_34 = arith.constant 0 : i32
    %scan3A_35 = arith.constant 15 : i32
    %scan3A_36 = arith.addi %scan3A_34, %scan3A_35 : i32
    %scan3A_37 = arith.constant 1 : i32
    scf.for %scan3A_158 = %scan3A_34 to %scan3A_36 step %scan3A_37  : i32 {
      %mul3A_159 = arith.constant 2 : i32
      %mul3A_160 = arith.muli %mul3A_159, %scan3A_158 : i32
      %add3A_161 = arith.constant 1 : i32
      %add3A_162 = arith.addi %mul3A_160, %add3A_161 : i32
      %dma_start3A_163 = arith.constant 1 : i32
      %dma_start3A_164 = arith.constant 0 : i32
      %dma_start3A_165 = arith.constant 0 : i32
      %dma_start3A_166 = tpu.memref_slice %arg7[%dma_start3A_163, %dma_start3A_164, %dma_start3A_165] : memref<4x2x80xi32, #tpu.memory_space<vmem>> -> memref<1x1x80xi32, #tpu.memory_space<vmem>>
      %dma_start3A_167 = tpu.memref_squeeze %dma_start3A_166 : memref<1x1x80xi32, #tpu.memory_space<vmem>> -> memref<80xi32, #tpu.memory_space<vmem>>
      %dma_start3A_168 = arith.constant 0 : i32
      %dma_start3A_169 = arith.constant 0 : i32
      %dma_start3A_170 = tpu.memref_slice %arg2[%dma_start3A_168, %dma_start3A_169] : memref<10000x128xf32, #tpu.memory_space<hbm>> -> memref<10000x128xf32, #tpu.memory_space<hbm>>
      tpu.enqueue_indirect_dma source(%dma_start3A_170 : memref<10000x128xf32, #tpu.memory_space<hbm>>) target(%arg10 : memref<80x128xf32, #tpu.memory_space<vmem>>) offsets(%dma_start3A_167 : memref<80xi32, #tpu.memory_space<vmem>>) semaphore(%arg13 : memref<!tpu.dma_semaphore, #tpu.memory_space<semaphore_mem>>)
      %dma_wait3A_171 = arith.constant 0 : i32
      %dma_wait3A_172 = arith.constant 0 : i32
      %dma_wait3A_173 = arith.constant 0 : i32
      %dma_wait3A_174 = tpu.memref_slice %arg7[%dma_wait3A_171, %dma_wait3A_172, %dma_wait3A_173] : memref<4x2x80xi32, #tpu.memory_space<vmem>> -> memref<1x1x80xi32, #tpu.memory_space<vmem>>
      %dma_wait3A_175 = tpu.memref_squeeze %dma_wait3A_174 : memref<1x1x80xi32, #tpu.memory_space<vmem>> -> memref<80xi32, #tpu.memory_space<vmem>>
      %dma_wait3A_176 = arith.constant 0 : i32
      %dma_wait3A_177 = arith.constant 0 : i32
      %dma_wait3A_178 = tpu.memref_slice %arg2[%dma_wait3A_176, %dma_wait3A_177] : memref<10000x128xf32, #tpu.memory_space<hbm>> -> memref<10000x128xf32, #tpu.memory_space<hbm>>
      tpu.wait_indirect_dma semaphore(%arg13 : memref<!tpu.dma_semaphore, #tpu.memory_space<semaphore_mem>>) src(%dma_wait3A_178 : memref<10000x128xf32, #tpu.memory_space<hbm>>) dst(%arg9 : memref<80x128xf32, #tpu.memory_space<vmem>>)
      %run_scoped3A_179 = arith.constant 0 : i32
      %run_scoped3A_180 = arith.constant 1 : i32
      "tpu.region"() ({
        %run_scoped3A_311 = tpu.sem_alloc : memref<!tpu.dma_semaphore, #tpu.memory_space<semaphore_mem>>
        %dma_start3A_312 = arith.constant 0 : i32
        %dma_start3A_313 = tpu.memref_slice %arg7[%run_scoped3A_179, %run_scoped3A_180, %dma_start3A_312] : memref<4x2x80xi32, #tpu.memory_space<vmem>> -> memref<1x1x80xi32, #tpu.memory_space<vmem>>
        %dma_start3A_314 = tpu.memref_squeeze %dma_start3A_313 : memref<1x1x80xi32, #tpu.memory_space<vmem>> -> memref<80xi32, #tpu.memory_space<vmem>>
        %dma_start3A_315 = arith.constant 0 : i32
        %dma_start3A_316 = arith.constant 0 : i32
        %dma_start3A_317 = tpu.memref_slice %arg12[%dma_start3A_315, %dma_start3A_316] : memref<10240x128xf32, #tpu.memory_space<vmem_shared>> -> memref<10240x128xf32, #tpu.memory_space<vmem_shared>>
        tpu.enqueue_indirect_dma source(%arg9 : memref<80x128xf32, #tpu.memory_space<vmem>>) target(%dma_start3A_317 : memref<10240x128xf32, #tpu.memory_space<vmem_shared>>) offsets(%dma_start3A_314 : memref<80xi32, #tpu.memory_space<vmem>>) semaphore(%run_scoped3A_311 : memref<!tpu.dma_semaphore, #tpu.memory_space<semaphore_mem>>) {add = true}
        %dma_wait3A_318 = arith.constant 0 : i32
        %dma_wait3A_319 = tpu.memref_slice %arg7[%run_scoped3A_179, %run_scoped3A_180, %dma_wait3A_318] : memref<4x2x80xi32, #tpu.memory_space<vmem>> -> memref<1x1x80xi32, #tpu.memory_space<vmem>>
        %dma_wait3A_320 = tpu.memref_squeeze %dma_wait3A_319 : memref<1x1x80xi32, #tpu.memory_space<vmem>> -> memref<80xi32, #tpu.memory_space<vmem>>
        %dma_wait3A_321 = arith.constant 0 : i32
        %dma_wait3A_322 = arith.constant 0 : i32
        %dma_wait3A_323 = tpu.memref_slice %arg12[%dma_wait3A_321, %dma_wait3A_322] : memref<10240x128xf32, #tpu.memory_space<vmem_shared>> -> memref<10240x128xf32, #tpu.memory_space<vmem_shared>>
        tpu.wait_indirect_dma semaphore(%run_scoped3A_311 : memref<!tpu.dma_semaphore, #tpu.memory_space<semaphore_mem>>) src(%arg9 : memref<80x128xf32, #tpu.memory_space<vmem>>) dst(%dma_wait3A_323 : memref<10240x128xf32, #tpu.memory_space<vmem_shared>>)
        tpu.yield
      }) : () -> ()
      %dma_start3A_181 = arith.constant 2 : i32
      %dma_start3A_182 = arith.constant 0 : i32
      %dma_start3A_183 = arith.constant 0 : i32
      %dma_start3A_184 = tpu.memref_slice %arg7[%dma_start3A_181, %dma_start3A_182, %dma_start3A_183] : memref<4x2x80xi32, #tpu.memory_space<vmem>> -> memref<1x1x80xi32, #tpu.memory_space<vmem>>
      %dma_start3A_185 = tpu.memref_squeeze %dma_start3A_184 : memref<1x1x80xi32, #tpu.memory_space<vmem>> -> memref<80xi32, #tpu.memory_space<vmem>>
      %dma_start3A_186 = arith.constant 0 : i32
      %dma_start3A_187 = arith.constant 0 : i32
      %dma_start3A_188 = tpu.memref_slice %arg2[%dma_start3A_186, %dma_start3A_187] : memref<10000x128xf32, #tpu.memory_space<hbm>> -> memref<10000x128xf32, #tpu.memory_space<hbm>>
      tpu.enqueue_indirect_dma source(%dma_start3A_188 : memref<10000x128xf32, #tpu.memory_space<hbm>>) target(%arg9 : memref<80x128xf32, #tpu.memory_space<vmem>>) offsets(%dma_start3A_185 : memref<80xi32, #tpu.memory_space<vmem>>) semaphore(%arg13 : memref<!tpu.dma_semaphore, #tpu.memory_space<semaphore_mem>>)
      %dma_wait3A_189 = arith.constant 1 : i32
      %dma_wait3A_190 = arith.constant 0 : i32
      %dma_wait3A_191 = arith.constant 0 : i32
      %dma_wait3A_192 = tpu.memref_slice %arg7[%dma_wait3A_189, %dma_wait3A_190, %dma_wait3A_191] : memref<4x2x80xi32, #tpu.memory_space<vmem>> -> memref<1x1x80xi32, #tpu.memory_space<vmem>>
      %dma_wait3A_193 = tpu.memref_squeeze %dma_wait3A_192 : memref<1x1x80xi32, #tpu.memory_space<vmem>> -> memref<80xi32, #tpu.memory_space<vmem>>
      %dma_wait3A_194 = arith.constant 0 : i32
      %dma_wait3A_195 = arith.constant 0 : i32
      %dma_wait3A_196 = tpu.memref_slice %arg2[%dma_wait3A_194, %dma_wait3A_195] : memref<10000x128xf32, #tpu.memory_space<hbm>> -> memref<10000x128xf32, #tpu.memory_space<hbm>>
      tpu.wait_indirect_dma semaphore(%arg13 : memref<!tpu.dma_semaphore, #tpu.memory_space<semaphore_mem>>) src(%dma_wait3A_196 : memref<10000x128xf32, #tpu.memory_space<hbm>>) dst(%arg10 : memref<80x128xf32, #tpu.memory_space<vmem>>)
      %run_scoped3A_197 = arith.constant 1 : i32
      %run_scoped3A_198 = arith.constant 1 : i32
      "tpu.region"() ({
        %run_scoped3A_311 = tpu.sem_alloc : memref<!tpu.dma_semaphore, #tpu.memory_space<semaphore_mem>>
        %dma_start3A_312 = arith.constant 0 : i32
        %dma_start3A_313 = tpu.memref_slice %arg7[%run_scoped3A_197, %run_scoped3A_198, %dma_start3A_312] : memref<4x2x80xi32, #tpu.memory_space<vmem>> -> memref<1x1x80xi32, #tpu.memory_space<vmem>>
        %dma_start3A_314 = tpu.memref_squeeze %dma_start3A_313 : memref<1x1x80xi32, #tpu.memory_space<vmem>> -> memref<80xi32, #tpu.memory_space<vmem>>
        %dma_start3A_315 = arith.constant 0 : i32
        %dma_start3A_316 = arith.constant 0 : i32
        %dma_start3A_317 = tpu.memref_slice %arg12[%dma_start3A_315, %dma_start3A_316] : memref<10240x128xf32, #tpu.memory_space<vmem_shared>> -> memref<10240x128xf32, #tpu.memory_space<vmem_shared>>
        tpu.enqueue_indirect_dma source(%arg10 : memref<80x128xf32, #tpu.memory_space<vmem>>) target(%dma_start3A_317 : memref<10240x128xf32, #tpu.memory_space<vmem_shared>>) offsets(%dma_start3A_314 : memref<80xi32, #tpu.memory_space<vmem>>) semaphore(%run_scoped3A_311 : memref<!tpu.dma_semaphore, #tpu.memory_space<semaphore_mem>>) {add = true}
        %dma_wait3A_318 = arith.constant 0 : i32
        %dma_wait3A_319 = tpu.memref_slice %arg7[%run_scoped3A_197, %run_scoped3A_198, %dma_wait3A_318] : memref<4x2x80xi32, #tpu.memory_space<vmem>> -> memref<1x1x80xi32, #tpu.memory_space<vmem>>
        %dma_wait3A_320 = tpu.memref_squeeze %dma_wait3A_319 : memref<1x1x80xi32, #tpu.memory_space<vmem>> -> memref<80xi32, #tpu.memory_space<vmem>>
        %dma_wait3A_321 = arith.constant 0 : i32
        %dma_wait3A_322 = arith.constant 0 : i32
        %dma_wait3A_323 = tpu.memref_slice %arg12[%dma_wait3A_321, %dma_wait3A_322] : memref<10240x128xf32, #tpu.memory_space<vmem_shared>> -> memref<10240x128xf32, #tpu.memory_space<vmem_shared>>
        tpu.wait_indirect_dma semaphore(%run_scoped3A_311 : memref<!tpu.dma_semaphore, #tpu.memory_space<semaphore_mem>>) src(%arg10 : memref<80x128xf32, #tpu.memory_space<vmem>>) dst(%dma_wait3A_323 : memref<10240x128xf32, #tpu.memory_space<vmem_shared>>)
        tpu.yield
      }) : () -> ()
      %dma_start3A_199 = arith.constant 3 : i32
      %dma_start3A_200 = arith.constant 0 : i32
      %dma_start3A_201 = arith.constant 0 : i32
      %dma_start3A_202 = tpu.memref_slice %arg7[%dma_start3A_199, %dma_start3A_200, %dma_start3A_201] : memref<4x2x80xi32, #tpu.memory_space<vmem>> -> memref<1x1x80xi32, #tpu.memory_space<vmem>>
      %dma_start3A_203 = tpu.memref_squeeze %dma_start3A_202 : memref<1x1x80xi32, #tpu.memory_space<vmem>> -> memref<80xi32, #tpu.memory_space<vmem>>
      %dma_start3A_204 = arith.constant 0 : i32
      %dma_start3A_205 = arith.constant 0 : i32
      %dma_start3A_206 = tpu.memref_slice %arg2[%dma_start3A_204, %dma_start3A_205] : memref<10000x128xf32, #tpu.memory_space<hbm>> -> memref<10000x128xf32, #tpu.memory_space<hbm>>
      tpu.enqueue_indirect_dma source(%dma_start3A_206 : memref<10000x128xf32, #tpu.memory_space<hbm>>) target(%arg10 : memref<80x128xf32, #tpu.memory_space<vmem>>) offsets(%dma_start3A_203 : memref<80xi32, #tpu.memory_space<vmem>>) semaphore(%arg13 : memref<!tpu.dma_semaphore, #tpu.memory_space<semaphore_mem>>)
      %dma_wait3A_207 = arith.constant 2 : i32
      %dma_wait3A_208 = arith.constant 0 : i32
      %dma_wait3A_209 = arith.constant 0 : i32
      %dma_wait3A_210 = tpu.memref_slice %arg7[%dma_wait3A_207, %dma_wait3A_208, %dma_wait3A_209] : memref<4x2x80xi32, #tpu.memory_space<vmem>> -> memref<1x1x80xi32, #tpu.memory_space<vmem>>
      %dma_wait3A_211 = tpu.memref_squeeze %dma_wait3A_210 : memref<1x1x80xi32, #tpu.memory_space<vmem>> -> memref<80xi32, #tpu.memory_space<vmem>>
      %dma_wait3A_212 = arith.constant 0 : i32
      %dma_wait3A_213 = arith.constant 0 : i32
      %dma_wait3A_214 = tpu.memref_slice %arg2[%dma_wait3A_212, %dma_wait3A_213] : memref<10000x128xf32, #tpu.memory_space<hbm>> -> memref<10000x128xf32, #tpu.memory_space<hbm>>
      tpu.wait_indirect_dma semaphore(%arg13 : memref<!tpu.dma_semaphore, #tpu.memory_space<semaphore_mem>>) src(%dma_wait3A_214 : memref<10000x128xf32, #tpu.memory_space<hbm>>) dst(%arg9 : memref<80x128xf32, #tpu.memory_space<vmem>>)
      %run_scoped3A_215 = arith.constant 2 : i32
      %run_scoped3A_216 = arith.constant 1 : i32
      "tpu.region"() ({
        %run_scoped3A_311 = tpu.sem_alloc : memref<!tpu.dma_semaphore, #tpu.memory_space<semaphore_mem>>
        %dma_start3A_312 = arith.constant 0 : i32
        %dma_start3A_313 = tpu.memref_slice %arg7[%run_scoped3A_215, %run_scoped3A_216, %dma_start3A_312] : memref<4x2x80xi32, #tpu.memory_space<vmem>> -> memref<1x1x80xi32, #tpu.memory_space<vmem>>
        %dma_start3A_314 = tpu.memref_squeeze %dma_start3A_313 : memref<1x1x80xi32, #tpu.memory_space<vmem>> -> memref<80xi32, #tpu.memory_space<vmem>>
        %dma_start3A_315 = arith.constant 0 : i32
        %dma_start3A_316 = arith.constant 0 : i32
        %dma_start3A_317 = tpu.memref_slice %arg12[%dma_start3A_315, %dma_start3A_316] : memref<10240x128xf32, #tpu.memory_space<vmem_shared>> -> memref<10240x128xf32, #tpu.memory_space<vmem_shared>>
        tpu.enqueue_indirect_dma source(%arg9 : memref<80x128xf32, #tpu.memory_space<vmem>>) target(%dma_start3A_317 : memref<10240x128xf32, #tpu.memory_space<vmem_shared>>) offsets(%dma_start3A_314 : memref<80xi32, #tpu.memory_space<vmem>>) semaphore(%run_scoped3A_311 : memref<!tpu.dma_semaphore, #tpu.memory_space<semaphore_mem>>) {add = true}
        %dma_wait3A_318 = arith.constant 0 : i32
        %dma_wait3A_319 = tpu.memref_slice %arg7[%run_scoped3A_215, %run_scoped3A_216, %dma_wait3A_318] : memref<4x2x80xi32, #tpu.memory_space<vmem>> -> memref<1x1x80xi32, #tpu.memory_space<vmem>>
        %dma_wait3A_320 = tpu.memref_squeeze %dma_wait3A_319 : memref<1x1x80xi32, #tpu.memory_space<vmem>> -> memref<80xi32, #tpu.memory_space<vmem>>
        %dma_wait3A_321 = arith.constant 0 : i32
        %dma_wait3A_322 = arith.constant 0 : i32
        %dma_wait3A_323 = tpu.memref_slice %arg12[%dma_wait3A_321, %dma_wait3A_322] : memref<10240x128xf32, #tpu.memory_space<vmem_shared>> -> memref<10240x128xf32, #tpu.memory_space<vmem_shared>>
        tpu.wait_indirect_dma semaphore(%run_scoped3A_311 : memref<!tpu.dma_semaphore, #tpu.memory_space<semaphore_mem>>) src(%arg9 : memref<80x128xf32, #tpu.memory_space<vmem>>) dst(%dma_wait3A_323 : memref<10240x128xf32, #tpu.memory_space<vmem_shared>>)
        tpu.yield
      }) : () -> ()
      "tpu.region"() ({
        %run_scoped3A_311 = tpu.sem_alloc : memref<!tpu.dma_semaphore, #tpu.memory_space<semaphore_mem>>
        %dma_start3A_312 = arith.constant 0 : i32
        %dma_start3A_313 = arith.constant 0 : i32
        %dma_start3A_314 = arith.constant 0 : i32
        %dma_start3A_315 = tpu.memref_slice %arg3[%add3A, %add3A_162, %dma_start3A_312, %dma_start3A_313, %dma_start3A_314] : memref<32x31x4x2x80xi32, #tpu.memory_space<hbm>> -> memref<1x1x4x2x80xi32, #tpu.memory_space<hbm>>
        %dma_start3A_316 = tpu.memref_squeeze %dma_start3A_315 : memref<1x1x4x2x80xi32, #tpu.memory_space<hbm>> -> memref<4x2x80xi32, #tpu.memory_space<hbm>>
        %dma_start3A_317 = arith.constant 0 : i32
        %dma_start3A_318 = arith.constant 0 : i32
        %dma_start3A_319 = arith.constant 0 : i32
        %dma_start3A_320 = tpu.memref_slice %arg3[%add3A, %add3A_162, %dma_start3A_317, %dma_start3A_318, %dma_start3A_319] : memref<32x31x4x2x80xi32, #tpu.memory_space<hbm>> -> memref<1x1x4x2x80xi32, #tpu.memory_space<hbm>>
        %dma_start3A_321 = tpu.memref_squeeze %dma_start3A_320 : memref<1x1x4x2x80xi32, #tpu.memory_space<hbm>> -> memref<4x2x80xi32, #tpu.memory_space<hbm>>
        tpu.enqueue_dma source(%dma_start3A_321 : memref<4x2x80xi32, #tpu.memory_space<hbm>>) target(%arg8 : memref<4x2x80xi32, #tpu.memory_space<vmem>>) target_semaphore(%run_scoped3A_311 : memref<!tpu.dma_semaphore, #tpu.memory_space<semaphore_mem>>)
        %dma_wait3A_322 = arith.constant 0 : i32
        %dma_wait3A_323 = arith.constant 0 : i32
        %dma_wait3A_324 = arith.constant 0 : i32
        %dma_wait3A_325 = tpu.memref_slice %arg3[%add3A, %add3A_162, %dma_wait3A_322, %dma_wait3A_323, %dma_wait3A_324] : memref<32x31x4x2x80xi32, #tpu.memory_space<hbm>> -> memref<1x1x4x2x80xi32, #tpu.memory_space<hbm>>
        %dma_wait3A_326 = tpu.memref_squeeze %dma_wait3A_325 : memref<1x1x4x2x80xi32, #tpu.memory_space<hbm>> -> memref<4x2x80xi32, #tpu.memory_space<hbm>>
        %dma_wait3A_327 = arith.constant 0 : i32
        %dma_wait3A_328 = arith.constant 0 : i32
        %dma_wait3A_329 = arith.constant 0 : i32
        %dma_wait3A_330 = tpu.memref_slice %arg3[%add3A, %add3A_162, %dma_wait3A_327, %dma_wait3A_328, %dma_wait3A_329] : memref<32x31x4x2x80xi32, #tpu.memory_space<hbm>> -> memref<1x1x4x2x80xi32, #tpu.memory_space<hbm>>
        %dma_wait3A_331 = tpu.memref_squeeze %dma_wait3A_330 : memref<1x1x4x2x80xi32, #tpu.memory_space<hbm>> -> memref<4x2x80xi32, #tpu.memory_space<hbm>>
        tpu.wait_dma2 semaphore(%run_scoped3A_311 : memref<!tpu.dma_semaphore, #tpu.memory_space<semaphore_mem>>) src(%dma_wait3A_331 : memref<4x2x80xi32, #tpu.memory_space<hbm>>) dst(%arg8 : memref<4x2x80xi32, #tpu.memory_space<vmem>>)
        tpu.yield
      }) : () -> ()
      %dma_start3A_217 = arith.constant 0 : i32
      %dma_start3A_218 = arith.constant 0 : i32
      %dma_start3A_219 = arith.constant 0 : i32
      %dma_start3A_220 = tpu.memref_slice %arg8[%dma_start3A_217, %dma_start3A_218, %dma_start3A_219] : memref<4x2x80xi32, #tpu.memory_space<vmem>> -> memref<1x1x80xi32, #tpu.memory_space<vmem>>
      %dma_start3A_221 = tpu.memref_squeeze %dma_start3A_220 : memref<1x1x80xi32, #tpu.memory_space<vmem>> -> memref<80xi32, #tpu.memory_space<vmem>>
      %dma_start3A_222 = arith.constant 0 : i32
      %dma_start3A_223 = arith.constant 0 : i32
      %dma_start3A_224 = tpu.memref_slice %arg2[%dma_start3A_222, %dma_start3A_223] : memref<10000x128xf32, #tpu.memory_space<hbm>> -> memref<10000x128xf32, #tpu.memory_space<hbm>>
      tpu.enqueue_indirect_dma source(%dma_start3A_224 : memref<10000x128xf32, #tpu.memory_space<hbm>>) target(%arg9 : memref<80x128xf32, #tpu.memory_space<vmem>>) offsets(%dma_start3A_221 : memref<80xi32, #tpu.memory_space<vmem>>) semaphore(%arg13 : memref<!tpu.dma_semaphore, #tpu.memory_space<semaphore_mem>>)
      %dma_wait3A_225 = arith.constant 3 : i32
      %dma_wait3A_226 = arith.constant 0 : i32
      %dma_wait3A_227 = arith.constant 0 : i32
      %dma_wait3A_228 = tpu.memref_slice %arg7[%dma_wait3A_225, %dma_wait3A_226, %dma_wait3A_227] : memref<4x2x80xi32, #tpu.memory_space<vmem>> -> memref<1x1x80xi32, #tpu.memory_space<vmem>>
      %dma_wait3A_229 = tpu.memref_squeeze %dma_wait3A_228 : memref<1x1x80xi32, #tpu.memory_space<vmem>> -> memref<80xi32, #tpu.memory_space<vmem>>
      %dma_wait3A_230 = arith.constant 0 : i32
      %dma_wait3A_231 = arith.constant 0 : i32
      %dma_wait3A_232 = tpu.memref_slice %arg2[%dma_wait3A_230, %dma_wait3A_231] : memref<10000x128xf32, #tpu.memory_space<hbm>> -> memref<10000x128xf32, #tpu.memory_space<hbm>>
      tpu.wait_indirect_dma semaphore(%arg13 : memref<!tpu.dma_semaphore, #tpu.memory_space<semaphore_mem>>) src(%dma_wait3A_232 : memref<10000x128xf32, #tpu.memory_space<hbm>>) dst(%arg10 : memref<80x128xf32, #tpu.memory_space<vmem>>)
      %run_scoped3A_233 = arith.constant 3 : i32
      %run_scoped3A_234 = arith.constant 1 : i32
      "tpu.region"() ({
        %run_scoped3A_311 = tpu.sem_alloc : memref<!tpu.dma_semaphore, #tpu.memory_space<semaphore_mem>>
        %dma_start3A_312 = arith.constant 0 : i32
        %dma_start3A_313 = tpu.memref_slice %arg7[%run_scoped3A_233, %run_scoped3A_234, %dma_start3A_312] : memref<4x2x80xi32, #tpu.memory_space<vmem>> -> memref<1x1x80xi32, #tpu.memory_space<vmem>>
        %dma_start3A_314 = tpu.memref_squeeze %dma_start3A_313 : memref<1x1x80xi32, #tpu.memory_space<vmem>> -> memref<80xi32, #tpu.memory_space<vmem>>
        %dma_start3A_315 = arith.constant 0 : i32
        %dma_start3A_316 = arith.constant 0 : i32
        %dma_start3A_317 = tpu.memref_slice %arg12[%dma_start3A_315, %dma_start3A_316] : memref<10240x128xf32, #tpu.memory_space<vmem_shared>> -> memref<10240x128xf32, #tpu.memory_space<vmem_shared>>
        tpu.enqueue_indirect_dma source(%arg10 : memref<80x128xf32, #tpu.memory_space<vmem>>) target(%dma_start3A_317 : memref<10240x128xf32, #tpu.memory_space<vmem_shared>>) offsets(%dma_start3A_314 : memref<80xi32, #tpu.memory_space<vmem>>) semaphore(%run_scoped3A_311 : memref<!tpu.dma_semaphore, #tpu.memory_space<semaphore_mem>>) {add = true}
        %dma_wait3A_318 = arith.constant 0 : i32
        %dma_wait3A_319 = tpu.memref_slice %arg7[%run_scoped3A_233, %run_scoped3A_234, %dma_wait3A_318] : memref<4x2x80xi32, #tpu.memory_space<vmem>> -> memref<1x1x80xi32, #tpu.memory_space<vmem>>
        %dma_wait3A_320 = tpu.memref_squeeze %dma_wait3A_319 : memref<1x1x80xi32, #tpu.memory_space<vmem>> -> memref<80xi32, #tpu.memory_space<vmem>>
        %dma_wait3A_321 = arith.constant 0 : i32
        %dma_wait3A_322 = arith.constant 0 : i32
        %dma_wait3A_323 = tpu.memref_slice %arg12[%dma_wait3A_321, %dma_wait3A_322] : memref<10240x128xf32, #tpu.memory_space<vmem_shared>> -> memref<10240x128xf32, #tpu.memory_space<vmem_shared>>
        tpu.wait_indirect_dma semaphore(%run_scoped3A_311 : memref<!tpu.dma_semaphore, #tpu.memory_space<semaphore_mem>>) src(%arg10 : memref<80x128xf32, #tpu.memory_space<vmem>>) dst(%dma_wait3A_323 : memref<10240x128xf32, #tpu.memory_space<vmem_shared>>)
        tpu.yield
      }) : () -> ()
      %mul3A_235 = arith.constant 2 : i32
      %mul3A_236 = arith.muli %mul3A_235, %scan3A_158 : i32
      %add3A_237 = arith.constant 2 : i32
      %add3A_238 = arith.addi %mul3A_236, %add3A_237 : i32
      %dma_start3A_239 = arith.constant 1 : i32
      %dma_start3A_240 = arith.constant 0 : i32
      %dma_start3A_241 = arith.constant 0 : i32
      %dma_start3A_242 = tpu.memref_slice %arg8[%dma_start3A_239, %dma_start3A_240, %dma_start3A_241] : memref<4x2x80xi32, #tpu.memory_space<vmem>> -> memref<1x1x80xi32, #tpu.memory_space<vmem>>
      %dma_start3A_243 = tpu.memref_squeeze %dma_start3A_242 : memref<1x1x80xi32, #tpu.memory_space<vmem>> -> memref<80xi32, #tpu.memory_space<vmem>>
      %dma_start3A_244 = arith.constant 0 : i32
      %dma_start3A_245 = arith.constant 0 : i32
      %dma_start3A_246 = tpu.memref_slice %arg2[%dma_start3A_244, %dma_start3A_245] : memref<10000x128xf32, #tpu.memory_space<hbm>> -> memref<10000x128xf32, #tpu.memory_space<hbm>>
      tpu.enqueue_indirect_dma source(%dma_start3A_246 : memref<10000x128xf32, #tpu.memory_space<hbm>>) target(%arg10 : memref<80x128xf32, #tpu.memory_space<vmem>>) offsets(%dma_start3A_243 : memref<80xi32, #tpu.memory_space<vmem>>) semaphore(%arg13 : memref<!tpu.dma_semaphore, #tpu.memory_space<semaphore_mem>>)
      %dma_wait3A_247 = arith.constant 0 : i32
      %dma_wait3A_248 = arith.constant 0 : i32
      %dma_wait3A_249 = arith.constant 0 : i32
      %dma_wait3A_250 = tpu.memref_slice %arg8[%dma_wait3A_247, %dma_wait3A_248, %dma_wait3A_249] : memref<4x2x80xi32, #tpu.memory_space<vmem>> -> memref<1x1x80xi32, #tpu.memory_space<vmem>>
      %dma_wait3A_251 = tpu.memref_squeeze %dma_wait3A_250 : memref<1x1x80xi32, #tpu.memory_space<vmem>> -> memref<80xi32, #tpu.memory_space<vmem>>
      %dma_wait3A_252 = arith.constant 0 : i32
      %dma_wait3A_253 = arith.constant 0 : i32
      %dma_wait3A_254 = tpu.memref_slice %arg2[%dma_wait3A_252, %dma_wait3A_253] : memref<10000x128xf32, #tpu.memory_space<hbm>> -> memref<10000x128xf32, #tpu.memory_space<hbm>>
      tpu.wait_indirect_dma semaphore(%arg13 : memref<!tpu.dma_semaphore, #tpu.memory_space<semaphore_mem>>) src(%dma_wait3A_254 : memref<10000x128xf32, #tpu.memory_space<hbm>>) dst(%arg9 : memref<80x128xf32, #tpu.memory_space<vmem>>)
      %run_scoped3A_255 = arith.constant 0 : i32
      %run_scoped3A_256 = arith.constant 1 : i32
      "tpu.region"() ({
        %run_scoped3A_311 = tpu.sem_alloc : memref<!tpu.dma_semaphore, #tpu.memory_space<semaphore_mem>>
        %dma_start3A_312 = arith.constant 0 : i32
        %dma_start3A_313 = tpu.memref_slice %arg8[%run_scoped3A_255, %run_scoped3A_256, %dma_start3A_312] : memref<4x2x80xi32, #tpu.memory_space<vmem>> -> memref<1x1x80xi32, #tpu.memory_space<vmem>>
        %dma_start3A_314 = tpu.memref_squeeze %dma_start3A_313 : memref<1x1x80xi32, #tpu.memory_space<vmem>> -> memref<80xi32, #tpu.memory_space<vmem>>
        %dma_start3A_315 = arith.constant 0 : i32
        %dma_start3A_316 = arith.constant 0 : i32
        %dma_start3A_317 = tpu.memref_slice %arg12[%dma_start3A_315, %dma_start3A_316] : memref<10240x128xf32, #tpu.memory_space<vmem_shared>> -> memref<10240x128xf32, #tpu.memory_space<vmem_shared>>
        tpu.enqueue_indirect_dma source(%arg9 : memref<80x128xf32, #tpu.memory_space<vmem>>) target(%dma_start3A_317 : memref<10240x128xf32, #tpu.memory_space<vmem_shared>>) offsets(%dma_start3A_314 : memref<80xi32, #tpu.memory_space<vmem>>) semaphore(%run_scoped3A_311 : memref<!tpu.dma_semaphore, #tpu.memory_space<semaphore_mem>>) {add = true}
        %dma_wait3A_318 = arith.constant 0 : i32
        %dma_wait3A_319 = tpu.memref_slice %arg8[%run_scoped3A_255, %run_scoped3A_256, %dma_wait3A_318] : memref<4x2x80xi32, #tpu.memory_space<vmem>> -> memref<1x1x80xi32, #tpu.memory_space<vmem>>
        %dma_wait3A_320 = tpu.memref_squeeze %dma_wait3A_319 : memref<1x1x80xi32, #tpu.memory_space<vmem>> -> memref<80xi32, #tpu.memory_space<vmem>>
        %dma_wait3A_321 = arith.constant 0 : i32
        %dma_wait3A_322 = arith.constant 0 : i32
        %dma_wait3A_323 = tpu.memref_slice %arg12[%dma_wait3A_321, %dma_wait3A_322] : memref<10240x128xf32, #tpu.memory_space<vmem_shared>> -> memref<10240x128xf32, #tpu.memory_space<vmem_shared>>
        tpu.wait_indirect_dma semaphore(%run_scoped3A_311 : memref<!tpu.dma_semaphore, #tpu.memory_space<semaphore_mem>>) src(%arg9 : memref<80x128xf32, #tpu.memory_space<vmem>>) dst(%dma_wait3A_323 : memref<10240x128xf32, #tpu.memory_space<vmem_shared>>)
        tpu.yield
      }) : () -> ()
      %dma_start3A_257 = arith.constant 2 : i32
      %dma_start3A_258 = arith.constant 0 : i32
      %dma_start3A_259 = arith.constant 0 : i32
      %dma_start3A_260 = tpu.memref_slice %arg8[%dma_start3A_257, %dma_start3A_258, %dma_start3A_259] : memref<4x2x80xi32, #tpu.memory_space<vmem>> -> memref<1x1x80xi32, #tpu.memory_space<vmem>>
      %dma_start3A_261 = tpu.memref_squeeze %dma_start3A_260 : memref<1x1x80xi32, #tpu.memory_space<vmem>> -> memref<80xi32, #tpu.memory_space<vmem>>
      %dma_start3A_262 = arith.constant 0 : i32
      %dma_start3A_263 = arith.constant 0 : i32
      %dma_start3A_264 = tpu.memref_slice %arg2[%dma_start3A_262, %dma_start3A_263] : memref<10000x128xf32, #tpu.memory_space<hbm>> -> memref<10000x128xf32, #tpu.memory_space<hbm>>
      tpu.enqueue_indirect_dma source(%dma_start3A_264 : memref<10000x128xf32, #tpu.memory_space<hbm>>) target(%arg9 : memref<80x128xf32, #tpu.memory_space<vmem>>) offsets(%dma_start3A_261 : memref<80xi32, #tpu.memory_space<vmem>>) semaphore(%arg13 : memref<!tpu.dma_semaphore, #tpu.memory_space<semaphore_mem>>)
      %dma_wait3A_265 = arith.constant 1 : i32
      %dma_wait3A_266 = arith.constant 0 : i32
      %dma_wait3A_267 = arith.constant 0 : i32
      %dma_wait3A_268 = tpu.memref_slice %arg8[%dma_wait3A_265, %dma_wait3A_266, %dma_wait3A_267] : memref<4x2x80xi32, #tpu.memory_space<vmem>> -> memref<1x1x80xi32, #tpu.memory_space<vmem>>
      %dma_wait3A_269 = tpu.memref_squeeze %dma_wait3A_268 : memref<1x1x80xi32, #tpu.memory_space<vmem>> -> memref<80xi32, #tpu.memory_space<vmem>>
      %dma_wait3A_270 = arith.constant 0 : i32
      %dma_wait3A_271 = arith.constant 0 : i32
      %dma_wait3A_272 = tpu.memref_slice %arg2[%dma_wait3A_270, %dma_wait3A_271] : memref<10000x128xf32, #tpu.memory_space<hbm>> -> memref<10000x128xf32, #tpu.memory_space<hbm>>
      tpu.wait_indirect_dma semaphore(%arg13 : memref<!tpu.dma_semaphore, #tpu.memory_space<semaphore_mem>>) src(%dma_wait3A_272 : memref<10000x128xf32, #tpu.memory_space<hbm>>) dst(%arg10 : memref<80x128xf32, #tpu.memory_space<vmem>>)
      %run_scoped3A_273 = arith.constant 1 : i32
      %run_scoped3A_274 = arith.constant 1 : i32
      "tpu.region"() ({
        %run_scoped3A_311 = tpu.sem_alloc : memref<!tpu.dma_semaphore, #tpu.memory_space<semaphore_mem>>
        %dma_start3A_312 = arith.constant 0 : i32
        %dma_start3A_313 = tpu.memref_slice %arg8[%run_scoped3A_273, %run_scoped3A_274, %dma_start3A_312] : memref<4x2x80xi32, #tpu.memory_space<vmem>> -> memref<1x1x80xi32, #tpu.memory_space<vmem>>
        %dma_start3A_314 = tpu.memref_squeeze %dma_start3A_313 : memref<1x1x80xi32, #tpu.memory_space<vmem>> -> memref<80xi32, #tpu.memory_space<vmem>>
        %dma_start3A_315 = arith.constant 0 : i32
        %dma_start3A_316 = arith.constant 0 : i32
        %dma_start3A_317 = tpu.memref_slice %arg12[%dma_start3A_315, %dma_start3A_316] : memref<10240x128xf32, #tpu.memory_space<vmem_shared>> -> memref<10240x128xf32, #tpu.memory_space<vmem_shared>>
        tpu.enqueue_indirect_dma source(%arg10 : memref<80x128xf32, #tpu.memory_space<vmem>>) target(%dma_start3A_317 : memref<10240x128xf32, #tpu.memory_space<vmem_shared>>) offsets(%dma_start3A_314 : memref<80xi32, #tpu.memory_space<vmem>>) semaphore(%run_scoped3A_311 : memref<!tpu.dma_semaphore, #tpu.memory_space<semaphore_mem>>) {add = true}
        %dma_wait3A_318 = arith.constant 0 : i32
        %dma_wait3A_319 = tpu.memref_slice %arg8[%run_scoped3A_273, %run_scoped3A_274, %dma_wait3A_318] : memref<4x2x80xi32, #tpu.memory_space<vmem>> -> memref<1x1x80xi32, #tpu.memory_space<vmem>>
        %dma_wait3A_320 = tpu.memref_squeeze %dma_wait3A_319 : memref<1x1x80xi32, #tpu.memory_space<vmem>> -> memref<80xi32, #tpu.memory_space<vmem>>
        %dma_wait3A_321 = arith.constant 0 : i32
        %dma_wait3A_322 = arith.constant 0 : i32
        %dma_wait3A_323 = tpu.memref_slice %arg12[%dma_wait3A_321, %dma_wait3A_322] : memref<10240x128xf32, #tpu.memory_space<vmem_shared>> -> memref<10240x128xf32, #tpu.memory_space<vmem_shared>>
        tpu.wait_indirect_dma semaphore(%run_scoped3A_311 : memref<!tpu.dma_semaphore, #tpu.memory_space<semaphore_mem>>) src(%arg10 : memref<80x128xf32, #tpu.memory_space<vmem>>) dst(%dma_wait3A_323 : memref<10240x128xf32, #tpu.memory_space<vmem_shared>>)
        tpu.yield
      }) : () -> ()
      %dma_start3A_275 = arith.constant 3 : i32
      %dma_start3A_276 = arith.constant 0 : i32
      %dma_start3A_277 = arith.constant 0 : i32
      %dma_start3A_278 = tpu.memref_slice %arg8[%dma_start3A_275, %dma_start3A_276, %dma_start3A_277] : memref<4x2x80xi32, #tpu.memory_space<vmem>> -> memref<1x1x80xi32, #tpu.memory_space<vmem>>
      %dma_start3A_279 = tpu.memref_squeeze %dma_start3A_278 : memref<1x1x80xi32, #tpu.memory_space<vmem>> -> memref<80xi32, #tpu.memory_space<vmem>>
      %dma_start3A_280 = arith.constant 0 : i32
      %dma_start3A_281 = arith.constant 0 : i32
      %dma_start3A_282 = tpu.memref_slice %arg2[%dma_start3A_280, %dma_start3A_281] : memref<10000x128xf32, #tpu.memory_space<hbm>> -> memref<10000x128xf32, #tpu.memory_space<hbm>>
      tpu.enqueue_indirect_dma source(%dma_start3A_282 : memref<10000x128xf32, #tpu.memory_space<hbm>>) target(%arg10 : memref<80x128xf32, #tpu.memory_space<vmem>>) offsets(%dma_start3A_279 : memref<80xi32, #tpu.memory_space<vmem>>) semaphore(%arg13 : memref<!tpu.dma_semaphore, #tpu.memory_space<semaphore_mem>>)
      %dma_wait3A_283 = arith.constant 2 : i32
      %dma_wait3A_284 = arith.constant 0 : i32
      %dma_wait3A_285 = arith.constant 0 : i32
      %dma_wait3A_286 = tpu.memref_slice %arg8[%dma_wait3A_283, %dma_wait3A_284, %dma_wait3A_285] : memref<4x2x80xi32, #tpu.memory_space<vmem>> -> memref<1x1x80xi32, #tpu.memory_space<vmem>>
      %dma_wait3A_287 = tpu.memref_squeeze %dma_wait3A_286 : memref<1x1x80xi32, #tpu.memory_space<vmem>> -> memref<80xi32, #tpu.memory_space<vmem>>
      %dma_wait3A_288 = arith.constant 0 : i32
      %dma_wait3A_289 = arith.constant 0 : i32
      %dma_wait3A_290 = tpu.memref_slice %arg2[%dma_wait3A_288, %dma_wait3A_289] : memref<10000x128xf32, #tpu.memory_space<hbm>> -> memref<10000x128xf32, #tpu.memory_space<hbm>>
      tpu.wait_indirect_dma semaphore(%arg13 : memref<!tpu.dma_semaphore, #tpu.memory_space<semaphore_mem>>) src(%dma_wait3A_290 : memref<10000x128xf32, #tpu.memory_space<hbm>>) dst(%arg9 : memref<80x128xf32, #tpu.memory_space<vmem>>)
      %run_scoped3A_291 = arith.constant 2 : i32
      %run_scoped3A_292 = arith.constant 1 : i32
      "tpu.region"() ({
        %run_scoped3A_311 = tpu.sem_alloc : memref<!tpu.dma_semaphore, #tpu.memory_space<semaphore_mem>>
        %dma_start3A_312 = arith.constant 0 : i32
        %dma_start3A_313 = tpu.memref_slice %arg8[%run_scoped3A_291, %run_scoped3A_292, %dma_start3A_312] : memref<4x2x80xi32, #tpu.memory_space<vmem>> -> memref<1x1x80xi32, #tpu.memory_space<vmem>>
        %dma_start3A_314 = tpu.memref_squeeze %dma_start3A_313 : memref<1x1x80xi32, #tpu.memory_space<vmem>> -> memref<80xi32, #tpu.memory_space<vmem>>
        %dma_start3A_315 = arith.constant 0 : i32
        %dma_start3A_316 = arith.constant 0 : i32
        %dma_start3A_317 = tpu.memref_slice %arg12[%dma_start3A_315, %dma_start3A_316] : memref<10240x128xf32, #tpu.memory_space<vmem_shared>> -> memref<10240x128xf32, #tpu.memory_space<vmem_shared>>
        tpu.enqueue_indirect_dma source(%arg9 : memref<80x128xf32, #tpu.memory_space<vmem>>) target(%dma_start3A_317 : memref<10240x128xf32, #tpu.memory_space<vmem_shared>>) offsets(%dma_start3A_314 : memref<80xi32, #tpu.memory_space<vmem>>) semaphore(%run_scoped3A_311 : memref<!tpu.dma_semaphore, #tpu.memory_space<semaphore_mem>>) {add = true}
        %dma_wait3A_318 = arith.constant 0 : i32
        %dma_wait3A_319 = tpu.memref_slice %arg8[%run_scoped3A_291, %run_scoped3A_292, %dma_wait3A_318] : memref<4x2x80xi32, #tpu.memory_space<vmem>> -> memref<1x1x80xi32, #tpu.memory_space<vmem>>
        %dma_wait3A_320 = tpu.memref_squeeze %dma_wait3A_319 : memref<1x1x80xi32, #tpu.memory_space<vmem>> -> memref<80xi32, #tpu.memory_space<vmem>>
        %dma_wait3A_321 = arith.constant 0 : i32
        %dma_wait3A_322 = arith.constant 0 : i32
        %dma_wait3A_323 = tpu.memref_slice %arg12[%dma_wait3A_321, %dma_wait3A_322] : memref<10240x128xf32, #tpu.memory_space<vmem_shared>> -> memref<10240x128xf32, #tpu.memory_space<vmem_shared>>
        tpu.wait_indirect_dma semaphore(%run_scoped3A_311 : memref<!tpu.dma_semaphore, #tpu.memory_space<semaphore_mem>>) src(%arg9 : memref<80x128xf32, #tpu.memory_space<vmem>>) dst(%dma_wait3A_323 : memref<10240x128xf32, #tpu.memory_space<vmem_shared>>)
        tpu.yield
      }) : () -> ()
      "tpu.region"() ({
        %run_scoped3A_311 = tpu.sem_alloc : memref<!tpu.dma_semaphore, #tpu.memory_space<semaphore_mem>>
        %dma_start3A_312 = arith.constant 0 : i32
        %dma_start3A_313 = arith.constant 0 : i32
        %dma_start3A_314 = arith.constant 0 : i32
        %dma_start3A_315 = tpu.memref_slice %arg3[%add3A, %add3A_238, %dma_start3A_312, %dma_start3A_313, %dma_start3A_314] : memref<32x31x4x2x80xi32, #tpu.memory_space<hbm>> -> memref<1x1x4x2x80xi32, #tpu.memory_space<hbm>>
        %dma_start3A_316 = tpu.memref_squeeze %dma_start3A_315 : memref<1x1x4x2x80xi32, #tpu.memory_space<hbm>> -> memref<4x2x80xi32, #tpu.memory_space<hbm>>
        %dma_start3A_317 = arith.constant 0 : i32
        %dma_start3A_318 = arith.constant 0 : i32
        %dma_start3A_319 = arith.constant 0 : i32
        %dma_start3A_320 = tpu.memref_slice %arg3[%add3A, %add3A_238, %dma_start3A_317, %dma_start3A_318, %dma_start3A_319] : memref<32x31x4x2x80xi32, #tpu.memory_space<hbm>> -> memref<1x1x4x2x80xi32, #tpu.memory_space<hbm>>
        %dma_start3A_321 = tpu.memref_squeeze %dma_start3A_320 : memref<1x1x4x2x80xi32, #tpu.memory_space<hbm>> -> memref<4x2x80xi32, #tpu.memory_space<hbm>>
        tpu.enqueue_dma source(%dma_start3A_321 : memref<4x2x80xi32, #tpu.memory_space<hbm>>) target(%arg7 : memref<4x2x80xi32, #tpu.memory_space<vmem>>) target_semaphore(%run_scoped3A_311 : memref<!tpu.dma_semaphore, #tpu.memory_space<semaphore_mem>>)
        %dma_wait3A_322 = arith.constant 0 : i32
        %dma_wait3A_323 = arith.constant 0 : i32
        %dma_wait3A_324 = arith.constant 0 : i32
        %dma_wait3A_325 = tpu.memref_slice %arg3[%add3A, %add3A_238, %dma_wait3A_322, %dma_wait3A_323, %dma_wait3A_324] : memref<32x31x4x2x80xi32, #tpu.memory_space<hbm>> -> memref<1x1x4x2x80xi32, #tpu.memory_space<hbm>>
        %dma_wait3A_326 = tpu.memref_squeeze %dma_wait3A_325 : memref<1x1x4x2x80xi32, #tpu.memory_space<hbm>> -> memref<4x2x80xi32, #tpu.memory_space<hbm>>
        %dma_wait3A_327 = arith.constant 0 : i32
        %dma_wait3A_328 = arith.constant 0 : i32
        %dma_wait3A_329 = arith.constant 0 : i32
        %dma_wait3A_330 = tpu.memref_slice %arg3[%add3A, %add3A_238, %dma_wait3A_327, %dma_wait3A_328, %dma_wait3A_329] : memref<32x31x4x2x80xi32, #tpu.memory_space<hbm>> -> memref<1x1x4x2x80xi32, #tpu.memory_space<hbm>>
        %dma_wait3A_331 = tpu.memref_squeeze %dma_wait3A_330 : memref<1x1x4x2x80xi32, #tpu.memory_space<hbm>> -> memref<4x2x80xi32, #tpu.memory_space<hbm>>
        tpu.wait_dma2 semaphore(%run_scoped3A_311 : memref<!tpu.dma_semaphore, #tpu.memory_space<semaphore_mem>>) src(%dma_wait3A_331 : memref<4x2x80xi32, #tpu.memory_space<hbm>>) dst(%arg7 : memref<4x2x80xi32, #tpu.memory_space<vmem>>)
        tpu.yield
      }) : () -> ()
      %dma_start3A_293 = arith.constant 0 : i32
      %dma_start3A_294 = arith.constant 0 : i32
      %dma_start3A_295 = arith.constant 0 : i32
      %dma_start3A_296 = tpu.memref_slice %arg7[%dma_start3A_293, %dma_start3A_294, %dma_start3A_295] : memref<4x2x80xi32, #tpu.memory_space<vmem>> -> memref<1x1x80xi32, #tpu.memory_space<vmem>>
      %dma_start3A_297 = tpu.memref_squeeze %dma_start3A_296 : memref<1x1x80xi32, #tpu.memory_space<vmem>> -> memref<80xi32, #tpu.memory_space<vmem>>
      %dma_start3A_298 = arith.constant 0 : i32
      %dma_start3A_299 = arith.constant 0 : i32
      %dma_start3A_300 = tpu.memref_slice %arg2[%dma_start3A_298, %dma_start3A_299] : memref<10000x128xf32, #tpu.memory_space<hbm>> -> memref<10000x128xf32, #tpu.memory_space<hbm>>
      tpu.enqueue_indirect_dma source(%dma_start3A_300 : memref<10000x128xf32, #tpu.memory_space<hbm>>) target(%arg9 : memref<80x128xf32, #tpu.memory_space<vmem>>) offsets(%dma_start3A_297 : memref<80xi32, #tpu.memory_space<vmem>>) semaphore(%arg13 : memref<!tpu.dma_semaphore, #tpu.memory_space<semaphore_mem>>)
      %dma_wait3A_301 = arith.constant 3 : i32
      %dma_wait3A_302 = arith.constant 0 : i32
      %dma_wait3A_303 = arith.constant 0 : i32
      %dma_wait3A_304 = tpu.memref_slice %arg8[%dma_wait3A_301, %dma_wait3A_302, %dma_wait3A_303] : memref<4x2x80xi32, #tpu.memory_space<vmem>> -> memref<1x1x80xi32, #tpu.memory_space<vmem>>
      %dma_wait3A_305 = tpu.memref_squeeze %dma_wait3A_304 : memref<1x1x80xi32, #tpu.memory_space<vmem>> -> memref<80xi32, #tpu.memory_space<vmem>>
      %dma_wait3A_306 = arith.constant 0 : i32
      %dma_wait3A_307 = arith.constant 0 : i32
      %dma_wait3A_308 = tpu.memref_slice %arg2[%dma_wait3A_306, %dma_wait3A_307] : memref<10000x128xf32, #tpu.memory_space<hbm>> -> memref<10000x128xf32, #tpu.memory_space<hbm>>
      tpu.wait_indirect_dma semaphore(%arg13 : memref<!tpu.dma_semaphore, #tpu.memory_space<semaphore_mem>>) src(%dma_wait3A_308 : memref<10000x128xf32, #tpu.memory_space<hbm>>) dst(%arg10 : memref<80x128xf32, #tpu.memory_space<vmem>>)
      %run_scoped3A_309 = arith.constant 3 : i32
      %run_scoped3A_310 = arith.constant 1 : i32
      "tpu.region"() ({
        %run_scoped3A_311 = tpu.sem_alloc : memref<!tpu.dma_semaphore, #tpu.memory_space<semaphore_mem>>
        %dma_start3A_312 = arith.constant 0 : i32
        %dma_start3A_313 = tpu.memref_slice %arg8[%run_scoped3A_309, %run_scoped3A_310, %dma_start3A_312] : memref<4x2x80xi32, #tpu.memory_space<vmem>> -> memref<1x1x80xi32, #tpu.memory_space<vmem>>
        %dma_start3A_314 = tpu.memref_squeeze %dma_start3A_313 : memref<1x1x80xi32, #tpu.memory_space<vmem>> -> memref<80xi32, #tpu.memory_space<vmem>>
        %dma_start3A_315 = arith.constant 0 : i32
        %dma_start3A_316 = arith.constant 0 : i32
        %dma_start3A_317 = tpu.memref_slice %arg12[%dma_start3A_315, %dma_start3A_316] : memref<10240x128xf32, #tpu.memory_space<vmem_shared>> -> memref<10240x128xf32, #tpu.memory_space<vmem_shared>>
        tpu.enqueue_indirect_dma source(%arg10 : memref<80x128xf32, #tpu.memory_space<vmem>>) target(%dma_start3A_317 : memref<10240x128xf32, #tpu.memory_space<vmem_shared>>) offsets(%dma_start3A_314 : memref<80xi32, #tpu.memory_space<vmem>>) semaphore(%run_scoped3A_311 : memref<!tpu.dma_semaphore, #tpu.memory_space<semaphore_mem>>) {add = true}
        %dma_wait3A_318 = arith.constant 0 : i32
        %dma_wait3A_319 = tpu.memref_slice %arg8[%run_scoped3A_309, %run_scoped3A_310, %dma_wait3A_318] : memref<4x2x80xi32, #tpu.memory_space<vmem>> -> memref<1x1x80xi32, #tpu.memory_space<vmem>>
        %dma_wait3A_320 = tpu.memref_squeeze %dma_wait3A_319 : memref<1x1x80xi32, #tpu.memory_space<vmem>> -> memref<80xi32, #tpu.memory_space<vmem>>
        %dma_wait3A_321 = arith.constant 0 : i32
        %dma_wait3A_322 = arith.constant 0 : i32
        %dma_wait3A_323 = tpu.memref_slice %arg12[%dma_wait3A_321, %dma_wait3A_322] : memref<10240x128xf32, #tpu.memory_space<vmem_shared>> -> memref<10240x128xf32, #tpu.memory_space<vmem_shared>>
        tpu.wait_indirect_dma semaphore(%run_scoped3A_311 : memref<!tpu.dma_semaphore, #tpu.memory_space<semaphore_mem>>) src(%arg10 : memref<80x128xf32, #tpu.memory_space<vmem>>) dst(%dma_wait3A_323 : memref<10240x128xf32, #tpu.memory_space<vmem_shared>>)
        tpu.yield
      }) : () -> ()
    }
    %scan3A_38 = arith.constant 15 : i32
    %dma_start3A_39 = arith.constant 1 : i32
    %dma_start3A_40 = arith.constant 0 : i32
    %dma_start3A_41 = arith.constant 0 : i32
    %dma_start3A_42 = tpu.memref_slice %arg7[%dma_start3A_39, %dma_start3A_40, %dma_start3A_41] : memref<4x2x80xi32, #tpu.memory_space<vmem>> -> memref<1x1x80xi32, #tpu.memory_space<vmem>>
    %dma_start3A_43 = tpu.memref_squeeze %dma_start3A_42 : memref<1x1x80xi32, #tpu.memory_space<vmem>> -> memref<80xi32, #tpu.memory_space<vmem>>
    %dma_start3A_44 = arith.constant 0 : i32
    %dma_start3A_45 = arith.constant 0 : i32
    %dma_start3A_46 = tpu.memref_slice %arg2[%dma_start3A_44, %dma_start3A_45] : memref<10000x128xf32, #tpu.memory_space<hbm>> -> memref<10000x128xf32, #tpu.memory_space<hbm>>
    tpu.enqueue_indirect_dma source(%dma_start3A_46 : memref<10000x128xf32, #tpu.memory_space<hbm>>) target(%arg10 : memref<80x128xf32, #tpu.memory_space<vmem>>) offsets(%dma_start3A_43 : memref<80xi32, #tpu.memory_space<vmem>>) semaphore(%arg13 : memref<!tpu.dma_semaphore, #tpu.memory_space<semaphore_mem>>)
    %dma_wait3A = arith.constant 0 : i32
    %dma_wait3A_47 = arith.constant 0 : i32
    %dma_wait3A_48 = arith.constant 0 : i32
    %dma_wait3A_49 = tpu.memref_slice %arg7[%dma_wait3A, %dma_wait3A_47, %dma_wait3A_48] : memref<4x2x80xi32, #tpu.memory_space<vmem>> -> memref<1x1x80xi32, #tpu.memory_space<vmem>>
    %dma_wait3A_50 = tpu.memref_squeeze %dma_wait3A_49 : memref<1x1x80xi32, #tpu.memory_space<vmem>> -> memref<80xi32, #tpu.memory_space<vmem>>
    %dma_wait3A_51 = arith.constant 0 : i32
    %dma_wait3A_52 = arith.constant 0 : i32
    %dma_wait3A_53 = tpu.memref_slice %arg2[%dma_wait3A_51, %dma_wait3A_52] : memref<10000x128xf32, #tpu.memory_space<hbm>> -> memref<10000x128xf32, #tpu.memory_space<hbm>>
    tpu.wait_indirect_dma semaphore(%arg13 : memref<!tpu.dma_semaphore, #tpu.memory_space<semaphore_mem>>) src(%dma_wait3A_53 : memref<10000x128xf32, #tpu.memory_space<hbm>>) dst(%arg9 : memref<80x128xf32, #tpu.memory_space<vmem>>)
    %run_scoped3A_54 = arith.constant 0 : i32
    %run_scoped3A_55 = arith.constant 1 : i32
    "tpu.region"() ({
      %run_scoped3A_158 = tpu.sem_alloc : memref<!tpu.dma_semaphore, #tpu.memory_space<semaphore_mem>>
      %dma_start3A_159 = arith.constant 0 : i32
      %dma_start3A_160 = tpu.memref_slice %arg7[%run_scoped3A_54, %run_scoped3A_55, %dma_start3A_159] : memref<4x2x80xi32, #tpu.memory_space<vmem>> -> memref<1x1x80xi32, #tpu.memory_space<vmem>>
      %dma_start3A_161 = tpu.memref_squeeze %dma_start3A_160 : memref<1x1x80xi32, #tpu.memory_space<vmem>> -> memref<80xi32, #tpu.memory_space<vmem>>
      %dma_start3A_162 = arith.constant 0 : i32
      %dma_start3A_163 = arith.constant 0 : i32
      %dma_start3A_164 = tpu.memref_slice %arg12[%dma_start3A_162, %dma_start3A_163] : memref<10240x128xf32, #tpu.memory_space<vmem_shared>> -> memref<10240x128xf32, #tpu.memory_space<vmem_shared>>
      tpu.enqueue_indirect_dma source(%arg9 : memref<80x128xf32, #tpu.memory_space<vmem>>) target(%dma_start3A_164 : memref<10240x128xf32, #tpu.memory_space<vmem_shared>>) offsets(%dma_start3A_161 : memref<80xi32, #tpu.memory_space<vmem>>) semaphore(%run_scoped3A_158 : memref<!tpu.dma_semaphore, #tpu.memory_space<semaphore_mem>>) {add = true}
      %dma_wait3A_165 = arith.constant 0 : i32
      %dma_wait3A_166 = tpu.memref_slice %arg7[%run_scoped3A_54, %run_scoped3A_55, %dma_wait3A_165] : memref<4x2x80xi32, #tpu.memory_space<vmem>> -> memref<1x1x80xi32, #tpu.memory_space<vmem>>
      %dma_wait3A_167 = tpu.memref_squeeze %dma_wait3A_166 : memref<1x1x80xi32, #tpu.memory_space<vmem>> -> memref<80xi32, #tpu.memory_space<vmem>>
      %dma_wait3A_168 = arith.constant 0 : i32
      %dma_wait3A_169 = arith.constant 0 : i32
      %dma_wait3A_170 = tpu.memref_slice %arg12[%dma_wait3A_168, %dma_wait3A_169] : memref<10240x128xf32, #tpu.memory_space<vmem_shared>> -> memref<10240x128xf32, #tpu.memory_space<vmem_shared>>
      tpu.wait_indirect_dma semaphore(%run_scoped3A_158 : memref<!tpu.dma_semaphore, #tpu.memory_space<semaphore_mem>>) src(%arg9 : memref<80x128xf32, #tpu.memory_space<vmem>>) dst(%dma_wait3A_170 : memref<10240x128xf32, #tpu.memory_space<vmem_shared>>)
      tpu.yield
    }) : () -> ()
    %dma_start3A_56 = arith.constant 2 : i32
    %dma_start3A_57 = arith.constant 0 : i32
    %dma_start3A_58 = arith.constant 0 : i32
    %dma_start3A_59 = tpu.memref_slice %arg7[%dma_start3A_56, %dma_start3A_57, %dma_start3A_58] : memref<4x2x80xi32, #tpu.memory_space<vmem>> -> memref<1x1x80xi32, #tpu.memory_space<vmem>>
    %dma_start3A_60 = tpu.memref_squeeze %dma_start3A_59 : memref<1x1x80xi32, #tpu.memory_space<vmem>> -> memref<80xi32, #tpu.memory_space<vmem>>
    %dma_start3A_61 = arith.constant 0 : i32
    %dma_start3A_62 = arith.constant 0 : i32
    %dma_start3A_63 = tpu.memref_slice %arg2[%dma_start3A_61, %dma_start3A_62] : memref<10000x128xf32, #tpu.memory_space<hbm>> -> memref<10000x128xf32, #tpu.memory_space<hbm>>
    tpu.enqueue_indirect_dma source(%dma_start3A_63 : memref<10000x128xf32, #tpu.memory_space<hbm>>) target(%arg9 : memref<80x128xf32, #tpu.memory_space<vmem>>) offsets(%dma_start3A_60 : memref<80xi32, #tpu.memory_space<vmem>>) semaphore(%arg13 : memref<!tpu.dma_semaphore, #tpu.memory_space<semaphore_mem>>)
    %dma_wait3A_64 = arith.constant 1 : i32
    %dma_wait3A_65 = arith.constant 0 : i32
    %dma_wait3A_66 = arith.constant 0 : i32
    %dma_wait3A_67 = tpu.memref_slice %arg7[%dma_wait3A_64, %dma_wait3A_65, %dma_wait3A_66] : memref<4x2x80xi32, #tpu.memory_space<vmem>> -> memref<1x1x80xi32, #tpu.memory_space<vmem>>
    %dma_wait3A_68 = tpu.memref_squeeze %dma_wait3A_67 : memref<1x1x80xi32, #tpu.memory_space<vmem>> -> memref<80xi32, #tpu.memory_space<vmem>>
    %dma_wait3A_69 = arith.constant 0 : i32
    %dma_wait3A_70 = arith.constant 0 : i32
    %dma_wait3A_71 = tpu.memref_slice %arg2[%dma_wait3A_69, %dma_wait3A_70] : memref<10000x128xf32, #tpu.memory_space<hbm>> -> memref<10000x128xf32, #tpu.memory_space<hbm>>
    tpu.wait_indirect_dma semaphore(%arg13 : memref<!tpu.dma_semaphore, #tpu.memory_space<semaphore_mem>>) src(%dma_wait3A_71 : memref<10000x128xf32, #tpu.memory_space<hbm>>) dst(%arg10 : memref<80x128xf32, #tpu.memory_space<vmem>>)
    %run_scoped3A_72 = arith.constant 1 : i32
    %run_scoped3A_73 = arith.constant 1 : i32
    "tpu.region"() ({
      %run_scoped3A_158 = tpu.sem_alloc : memref<!tpu.dma_semaphore, #tpu.memory_space<semaphore_mem>>
      %dma_start3A_159 = arith.constant 0 : i32
      %dma_start3A_160 = tpu.memref_slice %arg7[%run_scoped3A_72, %run_scoped3A_73, %dma_start3A_159] : memref<4x2x80xi32, #tpu.memory_space<vmem>> -> memref<1x1x80xi32, #tpu.memory_space<vmem>>
      %dma_start3A_161 = tpu.memref_squeeze %dma_start3A_160 : memref<1x1x80xi32, #tpu.memory_space<vmem>> -> memref<80xi32, #tpu.memory_space<vmem>>
      %dma_start3A_162 = arith.constant 0 : i32
      %dma_start3A_163 = arith.constant 0 : i32
      %dma_start3A_164 = tpu.memref_slice %arg12[%dma_start3A_162, %dma_start3A_163] : memref<10240x128xf32, #tpu.memory_space<vmem_shared>> -> memref<10240x128xf32, #tpu.memory_space<vmem_shared>>
      tpu.enqueue_indirect_dma source(%arg10 : memref<80x128xf32, #tpu.memory_space<vmem>>) target(%dma_start3A_164 : memref<10240x128xf32, #tpu.memory_space<vmem_shared>>) offsets(%dma_start3A_161 : memref<80xi32, #tpu.memory_space<vmem>>) semaphore(%run_scoped3A_158 : memref<!tpu.dma_semaphore, #tpu.memory_space<semaphore_mem>>) {add = true}
      %dma_wait3A_165 = arith.constant 0 : i32
      %dma_wait3A_166 = tpu.memref_slice %arg7[%run_scoped3A_72, %run_scoped3A_73, %dma_wait3A_165] : memref<4x2x80xi32, #tpu.memory_space<vmem>> -> memref<1x1x80xi32, #tpu.memory_space<vmem>>
      %dma_wait3A_167 = tpu.memref_squeeze %dma_wait3A_166 : memref<1x1x80xi32, #tpu.memory_space<vmem>> -> memref<80xi32, #tpu.memory_space<vmem>>
      %dma_wait3A_168 = arith.constant 0 : i32
      %dma_wait3A_169 = arith.constant 0 : i32
      %dma_wait3A_170 = tpu.memref_slice %arg12[%dma_wait3A_168, %dma_wait3A_169] : memref<10240x128xf32, #tpu.memory_space<vmem_shared>> -> memref<10240x128xf32, #tpu.memory_space<vmem_shared>>
      tpu.wait_indirect_dma semaphore(%run_scoped3A_158 : memref<!tpu.dma_semaphore, #tpu.memory_space<semaphore_mem>>) src(%arg10 : memref<80x128xf32, #tpu.memory_space<vmem>>) dst(%dma_wait3A_170 : memref<10240x128xf32, #tpu.memory_space<vmem_shared>>)
      tpu.yield
    }) : () -> ()
    %dma_start3A_74 = arith.constant 3 : i32
    %dma_start3A_75 = arith.constant 0 : i32
    %dma_start3A_76 = arith.constant 0 : i32
    %dma_start3A_77 = tpu.memref_slice %arg7[%dma_start3A_74, %dma_start3A_75, %dma_start3A_76] : memref<4x2x80xi32, #tpu.memory_space<vmem>> -> memref<1x1x80xi32, #tpu.memory_space<vmem>>
    %dma_start3A_78 = tpu.memref_squeeze %dma_start3A_77 : memref<1x1x80xi32, #tpu.memory_space<vmem>> -> memref<80xi32, #tpu.memory_space<vmem>>
    %dma_start3A_79 = arith.constant 0 : i32
    %dma_start3A_80 = arith.constant 0 : i32
    %dma_start3A_81 = tpu.memref_slice %arg2[%dma_start3A_79, %dma_start3A_80] : memref<10000x128xf32, #tpu.memory_space<hbm>> -> memref<10000x128xf32, #tpu.memory_space<hbm>>
    tpu.enqueue_indirect_dma source(%dma_start3A_81 : memref<10000x128xf32, #tpu.memory_space<hbm>>) target(%arg10 : memref<80x128xf32, #tpu.memory_space<vmem>>) offsets(%dma_start3A_78 : memref<80xi32, #tpu.memory_space<vmem>>) semaphore(%arg13 : memref<!tpu.dma_semaphore, #tpu.memory_space<semaphore_mem>>)
    %dma_wait3A_82 = arith.constant 2 : i32
    %dma_wait3A_83 = arith.constant 0 : i32
    %dma_wait3A_84 = arith.constant 0 : i32
    %dma_wait3A_85 = tpu.memref_slice %arg7[%dma_wait3A_82, %dma_wait3A_83, %dma_wait3A_84] : memref<4x2x80xi32, #tpu.memory_space<vmem>> -> memref<1x1x80xi32, #tpu.memory_space<vmem>>
    %dma_wait3A_86 = tpu.memref_squeeze %dma_wait3A_85 : memref<1x1x80xi32, #tpu.memory_space<vmem>> -> memref<80xi32, #tpu.memory_space<vmem>>
    %dma_wait3A_87 = arith.constant 0 : i32
    %dma_wait3A_88 = arith.constant 0 : i32
    %dma_wait3A_89 = tpu.memref_slice %arg2[%dma_wait3A_87, %dma_wait3A_88] : memref<10000x128xf32, #tpu.memory_space<hbm>> -> memref<10000x128xf32, #tpu.memory_space<hbm>>
    tpu.wait_indirect_dma semaphore(%arg13 : memref<!tpu.dma_semaphore, #tpu.memory_space<semaphore_mem>>) src(%dma_wait3A_89 : memref<10000x128xf32, #tpu.memory_space<hbm>>) dst(%arg9 : memref<80x128xf32, #tpu.memory_space<vmem>>)
    %run_scoped3A_90 = arith.constant 2 : i32
    %run_scoped3A_91 = arith.constant 1 : i32
    "tpu.region"() ({
      %run_scoped3A_158 = tpu.sem_alloc : memref<!tpu.dma_semaphore, #tpu.memory_space<semaphore_mem>>
      %dma_start3A_159 = arith.constant 0 : i32
      %dma_start3A_160 = tpu.memref_slice %arg7[%run_scoped3A_90, %run_scoped3A_91, %dma_start3A_159] : memref<4x2x80xi32, #tpu.memory_space<vmem>> -> memref<1x1x80xi32, #tpu.memory_space<vmem>>
      %dma_start3A_161 = tpu.memref_squeeze %dma_start3A_160 : memref<1x1x80xi32, #tpu.memory_space<vmem>> -> memref<80xi32, #tpu.memory_space<vmem>>
      %dma_start3A_162 = arith.constant 0 : i32
      %dma_start3A_163 = arith.constant 0 : i32
      %dma_start3A_164 = tpu.memref_slice %arg12[%dma_start3A_162, %dma_start3A_163] : memref<10240x128xf32, #tpu.memory_space<vmem_shared>> -> memref<10240x128xf32, #tpu.memory_space<vmem_shared>>
      tpu.enqueue_indirect_dma source(%arg9 : memref<80x128xf32, #tpu.memory_space<vmem>>) target(%dma_start3A_164 : memref<10240x128xf32, #tpu.memory_space<vmem_shared>>) offsets(%dma_start3A_161 : memref<80xi32, #tpu.memory_space<vmem>>) semaphore(%run_scoped3A_158 : memref<!tpu.dma_semaphore, #tpu.memory_space<semaphore_mem>>) {add = true}
      %dma_wait3A_165 = arith.constant 0 : i32
      %dma_wait3A_166 = tpu.memref_slice %arg7[%run_scoped3A_90, %run_scoped3A_91, %dma_wait3A_165] : memref<4x2x80xi32, #tpu.memory_space<vmem>> -> memref<1x1x80xi32, #tpu.memory_space<vmem>>
      %dma_wait3A_167 = tpu.memref_squeeze %dma_wait3A_166 : memref<1x1x80xi32, #tpu.memory_space<vmem>> -> memref<80xi32, #tpu.memory_space<vmem>>
      %dma_wait3A_168 = arith.constant 0 : i32
      %dma_wait3A_169 = arith.constant 0 : i32
      %dma_wait3A_170 = tpu.memref_slice %arg12[%dma_wait3A_168, %dma_wait3A_169] : memref<10240x128xf32, #tpu.memory_space<vmem_shared>> -> memref<10240x128xf32, #tpu.memory_space<vmem_shared>>
      tpu.wait_indirect_dma semaphore(%run_scoped3A_158 : memref<!tpu.dma_semaphore, #tpu.memory_space<semaphore_mem>>) src(%arg9 : memref<80x128xf32, #tpu.memory_space<vmem>>) dst(%dma_wait3A_170 : memref<10240x128xf32, #tpu.memory_space<vmem_shared>>)
      tpu.yield
    }) : () -> ()
    "tpu.region"() ({
      %run_scoped3A_158 = tpu.sem_alloc : memref<!tpu.dma_semaphore, #tpu.memory_space<semaphore_mem>>
      %dma_start3A_159 = arith.constant 0 : i32
      %dma_start3A_160 = arith.constant 0 : i32
      %dma_start3A_161 = tpu.memref_slice %arg4[%add3A, %dma_start3A_159, %dma_start3A_160] : memref<32x2x80xi32, #tpu.memory_space<hbm>> -> memref<1x2x80xi32, #tpu.memory_space<hbm>>
      %dma_start3A_162 = tpu.memref_squeeze %dma_start3A_161 : memref<1x2x80xi32, #tpu.memory_space<hbm>> -> memref<2x80xi32, #tpu.memory_space<hbm>>
      %dma_start3A_163 = arith.constant 0 : i32
      %dma_start3A_164 = arith.constant 0 : i32
      %dma_start3A_165 = tpu.memref_slice %arg4[%add3A, %dma_start3A_163, %dma_start3A_164] : memref<32x2x80xi32, #tpu.memory_space<hbm>> -> memref<1x2x80xi32, #tpu.memory_space<hbm>>
      %dma_start3A_166 = tpu.memref_squeeze %dma_start3A_165 : memref<1x2x80xi32, #tpu.memory_space<hbm>> -> memref<2x80xi32, #tpu.memory_space<hbm>>
      tpu.enqueue_dma source(%dma_start3A_166 : memref<2x80xi32, #tpu.memory_space<hbm>>) target(%arg6 : memref<2x80xi32, #tpu.memory_space<vmem>>) target_semaphore(%run_scoped3A_158 : memref<!tpu.dma_semaphore, #tpu.memory_space<semaphore_mem>>)
      %dma_wait3A_167 = arith.constant 0 : i32
      %dma_wait3A_168 = arith.constant 0 : i32
      %dma_wait3A_169 = tpu.memref_slice %arg4[%add3A, %dma_wait3A_167, %dma_wait3A_168] : memref<32x2x80xi32, #tpu.memory_space<hbm>> -> memref<1x2x80xi32, #tpu.memory_space<hbm>>
      %dma_wait3A_170 = tpu.memref_squeeze %dma_wait3A_169 : memref<1x2x80xi32, #tpu.memory_space<hbm>> -> memref<2x80xi32, #tpu.memory_space<hbm>>
      %dma_wait3A_171 = arith.constant 0 : i32
      %dma_wait3A_172 = arith.constant 0 : i32
      %dma_wait3A_173 = tpu.memref_slice %arg4[%add3A, %dma_wait3A_171, %dma_wait3A_172] : memref<32x2x80xi32, #tpu.memory_space<hbm>> -> memref<1x2x80xi32, #tpu.memory_space<hbm>>
      %dma_wait3A_174 = tpu.memref_squeeze %dma_wait3A_173 : memref<1x2x80xi32, #tpu.memory_space<hbm>> -> memref<2x80xi32, #tpu.memory_space<hbm>>
      tpu.wait_dma2 semaphore(%run_scoped3A_158 : memref<!tpu.dma_semaphore, #tpu.memory_space<semaphore_mem>>) src(%dma_wait3A_174 : memref<2x80xi32, #tpu.memory_space<hbm>>) dst(%arg6 : memref<2x80xi32, #tpu.memory_space<vmem>>)
      tpu.yield
    }) : () -> ()
    %dma_start3A_92 = arith.constant 0 : i32
    %dma_start3A_93 = arith.constant 0 : i32
    %dma_start3A_94 = tpu.memref_slice %arg6[%dma_start3A_92, %dma_start3A_93] : memref<2x80xi32, #tpu.memory_space<vmem>> -> memref<1x80xi32, #tpu.memory_space<vmem>>
    %dma_start3A_95 = tpu.memref_squeeze %dma_start3A_94 : memref<1x80xi32, #tpu.memory_space<vmem>> -> memref<80xi32, #tpu.memory_space<vmem>>
    %dma_start3A_96 = arith.constant 0 : i32
    %dma_start3A_97 = arith.constant 0 : i32
    %dma_start3A_98 = tpu.memref_slice %arg2[%dma_start3A_96, %dma_start3A_97] : memref<10000x128xf32, #tpu.memory_space<hbm>> -> memref<10000x128xf32, #tpu.memory_space<hbm>>
    tpu.enqueue_indirect_dma source(%dma_start3A_98 : memref<10000x128xf32, #tpu.memory_space<hbm>>) target(%arg9 : memref<80x128xf32, #tpu.memory_space<vmem>>) offsets(%dma_start3A_95 : memref<80xi32, #tpu.memory_space<vmem>>) semaphore(%arg13 : memref<!tpu.dma_semaphore, #tpu.memory_space<semaphore_mem>>)
    %dma_wait3A_99 = arith.constant 3 : i32
    %dma_wait3A_100 = arith.constant 0 : i32
    %dma_wait3A_101 = arith.constant 0 : i32
    %dma_wait3A_102 = tpu.memref_slice %arg7[%dma_wait3A_99, %dma_wait3A_100, %dma_wait3A_101] : memref<4x2x80xi32, #tpu.memory_space<vmem>> -> memref<1x1x80xi32, #tpu.memory_space<vmem>>
    %dma_wait3A_103 = tpu.memref_squeeze %dma_wait3A_102 : memref<1x1x80xi32, #tpu.memory_space<vmem>> -> memref<80xi32, #tpu.memory_space<vmem>>
    %dma_wait3A_104 = arith.constant 0 : i32
    %dma_wait3A_105 = arith.constant 0 : i32
    %dma_wait3A_106 = tpu.memref_slice %arg2[%dma_wait3A_104, %dma_wait3A_105] : memref<10000x128xf32, #tpu.memory_space<hbm>> -> memref<10000x128xf32, #tpu.memory_space<hbm>>
    tpu.wait_indirect_dma semaphore(%arg13 : memref<!tpu.dma_semaphore, #tpu.memory_space<semaphore_mem>>) src(%dma_wait3A_106 : memref<10000x128xf32, #tpu.memory_space<hbm>>) dst(%arg10 : memref<80x128xf32, #tpu.memory_space<vmem>>)
    %run_scoped3A_107 = arith.constant 3 : i32
    %run_scoped3A_108 = arith.constant 1 : i32
    "tpu.region"() ({
      %run_scoped3A_158 = tpu.sem_alloc : memref<!tpu.dma_semaphore, #tpu.memory_space<semaphore_mem>>
      %dma_start3A_159 = arith.constant 0 : i32
      %dma_start3A_160 = tpu.memref_slice %arg7[%run_scoped3A_107, %run_scoped3A_108, %dma_start3A_159] : memref<4x2x80xi32, #tpu.memory_space<vmem>> -> memref<1x1x80xi32, #tpu.memory_space<vmem>>
      %dma_start3A_161 = tpu.memref_squeeze %dma_start3A_160 : memref<1x1x80xi32, #tpu.memory_space<vmem>> -> memref<80xi32, #tpu.memory_space<vmem>>
      %dma_start3A_162 = arith.constant 0 : i32
      %dma_start3A_163 = arith.constant 0 : i32
      %dma_start3A_164 = tpu.memref_slice %arg12[%dma_start3A_162, %dma_start3A_163] : memref<10240x128xf32, #tpu.memory_space<vmem_shared>> -> memref<10240x128xf32, #tpu.memory_space<vmem_shared>>
      tpu.enqueue_indirect_dma source(%arg10 : memref<80x128xf32, #tpu.memory_space<vmem>>) target(%dma_start3A_164 : memref<10240x128xf32, #tpu.memory_space<vmem_shared>>) offsets(%dma_start3A_161 : memref<80xi32, #tpu.memory_space<vmem>>) semaphore(%run_scoped3A_158 : memref<!tpu.dma_semaphore, #tpu.memory_space<semaphore_mem>>) {add = true}
      %dma_wait3A_165 = arith.constant 0 : i32
      %dma_wait3A_166 = tpu.memref_slice %arg7[%run_scoped3A_107, %run_scoped3A_108, %dma_wait3A_165] : memref<4x2x80xi32, #tpu.memory_space<vmem>> -> memref<1x1x80xi32, #tpu.memory_space<vmem>>
      %dma_wait3A_167 = tpu.memref_squeeze %dma_wait3A_166 : memref<1x1x80xi32, #tpu.memory_space<vmem>> -> memref<80xi32, #tpu.memory_space<vmem>>
      %dma_wait3A_168 = arith.constant 0 : i32
      %dma_wait3A_169 = arith.constant 0 : i32
      %dma_wait3A_170 = tpu.memref_slice %arg12[%dma_wait3A_168, %dma_wait3A_169] : memref<10240x128xf32, #tpu.memory_space<vmem_shared>> -> memref<10240x128xf32, #tpu.memory_space<vmem_shared>>
      tpu.wait_indirect_dma semaphore(%run_scoped3A_158 : memref<!tpu.dma_semaphore, #tpu.memory_space<semaphore_mem>>) src(%arg10 : memref<80x128xf32, #tpu.memory_space<vmem>>) dst(%dma_wait3A_170 : memref<10240x128xf32, #tpu.memory_space<vmem_shared>>)
      tpu.yield
    }) : () -> ()
    %dma_wait3A_109 = arith.constant 0 : i32
    %dma_wait3A_110 = arith.constant 0 : i32
    %dma_wait3A_111 = tpu.memref_slice %arg6[%dma_wait3A_109, %dma_wait3A_110] : memref<2x80xi32, #tpu.memory_space<vmem>> -> memref<1x80xi32, #tpu.memory_space<vmem>>
    %dma_wait3A_112 = tpu.memref_squeeze %dma_wait3A_111 : memref<1x80xi32, #tpu.memory_space<vmem>> -> memref<80xi32, #tpu.memory_space<vmem>>
    %dma_wait3A_113 = arith.constant 0 : i32
    %dma_wait3A_114 = arith.constant 0 : i32
    %dma_wait3A_115 = tpu.memref_slice %arg2[%dma_wait3A_113, %dma_wait3A_114] : memref<10000x128xf32, #tpu.memory_space<hbm>> -> memref<10000x128xf32, #tpu.memory_space<hbm>>
    tpu.wait_indirect_dma semaphore(%arg13 : memref<!tpu.dma_semaphore, #tpu.memory_space<semaphore_mem>>) src(%dma_wait3A_115 : memref<10000x128xf32, #tpu.memory_space<hbm>>) dst(%arg9 : memref<80x128xf32, #tpu.memory_space<vmem>>)
    %run_scoped3A_116 = arith.constant 1 : i32
    "tpu.region"() ({
      %run_scoped3A_158 = tpu.sem_alloc : memref<!tpu.dma_semaphore, #tpu.memory_space<semaphore_mem>>
      %dma_start3A_159 = arith.constant 0 : i32
      %dma_start3A_160 = tpu.memref_slice %arg6[%run_scoped3A_116, %dma_start3A_159] : memref<2x80xi32, #tpu.memory_space<vmem>> -> memref<1x80xi32, #tpu.memory_space<vmem>>
      %dma_start3A_161 = tpu.memref_squeeze %dma_start3A_160 : memref<1x80xi32, #tpu.memory_space<vmem>> -> memref<80xi32, #tpu.memory_space<vmem>>
      %dma_start3A_162 = arith.constant 0 : i32
      %dma_start3A_163 = arith.constant 0 : i32
      %dma_start3A_164 = tpu.memref_slice %arg12[%dma_start3A_162, %dma_start3A_163] : memref<10240x128xf32, #tpu.memory_space<vmem_shared>> -> memref<10240x128xf32, #tpu.memory_space<vmem_shared>>
      tpu.enqueue_indirect_dma source(%arg9 : memref<80x128xf32, #tpu.memory_space<vmem>>) target(%dma_start3A_164 : memref<10240x128xf32, #tpu.memory_space<vmem_shared>>) offsets(%dma_start3A_161 : memref<80xi32, #tpu.memory_space<vmem>>) semaphore(%run_scoped3A_158 : memref<!tpu.dma_semaphore, #tpu.memory_space<semaphore_mem>>) {add = true}
      %dma_wait3A_165 = arith.constant 0 : i32
      %dma_wait3A_166 = tpu.memref_slice %arg6[%run_scoped3A_116, %dma_wait3A_165] : memref<2x80xi32, #tpu.memory_space<vmem>> -> memref<1x80xi32, #tpu.memory_space<vmem>>
      %dma_wait3A_167 = tpu.memref_squeeze %dma_wait3A_166 : memref<1x80xi32, #tpu.memory_space<vmem>> -> memref<80xi32, #tpu.memory_space<vmem>>
      %dma_wait3A_168 = arith.constant 0 : i32
      %dma_wait3A_169 = arith.constant 0 : i32
      %dma_wait3A_170 = tpu.memref_slice %arg12[%dma_wait3A_168, %dma_wait3A_169] : memref<10240x128xf32, #tpu.memory_space<vmem_shared>> -> memref<10240x128xf32, #tpu.memory_space<vmem_shared>>
      tpu.wait_indirect_dma semaphore(%run_scoped3A_158 : memref<!tpu.dma_semaphore, #tpu.memory_space<semaphore_mem>>) src(%arg9 : memref<80x128xf32, #tpu.memory_space<vmem>>) dst(%dma_wait3A_170 : memref<10240x128xf32, #tpu.memory_space<vmem_shared>>)
      tpu.yield
    }) : () -> ()
    %barrier3A_117 = arith.constant 0 : index
    tpu.barrier barrier_id(%barrier3A_117)
    %mul3A_118 = arith.constant 640 : i32
    %mul3A_119 = arith.muli %arg1, %mul3A_118 : i32
    %add3A_120 = arith.constant 0 : i32
    %add3A_121 = arith.addi %mul3A_119, %add3A_120 : i32
    "tpu.region"() ({
      %run_scoped3A_158 = tpu.sem_alloc : memref<!tpu.dma_semaphore, #tpu.memory_space<semaphore_mem>>
      %dma_start3A_159 = arith.constant 0 : i32
      %dma_start3A_160 = tpu.memref_slice %arg12[%add3A_121, %dma_start3A_159] : memref<10240x128xf32, #tpu.memory_space<vmem_shared>> -> memref<128x128xf32, #tpu.memory_space<vmem_shared>>
      %dma_start3A_161 = arith.constant 0 : i32
      %dma_start3A_162 = tpu.memref_slice %arg12[%add3A_121, %dma_start3A_161] : memref<10240x128xf32, #tpu.memory_space<vmem_shared>> -> memref<128x128xf32, #tpu.memory_space<vmem_shared>>
      tpu.enqueue_dma source(%dma_start3A_162 : memref<128x128xf32, #tpu.memory_space<vmem_shared>>) target(%arg11 : memref<128x128xf32, #tpu.memory_space<vmem>>) target_semaphore(%run_scoped3A_158 : memref<!tpu.dma_semaphore, #tpu.memory_space<semaphore_mem>>)
      %dma_wait3A_163 = arith.constant 0 : i32
      %dma_wait3A_164 = tpu.memref_slice %arg12[%add3A_121, %dma_wait3A_163] : memref<10240x128xf32, #tpu.memory_space<vmem_shared>> -> memref<128x128xf32, #tpu.memory_space<vmem_shared>>
      %dma_wait3A_165 = arith.constant 0 : i32
      %dma_wait3A_166 = tpu.memref_slice %arg12[%add3A_121, %dma_wait3A_165] : memref<10240x128xf32, #tpu.memory_space<vmem_shared>> -> memref<128x128xf32, #tpu.memory_space<vmem_shared>>
      tpu.wait_dma2 semaphore(%run_scoped3A_158 : memref<!tpu.dma_semaphore, #tpu.memory_space<semaphore_mem>>) src(%dma_wait3A_166 : memref<128x128xf32, #tpu.memory_space<vmem_shared>>) dst(%arg11 : memref<128x128xf32, #tpu.memory_space<vmem>>)
      tpu.yield
    }) : () -> ()
    %mul3A_122 = arith.constant 640 : i32
    %mul3A_123 = arith.muli %arg1, %mul3A_122 : i32
    %add3A_124 = arith.constant 0 : i32
    %add3A_125 = arith.addi %mul3A_123, %add3A_124 : i32
    "tpu.region"() ({
      %run_scoped3A_158 = tpu.sem_alloc : memref<!tpu.dma_semaphore, #tpu.memory_space<semaphore_mem>>
      %dma_start3A_159 = arith.constant 0 : i32
      %dma_start3A_160 = tpu.memref_slice %arg5[%arg0, %add3A_125, %dma_start3A_159] : memref<2x10240x128xf32, #tpu.memory_space<hbm>> -> memref<1x128x128xf32, #tpu.memory_space<hbm>>
      %dma_start3A_161 = tpu.memref_squeeze %dma_start3A_160 : memref<1x128x128xf32, #tpu.memory_space<hbm>> -> memref<128x128xf32, #tpu.memory_space<hbm>>
      %dma_start3A_162 = arith.constant 0 : i32
      %dma_start3A_163 = tpu.memref_slice %arg5[%arg0, %add3A_125, %dma_start3A_162] : memref<2x10240x128xf32, #tpu.memory_space<hbm>> -> memref<1x128x128xf32, #tpu.memory_space<hbm>>
      %dma_start3A_164 = tpu.memref_squeeze %dma_start3A_163 : memref<1x128x128xf32, #tpu.memory_space<hbm>> -> memref<128x128xf32, #tpu.memory_space<hbm>>
      tpu.enqueue_dma source(%arg11 : memref<128x128xf32, #tpu.memory_space<vmem>>) target(%dma_start3A_164 : memref<128x128xf32, #tpu.memory_space<hbm>>) target_semaphore(%run_scoped3A_158 : memref<!tpu.dma_semaphore, #tpu.memory_space<semaphore_mem>>)
      %dma_wait3A_165 = arith.constant 0 : i32
      %dma_wait3A_166 = tpu.memref_slice %arg5[%arg0, %add3A_125, %dma_wait3A_165] : memref<2x10240x128xf32, #tpu.memory_space<hbm>> -> memref<1x128x128xf32, #tpu.memory_space<hbm>>
      %dma_wait3A_167 = tpu.memref_squeeze %dma_wait3A_166 : memref<1x128x128xf32, #tpu.memory_space<hbm>> -> memref<128x128xf32, #tpu.memory_space<hbm>>
      %dma_wait3A_168 = arith.constant 0 : i32
      %dma_wait3A_169 = tpu.memref_slice %arg5[%arg0, %add3A_125, %dma_wait3A_168] : memref<2x10240x128xf32, #tpu.memory_space<hbm>> -> memref<1x128x128xf32, #tpu.memory_space<hbm>>
      %dma_wait3A_170 = tpu.memref_squeeze %dma_wait3A_169 : memref<1x128x128xf32, #tpu.memory_space<hbm>> -> memref<128x128xf32, #tpu.memory_space<hbm>>
      tpu.wait_dma2 semaphore(%run_scoped3A_158 : memref<!tpu.dma_semaphore, #tpu.memory_space<semaphore_mem>>) src(%arg11 : memref<128x128xf32, #tpu.memory_space<vmem>>) dst(%dma_wait3A_170 : memref<128x128xf32, #tpu.memory_space<hbm>>)
      tpu.yield
    }) : () -> ()
    %mul3A_126 = arith.constant 640 : i32
    %mul3A_127 = arith.muli %arg1, %mul3A_126 : i32
    %add3A_128 = arith.constant 128 : i32
    %add3A_129 = arith.addi %mul3A_127, %add3A_128 : i32
    "tpu.region"() ({
      %run_scoped3A_158 = tpu.sem_alloc : memref<!tpu.dma_semaphore, #tpu.memory_space<semaphore_mem>>
      %dma_start3A_159 = arith.constant 0 : i32
      %dma_start3A_160 = tpu.memref_slice %arg12[%add3A_129, %dma_start3A_159] : memref<10240x128xf32, #tpu.memory_space<vmem_shared>> -> memref<128x128xf32, #tpu.memory_space<vmem_shared>>
      %dma_start3A_161 = arith.constant 0 : i32
      %dma_start3A_162 = tpu.memref_slice %arg12[%add3A_129, %dma_start3A_161] : memref<10240x128xf32, #tpu.memory_space<vmem_shared>> -> memref<128x128xf32, #tpu.memory_space<vmem_shared>>
      tpu.enqueue_dma source(%dma_start3A_162 : memref<128x128xf32, #tpu.memory_space<vmem_shared>>) target(%arg11 : memref<128x128xf32, #tpu.memory_space<vmem>>) target_semaphore(%run_scoped3A_158 : memref<!tpu.dma_semaphore, #tpu.memory_space<semaphore_mem>>)
      %dma_wait3A_163 = arith.constant 0 : i32
      %dma_wait3A_164 = tpu.memref_slice %arg12[%add3A_129, %dma_wait3A_163] : memref<10240x128xf32, #tpu.memory_space<vmem_shared>> -> memref<128x128xf32, #tpu.memory_space<vmem_shared>>
      %dma_wait3A_165 = arith.constant 0 : i32
      %dma_wait3A_166 = tpu.memref_slice %arg12[%add3A_129, %dma_wait3A_165] : memref<10240x128xf32, #tpu.memory_space<vmem_shared>> -> memref<128x128xf32, #tpu.memory_space<vmem_shared>>
      tpu.wait_dma2 semaphore(%run_scoped3A_158 : memref<!tpu.dma_semaphore, #tpu.memory_space<semaphore_mem>>) src(%dma_wait3A_166 : memref<128x128xf32, #tpu.memory_space<vmem_shared>>) dst(%arg11 : memref<128x128xf32, #tpu.memory_space<vmem>>)
      tpu.yield
    }) : () -> ()
    %mul3A_130 = arith.constant 640 : i32
    %mul3A_131 = arith.muli %arg1, %mul3A_130 : i32
    %add3A_132 = arith.constant 128 : i32
    %add3A_133 = arith.addi %mul3A_131, %add3A_132 : i32
    "tpu.region"() ({
      %run_scoped3A_158 = tpu.sem_alloc : memref<!tpu.dma_semaphore, #tpu.memory_space<semaphore_mem>>
      %dma_start3A_159 = arith.constant 0 : i32
      %dma_start3A_160 = tpu.memref_slice %arg5[%arg0, %add3A_133, %dma_start3A_159] : memref<2x10240x128xf32, #tpu.memory_space<hbm>> -> memref<1x128x128xf32, #tpu.memory_space<hbm>>
      %dma_start3A_161 = tpu.memref_squeeze %dma_start3A_160 : memref<1x128x128xf32, #tpu.memory_space<hbm>> -> memref<128x128xf32, #tpu.memory_space<hbm>>
      %dma_start3A_162 = arith.constant 0 : i32
      %dma_start3A_163 = tpu.memref_slice %arg5[%arg0, %add3A_133, %dma_start3A_162] : memref<2x10240x128xf32, #tpu.memory_space<hbm>> -> memref<1x128x128xf32, #tpu.memory_space<hbm>>
      %dma_start3A_164 = tpu.memref_squeeze %dma_start3A_163 : memref<1x128x128xf32, #tpu.memory_space<hbm>> -> memref<128x128xf32, #tpu.memory_space<hbm>>
      tpu.enqueue_dma source(%arg11 : memref<128x128xf32, #tpu.memory_space<vmem>>) target(%dma_start3A_164 : memref<128x128xf32, #tpu.memory_space<hbm>>) target_semaphore(%run_scoped3A_158 : memref<!tpu.dma_semaphore, #tpu.memory_space<semaphore_mem>>)
      %dma_wait3A_165 = arith.constant 0 : i32
      %dma_wait3A_166 = tpu.memref_slice %arg5[%arg0, %add3A_133, %dma_wait3A_165] : memref<2x10240x128xf32, #tpu.memory_space<hbm>> -> memref<1x128x128xf32, #tpu.memory_space<hbm>>
      %dma_wait3A_167 = tpu.memref_squeeze %dma_wait3A_166 : memref<1x128x128xf32, #tpu.memory_space<hbm>> -> memref<128x128xf32, #tpu.memory_space<hbm>>
      %dma_wait3A_168 = arith.constant 0 : i32
      %dma_wait3A_169 = tpu.memref_slice %arg5[%arg0, %add3A_133, %dma_wait3A_168] : memref<2x10240x128xf32, #tpu.memory_space<hbm>> -> memref<1x128x128xf32, #tpu.memory_space<hbm>>
      %dma_wait3A_170 = tpu.memref_squeeze %dma_wait3A_169 : memref<1x128x128xf32, #tpu.memory_space<hbm>> -> memref<128x128xf32, #tpu.memory_space<hbm>>
      tpu.wait_dma2 semaphore(%run_scoped3A_158 : memref<!tpu.dma_semaphore, #tpu.memory_space<semaphore_mem>>) src(%arg11 : memref<128x128xf32, #tpu.memory_space<vmem>>) dst(%dma_wait3A_170 : memref<128x128xf32, #tpu.memory_space<hbm>>)
      tpu.yield
    }) : () -> ()
    %mul3A_134 = arith.constant 640 : i32
    %mul3A_135 = arith.muli %arg1, %mul3A_134 : i32
    %add3A_136 = arith.constant 256 : i32
    %add3A_137 = arith.addi %mul3A_135, %add3A_136 : i32
    "tpu.region"() ({
      %run_scoped3A_158 = tpu.sem_alloc : memref<!tpu.dma_semaphore, #tpu.memory_space<semaphore_mem>>
      %dma_start3A_159 = arith.constant 0 : i32
      %dma_start3A_160 = tpu.memref_slice %arg12[%add3A_137, %dma_start3A_159] : memref<10240x128xf32, #tpu.memory_space<vmem_shared>> -> memref<128x128xf32, #tpu.memory_space<vmem_shared>>
      %dma_start3A_161 = arith.constant 0 : i32
      %dma_start3A_162 = tpu.memref_slice %arg12[%add3A_137, %dma_start3A_161] : memref<10240x128xf32, #tpu.memory_space<vmem_shared>> -> memref<128x128xf32, #tpu.memory_space<vmem_shared>>
      tpu.enqueue_dma source(%dma_start3A_162 : memref<128x128xf32, #tpu.memory_space<vmem_shared>>) target(%arg11 : memref<128x128xf32, #tpu.memory_space<vmem>>) target_semaphore(%run_scoped3A_158 : memref<!tpu.dma_semaphore, #tpu.memory_space<semaphore_mem>>)
      %dma_wait3A_163 = arith.constant 0 : i32
      %dma_wait3A_164 = tpu.memref_slice %arg12[%add3A_137, %dma_wait3A_163] : memref<10240x128xf32, #tpu.memory_space<vmem_shared>> -> memref<128x128xf32, #tpu.memory_space<vmem_shared>>
      %dma_wait3A_165 = arith.constant 0 : i32
      %dma_wait3A_166 = tpu.memref_slice %arg12[%add3A_137, %dma_wait3A_165] : memref<10240x128xf32, #tpu.memory_space<vmem_shared>> -> memref<128x128xf32, #tpu.memory_space<vmem_shared>>
      tpu.wait_dma2 semaphore(%run_scoped3A_158 : memref<!tpu.dma_semaphore, #tpu.memory_space<semaphore_mem>>) src(%dma_wait3A_166 : memref<128x128xf32, #tpu.memory_space<vmem_shared>>) dst(%arg11 : memref<128x128xf32, #tpu.memory_space<vmem>>)
      tpu.yield
    }) : () -> ()
    %mul3A_138 = arith.constant 640 : i32
    %mul3A_139 = arith.muli %arg1, %mul3A_138 : i32
    %add3A_140 = arith.constant 256 : i32
    %add3A_141 = arith.addi %mul3A_139, %add3A_140 : i32
    "tpu.region"() ({
      %run_scoped3A_158 = tpu.sem_alloc : memref<!tpu.dma_semaphore, #tpu.memory_space<semaphore_mem>>
      %dma_start3A_159 = arith.constant 0 : i32
      %dma_start3A_160 = tpu.memref_slice %arg5[%arg0, %add3A_141, %dma_start3A_159] : memref<2x10240x128xf32, #tpu.memory_space<hbm>> -> memref<1x128x128xf32, #tpu.memory_space<hbm>>
      %dma_start3A_161 = tpu.memref_squeeze %dma_start3A_160 : memref<1x128x128xf32, #tpu.memory_space<hbm>> -> memref<128x128xf32, #tpu.memory_space<hbm>>
      %dma_start3A_162 = arith.constant 0 : i32
      %dma_start3A_163 = tpu.memref_slice %arg5[%arg0, %add3A_141, %dma_start3A_162] : memref<2x10240x128xf32, #tpu.memory_space<hbm>> -> memref<1x128x128xf32, #tpu.memory_space<hbm>>
      %dma_start3A_164 = tpu.memref_squeeze %dma_start3A_163 : memref<1x128x128xf32, #tpu.memory_space<hbm>> -> memref<128x128xf32, #tpu.memory_space<hbm>>
      tpu.enqueue_dma source(%arg11 : memref<128x128xf32, #tpu.memory_space<vmem>>) target(%dma_start3A_164 : memref<128x128xf32, #tpu.memory_space<hbm>>) target_semaphore(%run_scoped3A_158 : memref<!tpu.dma_semaphore, #tpu.memory_space<semaphore_mem>>)
      %dma_wait3A_165 = arith.constant 0 : i32
      %dma_wait3A_166 = tpu.memref_slice %arg5[%arg0, %add3A_141, %dma_wait3A_165] : memref<2x10240x128xf32, #tpu.memory_space<hbm>> -> memref<1x128x128xf32, #tpu.memory_space<hbm>>
      %dma_wait3A_167 = tpu.memref_squeeze %dma_wait3A_166 : memref<1x128x128xf32, #tpu.memory_space<hbm>> -> memref<128x128xf32, #tpu.memory_space<hbm>>
      %dma_wait3A_168 = arith.constant 0 : i32
      %dma_wait3A_169 = tpu.memref_slice %arg5[%arg0, %add3A_141, %dma_wait3A_168] : memref<2x10240x128xf32, #tpu.memory_space<hbm>> -> memref<1x128x128xf32, #tpu.memory_space<hbm>>
      %dma_wait3A_170 = tpu.memref_squeeze %dma_wait3A_169 : memref<1x128x128xf32, #tpu.memory_space<hbm>> -> memref<128x128xf32, #tpu.memory_space<hbm>>
      tpu.wait_dma2 semaphore(%run_scoped3A_158 : memref<!tpu.dma_semaphore, #tpu.memory_space<semaphore_mem>>) src(%arg11 : memref<128x128xf32, #tpu.memory_space<vmem>>) dst(%dma_wait3A_170 : memref<128x128xf32, #tpu.memory_space<hbm>>)
      tpu.yield
    }) : () -> ()
    %mul3A_142 = arith.constant 640 : i32
    %mul3A_143 = arith.muli %arg1, %mul3A_142 : i32
    %add3A_144 = arith.constant 384 : i32
    %add3A_145 = arith.addi %mul3A_143, %add3A_144 : i32
    "tpu.region"() ({
      %run_scoped3A_158 = tpu.sem_alloc : memref<!tpu.dma_semaphore, #tpu.memory_space<semaphore_mem>>
      %dma_start3A_159 = arith.constant 0 : i32
      %dma_start3A_160 = tpu.memref_slice %arg12[%add3A_145, %dma_start3A_159] : memref<10240x128xf32, #tpu.memory_space<vmem_shared>> -> memref<128x128xf32, #tpu.memory_space<vmem_shared>>
      %dma_start3A_161 = arith.constant 0 : i32
      %dma_start3A_162 = tpu.memref_slice %arg12[%add3A_145, %dma_start3A_161] : memref<10240x128xf32, #tpu.memory_space<vmem_shared>> -> memref<128x128xf32, #tpu.memory_space<vmem_shared>>
      tpu.enqueue_dma source(%dma_start3A_162 : memref<128x128xf32, #tpu.memory_space<vmem_shared>>) target(%arg11 : memref<128x128xf32, #tpu.memory_space<vmem>>) target_semaphore(%run_scoped3A_158 : memref<!tpu.dma_semaphore, #tpu.memory_space<semaphore_mem>>)
      %dma_wait3A_163 = arith.constant 0 : i32
      %dma_wait3A_164 = tpu.memref_slice %arg12[%add3A_145, %dma_wait3A_163] : memref<10240x128xf32, #tpu.memory_space<vmem_shared>> -> memref<128x128xf32, #tpu.memory_space<vmem_shared>>
      %dma_wait3A_165 = arith.constant 0 : i32
      %dma_wait3A_166 = tpu.memref_slice %arg12[%add3A_145, %dma_wait3A_165] : memref<10240x128xf32, #tpu.memory_space<vmem_shared>> -> memref<128x128xf32, #tpu.memory_space<vmem_shared>>
      tpu.wait_dma2 semaphore(%run_scoped3A_158 : memref<!tpu.dma_semaphore, #tpu.memory_space<semaphore_mem>>) src(%dma_wait3A_166 : memref<128x128xf32, #tpu.memory_space<vmem_shared>>) dst(%arg11 : memref<128x128xf32, #tpu.memory_space<vmem>>)
      tpu.yield
    }) : () -> ()
    %mul3A_146 = arith.constant 640 : i32
    %mul3A_147 = arith.muli %arg1, %mul3A_146 : i32
    %add3A_148 = arith.constant 384 : i32
    %add3A_149 = arith.addi %mul3A_147, %add3A_148 : i32
    "tpu.region"() ({
      %run_scoped3A_158 = tpu.sem_alloc : memref<!tpu.dma_semaphore, #tpu.memory_space<semaphore_mem>>
      %dma_start3A_159 = arith.constant 0 : i32
      %dma_start3A_160 = tpu.memref_slice %arg5[%arg0, %add3A_149, %dma_start3A_159] : memref<2x10240x128xf32, #tpu.memory_space<hbm>> -> memref<1x128x128xf32, #tpu.memory_space<hbm>>
      %dma_start3A_161 = tpu.memref_squeeze %dma_start3A_160 : memref<1x128x128xf32, #tpu.memory_space<hbm>> -> memref<128x128xf32, #tpu.memory_space<hbm>>
      %dma_start3A_162 = arith.constant 0 : i32
      %dma_start3A_163 = tpu.memref_slice %arg5[%arg0, %add3A_149, %dma_start3A_162] : memref<2x10240x128xf32, #tpu.memory_space<hbm>> -> memref<1x128x128xf32, #tpu.memory_space<hbm>>
      %dma_start3A_164 = tpu.memref_squeeze %dma_start3A_163 : memref<1x128x128xf32, #tpu.memory_space<hbm>> -> memref<128x128xf32, #tpu.memory_space<hbm>>
      tpu.enqueue_dma source(%arg11 : memref<128x128xf32, #tpu.memory_space<vmem>>) target(%dma_start3A_164 : memref<128x128xf32, #tpu.memory_space<hbm>>) target_semaphore(%run_scoped3A_158 : memref<!tpu.dma_semaphore, #tpu.memory_space<semaphore_mem>>)
      %dma_wait3A_165 = arith.constant 0 : i32
      %dma_wait3A_166 = tpu.memref_slice %arg5[%arg0, %add3A_149, %dma_wait3A_165] : memref<2x10240x128xf32, #tpu.memory_space<hbm>> -> memref<1x128x128xf32, #tpu.memory_space<hbm>>
      %dma_wait3A_167 = tpu.memref_squeeze %dma_wait3A_166 : memref<1x128x128xf32, #tpu.memory_space<hbm>> -> memref<128x128xf32, #tpu.memory_space<hbm>>
      %dma_wait3A_168 = arith.constant 0 : i32
      %dma_wait3A_169 = tpu.memref_slice %arg5[%arg0, %add3A_149, %dma_wait3A_168] : memref<2x10240x128xf32, #tpu.memory_space<hbm>> -> memref<1x128x128xf32, #tpu.memory_space<hbm>>
      %dma_wait3A_170 = tpu.memref_squeeze %dma_wait3A_169 : memref<1x128x128xf32, #tpu.memory_space<hbm>> -> memref<128x128xf32, #tpu.memory_space<hbm>>
      tpu.wait_dma2 semaphore(%run_scoped3A_158 : memref<!tpu.dma_semaphore, #tpu.memory_space<semaphore_mem>>) src(%arg11 : memref<128x128xf32, #tpu.memory_space<vmem>>) dst(%dma_wait3A_170 : memref<128x128xf32, #tpu.memory_space<hbm>>)
      tpu.yield
    }) : () -> ()
    %mul3A_150 = arith.constant 640 : i32
    %mul3A_151 = arith.muli %arg1, %mul3A_150 : i32
    %add3A_152 = arith.constant 512 : i32
    %add3A_153 = arith.addi %mul3A_151, %add3A_152 : i32
    "tpu.region"() ({
      %run_scoped3A_158 = tpu.sem_alloc : memref<!tpu.dma_semaphore, #tpu.memory_space<semaphore_mem>>
      %dma_start3A_159 = arith.constant 0 : i32
      %dma_start3A_160 = tpu.memref_slice %arg12[%add3A_153, %dma_start3A_159] : memref<10240x128xf32, #tpu.memory_space<vmem_shared>> -> memref<128x128xf32, #tpu.memory_space<vmem_shared>>
      %dma_start3A_161 = arith.constant 0 : i32
      %dma_start3A_162 = tpu.memref_slice %arg12[%add3A_153, %dma_start3A_161] : memref<10240x128xf32, #tpu.memory_space<vmem_shared>> -> memref<128x128xf32, #tpu.memory_space<vmem_shared>>
      tpu.enqueue_dma source(%dma_start3A_162 : memref<128x128xf32, #tpu.memory_space<vmem_shared>>) target(%arg11 : memref<128x128xf32, #tpu.memory_space<vmem>>) target_semaphore(%run_scoped3A_158 : memref<!tpu.dma_semaphore, #tpu.memory_space<semaphore_mem>>)
      %dma_wait3A_163 = arith.constant 0 : i32
      %dma_wait3A_164 = tpu.memref_slice %arg12[%add3A_153, %dma_wait3A_163] : memref<10240x128xf32, #tpu.memory_space<vmem_shared>> -> memref<128x128xf32, #tpu.memory_space<vmem_shared>>
      %dma_wait3A_165 = arith.constant 0 : i32
      %dma_wait3A_166 = tpu.memref_slice %arg12[%add3A_153, %dma_wait3A_165] : memref<10240x128xf32, #tpu.memory_space<vmem_shared>> -> memref<128x128xf32, #tpu.memory_space<vmem_shared>>
      tpu.wait_dma2 semaphore(%run_scoped3A_158 : memref<!tpu.dma_semaphore, #tpu.memory_space<semaphore_mem>>) src(%dma_wait3A_166 : memref<128x128xf32, #tpu.memory_space<vmem_shared>>) dst(%arg11 : memref<128x128xf32, #tpu.memory_space<vmem>>)
      tpu.yield
    }) : () -> ()
    %mul3A_154 = arith.constant 640 : i32
    %mul3A_155 = arith.muli %arg1, %mul3A_154 : i32
    %add3A_156 = arith.constant 512 : i32
    %add3A_157 = arith.addi %mul3A_155, %add3A_156 : i32
    "tpu.region"() ({
      %run_scoped3A_158 = tpu.sem_alloc : memref<!tpu.dma_semaphore, #tpu.memory_space<semaphore_mem>>
      %dma_start3A_159 = arith.constant 0 : i32
      %dma_start3A_160 = tpu.memref_slice %arg5[%arg0, %add3A_157, %dma_start3A_159] : memref<2x10240x128xf32, #tpu.memory_space<hbm>> -> memref<1x128x128xf32, #tpu.memory_space<hbm>>
      %dma_start3A_161 = tpu.memref_squeeze %dma_start3A_160 : memref<1x128x128xf32, #tpu.memory_space<hbm>> -> memref<128x128xf32, #tpu.memory_space<hbm>>
      %dma_start3A_162 = arith.constant 0 : i32
      %dma_start3A_163 = tpu.memref_slice %arg5[%arg0, %add3A_157, %dma_start3A_162] : memref<2x10240x128xf32, #tpu.memory_space<hbm>> -> memref<1x128x128xf32, #tpu.memory_space<hbm>>
      %dma_start3A_164 = tpu.memref_squeeze %dma_start3A_163 : memref<1x128x128xf32, #tpu.memory_space<hbm>> -> memref<128x128xf32, #tpu.memory_space<hbm>>
      tpu.enqueue_dma source(%arg11 : memref<128x128xf32, #tpu.memory_space<vmem>>) target(%dma_start3A_164 : memref<128x128xf32, #tpu.memory_space<hbm>>) target_semaphore(%run_scoped3A_158 : memref<!tpu.dma_semaphore, #tpu.memory_space<semaphore_mem>>)
      %dma_wait3A_165 = arith.constant 0 : i32
      %dma_wait3A_166 = tpu.memref_slice %arg5[%arg0, %add3A_157, %dma_wait3A_165] : memref<2x10240x128xf32, #tpu.memory_space<hbm>> -> memref<1x128x128xf32, #tpu.memory_space<hbm>>
      %dma_wait3A_167 = tpu.memref_squeeze %dma_wait3A_166 : memref<1x128x128xf32, #tpu.memory_space<hbm>> -> memref<128x128xf32, #tpu.memory_space<hbm>>
      %dma_wait3A_168 = arith.constant 0 : i32
      %dma_wait3A_169 = tpu.memref_slice %arg5[%arg0, %add3A_157, %dma_wait3A_168] : memref<2x10240x128xf32, #tpu.memory_space<hbm>> -> memref<1x128x128xf32, #tpu.memory_space<hbm>>
      %dma_wait3A_170 = tpu.memref_squeeze %dma_wait3A_169 : memref<1x128x128xf32, #tpu.memory_space<hbm>> -> memref<128x128xf32, #tpu.memory_space<hbm>>
      tpu.wait_dma2 semaphore(%run_scoped3A_158 : memref<!tpu.dma_semaphore, #tpu.memory_space<semaphore_mem>>) src(%arg11 : memref<128x128xf32, #tpu.memory_space<vmem>>) dst(%dma_wait3A_170 : memref<128x128xf32, #tpu.memory_space<hbm>>)
      tpu.yield
    }) : () -> ()
    return
  }
}

#map = affine_map<(d0, d1) -> (0, 0)>
#map1 = affine_map<(d0, d1) -> (0, 0, 0, 0, 0)>
#map2 = affine_map<(d0, d1) -> (0, 0, 0)>
module attributes {stable_mosaic.version = 14 : i64} {
  func.func @_sc_prop_body(%arg0: i32, %arg1: i32, %arg2: memref<10000x128xf32, #tpu.memory_space<hbm>>, %arg3: memref<32x31x4x2x80xi32, #tpu.memory_space<hbm>>, %arg4: memref<32x2x80xi32, #tpu.memory_space<hbm>>, %arg5: memref<2x10240x128xf32, #tpu.memory_space<hbm>>, %arg6: memref<2x80xi32, #tpu.memory_space<vmem>>, %arg7: memref<4x2x80xi32, #tpu.memory_space<vmem>>, %arg8: memref<4x2x80xi32, #tpu.memory_space<vmem>>, %arg9: memref<80x128xf32, #tpu.memory_space<vmem>>, %arg10: memref<80x128xf32, #tpu.memory_space<vmem>>, %arg11: memref<128x128xf32, #tpu.memory_space<vmem>>, %arg12: memref<10240x128xf32, #tpu.memory_space<vmem_shared>>, %arg13: memref<!tpu.dma_semaphore, #tpu.memory_space<semaphore_mem>>) attributes {dimension_semantics = [#tpu.dimension_semantics<core_parallel>, #tpu.dimension_semantics<subcore_parallel>], iteration_bounds = array<i64: 2, 16>, scalar_prefetch = 0 : i64, scratch_operands = 8 : i64, tpu.core_type = #tpu.core_type<sc_vector_subcore>, window_params = [{transform_indices = #map}, {transform_indices = #map1}, {transform_indices = #map2}, {transform_indices = #map2}]} {
    %mul3A = arith.constant 16 : i32
    %mul3A_0 = arith.muli %arg0, %mul3A : i32
    %add3A = arith.addi %mul3A_0, %arg1 : i32
    %scan3A = arith.constant 0 : i32
    %scan3A_1 = arith.constant 0 : i32
    %scan3A_2 = arith.constant 128 : i32
    %scan3A_3 = arith.addi %scan3A_1, %scan3A_2 : i32
    %scan3A_4 = arith.constant 1 : i32
    scf.for %scan3A_158 = %scan3A_1 to %scan3A_3 step %scan3A_4  : i32 {
      %broadcast_in_dim3A = arith.constant 0.000000e+00 : f32
      %broadcast_in_dim3A_159 = vector.broadcast %broadcast_in_dim3A : f32 to vector<16xf32>
      %swap3A = arith.index_cast %scan3A_158 : i32 to index
      %swap3A_160 = arith.constant 0 : index
      %swap3A_161 = tpu.vector_load %arg11[%swap3A, %swap3A_160] {strides = array<i32>} : memref<128x128xf32, #tpu.memory_space<vmem>>, vector<1x16xf32>,
      %swap3A_162 = vector.shape_cast %swap3A_161 : vector<1x16xf32> to vector<16xf32>
      %swap3A_163 = vector.shape_cast %broadcast_in_dim3A_159 : vector<16xf32> to vector<1x16xf32>
      tpu.vector_store %arg11[%swap3A, %swap3A_160], %swap3A_163 {strides = array<i32>} : memref<128x128xf32, #tpu.memory_space<vmem>>, vector<1x16xf32>,
      %broadcast_in_dim3A_164 = arith.constant 0.000000e+00 : f32
      %broadcast_in_dim3A_165 = vector.broadcast %broadcast_in_dim3A_164 : f32 to vector<16xf32>
      %swap3A_166 = arith.index_cast %scan3A_158 : i32 to index
      %swap3A_167 = arith.constant 16 : index
      %swap3A_168 = tpu.vector_load %arg11[%swap3A_166, %swap3A_167] {strides = array<i32>} : memref<128x128xf32, #tpu.memory_space<vmem>>, vector<1x16xf32>,
      %swap3A_169 = vector.shape_cast %swap3A_168 : vector<1x16xf32> to vector<16xf32>
      %swap3A_170 = vector.shape_cast %broadcast_in_dim3A_165 : vector<16xf32> to vector<1x16xf32>
      tpu.vector_store %arg11[%swap3A_166, %swap3A_167], %swap3A_170 {strides = array<i32>} : memref<128x128xf32, #tpu.memory_space<vmem>>, vector<1x16xf32>,
      %broadcast_in_dim3A_171 = arith.constant 0.000000e+00 : f32
      %broadcast_in_dim3A_172 = vector.broadcast %broadcast_in_dim3A_171 : f32 to vector<16xf32>
      %swap3A_173 = arith.index_cast %scan3A_158 : i32 to index
      %swap3A_174 = arith.constant 32 : index
      %swap3A_175 = tpu.vector_load %arg11[%swap3A_173, %swap3A_174] {strides = array<i32>} : memref<128x128xf32, #tpu.memory_space<vmem>>, vector<1x16xf32>,
      %swap3A_176 = vector.shape_cast %swap3A_175 : vector<1x16xf32> to vector<16xf32>
      %swap3A_177 = vector.shape_cast %broadcast_in_dim3A_172 : vector<16xf32> to vector<1x16xf32>
      tpu.vector_store %arg11[%swap3A_173, %swap3A_174], %swap3A_177 {strides = array<i32>} : memref<128x128xf32, #tpu.memory_space<vmem>>, vector<1x16xf32>,
      %broadcast_in_dim3A_178 = arith.constant 0.000000e+00 : f32
      %broadcast_in_dim3A_179 = vector.broadcast %broadcast_in_dim3A_178 : f32 to vector<16xf32>
      %swap3A_180 = arith.index_cast %scan3A_158 : i32 to index
      %swap3A_181 = arith.constant 48 : index
      %swap3A_182 = tpu.vector_load %arg11[%swap3A_180, %swap3A_181] {strides = array<i32>} : memref<128x128xf32, #tpu.memory_space<vmem>>, vector<1x16xf32>,
      %swap3A_183 = vector.shape_cast %swap3A_182 : vector<1x16xf32> to vector<16xf32>
      %swap3A_184 = vector.shape_cast %broadcast_in_dim3A_179 : vector<16xf32> to vector<1x16xf32>
      tpu.vector_store %arg11[%swap3A_180, %swap3A_181], %swap3A_184 {strides = array<i32>} : memref<128x128xf32, #tpu.memory_space<vmem>>, vector<1x16xf32>,
      %broadcast_in_dim3A_185 = arith.constant 0.000000e+00 : f32
      %broadcast_in_dim3A_186 = vector.broadcast %broadcast_in_dim3A_185 : f32 to vector<16xf32>
      %swap3A_187 = arith.index_cast %scan3A_158 : i32 to index
      %swap3A_188 = arith.constant 64 : index
      %swap3A_189 = tpu.vector_load %arg11[%swap3A_187, %swap3A_188] {strides = array<i32>} : memref<128x128xf32, #tpu.memory_space<vmem>>, vector<1x16xf32>,
      %swap3A_190 = vector.shape_cast %swap3A_189 : vector<1x16xf32> to vector<16xf32>
      %swap3A_191 = vector.shape_cast %broadcast_in_dim3A_186 : vector<16xf32> to vector<1x16xf32>
      tpu.vector_store %arg11[%swap3A_187, %swap3A_188], %swap3A_191 {strides = array<i32>} : memref<128x128xf32, #tpu.memory_space<vmem>>, vector<1x16xf32>,
      %broadcast_in_dim3A_192 = arith.constant 0.000000e+00 : f32
      %broadcast_in_dim3A_193 = vector.broadcast %broadcast_in_dim3A_192 : f32 to vector<16xf32>
      %swap3A_194 = arith.index_cast %scan3A_158 : i32 to index
      %swap3A_195 = arith.constant 80 : index
      %swap3A_196 = tpu.vector_load %arg11[%swap3A_194, %swap3A_195] {strides = array<i32>} : memref<128x128xf32, #tpu.memory_space<vmem>>, vector<1x16xf32>,
      %swap3A_197 = vector.shape_cast %swap3A_196 : vector<1x16xf32> to vector<16xf32>
      %swap3A_198 = vector.shape_cast %broadcast_in_dim3A_193 : vector<16xf32> to vector<1x16xf32>
      tpu.vector_store %arg11[%swap3A_194, %swap3A_195], %swap3A_198 {strides = array<i32>} : memref<128x128xf32, #tpu.memory_space<vmem>>, vector<1x16xf32>,
      %broadcast_in_dim3A_199 = arith.constant 0.000000e+00 : f32
      %broadcast_in_dim3A_200 = vector.broadcast %broadcast_in_dim3A_199 : f32 to vector<16xf32>
      %swap3A_201 = arith.index_cast %scan3A_158 : i32 to index
      %swap3A_202 = arith.constant 96 : index
      %swap3A_203 = tpu.vector_load %arg11[%swap3A_201, %swap3A_202] {strides = array<i32>} : memref<128x128xf32, #tpu.memory_space<vmem>>, vector<1x16xf32>,
      %swap3A_204 = vector.shape_cast %swap3A_203 : vector<1x16xf32> to vector<16xf32>
      %swap3A_205 = vector.shape_cast %broadcast_in_dim3A_200 : vector<16xf32> to vector<1x16xf32>
      tpu.vector_store %arg11[%swap3A_201, %swap3A_202], %swap3A_205 {strides = array<i32>} : memref<128x128xf32, #tpu.memory_space<vmem>>, vector<1x16xf32>,
      %broadcast_in_dim3A_206 = arith.constant 0.000000e+00 : f32
      %broadcast_in_dim3A_207 = vector.broadcast %broadcast_in_dim3A_206 : f32 to vector<16xf32>
      %swap3A_208 = arith.index_cast %scan3A_158 : i32 to index
      %swap3A_209 = arith.constant 112 : index
      %swap3A_210 = tpu.vector_load %arg11[%swap3A_208, %swap3A_209] {strides = array<i32>} : memref<128x128xf32, #tpu.memory_space<vmem>>, vector<1x16xf32>,
      %swap3A_211 = vector.shape_cast %swap3A_210 : vector<1x16xf32> to vector<16xf32>
      %swap3A_212 = vector.shape_cast %broadcast_in_dim3A_207 : vector<16xf32> to vector<1x16xf32>
      tpu.vector_store %arg11[%swap3A_208, %swap3A_209], %swap3A_212 {strides = array<i32>} : memref<128x128xf32, #tpu.memory_space<vmem>>, vector<1x16xf32>,
    }
    %scan3A_5 = arith.constant 128 : i32
    %mul3A_6 = arith.constant 640 : i32
    %mul3A_7 = arith.muli %arg1, %mul3A_6 : i32
    %add3A_8 = arith.constant 0 : i32
    %add3A_9 = arith.addi %mul3A_7, %add3A_8 : i32
    "tpu.region"() ({
      %run_scoped3A_158 = tpu.sem_alloc : memref<!tpu.dma_semaphore, #tpu.memory_space<semaphore_mem>>
      %dma_start3A_159 = arith.constant 0 : i32
      %dma_start3A_160 = tpu.memref_slice %arg12[%add3A_9, %dma_start3A_159] : memref<10240x128xf32, #tpu.memory_space<vmem_shared>> -> memref<128x128xf32, #tpu.memory_space<vmem_shared>>
      %dma_start3A_161 = arith.constant 0 : i32
      %dma_start3A_162 = tpu.memref_slice %arg12[%add3A_9, %dma_start3A_161] : memref<10240x128xf32, #tpu.memory_space<vmem_shared>> -> memref<128x128xf32, #tpu.memory_space<vmem_shared>>
      tpu.enqueue_dma source(%arg11 : memref<128x128xf32, #tpu.memory_space<vmem>>) target(%dma_start3A_162 : memref<128x128xf32, #tpu.memory_space<vmem_shared>>) target_semaphore(%run_scoped3A_158 : memref<!tpu.dma_semaphore, #tpu.memory_space<semaphore_mem>>)
      %dma_wait3A_163 = arith.constant 0 : i32
      %dma_wait3A_164 = tpu.memref_slice %arg12[%add3A_9, %dma_wait3A_163] : memref<10240x128xf32, #tpu.memory_space<vmem_shared>> -> memref<128x128xf32, #tpu.memory_space<vmem_shared>>
      %dma_wait3A_165 = arith.constant 0 : i32
      %dma_wait3A_166 = tpu.memref_slice %arg12[%add3A_9, %dma_wait3A_165] : memref<10240x128xf32, #tpu.memory_space<vmem_shared>> -> memref<128x128xf32, #tpu.memory_space<vmem_shared>>
      tpu.wait_dma2 semaphore(%run_scoped3A_158 : memref<!tpu.dma_semaphore, #tpu.memory_space<semaphore_mem>>) src(%arg11 : memref<128x128xf32, #tpu.memory_space<vmem>>) dst(%dma_wait3A_166 : memref<128x128xf32, #tpu.memory_space<vmem_shared>>)
      tpu.yield
    }) : () -> ()
    %mul3A_10 = arith.constant 640 : i32
    %mul3A_11 = arith.muli %arg1, %mul3A_10 : i32
    %add3A_12 = arith.constant 128 : i32
    %add3A_13 = arith.addi %mul3A_11, %add3A_12 : i32
    "tpu.region"() ({
      %run_scoped3A_158 = tpu.sem_alloc : memref<!tpu.dma_semaphore, #tpu.memory_space<semaphore_mem>>
      %dma_start3A_159 = arith.constant 0 : i32
      %dma_start3A_160 = tpu.memref_slice %arg12[%add3A_13, %dma_start3A_159] : memref<10240x128xf32, #tpu.memory_space<vmem_shared>> -> memref<128x128xf32, #tpu.memory_space<vmem_shared>>
      %dma_start3A_161 = arith.constant 0 : i32
      %dma_start3A_162 = tpu.memref_slice %arg12[%add3A_13, %dma_start3A_161] : memref<10240x128xf32, #tpu.memory_space<vmem_shared>> -> memref<128x128xf32, #tpu.memory_space<vmem_shared>>
      tpu.enqueue_dma source(%arg11 : memref<128x128xf32, #tpu.memory_space<vmem>>) target(%dma_start3A_162 : memref<128x128xf32, #tpu.memory_space<vmem_shared>>) target_semaphore(%run_scoped3A_158 : memref<!tpu.dma_semaphore, #tpu.memory_space<semaphore_mem>>)
      %dma_wait3A_163 = arith.constant 0 : i32
      %dma_wait3A_164 = tpu.memref_slice %arg12[%add3A_13, %dma_wait3A_163] : memref<10240x128xf32, #tpu.memory_space<vmem_shared>> -> memref<128x128xf32, #tpu.memory_space<vmem_shared>>
      %dma_wait3A_165 = arith.constant 0 : i32
      %dma_wait3A_166 = tpu.memref_slice %arg12[%add3A_13, %dma_wait3A_165] : memref<10240x128xf32, #tpu.memory_space<vmem_shared>> -> memref<128x128xf32, #tpu.memory_space<vmem_shared>>
      tpu.wait_dma2 semaphore(%run_scoped3A_158 : memref<!tpu.dma_semaphore, #tpu.memory_space<semaphore_mem>>) src(%arg11 : memref<128x128xf32, #tpu.memory_space<vmem>>) dst(%dma_wait3A_166 : memref<128x128xf32, #tpu.memory_space<vmem_shared>>)
      tpu.yield
    }) : () -> ()
    %mul3A_14 = arith.constant 640 : i32
    %mul3A_15 = arith.muli %arg1, %mul3A_14 : i32
    %add3A_16 = arith.constant 256 : i32
    %add3A_17 = arith.addi %mul3A_15, %add3A_16 : i32
    "tpu.region"() ({
      %run_scoped3A_158 = tpu.sem_alloc : memref<!tpu.dma_semaphore, #tpu.memory_space<semaphore_mem>>
      %dma_start3A_159 = arith.constant 0 : i32
      %dma_start3A_160 = tpu.memref_slice %arg12[%add3A_17, %dma_start3A_159] : memref<10240x128xf32, #tpu.memory_space<vmem_shared>> -> memref<128x128xf32, #tpu.memory_space<vmem_shared>>
      %dma_start3A_161 = arith.constant 0 : i32
      %dma_start3A_162 = tpu.memref_slice %arg12[%add3A_17, %dma_start3A_161] : memref<10240x128xf32, #tpu.memory_space<vmem_shared>> -> memref<128x128xf32, #tpu.memory_space<vmem_shared>>
      tpu.enqueue_dma source(%arg11 : memref<128x128xf32, #tpu.memory_space<vmem>>) target(%dma_start3A_162 : memref<128x128xf32, #tpu.memory_space<vmem_shared>>) target_semaphore(%run_scoped3A_158 : memref<!tpu.dma_semaphore, #tpu.memory_space<semaphore_mem>>)
      %dma_wait3A_163 = arith.constant 0 : i32
      %dma_wait3A_164 = tpu.memref_slice %arg12[%add3A_17, %dma_wait3A_163] : memref<10240x128xf32, #tpu.memory_space<vmem_shared>> -> memref<128x128xf32, #tpu.memory_space<vmem_shared>>
      %dma_wait3A_165 = arith.constant 0 : i32
      %dma_wait3A_166 = tpu.memref_slice %arg12[%add3A_17, %dma_wait3A_165] : memref<10240x128xf32, #tpu.memory_space<vmem_shared>> -> memref<128x128xf32, #tpu.memory_space<vmem_shared>>
      tpu.wait_dma2 semaphore(%run_scoped3A_158 : memref<!tpu.dma_semaphore, #tpu.memory_space<semaphore_mem>>) src(%arg11 : memref<128x128xf32, #tpu.memory_space<vmem>>) dst(%dma_wait3A_166 : memref<128x128xf32, #tpu.memory_space<vmem_shared>>)
      tpu.yield
    }) : () -> ()
    %mul3A_18 = arith.constant 640 : i32
    %mul3A_19 = arith.muli %arg1, %mul3A_18 : i32
    %add3A_20 = arith.constant 384 : i32
    %add3A_21 = arith.addi %mul3A_19, %add3A_20 : i32
    "tpu.region"() ({
      %run_scoped3A_158 = tpu.sem_alloc : memref<!tpu.dma_semaphore, #tpu.memory_space<semaphore_mem>>
      %dma_start3A_159 = arith.constant 0 : i32
      %dma_start3A_160 = tpu.memref_slice %arg12[%add3A_21, %dma_start3A_159] : memref<10240x128xf32, #tpu.memory_space<vmem_shared>> -> memref<128x128xf32, #tpu.memory_space<vmem_shared>>
      %dma_start3A_161 = arith.constant 0 : i32
      %dma_start3A_162 = tpu.memref_slice %arg12[%add3A_21, %dma_start3A_161] : memref<10240x128xf32, #tpu.memory_space<vmem_shared>> -> memref<128x128xf32, #tpu.memory_space<vmem_shared>>
      tpu.enqueue_dma source(%arg11 : memref<128x128xf32, #tpu.memory_space<vmem>>) target(%dma_start3A_162 : memref<128x128xf32, #tpu.memory_space<vmem_shared>>) target_semaphore(%run_scoped3A_158 : memref<!tpu.dma_semaphore, #tpu.memory_space<semaphore_mem>>)
      %dma_wait3A_163 = arith.constant 0 : i32
      %dma_wait3A_164 = tpu.memref_slice %arg12[%add3A_21, %dma_wait3A_163] : memref<10240x128xf32, #tpu.memory_space<vmem_shared>> -> memref<128x128xf32, #tpu.memory_space<vmem_shared>>
      %dma_wait3A_165 = arith.constant 0 : i32
      %dma_wait3A_166 = tpu.memref_slice %arg12[%add3A_21, %dma_wait3A_165] : memref<10240x128xf32, #tpu.memory_space<vmem_shared>> -> memref<128x128xf32, #tpu.memory_space<vmem_shared>>
      tpu.wait_dma2 semaphore(%run_scoped3A_158 : memref<!tpu.dma_semaphore, #tpu.memory_space<semaphore_mem>>) src(%arg11 : memref<128x128xf32, #tpu.memory_space<vmem>>) dst(%dma_wait3A_166 : memref<128x128xf32, #tpu.memory_space<vmem_shared>>)
      tpu.yield
    }) : () -> ()
    %mul3A_22 = arith.constant 640 : i32
    %mul3A_23 = arith.muli %arg1, %mul3A_22 : i32
    %add3A_24 = arith.constant 512 : i32
    %add3A_25 = arith.addi %mul3A_23, %add3A_24 : i32
    "tpu.region"() ({
      %run_scoped3A_158 = tpu.sem_alloc : memref<!tpu.dma_semaphore, #tpu.memory_space<semaphore_mem>>
      %dma_start3A_159 = arith.constant 0 : i32
      %dma_start3A_160 = tpu.memref_slice %arg12[%add3A_25, %dma_start3A_159] : memref<10240x128xf32, #tpu.memory_space<vmem_shared>> -> memref<128x128xf32, #tpu.memory_space<vmem_shared>>
      %dma_start3A_161 = arith.constant 0 : i32
      %dma_start3A_162 = tpu.memref_slice %arg12[%add3A_25, %dma_start3A_161] : memref<10240x128xf32, #tpu.memory_space<vmem_shared>> -> memref<128x128xf32, #tpu.memory_space<vmem_shared>>
      tpu.enqueue_dma source(%arg11 : memref<128x128xf32, #tpu.memory_space<vmem>>) target(%dma_start3A_162 : memref<128x128xf32, #tpu.memory_space<vmem_shared>>) target_semaphore(%run_scoped3A_158 : memref<!tpu.dma_semaphore, #tpu.memory_space<semaphore_mem>>)
      %dma_wait3A_163 = arith.constant 0 : i32
      %dma_wait3A_164 = tpu.memref_slice %arg12[%add3A_25, %dma_wait3A_163] : memref<10240x128xf32, #tpu.memory_space<vmem_shared>> -> memref<128x128xf32, #tpu.memory_space<vmem_shared>>
      %dma_wait3A_165 = arith.constant 0 : i32
      %dma_wait3A_166 = tpu.memref_slice %arg12[%add3A_25, %dma_wait3A_165] : memref<10240x128xf32, #tpu.memory_space<vmem_shared>> -> memref<128x128xf32, #tpu.memory_space<vmem_shared>>
      tpu.wait_dma2 semaphore(%run_scoped3A_158 : memref<!tpu.dma_semaphore, #tpu.memory_space<semaphore_mem>>) src(%arg11 : memref<128x128xf32, #tpu.memory_space<vmem>>) dst(%dma_wait3A_166 : memref<128x128xf32, #tpu.memory_space<vmem_shared>>)
      tpu.yield
    }) : () -> ()
    %barrier3A = arith.constant 0 : index
    tpu.barrier barrier_id(%barrier3A)
    %run_scoped3A = arith.constant 0 : i32
    "tpu.region"() ({
      %run_scoped3A_158 = tpu.sem_alloc : memref<!tpu.dma_semaphore, #tpu.memory_space<semaphore_mem>>
      %dma_start3A_159 = arith.constant 0 : i32
      %dma_start3A_160 = arith.constant 0 : i32
      %dma_start3A_161 = arith.constant 0 : i32
      %dma_start3A_162 = tpu.memref_slice %arg3[%add3A, %run_scoped3A, %dma_start3A_159, %dma_start3A_160, %dma_start3A_161] : memref<32x31x4x2x80xi32, #tpu.memory_space<hbm>> -> memref<1x1x4x2x80xi32, #tpu.memory_space<hbm>>
      %dma_start3A_163 = tpu.memref_squeeze %dma_start3A_162 : memref<1x1x4x2x80xi32, #tpu.memory_space<hbm>> -> memref<4x2x80xi32, #tpu.memory_space<hbm>>
      %dma_start3A_164 = arith.constant 0 : i32
      %dma_start3A_165 = arith.constant 0 : i32
      %dma_start3A_166 = arith.constant 0 : i32
      %dma_start3A_167 = tpu.memref_slice %arg3[%add3A, %run_scoped3A, %dma_start3A_164, %dma_start3A_165, %dma_start3A_166] : memref<32x31x4x2x80xi32, #tpu.memory_space<hbm>> -> memref<1x1x4x2x80xi32, #tpu.memory_space<hbm>>
      %dma_start3A_168 = tpu.memref_squeeze %dma_start3A_167 : memref<1x1x4x2x80xi32, #tpu.memory_space<hbm>> -> memref<4x2x80xi32, #tpu.memory_space<hbm>>
      tpu.enqueue_dma source(%dma_start3A_168 : memref<4x2x80xi32, #tpu.memory_space<hbm>>) target(%arg7 : memref<4x2x80xi32, #tpu.memory_space<vmem>>) target_semaphore(%run_scoped3A_158 : memref<!tpu.dma_semaphore, #tpu.memory_space<semaphore_mem>>)
      %dma_wait3A_169 = arith.constant 0 : i32
      %dma_wait3A_170 = arith.constant 0 : i32
      %dma_wait3A_171 = arith.constant 0 : i32
      %dma_wait3A_172 = tpu.memref_slice %arg3[%add3A, %run_scoped3A, %dma_wait3A_169, %dma_wait3A_170, %dma_wait3A_171] : memref<32x31x4x2x80xi32, #tpu.memory_space<hbm>> -> memref<1x1x4x2x80xi32, #tpu.memory_space<hbm>>
      %dma_wait3A_173 = tpu.memref_squeeze %dma_wait3A_172 : memref<1x1x4x2x80xi32, #tpu.memory_space<hbm>> -> memref<4x2x80xi32, #tpu.memory_space<hbm>>
      %dma_wait3A_174 = arith.constant 0 : i32
      %dma_wait3A_175 = arith.constant 0 : i32
      %dma_wait3A_176 = arith.constant 0 : i32
      %dma_wait3A_177 = tpu.memref_slice %arg3[%add3A, %run_scoped3A, %dma_wait3A_174, %dma_wait3A_175, %dma_wait3A_176] : memref<32x31x4x2x80xi32, #tpu.memory_space<hbm>> -> memref<1x1x4x2x80xi32, #tpu.memory_space<hbm>>
      %dma_wait3A_178 = tpu.memref_squeeze %dma_wait3A_177 : memref<1x1x4x2x80xi32, #tpu.memory_space<hbm>> -> memref<4x2x80xi32, #tpu.memory_space<hbm>>
      tpu.wait_dma2 semaphore(%run_scoped3A_158 : memref<!tpu.dma_semaphore, #tpu.memory_space<semaphore_mem>>) src(%dma_wait3A_178 : memref<4x2x80xi32, #tpu.memory_space<hbm>>) dst(%arg7 : memref<4x2x80xi32, #tpu.memory_space<vmem>>)
      tpu.yield
    }) : () -> ()
    %dma_start3A = arith.constant 0 : i32
    %dma_start3A_26 = arith.constant 0 : i32
    %dma_start3A_27 = arith.constant 0 : i32
    %dma_start3A_28 = tpu.memref_slice %arg7[%dma_start3A, %dma_start3A_26, %dma_start3A_27] : memref<4x2x80xi32, #tpu.memory_space<vmem>> -> memref<1x1x80xi32, #tpu.memory_space<vmem>>
    %dma_start3A_29 = tpu.memref_squeeze %dma_start3A_28 : memref<1x1x80xi32, #tpu.memory_space<vmem>> -> memref<80xi32, #tpu.memory_space<vmem>>
    %dma_start3A_30 = arith.constant 0 : i32
    %dma_start3A_31 = arith.constant 0 : i32
    %dma_start3A_32 = tpu.memref_slice %arg2[%dma_start3A_30, %dma_start3A_31] : memref<10000x128xf32, #tpu.memory_space<hbm>> -> memref<10000x128xf32, #tpu.memory_space<hbm>>
    tpu.enqueue_indirect_dma source(%dma_start3A_32 : memref<10000x128xf32, #tpu.memory_space<hbm>>) target(%arg9 : memref<80x128xf32, #tpu.memory_space<vmem>>) offsets(%dma_start3A_29 : memref<80xi32, #tpu.memory_space<vmem>>) semaphore(%arg13 : memref<!tpu.dma_semaphore, #tpu.memory_space<semaphore_mem>>)
    %scan3A_33 = arith.constant 0 : i32
    %scan3A_34 = arith.constant 0 : i32
    %scan3A_35 = arith.constant 15 : i32
    %scan3A_36 = arith.addi %scan3A_34, %scan3A_35 : i32
    %scan3A_37 = arith.constant 1 : i32
    scf.for %scan3A_158 = %scan3A_34 to %scan3A_36 step %scan3A_37  : i32 {
      %mul3A_159 = arith.constant 2 : i32
      %mul3A_160 = arith.muli %mul3A_159, %scan3A_158 : i32
      %add3A_161 = arith.constant 1 : i32
      %add3A_162 = arith.addi %mul3A_160, %add3A_161 : i32
      %dma_start3A_163 = arith.constant 1 : i32
      %dma_start3A_164 = arith.constant 0 : i32
      %dma_start3A_165 = arith.constant 0 : i32
      %dma_start3A_166 = tpu.memref_slice %arg7[%dma_start3A_163, %dma_start3A_164, %dma_start3A_165] : memref<4x2x80xi32, #tpu.memory_space<vmem>> -> memref<1x1x80xi32, #tpu.memory_space<vmem>>
      %dma_start3A_167 = tpu.memref_squeeze %dma_start3A_166 : memref<1x1x80xi32, #tpu.memory_space<vmem>> -> memref<80xi32, #tpu.memory_space<vmem>>
      %dma_start3A_168 = arith.constant 0 : i32
      %dma_start3A_169 = arith.constant 0 : i32
      %dma_start3A_170 = tpu.memref_slice %arg2[%dma_start3A_168, %dma_start3A_169] : memref<10000x128xf32, #tpu.memory_space<hbm>> -> memref<10000x128xf32, #tpu.memory_space<hbm>>
      tpu.enqueue_indirect_dma source(%dma_start3A_170 : memref<10000x128xf32, #tpu.memory_space<hbm>>) target(%arg10 : memref<80x128xf32, #tpu.memory_space<vmem>>) offsets(%dma_start3A_167 : memref<80xi32, #tpu.memory_space<vmem>>) semaphore(%arg13 : memref<!tpu.dma_semaphore, #tpu.memory_space<semaphore_mem>>)
      %dma_wait3A_171 = arith.constant 0 : i32
      %dma_wait3A_172 = arith.constant 0 : i32
      %dma_wait3A_173 = arith.constant 0 : i32
      %dma_wait3A_174 = tpu.memref_slice %arg7[%dma_wait3A_171, %dma_wait3A_172, %dma_wait3A_173] : memref<4x2x80xi32, #tpu.memory_space<vmem>> -> memref<1x1x80xi32, #tpu.memory_space<vmem>>
      %dma_wait3A_175 = tpu.memref_squeeze %dma_wait3A_174 : memref<1x1x80xi32, #tpu.memory_space<vmem>> -> memref<80xi32, #tpu.memory_space<vmem>>
      %dma_wait3A_176 = arith.constant 0 : i32
      %dma_wait3A_177 = arith.constant 0 : i32
      %dma_wait3A_178 = tpu.memref_slice %arg2[%dma_wait3A_176, %dma_wait3A_177] : memref<10000x128xf32, #tpu.memory_space<hbm>> -> memref<10000x128xf32, #tpu.memory_space<hbm>>
      tpu.wait_indirect_dma semaphore(%arg13 : memref<!tpu.dma_semaphore, #tpu.memory_space<semaphore_mem>>) src(%dma_wait3A_178 : memref<10000x128xf32, #tpu.memory_space<hbm>>) dst(%arg9 : memref<80x128xf32, #tpu.memory_space<vmem>>)
      %run_scoped3A_179 = arith.constant 0 : i32
      %run_scoped3A_180 = arith.constant 1 : i32
      "tpu.region"() ({
        %run_scoped3A_311 = tpu.sem_alloc : memref<!tpu.dma_semaphore, #tpu.memory_space<semaphore_mem>>
        %dma_start3A_312 = arith.constant 0 : i32
        %dma_start3A_313 = tpu.memref_slice %arg7[%run_scoped3A_179, %run_scoped3A_180, %dma_start3A_312] : memref<4x2x80xi32, #tpu.memory_space<vmem>> -> memref<1x1x80xi32, #tpu.memory_space<vmem>>
        %dma_start3A_314 = tpu.memref_squeeze %dma_start3A_313 : memref<1x1x80xi32, #tpu.memory_space<vmem>> -> memref<80xi32, #tpu.memory_space<vmem>>
        %dma_start3A_315 = arith.constant 0 : i32
        %dma_start3A_316 = arith.constant 0 : i32
        %dma_start3A_317 = tpu.memref_slice %arg12[%dma_start3A_315, %dma_start3A_316] : memref<10240x128xf32, #tpu.memory_space<vmem_shared>> -> memref<10240x128xf32, #tpu.memory_space<vmem_shared>>
        tpu.enqueue_indirect_dma source(%arg9 : memref<80x128xf32, #tpu.memory_space<vmem>>) target(%dma_start3A_317 : memref<10240x128xf32, #tpu.memory_space<vmem_shared>>) offsets(%dma_start3A_314 : memref<80xi32, #tpu.memory_space<vmem>>) semaphore(%run_scoped3A_311 : memref<!tpu.dma_semaphore, #tpu.memory_space<semaphore_mem>>) {add = true}
        %dma_wait3A_318 = arith.constant 0 : i32
        %dma_wait3A_319 = tpu.memref_slice %arg7[%run_scoped3A_179, %run_scoped3A_180, %dma_wait3A_318] : memref<4x2x80xi32, #tpu.memory_space<vmem>> -> memref<1x1x80xi32, #tpu.memory_space<vmem>>
        %dma_wait3A_320 = tpu.memref_squeeze %dma_wait3A_319 : memref<1x1x80xi32, #tpu.memory_space<vmem>> -> memref<80xi32, #tpu.memory_space<vmem>>
        %dma_wait3A_321 = arith.constant 0 : i32
        %dma_wait3A_322 = arith.constant 0 : i32
        %dma_wait3A_323 = tpu.memref_slice %arg12[%dma_wait3A_321, %dma_wait3A_322] : memref<10240x128xf32, #tpu.memory_space<vmem_shared>> -> memref<10240x128xf32, #tpu.memory_space<vmem_shared>>
        tpu.wait_indirect_dma semaphore(%run_scoped3A_311 : memref<!tpu.dma_semaphore, #tpu.memory_space<semaphore_mem>>) src(%arg9 : memref<80x128xf32, #tpu.memory_space<vmem>>) dst(%dma_wait3A_323 : memref<10240x128xf32, #tpu.memory_space<vmem_shared>>)
        tpu.yield
      }) : () -> ()
      %dma_start3A_181 = arith.constant 2 : i32
      %dma_start3A_182 = arith.constant 0 : i32
      %dma_start3A_183 = arith.constant 0 : i32
      %dma_start3A_184 = tpu.memref_slice %arg7[%dma_start3A_181, %dma_start3A_182, %dma_start3A_183] : memref<4x2x80xi32, #tpu.memory_space<vmem>> -> memref<1x1x80xi32, #tpu.memory_space<vmem>>
      %dma_start3A_185 = tpu.memref_squeeze %dma_start3A_184 : memref<1x1x80xi32, #tpu.memory_space<vmem>> -> memref<80xi32, #tpu.memory_space<vmem>>
      %dma_start3A_186 = arith.constant 0 : i32
      %dma_start3A_187 = arith.constant 0 : i32
      %dma_start3A_188 = tpu.memref_slice %arg2[%dma_start3A_186, %dma_start3A_187] : memref<10000x128xf32, #tpu.memory_space<hbm>> -> memref<10000x128xf32, #tpu.memory_space<hbm>>
      tpu.enqueue_indirect_dma source(%dma_start3A_188 : memref<10000x128xf32, #tpu.memory_space<hbm>>) target(%arg9 : memref<80x128xf32, #tpu.memory_space<vmem>>) offsets(%dma_start3A_185 : memref<80xi32, #tpu.memory_space<vmem>>) semaphore(%arg13 : memref<!tpu.dma_semaphore, #tpu.memory_space<semaphore_mem>>)
      %dma_wait3A_189 = arith.constant 1 : i32
      %dma_wait3A_190 = arith.constant 0 : i32
      %dma_wait3A_191 = arith.constant 0 : i32
      %dma_wait3A_192 = tpu.memref_slice %arg7[%dma_wait3A_189, %dma_wait3A_190, %dma_wait3A_191] : memref<4x2x80xi32, #tpu.memory_space<vmem>> -> memref<1x1x80xi32, #tpu.memory_space<vmem>>
      %dma_wait3A_193 = tpu.memref_squeeze %dma_wait3A_192 : memref<1x1x80xi32, #tpu.memory_space<vmem>> -> memref<80xi32, #tpu.memory_space<vmem>>
      %dma_wait3A_194 = arith.constant 0 : i32
      %dma_wait3A_195 = arith.constant 0 : i32
      %dma_wait3A_196 = tpu.memref_slice %arg2[%dma_wait3A_194, %dma_wait3A_195] : memref<10000x128xf32, #tpu.memory_space<hbm>> -> memref<10000x128xf32, #tpu.memory_space<hbm>>
      tpu.wait_indirect_dma semaphore(%arg13 : memref<!tpu.dma_semaphore, #tpu.memory_space<semaphore_mem>>) src(%dma_wait3A_196 : memref<10000x128xf32, #tpu.memory_space<hbm>>) dst(%arg10 : memref<80x128xf32, #tpu.memory_space<vmem>>)
      %run_scoped3A_197 = arith.constant 1 : i32
      %run_scoped3A_198 = arith.constant 1 : i32
      "tpu.region"() ({
        %run_scoped3A_311 = tpu.sem_alloc : memref<!tpu.dma_semaphore, #tpu.memory_space<semaphore_mem>>
        %dma_start3A_312 = arith.constant 0 : i32
        %dma_start3A_313 = tpu.memref_slice %arg7[%run_scoped3A_197, %run_scoped3A_198, %dma_start3A_312] : memref<4x2x80xi32, #tpu.memory_space<vmem>> -> memref<1x1x80xi32, #tpu.memory_space<vmem>>
        %dma_start3A_314 = tpu.memref_squeeze %dma_start3A_313 : memref<1x1x80xi32, #tpu.memory_space<vmem>> -> memref<80xi32, #tpu.memory_space<vmem>>
        %dma_start3A_315 = arith.constant 0 : i32
        %dma_start3A_316 = arith.constant 0 : i32
        %dma_start3A_317 = tpu.memref_slice %arg12[%dma_start3A_315, %dma_start3A_316] : memref<10240x128xf32, #tpu.memory_space<vmem_shared>> -> memref<10240x128xf32, #tpu.memory_space<vmem_shared>>
        tpu.enqueue_indirect_dma source(%arg10 : memref<80x128xf32, #tpu.memory_space<vmem>>) target(%dma_start3A_317 : memref<10240x128xf32, #tpu.memory_space<vmem_shared>>) offsets(%dma_start3A_314 : memref<80xi32, #tpu.memory_space<vmem>>) semaphore(%run_scoped3A_311 : memref<!tpu.dma_semaphore, #tpu.memory_space<semaphore_mem>>) {add = true}
        %dma_wait3A_318 = arith.constant 0 : i32
        %dma_wait3A_319 = tpu.memref_slice %arg7[%run_scoped3A_197, %run_scoped3A_198, %dma_wait3A_318] : memref<4x2x80xi32, #tpu.memory_space<vmem>> -> memref<1x1x80xi32, #tpu.memory_space<vmem>>
        %dma_wait3A_320 = tpu.memref_squeeze %dma_wait3A_319 : memref<1x1x80xi32, #tpu.memory_space<vmem>> -> memref<80xi32, #tpu.memory_space<vmem>>
        %dma_wait3A_321 = arith.constant 0 : i32
        %dma_wait3A_322 = arith.constant 0 : i32
        %dma_wait3A_323 = tpu.memref_slice %arg12[%dma_wait3A_321, %dma_wait3A_322] : memref<10240x128xf32, #tpu.memory_space<vmem_shared>> -> memref<10240x128xf32, #tpu.memory_space<vmem_shared>>
        tpu.wait_indirect_dma semaphore(%run_scoped3A_311 : memref<!tpu.dma_semaphore, #tpu.memory_space<semaphore_mem>>) src(%arg10 : memref<80x128xf32, #tpu.memory_space<vmem>>) dst(%dma_wait3A_323 : memref<10240x128xf32, #tpu.memory_space<vmem_shared>>)
        tpu.yield
      }) : () -> ()
      %dma_start3A_199 = arith.constant 3 : i32
      %dma_start3A_200 = arith.constant 0 : i32
      %dma_start3A_201 = arith.constant 0 : i32
      %dma_start3A_202 = tpu.memref_slice %arg7[%dma_start3A_199, %dma_start3A_200, %dma_start3A_201] : memref<4x2x80xi32, #tpu.memory_space<vmem>> -> memref<1x1x80xi32, #tpu.memory_space<vmem>>
      %dma_start3A_203 = tpu.memref_squeeze %dma_start3A_202 : memref<1x1x80xi32, #tpu.memory_space<vmem>> -> memref<80xi32, #tpu.memory_space<vmem>>
      %dma_start3A_204 = arith.constant 0 : i32
      %dma_start3A_205 = arith.constant 0 : i32
      %dma_start3A_206 = tpu.memref_slice %arg2[%dma_start3A_204, %dma_start3A_205] : memref<10000x128xf32, #tpu.memory_space<hbm>> -> memref<10000x128xf32, #tpu.memory_space<hbm>>
      tpu.enqueue_indirect_dma source(%dma_start3A_206 : memref<10000x128xf32, #tpu.memory_space<hbm>>) target(%arg10 : memref<80x128xf32, #tpu.memory_space<vmem>>) offsets(%dma_start3A_203 : memref<80xi32, #tpu.memory_space<vmem>>) semaphore(%arg13 : memref<!tpu.dma_semaphore, #tpu.memory_space<semaphore_mem>>)
      %dma_wait3A_207 = arith.constant 2 : i32
      %dma_wait3A_208 = arith.constant 0 : i32
      %dma_wait3A_209 = arith.constant 0 : i32
      %dma_wait3A_210 = tpu.memref_slice %arg7[%dma_wait3A_207, %dma_wait3A_208, %dma_wait3A_209] : memref<4x2x80xi32, #tpu.memory_space<vmem>> -> memref<1x1x80xi32, #tpu.memory_space<vmem>>
      %dma_wait3A_211 = tpu.memref_squeeze %dma_wait3A_210 : memref<1x1x80xi32, #tpu.memory_space<vmem>> -> memref<80xi32, #tpu.memory_space<vmem>>
      %dma_wait3A_212 = arith.constant 0 : i32
      %dma_wait3A_213 = arith.constant 0 : i32
      %dma_wait3A_214 = tpu.memref_slice %arg2[%dma_wait3A_212, %dma_wait3A_213] : memref<10000x128xf32, #tpu.memory_space<hbm>> -> memref<10000x128xf32, #tpu.memory_space<hbm>>
      tpu.wait_indirect_dma semaphore(%arg13 : memref<!tpu.dma_semaphore, #tpu.memory_space<semaphore_mem>>) src(%dma_wait3A_214 : memref<10000x128xf32, #tpu.memory_space<hbm>>) dst(%arg9 : memref<80x128xf32, #tpu.memory_space<vmem>>)
      %run_scoped3A_215 = arith.constant 2 : i32
      %run_scoped3A_216 = arith.constant 1 : i32
      "tpu.region"() ({
        %run_scoped3A_311 = tpu.sem_alloc : memref<!tpu.dma_semaphore, #tpu.memory_space<semaphore_mem>>
        %dma_start3A_312 = arith.constant 0 : i32
        %dma_start3A_313 = tpu.memref_slice %arg7[%run_scoped3A_215, %run_scoped3A_216, %dma_start3A_312] : memref<4x2x80xi32, #tpu.memory_space<vmem>> -> memref<1x1x80xi32, #tpu.memory_space<vmem>>
        %dma_start3A_314 = tpu.memref_squeeze %dma_start3A_313 : memref<1x1x80xi32, #tpu.memory_space<vmem>> -> memref<80xi32, #tpu.memory_space<vmem>>
        %dma_start3A_315 = arith.constant 0 : i32
        %dma_start3A_316 = arith.constant 0 : i32
        %dma_start3A_317 = tpu.memref_slice %arg12[%dma_start3A_315, %dma_start3A_316] : memref<10240x128xf32, #tpu.memory_space<vmem_shared>> -> memref<10240x128xf32, #tpu.memory_space<vmem_shared>>
        tpu.enqueue_indirect_dma source(%arg9 : memref<80x128xf32, #tpu.memory_space<vmem>>) target(%dma_start3A_317 : memref<10240x128xf32, #tpu.memory_space<vmem_shared>>) offsets(%dma_start3A_314 : memref<80xi32, #tpu.memory_space<vmem>>) semaphore(%run_scoped3A_311 : memref<!tpu.dma_semaphore, #tpu.memory_space<semaphore_mem>>) {add = true}
        %dma_wait3A_318 = arith.constant 0 : i32
        %dma_wait3A_319 = tpu.memref_slice %arg7[%run_scoped3A_215, %run_scoped3A_216, %dma_wait3A_318] : memref<4x2x80xi32, #tpu.memory_space<vmem>> -> memref<1x1x80xi32, #tpu.memory_space<vmem>>
        %dma_wait3A_320 = tpu.memref_squeeze %dma_wait3A_319 : memref<1x1x80xi32, #tpu.memory_space<vmem>> -> memref<80xi32, #tpu.memory_space<vmem>>
        %dma_wait3A_321 = arith.constant 0 : i32
        %dma_wait3A_322 = arith.constant 0 : i32
        %dma_wait3A_323 = tpu.memref_slice %arg12[%dma_wait3A_321, %dma_wait3A_322] : memref<10240x128xf32, #tpu.memory_space<vmem_shared>> -> memref<10240x128xf32, #tpu.memory_space<vmem_shared>>
        tpu.wait_indirect_dma semaphore(%run_scoped3A_311 : memref<!tpu.dma_semaphore, #tpu.memory_space<semaphore_mem>>) src(%arg9 : memref<80x128xf32, #tpu.memory_space<vmem>>) dst(%dma_wait3A_323 : memref<10240x128xf32, #tpu.memory_space<vmem_shared>>)
        tpu.yield
      }) : () -> ()
      "tpu.region"() ({
        %run_scoped3A_311 = tpu.sem_alloc : memref<!tpu.dma_semaphore, #tpu.memory_space<semaphore_mem>>
        %dma_start3A_312 = arith.constant 0 : i32
        %dma_start3A_313 = arith.constant 0 : i32
        %dma_start3A_314 = arith.constant 0 : i32
        %dma_start3A_315 = tpu.memref_slice %arg3[%add3A, %add3A_162, %dma_start3A_312, %dma_start3A_313, %dma_start3A_314] : memref<32x31x4x2x80xi32, #tpu.memory_space<hbm>> -> memref<1x1x4x2x80xi32, #tpu.memory_space<hbm>>
        %dma_start3A_316 = tpu.memref_squeeze %dma_start3A_315 : memref<1x1x4x2x80xi32, #tpu.memory_space<hbm>> -> memref<4x2x80xi32, #tpu.memory_space<hbm>>
        %dma_start3A_317 = arith.constant 0 : i32
        %dma_start3A_318 = arith.constant 0 : i32
        %dma_start3A_319 = arith.constant 0 : i32
        %dma_start3A_320 = tpu.memref_slice %arg3[%add3A, %add3A_162, %dma_start3A_317, %dma_start3A_318, %dma_start3A_319] : memref<32x31x4x2x80xi32, #tpu.memory_space<hbm>> -> memref<1x1x4x2x80xi32, #tpu.memory_space<hbm>>
        %dma_start3A_321 = tpu.memref_squeeze %dma_start3A_320 : memref<1x1x4x2x80xi32, #tpu.memory_space<hbm>> -> memref<4x2x80xi32, #tpu.memory_space<hbm>>
        tpu.enqueue_dma source(%dma_start3A_321 : memref<4x2x80xi32, #tpu.memory_space<hbm>>) target(%arg8 : memref<4x2x80xi32, #tpu.memory_space<vmem>>) target_semaphore(%run_scoped3A_311 : memref<!tpu.dma_semaphore, #tpu.memory_space<semaphore_mem>>)
        %dma_wait3A_322 = arith.constant 0 : i32
        %dma_wait3A_323 = arith.constant 0 : i32
        %dma_wait3A_324 = arith.constant 0 : i32
        %dma_wait3A_325 = tpu.memref_slice %arg3[%add3A, %add3A_162, %dma_wait3A_322, %dma_wait3A_323, %dma_wait3A_324] : memref<32x31x4x2x80xi32, #tpu.memory_space<hbm>> -> memref<1x1x4x2x80xi32, #tpu.memory_space<hbm>>
        %dma_wait3A_326 = tpu.memref_squeeze %dma_wait3A_325 : memref<1x1x4x2x80xi32, #tpu.memory_space<hbm>> -> memref<4x2x80xi32, #tpu.memory_space<hbm>>
        %dma_wait3A_327 = arith.constant 0 : i32
        %dma_wait3A_328 = arith.constant 0 : i32
        %dma_wait3A_329 = arith.constant 0 : i32
        %dma_wait3A_330 = tpu.memref_slice %arg3[%add3A, %add3A_162, %dma_wait3A_327, %dma_wait3A_328, %dma_wait3A_329] : memref<32x31x4x2x80xi32, #tpu.memory_space<hbm>> -> memref<1x1x4x2x80xi32, #tpu.memory_space<hbm>>
        %dma_wait3A_331 = tpu.memref_squeeze %dma_wait3A_330 : memref<1x1x4x2x80xi32, #tpu.memory_space<hbm>> -> memref<4x2x80xi32, #tpu.memory_space<hbm>>
        tpu.wait_dma2 semaphore(%run_scoped3A_311 : memref<!tpu.dma_semaphore, #tpu.memory_space<semaphore_mem>>) src(%dma_wait3A_331 : memref<4x2x80xi32, #tpu.memory_space<hbm>>) dst(%arg8 : memref<4x2x80xi32, #tpu.memory_space<vmem>>)
        tpu.yield
      }) : () -> ()
      %dma_start3A_217 = arith.constant 0 : i32
      %dma_start3A_218 = arith.constant 0 : i32
      %dma_start3A_219 = arith.constant 0 : i32
      %dma_start3A_220 = tpu.memref_slice %arg8[%dma_start3A_217, %dma_start3A_218, %dma_start3A_219] : memref<4x2x80xi32, #tpu.memory_space<vmem>> -> memref<1x1x80xi32, #tpu.memory_space<vmem>>
      %dma_start3A_221 = tpu.memref_squeeze %dma_start3A_220 : memref<1x1x80xi32, #tpu.memory_space<vmem>> -> memref<80xi32, #tpu.memory_space<vmem>>
      %dma_start3A_222 = arith.constant 0 : i32
      %dma_start3A_223 = arith.constant 0 : i32
      %dma_start3A_224 = tpu.memref_slice %arg2[%dma_start3A_222, %dma_start3A_223] : memref<10000x128xf32, #tpu.memory_space<hbm>> -> memref<10000x128xf32, #tpu.memory_space<hbm>>
      tpu.enqueue_indirect_dma source(%dma_start3A_224 : memref<10000x128xf32, #tpu.memory_space<hbm>>) target(%arg9 : memref<80x128xf32, #tpu.memory_space<vmem>>) offsets(%dma_start3A_221 : memref<80xi32, #tpu.memory_space<vmem>>) semaphore(%arg13 : memref<!tpu.dma_semaphore, #tpu.memory_space<semaphore_mem>>)
      %dma_wait3A_225 = arith.constant 3 : i32
      %dma_wait3A_226 = arith.constant 0 : i32
      %dma_wait3A_227 = arith.constant 0 : i32
      %dma_wait3A_228 = tpu.memref_slice %arg7[%dma_wait3A_225, %dma_wait3A_226, %dma_wait3A_227] : memref<4x2x80xi32, #tpu.memory_space<vmem>> -> memref<1x1x80xi32, #tpu.memory_space<vmem>>
      %dma_wait3A_229 = tpu.memref_squeeze %dma_wait3A_228 : memref<1x1x80xi32, #tpu.memory_space<vmem>> -> memref<80xi32, #tpu.memory_space<vmem>>
      %dma_wait3A_230 = arith.constant 0 : i32
      %dma_wait3A_231 = arith.constant 0 : i32
      %dma_wait3A_232 = tpu.memref_slice %arg2[%dma_wait3A_230, %dma_wait3A_231] : memref<10000x128xf32, #tpu.memory_space<hbm>> -> memref<10000x128xf32, #tpu.memory_space<hbm>>
      tpu.wait_indirect_dma semaphore(%arg13 : memref<!tpu.dma_semaphore, #tpu.memory_space<semaphore_mem>>) src(%dma_wait3A_232 : memref<10000x128xf32, #tpu.memory_space<hbm>>) dst(%arg10 : memref<80x128xf32, #tpu.memory_space<vmem>>)
      %run_scoped3A_233 = arith.constant 3 : i32
      %run_scoped3A_234 = arith.constant 1 : i32
      "tpu.region"() ({
        %run_scoped3A_311 = tpu.sem_alloc : memref<!tpu.dma_semaphore, #tpu.memory_space<semaphore_mem>>
        %dma_start3A_312 = arith.constant 0 : i32
        %dma_start3A_313 = tpu.memref_slice %arg7[%run_scoped3A_233, %run_scoped3A_234, %dma_start3A_312] : memref<4x2x80xi32, #tpu.memory_space<vmem>> -> memref<1x1x80xi32, #tpu.memory_space<vmem>>
        %dma_start3A_314 = tpu.memref_squeeze %dma_start3A_313 : memref<1x1x80xi32, #tpu.memory_space<vmem>> -> memref<80xi32, #tpu.memory_space<vmem>>
        %dma_start3A_315 = arith.constant 0 : i32
        %dma_start3A_316 = arith.constant 0 : i32
        %dma_start3A_317 = tpu.memref_slice %arg12[%dma_start3A_315, %dma_start3A_316] : memref<10240x128xf32, #tpu.memory_space<vmem_shared>> -> memref<10240x128xf32, #tpu.memory_space<vmem_shared>>
        tpu.enqueue_indirect_dma source(%arg10 : memref<80x128xf32, #tpu.memory_space<vmem>>) target(%dma_start3A_317 : memref<10240x128xf32, #tpu.memory_space<vmem_shared>>) offsets(%dma_start3A_314 : memref<80xi32, #tpu.memory_space<vmem>>) semaphore(%run_scoped3A_311 : memref<!tpu.dma_semaphore, #tpu.memory_space<semaphore_mem>>) {add = true}
        %dma_wait3A_318 = arith.constant 0 : i32
        %dma_wait3A_319 = tpu.memref_slice %arg7[%run_scoped3A_233, %run_scoped3A_234, %dma_wait3A_318] : memref<4x2x80xi32, #tpu.memory_space<vmem>> -> memref<1x1x80xi32, #tpu.memory_space<vmem>>
        %dma_wait3A_320 = tpu.memref_squeeze %dma_wait3A_319 : memref<1x1x80xi32, #tpu.memory_space<vmem>> -> memref<80xi32, #tpu.memory_space<vmem>>
        %dma_wait3A_321 = arith.constant 0 : i32
        %dma_wait3A_322 = arith.constant 0 : i32
        %dma_wait3A_323 = tpu.memref_slice %arg12[%dma_wait3A_321, %dma_wait3A_322] : memref<10240x128xf32, #tpu.memory_space<vmem_shared>> -> memref<10240x128xf32, #tpu.memory_space<vmem_shared>>
        tpu.wait_indirect_dma semaphore(%run_scoped3A_311 : memref<!tpu.dma_semaphore, #tpu.memory_space<semaphore_mem>>) src(%arg10 : memref<80x128xf32, #tpu.memory_space<vmem>>) dst(%dma_wait3A_323 : memref<10240x128xf32, #tpu.memory_space<vmem_shared>>)
        tpu.yield
      }) : () -> ()
      %mul3A_235 = arith.constant 2 : i32
      %mul3A_236 = arith.muli %mul3A_235, %scan3A_158 : i32
      %add3A_237 = arith.constant 2 : i32
      %add3A_238 = arith.addi %mul3A_236, %add3A_237 : i32
      %dma_start3A_239 = arith.constant 1 : i32
      %dma_start3A_240 = arith.constant 0 : i32
      %dma_start3A_241 = arith.constant 0 : i32
      %dma_start3A_242 = tpu.memref_slice %arg8[%dma_start3A_239, %dma_start3A_240, %dma_start3A_241] : memref<4x2x80xi32, #tpu.memory_space<vmem>> -> memref<1x1x80xi32, #tpu.memory_space<vmem>>
      %dma_start3A_243 = tpu.memref_squeeze %dma_start3A_242 : memref<1x1x80xi32, #tpu.memory_space<vmem>> -> memref<80xi32, #tpu.memory_space<vmem>>
      %dma_start3A_244 = arith.constant 0 : i32
      %dma_start3A_245 = arith.constant 0 : i32
      %dma_start3A_246 = tpu.memref_slice %arg2[%dma_start3A_244, %dma_start3A_245] : memref<10000x128xf32, #tpu.memory_space<hbm>> -> memref<10000x128xf32, #tpu.memory_space<hbm>>
      tpu.enqueue_indirect_dma source(%dma_start3A_246 : memref<10000x128xf32, #tpu.memory_space<hbm>>) target(%arg10 : memref<80x128xf32, #tpu.memory_space<vmem>>) offsets(%dma_start3A_243 : memref<80xi32, #tpu.memory_space<vmem>>) semaphore(%arg13 : memref<!tpu.dma_semaphore, #tpu.memory_space<semaphore_mem>>)
      %dma_wait3A_247 = arith.constant 0 : i32
      %dma_wait3A_248 = arith.constant 0 : i32
      %dma_wait3A_249 = arith.constant 0 : i32
      %dma_wait3A_250 = tpu.memref_slice %arg8[%dma_wait3A_247, %dma_wait3A_248, %dma_wait3A_249] : memref<4x2x80xi32, #tpu.memory_space<vmem>> -> memref<1x1x80xi32, #tpu.memory_space<vmem>>
      %dma_wait3A_251 = tpu.memref_squeeze %dma_wait3A_250 : memref<1x1x80xi32, #tpu.memory_space<vmem>> -> memref<80xi32, #tpu.memory_space<vmem>>
      %dma_wait3A_252 = arith.constant 0 : i32
      %dma_wait3A_253 = arith.constant 0 : i32
      %dma_wait3A_254 = tpu.memref_slice %arg2[%dma_wait3A_252, %dma_wait3A_253] : memref<10000x128xf32, #tpu.memory_space<hbm>> -> memref<10000x128xf32, #tpu.memory_space<hbm>>
      tpu.wait_indirect_dma semaphore(%arg13 : memref<!tpu.dma_semaphore, #tpu.memory_space<semaphore_mem>>) src(%dma_wait3A_254 : memref<10000x128xf32, #tpu.memory_space<hbm>>) dst(%arg9 : memref<80x128xf32, #tpu.memory_space<vmem>>)
      %run_scoped3A_255 = arith.constant 0 : i32
      %run_scoped3A_256 = arith.constant 1 : i32
      "tpu.region"() ({
        %run_scoped3A_311 = tpu.sem_alloc : memref<!tpu.dma_semaphore, #tpu.memory_space<semaphore_mem>>
        %dma_start3A_312 = arith.constant 0 : i32
        %dma_start3A_313 = tpu.memref_slice %arg8[%run_scoped3A_255, %run_scoped3A_256, %dma_start3A_312] : memref<4x2x80xi32, #tpu.memory_space<vmem>> -> memref<1x1x80xi32, #tpu.memory_space<vmem>>
        %dma_start3A_314 = tpu.memref_squeeze %dma_start3A_313 : memref<1x1x80xi32, #tpu.memory_space<vmem>> -> memref<80xi32, #tpu.memory_space<vmem>>
        %dma_start3A_315 = arith.constant 0 : i32
        %dma_start3A_316 = arith.constant 0 : i32
        %dma_start3A_317 = tpu.memref_slice %arg12[%dma_start3A_315, %dma_start3A_316] : memref<10240x128xf32, #tpu.memory_space<vmem_shared>> -> memref<10240x128xf32, #tpu.memory_space<vmem_shared>>
        tpu.enqueue_indirect_dma source(%arg9 : memref<80x128xf32, #tpu.memory_space<vmem>>) target(%dma_start3A_317 : memref<10240x128xf32, #tpu.memory_space<vmem_shared>>) offsets(%dma_start3A_314 : memref<80xi32, #tpu.memory_space<vmem>>) semaphore(%run_scoped3A_311 : memref<!tpu.dma_semaphore, #tpu.memory_space<semaphore_mem>>) {add = true}
        %dma_wait3A_318 = arith.constant 0 : i32
        %dma_wait3A_319 = tpu.memref_slice %arg8[%run_scoped3A_255, %run_scoped3A_256, %dma_wait3A_318] : memref<4x2x80xi32, #tpu.memory_space<vmem>> -> memref<1x1x80xi32, #tpu.memory_space<vmem>>
        %dma_wait3A_320 = tpu.memref_squeeze %dma_wait3A_319 : memref<1x1x80xi32, #tpu.memory_space<vmem>> -> memref<80xi32, #tpu.memory_space<vmem>>
        %dma_wait3A_321 = arith.constant 0 : i32
        %dma_wait3A_322 = arith.constant 0 : i32
        %dma_wait3A_323 = tpu.memref_slice %arg12[%dma_wait3A_321, %dma_wait3A_322] : memref<10240x128xf32, #tpu.memory_space<vmem_shared>> -> memref<10240x128xf32, #tpu.memory_space<vmem_shared>>
        tpu.wait_indirect_dma semaphore(%run_scoped3A_311 : memref<!tpu.dma_semaphore, #tpu.memory_space<semaphore_mem>>) src(%arg9 : memref<80x128xf32, #tpu.memory_space<vmem>>) dst(%dma_wait3A_323 : memref<10240x128xf32, #tpu.memory_space<vmem_shared>>)
        tpu.yield
      }) : () -> ()
      %dma_start3A_257 = arith.constant 2 : i32
      %dma_start3A_258 = arith.constant 0 : i32
      %dma_start3A_259 = arith.constant 0 : i32
      %dma_start3A_260 = tpu.memref_slice %arg8[%dma_start3A_257, %dma_start3A_258, %dma_start3A_259] : memref<4x2x80xi32, #tpu.memory_space<vmem>> -> memref<1x1x80xi32, #tpu.memory_space<vmem>>
      %dma_start3A_261 = tpu.memref_squeeze %dma_start3A_260 : memref<1x1x80xi32, #tpu.memory_space<vmem>> -> memref<80xi32, #tpu.memory_space<vmem>>
      %dma_start3A_262 = arith.constant 0 : i32
      %dma_start3A_263 = arith.constant 0 : i32
      %dma_start3A_264 = tpu.memref_slice %arg2[%dma_start3A_262, %dma_start3A_263] : memref<10000x128xf32, #tpu.memory_space<hbm>> -> memref<10000x128xf32, #tpu.memory_space<hbm>>
      tpu.enqueue_indirect_dma source(%dma_start3A_264 : memref<10000x128xf32, #tpu.memory_space<hbm>>) target(%arg9 : memref<80x128xf32, #tpu.memory_space<vmem>>) offsets(%dma_start3A_261 : memref<80xi32, #tpu.memory_space<vmem>>) semaphore(%arg13 : memref<!tpu.dma_semaphore, #tpu.memory_space<semaphore_mem>>)
      %dma_wait3A_265 = arith.constant 1 : i32
      %dma_wait3A_266 = arith.constant 0 : i32
      %dma_wait3A_267 = arith.constant 0 : i32
      %dma_wait3A_268 = tpu.memref_slice %arg8[%dma_wait3A_265, %dma_wait3A_266, %dma_wait3A_267] : memref<4x2x80xi32, #tpu.memory_space<vmem>> -> memref<1x1x80xi32, #tpu.memory_space<vmem>>
      %dma_wait3A_269 = tpu.memref_squeeze %dma_wait3A_268 : memref<1x1x80xi32, #tpu.memory_space<vmem>> -> memref<80xi32, #tpu.memory_space<vmem>>
      %dma_wait3A_270 = arith.constant 0 : i32
      %dma_wait3A_271 = arith.constant 0 : i32
      %dma_wait3A_272 = tpu.memref_slice %arg2[%dma_wait3A_270, %dma_wait3A_271] : memref<10000x128xf32, #tpu.memory_space<hbm>> -> memref<10000x128xf32, #tpu.memory_space<hbm>>
      tpu.wait_indirect_dma semaphore(%arg13 : memref<!tpu.dma_semaphore, #tpu.memory_space<semaphore_mem>>) src(%dma_wait3A_272 : memref<10000x128xf32, #tpu.memory_space<hbm>>) dst(%arg10 : memref<80x128xf32, #tpu.memory_space<vmem>>)
      %run_scoped3A_273 = arith.constant 1 : i32
      %run_scoped3A_274 = arith.constant 1 : i32
      "tpu.region"() ({
        %run_scoped3A_311 = tpu.sem_alloc : memref<!tpu.dma_semaphore, #tpu.memory_space<semaphore_mem>>
        %dma_start3A_312 = arith.constant 0 : i32
        %dma_start3A_313 = tpu.memref_slice %arg8[%run_scoped3A_273, %run_scoped3A_274, %dma_start3A_312] : memref<4x2x80xi32, #tpu.memory_space<vmem>> -> memref<1x1x80xi32, #tpu.memory_space<vmem>>
        %dma_start3A_314 = tpu.memref_squeeze %dma_start3A_313 : memref<1x1x80xi32, #tpu.memory_space<vmem>> -> memref<80xi32, #tpu.memory_space<vmem>>
        %dma_start3A_315 = arith.constant 0 : i32
        %dma_start3A_316 = arith.constant 0 : i32
        %dma_start3A_317 = tpu.memref_slice %arg12[%dma_start3A_315, %dma_start3A_316] : memref<10240x128xf32, #tpu.memory_space<vmem_shared>> -> memref<10240x128xf32, #tpu.memory_space<vmem_shared>>
        tpu.enqueue_indirect_dma source(%arg10 : memref<80x128xf32, #tpu.memory_space<vmem>>) target(%dma_start3A_317 : memref<10240x128xf32, #tpu.memory_space<vmem_shared>>) offsets(%dma_start3A_314 : memref<80xi32, #tpu.memory_space<vmem>>) semaphore(%run_scoped3A_311 : memref<!tpu.dma_semaphore, #tpu.memory_space<semaphore_mem>>) {add = true}
        %dma_wait3A_318 = arith.constant 0 : i32
        %dma_wait3A_319 = tpu.memref_slice %arg8[%run_scoped3A_273, %run_scoped3A_274, %dma_wait3A_318] : memref<4x2x80xi32, #tpu.memory_space<vmem>> -> memref<1x1x80xi32, #tpu.memory_space<vmem>>
        %dma_wait3A_320 = tpu.memref_squeeze %dma_wait3A_319 : memref<1x1x80xi32, #tpu.memory_space<vmem>> -> memref<80xi32, #tpu.memory_space<vmem>>
        %dma_wait3A_321 = arith.constant 0 : i32
        %dma_wait3A_322 = arith.constant 0 : i32
        %dma_wait3A_323 = tpu.memref_slice %arg12[%dma_wait3A_321, %dma_wait3A_322] : memref<10240x128xf32, #tpu.memory_space<vmem_shared>> -> memref<10240x128xf32, #tpu.memory_space<vmem_shared>>
        tpu.wait_indirect_dma semaphore(%run_scoped3A_311 : memref<!tpu.dma_semaphore, #tpu.memory_space<semaphore_mem>>) src(%arg10 : memref<80x128xf32, #tpu.memory_space<vmem>>) dst(%dma_wait3A_323 : memref<10240x128xf32, #tpu.memory_space<vmem_shared>>)
        tpu.yield
      }) : () -> ()
      %dma_start3A_275 = arith.constant 3 : i32
      %dma_start3A_276 = arith.constant 0 : i32
      %dma_start3A_277 = arith.constant 0 : i32
      %dma_start3A_278 = tpu.memref_slice %arg8[%dma_start3A_275, %dma_start3A_276, %dma_start3A_277] : memref<4x2x80xi32, #tpu.memory_space<vmem>> -> memref<1x1x80xi32, #tpu.memory_space<vmem>>
      %dma_start3A_279 = tpu.memref_squeeze %dma_start3A_278 : memref<1x1x80xi32, #tpu.memory_space<vmem>> -> memref<80xi32, #tpu.memory_space<vmem>>
      %dma_start3A_280 = arith.constant 0 : i32
      %dma_start3A_281 = arith.constant 0 : i32
      %dma_start3A_282 = tpu.memref_slice %arg2[%dma_start3A_280, %dma_start3A_281] : memref<10000x128xf32, #tpu.memory_space<hbm>> -> memref<10000x128xf32, #tpu.memory_space<hbm>>
      tpu.enqueue_indirect_dma source(%dma_start3A_282 : memref<10000x128xf32, #tpu.memory_space<hbm>>) target(%arg10 : memref<80x128xf32, #tpu.memory_space<vmem>>) offsets(%dma_start3A_279 : memref<80xi32, #tpu.memory_space<vmem>>) semaphore(%arg13 : memref<!tpu.dma_semaphore, #tpu.memory_space<semaphore_mem>>)
      %dma_wait3A_283 = arith.constant 2 : i32
      %dma_wait3A_284 = arith.constant 0 : i32
      %dma_wait3A_285 = arith.constant 0 : i32
      %dma_wait3A_286 = tpu.memref_slice %arg8[%dma_wait3A_283, %dma_wait3A_284, %dma_wait3A_285] : memref<4x2x80xi32, #tpu.memory_space<vmem>> -> memref<1x1x80xi32, #tpu.memory_space<vmem>>
      %dma_wait3A_287 = tpu.memref_squeeze %dma_wait3A_286 : memref<1x1x80xi32, #tpu.memory_space<vmem>> -> memref<80xi32, #tpu.memory_space<vmem>>
      %dma_wait3A_288 = arith.constant 0 : i32
      %dma_wait3A_289 = arith.constant 0 : i32
      %dma_wait3A_290 = tpu.memref_slice %arg2[%dma_wait3A_288, %dma_wait3A_289] : memref<10000x128xf32, #tpu.memory_space<hbm>> -> memref<10000x128xf32, #tpu.memory_space<hbm>>
      tpu.wait_indirect_dma semaphore(%arg13 : memref<!tpu.dma_semaphore, #tpu.memory_space<semaphore_mem>>) src(%dma_wait3A_290 : memref<10000x128xf32, #tpu.memory_space<hbm>>) dst(%arg9 : memref<80x128xf32, #tpu.memory_space<vmem>>)
      %run_scoped3A_291 = arith.constant 2 : i32
      %run_scoped3A_292 = arith.constant 1 : i32
      "tpu.region"() ({
        %run_scoped3A_311 = tpu.sem_alloc : memref<!tpu.dma_semaphore, #tpu.memory_space<semaphore_mem>>
        %dma_start3A_312 = arith.constant 0 : i32
        %dma_start3A_313 = tpu.memref_slice %arg8[%run_scoped3A_291, %run_scoped3A_292, %dma_start3A_312] : memref<4x2x80xi32, #tpu.memory_space<vmem>> -> memref<1x1x80xi32, #tpu.memory_space<vmem>>
        %dma_start3A_314 = tpu.memref_squeeze %dma_start3A_313 : memref<1x1x80xi32, #tpu.memory_space<vmem>> -> memref<80xi32, #tpu.memory_space<vmem>>
        %dma_start3A_315 = arith.constant 0 : i32
        %dma_start3A_316 = arith.constant 0 : i32
        %dma_start3A_317 = tpu.memref_slice %arg12[%dma_start3A_315, %dma_start3A_316] : memref<10240x128xf32, #tpu.memory_space<vmem_shared>> -> memref<10240x128xf32, #tpu.memory_space<vmem_shared>>
        tpu.enqueue_indirect_dma source(%arg9 : memref<80x128xf32, #tpu.memory_space<vmem>>) target(%dma_start3A_317 : memref<10240x128xf32, #tpu.memory_space<vmem_shared>>) offsets(%dma_start3A_314 : memref<80xi32, #tpu.memory_space<vmem>>) semaphore(%run_scoped3A_311 : memref<!tpu.dma_semaphore, #tpu.memory_space<semaphore_mem>>) {add = true}
        %dma_wait3A_318 = arith.constant 0 : i32
        %dma_wait3A_319 = tpu.memref_slice %arg8[%run_scoped3A_291, %run_scoped3A_292, %dma_wait3A_318] : memref<4x2x80xi32, #tpu.memory_space<vmem>> -> memref<1x1x80xi32, #tpu.memory_space<vmem>>
        %dma_wait3A_320 = tpu.memref_squeeze %dma_wait3A_319 : memref<1x1x80xi32, #tpu.memory_space<vmem>> -> memref<80xi32, #tpu.memory_space<vmem>>
        %dma_wait3A_321 = arith.constant 0 : i32
        %dma_wait3A_322 = arith.constant 0 : i32
        %dma_wait3A_323 = tpu.memref_slice %arg12[%dma_wait3A_321, %dma_wait3A_322] : memref<10240x128xf32, #tpu.memory_space<vmem_shared>> -> memref<10240x128xf32, #tpu.memory_space<vmem_shared>>
        tpu.wait_indirect_dma semaphore(%run_scoped3A_311 : memref<!tpu.dma_semaphore, #tpu.memory_space<semaphore_mem>>) src(%arg9 : memref<80x128xf32, #tpu.memory_space<vmem>>) dst(%dma_wait3A_323 : memref<10240x128xf32, #tpu.memory_space<vmem_shared>>)
        tpu.yield
      }) : () -> ()
      "tpu.region"() ({
        %run_scoped3A_311 = tpu.sem_alloc : memref<!tpu.dma_semaphore, #tpu.memory_space<semaphore_mem>>
        %dma_start3A_312 = arith.constant 0 : i32
        %dma_start3A_313 = arith.constant 0 : i32
        %dma_start3A_314 = arith.constant 0 : i32
        %dma_start3A_315 = tpu.memref_slice %arg3[%add3A, %add3A_238, %dma_start3A_312, %dma_start3A_313, %dma_start3A_314] : memref<32x31x4x2x80xi32, #tpu.memory_space<hbm>> -> memref<1x1x4x2x80xi32, #tpu.memory_space<hbm>>
        %dma_start3A_316 = tpu.memref_squeeze %dma_start3A_315 : memref<1x1x4x2x80xi32, #tpu.memory_space<hbm>> -> memref<4x2x80xi32, #tpu.memory_space<hbm>>
        %dma_start3A_317 = arith.constant 0 : i32
        %dma_start3A_318 = arith.constant 0 : i32
        %dma_start3A_319 = arith.constant 0 : i32
        %dma_start3A_320 = tpu.memref_slice %arg3[%add3A, %add3A_238, %dma_start3A_317, %dma_start3A_318, %dma_start3A_319] : memref<32x31x4x2x80xi32, #tpu.memory_space<hbm>> -> memref<1x1x4x2x80xi32, #tpu.memory_space<hbm>>
        %dma_start3A_321 = tpu.memref_squeeze %dma_start3A_320 : memref<1x1x4x2x80xi32, #tpu.memory_space<hbm>> -> memref<4x2x80xi32, #tpu.memory_space<hbm>>
        tpu.enqueue_dma source(%dma_start3A_321 : memref<4x2x80xi32, #tpu.memory_space<hbm>>) target(%arg7 : memref<4x2x80xi32, #tpu.memory_space<vmem>>) target_semaphore(%run_scoped3A_311 : memref<!tpu.dma_semaphore, #tpu.memory_space<semaphore_mem>>)
        %dma_wait3A_322 = arith.constant 0 : i32
        %dma_wait3A_323 = arith.constant 0 : i32
        %dma_wait3A_324 = arith.constant 0 : i32
        %dma_wait3A_325 = tpu.memref_slice %arg3[%add3A, %add3A_238, %dma_wait3A_322, %dma_wait3A_323, %dma_wait3A_324] : memref<32x31x4x2x80xi32, #tpu.memory_space<hbm>> -> memref<1x1x4x2x80xi32, #tpu.memory_space<hbm>>
        %dma_wait3A_326 = tpu.memref_squeeze %dma_wait3A_325 : memref<1x1x4x2x80xi32, #tpu.memory_space<hbm>> -> memref<4x2x80xi32, #tpu.memory_space<hbm>>
        %dma_wait3A_327 = arith.constant 0 : i32
        %dma_wait3A_328 = arith.constant 0 : i32
        %dma_wait3A_329 = arith.constant 0 : i32
        %dma_wait3A_330 = tpu.memref_slice %arg3[%add3A, %add3A_238, %dma_wait3A_327, %dma_wait3A_328, %dma_wait3A_329] : memref<32x31x4x2x80xi32, #tpu.memory_space<hbm>> -> memref<1x1x4x2x80xi32, #tpu.memory_space<hbm>>
        %dma_wait3A_331 = tpu.memref_squeeze %dma_wait3A_330 : memref<1x1x4x2x80xi32, #tpu.memory_space<hbm>> -> memref<4x2x80xi32, #tpu.memory_space<hbm>>
        tpu.wait_dma2 semaphore(%run_scoped3A_311 : memref<!tpu.dma_semaphore, #tpu.memory_space<semaphore_mem>>) src(%dma_wait3A_331 : memref<4x2x80xi32, #tpu.memory_space<hbm>>) dst(%arg7 : memref<4x2x80xi32, #tpu.memory_space<vmem>>)
        tpu.yield
      }) : () -> ()
      %dma_start3A_293 = arith.constant 0 : i32
      %dma_start3A_294 = arith.constant 0 : i32
      %dma_start3A_295 = arith.constant 0 : i32
      %dma_start3A_296 = tpu.memref_slice %arg7[%dma_start3A_293, %dma_start3A_294, %dma_start3A_295] : memref<4x2x80xi32, #tpu.memory_space<vmem>> -> memref<1x1x80xi32, #tpu.memory_space<vmem>>
      %dma_start3A_297 = tpu.memref_squeeze %dma_start3A_296 : memref<1x1x80xi32, #tpu.memory_space<vmem>> -> memref<80xi32, #tpu.memory_space<vmem>>
      %dma_start3A_298 = arith.constant 0 : i32
      %dma_start3A_299 = arith.constant 0 : i32
      %dma_start3A_300 = tpu.memref_slice %arg2[%dma_start3A_298, %dma_start3A_299] : memref<10000x128xf32, #tpu.memory_space<hbm>> -> memref<10000x128xf32, #tpu.memory_space<hbm>>
      tpu.enqueue_indirect_dma source(%dma_start3A_300 : memref<10000x128xf32, #tpu.memory_space<hbm>>) target(%arg9 : memref<80x128xf32, #tpu.memory_space<vmem>>) offsets(%dma_start3A_297 : memref<80xi32, #tpu.memory_space<vmem>>) semaphore(%arg13 : memref<!tpu.dma_semaphore, #tpu.memory_space<semaphore_mem>>)
      %dma_wait3A_301 = arith.constant 3 : i32
      %dma_wait3A_302 = arith.constant 0 : i32
      %dma_wait3A_303 = arith.constant 0 : i32
      %dma_wait3A_304 = tpu.memref_slice %arg8[%dma_wait3A_301, %dma_wait3A_302, %dma_wait3A_303] : memref<4x2x80xi32, #tpu.memory_space<vmem>> -> memref<1x1x80xi32, #tpu.memory_space<vmem>>
      %dma_wait3A_305 = tpu.memref_squeeze %dma_wait3A_304 : memref<1x1x80xi32, #tpu.memory_space<vmem>> -> memref<80xi32, #tpu.memory_space<vmem>>
      %dma_wait3A_306 = arith.constant 0 : i32
      %dma_wait3A_307 = arith.constant 0 : i32
      %dma_wait3A_308 = tpu.memref_slice %arg2[%dma_wait3A_306, %dma_wait3A_307] : memref<10000x128xf32, #tpu.memory_space<hbm>> -> memref<10000x128xf32, #tpu.memory_space<hbm>>
      tpu.wait_indirect_dma semaphore(%arg13 : memref<!tpu.dma_semaphore, #tpu.memory_space<semaphore_mem>>) src(%dma_wait3A_308 : memref<10000x128xf32, #tpu.memory_space<hbm>>) dst(%arg10 : memref<80x128xf32, #tpu.memory_space<vmem>>)
      %run_scoped3A_309 = arith.constant 3 : i32
      %run_scoped3A_310 = arith.constant 1 : i32
      "tpu.region"() ({
        %run_scoped3A_311 = tpu.sem_alloc : memref<!tpu.dma_semaphore, #tpu.memory_space<semaphore_mem>>
        %dma_start3A_312 = arith.constant 0 : i32
        %dma_start3A_313 = tpu.memref_slice %arg8[%run_scoped3A_309, %run_scoped3A_310, %dma_start3A_312] : memref<4x2x80xi32, #tpu.memory_space<vmem>> -> memref<1x1x80xi32, #tpu.memory_space<vmem>>
        %dma_start3A_314 = tpu.memref_squeeze %dma_start3A_313 : memref<1x1x80xi32, #tpu.memory_space<vmem>> -> memref<80xi32, #tpu.memory_space<vmem>>
        %dma_start3A_315 = arith.constant 0 : i32
        %dma_start3A_316 = arith.constant 0 : i32
        %dma_start3A_317 = tpu.memref_slice %arg12[%dma_start3A_315, %dma_start3A_316] : memref<10240x128xf32, #tpu.memory_space<vmem_shared>> -> memref<10240x128xf32, #tpu.memory_space<vmem_shared>>
        tpu.enqueue_indirect_dma source(%arg10 : memref<80x128xf32, #tpu.memory_space<vmem>>) target(%dma_start3A_317 : memref<10240x128xf32, #tpu.memory_space<vmem_shared>>) offsets(%dma_start3A_314 : memref<80xi32, #tpu.memory_space<vmem>>) semaphore(%run_scoped3A_311 : memref<!tpu.dma_semaphore, #tpu.memory_space<semaphore_mem>>) {add = true}
        %dma_wait3A_318 = arith.constant 0 : i32
        %dma_wait3A_319 = tpu.memref_slice %arg8[%run_scoped3A_309, %run_scoped3A_310, %dma_wait3A_318] : memref<4x2x80xi32, #tpu.memory_space<vmem>> -> memref<1x1x80xi32, #tpu.memory_space<vmem>>
        %dma_wait3A_320 = tpu.memref_squeeze %dma_wait3A_319 : memref<1x1x80xi32, #tpu.memory_space<vmem>> -> memref<80xi32, #tpu.memory_space<vmem>>
        %dma_wait3A_321 = arith.constant 0 : i32
        %dma_wait3A_322 = arith.constant 0 : i32
        %dma_wait3A_323 = tpu.memref_slice %arg12[%dma_wait3A_321, %dma_wait3A_322] : memref<10240x128xf32, #tpu.memory_space<vmem_shared>> -> memref<10240x128xf32, #tpu.memory_space<vmem_shared>>
        tpu.wait_indirect_dma semaphore(%run_scoped3A_311 : memref<!tpu.dma_semaphore, #tpu.memory_space<semaphore_mem>>) src(%arg10 : memref<80x128xf32, #tpu.memory_space<vmem>>) dst(%dma_wait3A_323 : memref<10240x128xf32, #tpu.memory_space<vmem_shared>>)
        tpu.yield
      }) : () -> ()
    }
    %scan3A_38 = arith.constant 15 : i32
    %dma_start3A_39 = arith.constant 1 : i32
    %dma_start3A_40 = arith.constant 0 : i32
    %dma_start3A_41 = arith.constant 0 : i32
    %dma_start3A_42 = tpu.memref_slice %arg7[%dma_start3A_39, %dma_start3A_40, %dma_start3A_41] : memref<4x2x80xi32, #tpu.memory_space<vmem>> -> memref<1x1x80xi32, #tpu.memory_space<vmem>>
    %dma_start3A_43 = tpu.memref_squeeze %dma_start3A_42 : memref<1x1x80xi32, #tpu.memory_space<vmem>> -> memref<80xi32, #tpu.memory_space<vmem>>
    %dma_start3A_44 = arith.constant 0 : i32
    %dma_start3A_45 = arith.constant 0 : i32
    %dma_start3A_46 = tpu.memref_slice %arg2[%dma_start3A_44, %dma_start3A_45] : memref<10000x128xf32, #tpu.memory_space<hbm>> -> memref<10000x128xf32, #tpu.memory_space<hbm>>
    tpu.enqueue_indirect_dma source(%dma_start3A_46 : memref<10000x128xf32, #tpu.memory_space<hbm>>) target(%arg10 : memref<80x128xf32, #tpu.memory_space<vmem>>) offsets(%dma_start3A_43 : memref<80xi32, #tpu.memory_space<vmem>>) semaphore(%arg13 : memref<!tpu.dma_semaphore, #tpu.memory_space<semaphore_mem>>)
    %dma_wait3A = arith.constant 0 : i32
    %dma_wait3A_47 = arith.constant 0 : i32
    %dma_wait3A_48 = arith.constant 0 : i32
    %dma_wait3A_49 = tpu.memref_slice %arg7[%dma_wait3A, %dma_wait3A_47, %dma_wait3A_48] : memref<4x2x80xi32, #tpu.memory_space<vmem>> -> memref<1x1x80xi32, #tpu.memory_space<vmem>>
    %dma_wait3A_50 = tpu.memref_squeeze %dma_wait3A_49 : memref<1x1x80xi32, #tpu.memory_space<vmem>> -> memref<80xi32, #tpu.memory_space<vmem>>
    %dma_wait3A_51 = arith.constant 0 : i32
    %dma_wait3A_52 = arith.constant 0 : i32
    %dma_wait3A_53 = tpu.memref_slice %arg2[%dma_wait3A_51, %dma_wait3A_52] : memref<10000x128xf32, #tpu.memory_space<hbm>> -> memref<10000x128xf32, #tpu.memory_space<hbm>>
    tpu.wait_indirect_dma semaphore(%arg13 : memref<!tpu.dma_semaphore, #tpu.memory_space<semaphore_mem>>) src(%dma_wait3A_53 : memref<10000x128xf32, #tpu.memory_space<hbm>>) dst(%arg9 : memref<80x128xf32, #tpu.memory_space<vmem>>)
    %run_scoped3A_54 = arith.constant 0 : i32
    %run_scoped3A_55 = arith.constant 1 : i32
    "tpu.region"() ({
      %run_scoped3A_158 = tpu.sem_alloc : memref<!tpu.dma_semaphore, #tpu.memory_space<semaphore_mem>>
      %dma_start3A_159 = arith.constant 0 : i32
      %dma_start3A_160 = tpu.memref_slice %arg7[%run_scoped3A_54, %run_scoped3A_55, %dma_start3A_159] : memref<4x2x80xi32, #tpu.memory_space<vmem>> -> memref<1x1x80xi32, #tpu.memory_space<vmem>>
      %dma_start3A_161 = tpu.memref_squeeze %dma_start3A_160 : memref<1x1x80xi32, #tpu.memory_space<vmem>> -> memref<80xi32, #tpu.memory_space<vmem>>
      %dma_start3A_162 = arith.constant 0 : i32
      %dma_start3A_163 = arith.constant 0 : i32
      %dma_start3A_164 = tpu.memref_slice %arg12[%dma_start3A_162, %dma_start3A_163] : memref<10240x128xf32, #tpu.memory_space<vmem_shared>> -> memref<10240x128xf32, #tpu.memory_space<vmem_shared>>
      tpu.enqueue_indirect_dma source(%arg9 : memref<80x128xf32, #tpu.memory_space<vmem>>) target(%dma_start3A_164 : memref<10240x128xf32, #tpu.memory_space<vmem_shared>>) offsets(%dma_start3A_161 : memref<80xi32, #tpu.memory_space<vmem>>) semaphore(%run_scoped3A_158 : memref<!tpu.dma_semaphore, #tpu.memory_space<semaphore_mem>>) {add = true}
      %dma_wait3A_165 = arith.constant 0 : i32
      %dma_wait3A_166 = tpu.memref_slice %arg7[%run_scoped3A_54, %run_scoped3A_55, %dma_wait3A_165] : memref<4x2x80xi32, #tpu.memory_space<vmem>> -> memref<1x1x80xi32, #tpu.memory_space<vmem>>
      %dma_wait3A_167 = tpu.memref_squeeze %dma_wait3A_166 : memref<1x1x80xi32, #tpu.memory_space<vmem>> -> memref<80xi32, #tpu.memory_space<vmem>>
      %dma_wait3A_168 = arith.constant 0 : i32
      %dma_wait3A_169 = arith.constant 0 : i32
      %dma_wait3A_170 = tpu.memref_slice %arg12[%dma_wait3A_168, %dma_wait3A_169] : memref<10240x128xf32, #tpu.memory_space<vmem_shared>> -> memref<10240x128xf32, #tpu.memory_space<vmem_shared>>
      tpu.wait_indirect_dma semaphore(%run_scoped3A_158 : memref<!tpu.dma_semaphore, #tpu.memory_space<semaphore_mem>>) src(%arg9 : memref<80x128xf32, #tpu.memory_space<vmem>>) dst(%dma_wait3A_170 : memref<10240x128xf32, #tpu.memory_space<vmem_shared>>)
      tpu.yield
    }) : () -> ()
    %dma_start3A_56 = arith.constant 2 : i32
    %dma_start3A_57 = arith.constant 0 : i32
    %dma_start3A_58 = arith.constant 0 : i32
    %dma_start3A_59 = tpu.memref_slice %arg7[%dma_start3A_56, %dma_start3A_57, %dma_start3A_58] : memref<4x2x80xi32, #tpu.memory_space<vmem>> -> memref<1x1x80xi32, #tpu.memory_space<vmem>>
    %dma_start3A_60 = tpu.memref_squeeze %dma_start3A_59 : memref<1x1x80xi32, #tpu.memory_space<vmem>> -> memref<80xi32, #tpu.memory_space<vmem>>
    %dma_start3A_61 = arith.constant 0 : i32
    %dma_start3A_62 = arith.constant 0 : i32
    %dma_start3A_63 = tpu.memref_slice %arg2[%dma_start3A_61, %dma_start3A_62] : memref<10000x128xf32, #tpu.memory_space<hbm>> -> memref<10000x128xf32, #tpu.memory_space<hbm>>
    tpu.enqueue_indirect_dma source(%dma_start3A_63 : memref<10000x128xf32, #tpu.memory_space<hbm>>) target(%arg9 : memref<80x128xf32, #tpu.memory_space<vmem>>) offsets(%dma_start3A_60 : memref<80xi32, #tpu.memory_space<vmem>>) semaphore(%arg13 : memref<!tpu.dma_semaphore, #tpu.memory_space<semaphore_mem>>)
    %dma_wait3A_64 = arith.constant 1 : i32
    %dma_wait3A_65 = arith.constant 0 : i32
    %dma_wait3A_66 = arith.constant 0 : i32
    %dma_wait3A_67 = tpu.memref_slice %arg7[%dma_wait3A_64, %dma_wait3A_65, %dma_wait3A_66] : memref<4x2x80xi32, #tpu.memory_space<vmem>> -> memref<1x1x80xi32, #tpu.memory_space<vmem>>
    %dma_wait3A_68 = tpu.memref_squeeze %dma_wait3A_67 : memref<1x1x80xi32, #tpu.memory_space<vmem>> -> memref<80xi32, #tpu.memory_space<vmem>>
    %dma_wait3A_69 = arith.constant 0 : i32
    %dma_wait3A_70 = arith.constant 0 : i32
    %dma_wait3A_71 = tpu.memref_slice %arg2[%dma_wait3A_69, %dma_wait3A_70] : memref<10000x128xf32, #tpu.memory_space<hbm>> -> memref<10000x128xf32, #tpu.memory_space<hbm>>
    tpu.wait_indirect_dma semaphore(%arg13 : memref<!tpu.dma_semaphore, #tpu.memory_space<semaphore_mem>>) src(%dma_wait3A_71 : memref<10000x128xf32, #tpu.memory_space<hbm>>) dst(%arg10 : memref<80x128xf32, #tpu.memory_space<vmem>>)
    %run_scoped3A_72 = arith.constant 1 : i32
    %run_scoped3A_73 = arith.constant 1 : i32
    "tpu.region"() ({
      %run_scoped3A_158 = tpu.sem_alloc : memref<!tpu.dma_semaphore, #tpu.memory_space<semaphore_mem>>
      %dma_start3A_159 = arith.constant 0 : i32
      %dma_start3A_160 = tpu.memref_slice %arg7[%run_scoped3A_72, %run_scoped3A_73, %dma_start3A_159] : memref<4x2x80xi32, #tpu.memory_space<vmem>> -> memref<1x1x80xi32, #tpu.memory_space<vmem>>
      %dma_start3A_161 = tpu.memref_squeeze %dma_start3A_160 : memref<1x1x80xi32, #tpu.memory_space<vmem>> -> memref<80xi32, #tpu.memory_space<vmem>>
      %dma_start3A_162 = arith.constant 0 : i32
      %dma_start3A_163 = arith.constant 0 : i32
      %dma_start3A_164 = tpu.memref_slice %arg12[%dma_start3A_162, %dma_start3A_163] : memref<10240x128xf32, #tpu.memory_space<vmem_shared>> -> memref<10240x128xf32, #tpu.memory_space<vmem_shared>>
      tpu.enqueue_indirect_dma source(%arg10 : memref<80x128xf32, #tpu.memory_space<vmem>>) target(%dma_start3A_164 : memref<10240x128xf32, #tpu.memory_space<vmem_shared>>) offsets(%dma_start3A_161 : memref<80xi32, #tpu.memory_space<vmem>>) semaphore(%run_scoped3A_158 : memref<!tpu.dma_semaphore, #tpu.memory_space<semaphore_mem>>) {add = true}
      %dma_wait3A_165 = arith.constant 0 : i32
      %dma_wait3A_166 = tpu.memref_slice %arg7[%run_scoped3A_72, %run_scoped3A_73, %dma_wait3A_165] : memref<4x2x80xi32, #tpu.memory_space<vmem>> -> memref<1x1x80xi32, #tpu.memory_space<vmem>>
      %dma_wait3A_167 = tpu.memref_squeeze %dma_wait3A_166 : memref<1x1x80xi32, #tpu.memory_space<vmem>> -> memref<80xi32, #tpu.memory_space<vmem>>
      %dma_wait3A_168 = arith.constant 0 : i32
      %dma_wait3A_169 = arith.constant 0 : i32
      %dma_wait3A_170 = tpu.memref_slice %arg12[%dma_wait3A_168, %dma_wait3A_169] : memref<10240x128xf32, #tpu.memory_space<vmem_shared>> -> memref<10240x128xf32, #tpu.memory_space<vmem_shared>>
      tpu.wait_indirect_dma semaphore(%run_scoped3A_158 : memref<!tpu.dma_semaphore, #tpu.memory_space<semaphore_mem>>) src(%arg10 : memref<80x128xf32, #tpu.memory_space<vmem>>) dst(%dma_wait3A_170 : memref<10240x128xf32, #tpu.memory_space<vmem_shared>>)
      tpu.yield
    }) : () -> ()
    %dma_start3A_74 = arith.constant 3 : i32
    %dma_start3A_75 = arith.constant 0 : i32
    %dma_start3A_76 = arith.constant 0 : i32
    %dma_start3A_77 = tpu.memref_slice %arg7[%dma_start3A_74, %dma_start3A_75, %dma_start3A_76] : memref<4x2x80xi32, #tpu.memory_space<vmem>> -> memref<1x1x80xi32, #tpu.memory_space<vmem>>
    %dma_start3A_78 = tpu.memref_squeeze %dma_start3A_77 : memref<1x1x80xi32, #tpu.memory_space<vmem>> -> memref<80xi32, #tpu.memory_space<vmem>>
    %dma_start3A_79 = arith.constant 0 : i32
    %dma_start3A_80 = arith.constant 0 : i32
    %dma_start3A_81 = tpu.memref_slice %arg2[%dma_start3A_79, %dma_start3A_80] : memref<10000x128xf32, #tpu.memory_space<hbm>> -> memref<10000x128xf32, #tpu.memory_space<hbm>>
    tpu.enqueue_indirect_dma source(%dma_start3A_81 : memref<10000x128xf32, #tpu.memory_space<hbm>>) target(%arg10 : memref<80x128xf32, #tpu.memory_space<vmem>>) offsets(%dma_start3A_78 : memref<80xi32, #tpu.memory_space<vmem>>) semaphore(%arg13 : memref<!tpu.dma_semaphore, #tpu.memory_space<semaphore_mem>>)
    %dma_wait3A_82 = arith.constant 2 : i32
    %dma_wait3A_83 = arith.constant 0 : i32
    %dma_wait3A_84 = arith.constant 0 : i32
    %dma_wait3A_85 = tpu.memref_slice %arg7[%dma_wait3A_82, %dma_wait3A_83, %dma_wait3A_84] : memref<4x2x80xi32, #tpu.memory_space<vmem>> -> memref<1x1x80xi32, #tpu.memory_space<vmem>>
    %dma_wait3A_86 = tpu.memref_squeeze %dma_wait3A_85 : memref<1x1x80xi32, #tpu.memory_space<vmem>> -> memref<80xi32, #tpu.memory_space<vmem>>
    %dma_wait3A_87 = arith.constant 0 : i32
    %dma_wait3A_88 = arith.constant 0 : i32
    %dma_wait3A_89 = tpu.memref_slice %arg2[%dma_wait3A_87, %dma_wait3A_88] : memref<10000x128xf32, #tpu.memory_space<hbm>> -> memref<10000x128xf32, #tpu.memory_space<hbm>>
    tpu.wait_indirect_dma semaphore(%arg13 : memref<!tpu.dma_semaphore, #tpu.memory_space<semaphore_mem>>) src(%dma_wait3A_89 : memref<10000x128xf32, #tpu.memory_space<hbm>>) dst(%arg9 : memref<80x128xf32, #tpu.memory_space<vmem>>)
    %run_scoped3A_90 = arith.constant 2 : i32
    %run_scoped3A_91 = arith.constant 1 : i32
    "tpu.region"() ({
      %run_scoped3A_158 = tpu.sem_alloc : memref<!tpu.dma_semaphore, #tpu.memory_space<semaphore_mem>>
      %dma_start3A_159 = arith.constant 0 : i32
      %dma_start3A_160 = tpu.memref_slice %arg7[%run_scoped3A_90, %run_scoped3A_91, %dma_start3A_159] : memref<4x2x80xi32, #tpu.memory_space<vmem>> -> memref<1x1x80xi32, #tpu.memory_space<vmem>>
      %dma_start3A_161 = tpu.memref_squeeze %dma_start3A_160 : memref<1x1x80xi32, #tpu.memory_space<vmem>> -> memref<80xi32, #tpu.memory_space<vmem>>
      %dma_start3A_162 = arith.constant 0 : i32
      %dma_start3A_163 = arith.constant 0 : i32
      %dma_start3A_164 = tpu.memref_slice %arg12[%dma_start3A_162, %dma_start3A_163] : memref<10240x128xf32, #tpu.memory_space<vmem_shared>> -> memref<10240x128xf32, #tpu.memory_space<vmem_shared>>
      tpu.enqueue_indirect_dma source(%arg9 : memref<80x128xf32, #tpu.memory_space<vmem>>) target(%dma_start3A_164 : memref<10240x128xf32, #tpu.memory_space<vmem_shared>>) offsets(%dma_start3A_161 : memref<80xi32, #tpu.memory_space<vmem>>) semaphore(%run_scoped3A_158 : memref<!tpu.dma_semaphore, #tpu.memory_space<semaphore_mem>>) {add = true}
      %dma_wait3A_165 = arith.constant 0 : i32
      %dma_wait3A_166 = tpu.memref_slice %arg7[%run_scoped3A_90, %run_scoped3A_91, %dma_wait3A_165] : memref<4x2x80xi32, #tpu.memory_space<vmem>> -> memref<1x1x80xi32, #tpu.memory_space<vmem>>
      %dma_wait3A_167 = tpu.memref_squeeze %dma_wait3A_166 : memref<1x1x80xi32, #tpu.memory_space<vmem>> -> memref<80xi32, #tpu.memory_space<vmem>>
      %dma_wait3A_168 = arith.constant 0 : i32
      %dma_wait3A_169 = arith.constant 0 : i32
      %dma_wait3A_170 = tpu.memref_slice %arg12[%dma_wait3A_168, %dma_wait3A_169] : memref<10240x128xf32, #tpu.memory_space<vmem_shared>> -> memref<10240x128xf32, #tpu.memory_space<vmem_shared>>
      tpu.wait_indirect_dma semaphore(%run_scoped3A_158 : memref<!tpu.dma_semaphore, #tpu.memory_space<semaphore_mem>>) src(%arg9 : memref<80x128xf32, #tpu.memory_space<vmem>>) dst(%dma_wait3A_170 : memref<10240x128xf32, #tpu.memory_space<vmem_shared>>)
      tpu.yield
    }) : () -> ()
    "tpu.region"() ({
      %run_scoped3A_158 = tpu.sem_alloc : memref<!tpu.dma_semaphore, #tpu.memory_space<semaphore_mem>>
      %dma_start3A_159 = arith.constant 0 : i32
      %dma_start3A_160 = arith.constant 0 : i32
      %dma_start3A_161 = tpu.memref_slice %arg4[%add3A, %dma_start3A_159, %dma_start3A_160] : memref<32x2x80xi32, #tpu.memory_space<hbm>> -> memref<1x2x80xi32, #tpu.memory_space<hbm>>
      %dma_start3A_162 = tpu.memref_squeeze %dma_start3A_161 : memref<1x2x80xi32, #tpu.memory_space<hbm>> -> memref<2x80xi32, #tpu.memory_space<hbm>>
      %dma_start3A_163 = arith.constant 0 : i32
      %dma_start3A_164 = arith.constant 0 : i32
      %dma_start3A_165 = tpu.memref_slice %arg4[%add3A, %dma_start3A_163, %dma_start3A_164] : memref<32x2x80xi32, #tpu.memory_space<hbm>> -> memref<1x2x80xi32, #tpu.memory_space<hbm>>
      %dma_start3A_166 = tpu.memref_squeeze %dma_start3A_165 : memref<1x2x80xi32, #tpu.memory_space<hbm>> -> memref<2x80xi32, #tpu.memory_space<hbm>>
      tpu.enqueue_dma source(%dma_start3A_166 : memref<2x80xi32, #tpu.memory_space<hbm>>) target(%arg6 : memref<2x80xi32, #tpu.memory_space<vmem>>) target_semaphore(%run_scoped3A_158 : memref<!tpu.dma_semaphore, #tpu.memory_space<semaphore_mem>>)
      %dma_wait3A_167 = arith.constant 0 : i32
      %dma_wait3A_168 = arith.constant 0 : i32
      %dma_wait3A_169 = tpu.memref_slice %arg4[%add3A, %dma_wait3A_167, %dma_wait3A_168] : memref<32x2x80xi32, #tpu.memory_space<hbm>> -> memref<1x2x80xi32, #tpu.memory_space<hbm>>
      %dma_wait3A_170 = tpu.memref_squeeze %dma_wait3A_169 : memref<1x2x80xi32, #tpu.memory_space<hbm>> -> memref<2x80xi32, #tpu.memory_space<hbm>>
      %dma_wait3A_171 = arith.constant 0 : i32
      %dma_wait3A_172 = arith.constant 0 : i32
      %dma_wait3A_173 = tpu.memref_slice %arg4[%add3A, %dma_wait3A_171, %dma_wait3A_172] : memref<32x2x80xi32, #tpu.memory_space<hbm>> -> memref<1x2x80xi32, #tpu.memory_space<hbm>>
      %dma_wait3A_174 = tpu.memref_squeeze %dma_wait3A_173 : memref<1x2x80xi32, #tpu.memory_space<hbm>> -> memref<2x80xi32, #tpu.memory_space<hbm>>
      tpu.wait_dma2 semaphore(%run_scoped3A_158 : memref<!tpu.dma_semaphore, #tpu.memory_space<semaphore_mem>>) src(%dma_wait3A_174 : memref<2x80xi32, #tpu.memory_space<hbm>>) dst(%arg6 : memref<2x80xi32, #tpu.memory_space<vmem>>)
      tpu.yield
    }) : () -> ()
    %dma_start3A_92 = arith.constant 0 : i32
    %dma_start3A_93 = arith.constant 0 : i32
    %dma_start3A_94 = tpu.memref_slice %arg6[%dma_start3A_92, %dma_start3A_93] : memref<2x80xi32, #tpu.memory_space<vmem>> -> memref<1x80xi32, #tpu.memory_space<vmem>>
    %dma_start3A_95 = tpu.memref_squeeze %dma_start3A_94 : memref<1x80xi32, #tpu.memory_space<vmem>> -> memref<80xi32, #tpu.memory_space<vmem>>
    %dma_start3A_96 = arith.constant 0 : i32
    %dma_start3A_97 = arith.constant 0 : i32
    %dma_start3A_98 = tpu.memref_slice %arg2[%dma_start3A_96, %dma_start3A_97] : memref<10000x128xf32, #tpu.memory_space<hbm>> -> memref<10000x128xf32, #tpu.memory_space<hbm>>
    tpu.enqueue_indirect_dma source(%dma_start3A_98 : memref<10000x128xf32, #tpu.memory_space<hbm>>) target(%arg9 : memref<80x128xf32, #tpu.memory_space<vmem>>) offsets(%dma_start3A_95 : memref<80xi32, #tpu.memory_space<vmem>>) semaphore(%arg13 : memref<!tpu.dma_semaphore, #tpu.memory_space<semaphore_mem>>)
    %dma_wait3A_99 = arith.constant 3 : i32
    %dma_wait3A_100 = arith.constant 0 : i32
    %dma_wait3A_101 = arith.constant 0 : i32
    %dma_wait3A_102 = tpu.memref_slice %arg7[%dma_wait3A_99, %dma_wait3A_100, %dma_wait3A_101] : memref<4x2x80xi32, #tpu.memory_space<vmem>> -> memref<1x1x80xi32, #tpu.memory_space<vmem>>
    %dma_wait3A_103 = tpu.memref_squeeze %dma_wait3A_102 : memref<1x1x80xi32, #tpu.memory_space<vmem>> -> memref<80xi32, #tpu.memory_space<vmem>>
    %dma_wait3A_104 = arith.constant 0 : i32
    %dma_wait3A_105 = arith.constant 0 : i32
    %dma_wait3A_106 = tpu.memref_slice %arg2[%dma_wait3A_104, %dma_wait3A_105] : memref<10000x128xf32, #tpu.memory_space<hbm>> -> memref<10000x128xf32, #tpu.memory_space<hbm>>
    tpu.wait_indirect_dma semaphore(%arg13 : memref<!tpu.dma_semaphore, #tpu.memory_space<semaphore_mem>>) src(%dma_wait3A_106 : memref<10000x128xf32, #tpu.memory_space<hbm>>) dst(%arg10 : memref<80x128xf32, #tpu.memory_space<vmem>>)
    %run_scoped3A_107 = arith.constant 3 : i32
    %run_scoped3A_108 = arith.constant 1 : i32
    "tpu.region"() ({
      %run_scoped3A_158 = tpu.sem_alloc : memref<!tpu.dma_semaphore, #tpu.memory_space<semaphore_mem>>
      %dma_start3A_159 = arith.constant 0 : i32
      %dma_start3A_160 = tpu.memref_slice %arg7[%run_scoped3A_107, %run_scoped3A_108, %dma_start3A_159] : memref<4x2x80xi32, #tpu.memory_space<vmem>> -> memref<1x1x80xi32, #tpu.memory_space<vmem>>
      %dma_start3A_161 = tpu.memref_squeeze %dma_start3A_160 : memref<1x1x80xi32, #tpu.memory_space<vmem>> -> memref<80xi32, #tpu.memory_space<vmem>>
      %dma_start3A_162 = arith.constant 0 : i32
      %dma_start3A_163 = arith.constant 0 : i32
      %dma_start3A_164 = tpu.memref_slice %arg12[%dma_start3A_162, %dma_start3A_163] : memref<10240x128xf32, #tpu.memory_space<vmem_shared>> -> memref<10240x128xf32, #tpu.memory_space<vmem_shared>>
      tpu.enqueue_indirect_dma source(%arg10 : memref<80x128xf32, #tpu.memory_space<vmem>>) target(%dma_start3A_164 : memref<10240x128xf32, #tpu.memory_space<vmem_shared>>) offsets(%dma_start3A_161 : memref<80xi32, #tpu.memory_space<vmem>>) semaphore(%run_scoped3A_158 : memref<!tpu.dma_semaphore, #tpu.memory_space<semaphore_mem>>) {add = true}
      %dma_wait3A_165 = arith.constant 0 : i32
      %dma_wait3A_166 = tpu.memref_slice %arg7[%run_scoped3A_107, %run_scoped3A_108, %dma_wait3A_165] : memref<4x2x80xi32, #tpu.memory_space<vmem>> -> memref<1x1x80xi32, #tpu.memory_space<vmem>>
      %dma_wait3A_167 = tpu.memref_squeeze %dma_wait3A_166 : memref<1x1x80xi32, #tpu.memory_space<vmem>> -> memref<80xi32, #tpu.memory_space<vmem>>
      %dma_wait3A_168 = arith.constant 0 : i32
      %dma_wait3A_169 = arith.constant 0 : i32
      %dma_wait3A_170 = tpu.memref_slice %arg12[%dma_wait3A_168, %dma_wait3A_169] : memref<10240x128xf32, #tpu.memory_space<vmem_shared>> -> memref<10240x128xf32, #tpu.memory_space<vmem_shared>>
      tpu.wait_indirect_dma semaphore(%run_scoped3A_158 : memref<!tpu.dma_semaphore, #tpu.memory_space<semaphore_mem>>) src(%arg10 : memref<80x128xf32, #tpu.memory_space<vmem>>) dst(%dma_wait3A_170 : memref<10240x128xf32, #tpu.memory_space<vmem_shared>>)
      tpu.yield
    }) : () -> ()
    %dma_wait3A_109 = arith.constant 0 : i32
    %dma_wait3A_110 = arith.constant 0 : i32
    %dma_wait3A_111 = tpu.memref_slice %arg6[%dma_wait3A_109, %dma_wait3A_110] : memref<2x80xi32, #tpu.memory_space<vmem>> -> memref<1x80xi32, #tpu.memory_space<vmem>>
    %dma_wait3A_112 = tpu.memref_squeeze %dma_wait3A_111 : memref<1x80xi32, #tpu.memory_space<vmem>> -> memref<80xi32, #tpu.memory_space<vmem>>
    %dma_wait3A_113 = arith.constant 0 : i32
    %dma_wait3A_114 = arith.constant 0 : i32
    %dma_wait3A_115 = tpu.memref_slice %arg2[%dma_wait3A_113, %dma_wait3A_114] : memref<10000x128xf32, #tpu.memory_space<hbm>> -> memref<10000x128xf32, #tpu.memory_space<hbm>>
    tpu.wait_indirect_dma semaphore(%arg13 : memref<!tpu.dma_semaphore, #tpu.memory_space<semaphore_mem>>) src(%dma_wait3A_115 : memref<10000x128xf32, #tpu.memory_space<hbm>>) dst(%arg9 : memref<80x128xf32, #tpu.memory_space<vmem>>)
    %run_scoped3A_116 = arith.constant 1 : i32
    "tpu.region"() ({
      %run_scoped3A_158 = tpu.sem_alloc : memref<!tpu.dma_semaphore, #tpu.memory_space<semaphore_mem>>
      %dma_start3A_159 = arith.constant 0 : i32
      %dma_start3A_160 = tpu.memref_slice %arg6[%run_scoped3A_116, %dma_start3A_159] : memref<2x80xi32, #tpu.memory_space<vmem>> -> memref<1x80xi32, #tpu.memory_space<vmem>>
      %dma_start3A_161 = tpu.memref_squeeze %dma_start3A_160 : memref<1x80xi32, #tpu.memory_space<vmem>> -> memref<80xi32, #tpu.memory_space<vmem>>
      %dma_start3A_162 = arith.constant 0 : i32
      %dma_start3A_163 = arith.constant 0 : i32
      %dma_start3A_164 = tpu.memref_slice %arg12[%dma_start3A_162, %dma_start3A_163] : memref<10240x128xf32, #tpu.memory_space<vmem_shared>> -> memref<10240x128xf32, #tpu.memory_space<vmem_shared>>
      tpu.enqueue_indirect_dma source(%arg9 : memref<80x128xf32, #tpu.memory_space<vmem>>) target(%dma_start3A_164 : memref<10240x128xf32, #tpu.memory_space<vmem_shared>>) offsets(%dma_start3A_161 : memref<80xi32, #tpu.memory_space<vmem>>) semaphore(%run_scoped3A_158 : memref<!tpu.dma_semaphore, #tpu.memory_space<semaphore_mem>>) {add = true}
      %dma_wait3A_165 = arith.constant 0 : i32
      %dma_wait3A_166 = tpu.memref_slice %arg6[%run_scoped3A_116, %dma_wait3A_165] : memref<2x80xi32, #tpu.memory_space<vmem>> -> memref<1x80xi32, #tpu.memory_space<vmem>>
      %dma_wait3A_167 = tpu.memref_squeeze %dma_wait3A_166 : memref<1x80xi32, #tpu.memory_space<vmem>> -> memref<80xi32, #tpu.memory_space<vmem>>
      %dma_wait3A_168 = arith.constant 0 : i32
      %dma_wait3A_169 = arith.constant 0 : i32
      %dma_wait3A_170 = tpu.memref_slice %arg12[%dma_wait3A_168, %dma_wait3A_169] : memref<10240x128xf32, #tpu.memory_space<vmem_shared>> -> memref<10240x128xf32, #tpu.memory_space<vmem_shared>>
      tpu.wait_indirect_dma semaphore(%run_scoped3A_158 : memref<!tpu.dma_semaphore, #tpu.memory_space<semaphore_mem>>) src(%arg9 : memref<80x128xf32, #tpu.memory_space<vmem>>) dst(%dma_wait3A_170 : memref<10240x128xf32, #tpu.memory_space<vmem_shared>>)
      tpu.yield
    }) : () -> ()
    %barrier3A_117 = arith.constant 0 : index
    tpu.barrier barrier_id(%barrier3A_117)
    %mul3A_118 = arith.constant 640 : i32
    %mul3A_119 = arith.muli %arg1, %mul3A_118 : i32
    %add3A_120 = arith.constant 0 : i32
    %add3A_121 = arith.addi %mul3A_119, %add3A_120 : i32
    "tpu.region"() ({
      %run_scoped3A_158 = tpu.sem_alloc : memref<!tpu.dma_semaphore, #tpu.memory_space<semaphore_mem>>
      %dma_start3A_159 = arith.constant 0 : i32
      %dma_start3A_160 = tpu.memref_slice %arg12[%add3A_121, %dma_start3A_159] : memref<10240x128xf32, #tpu.memory_space<vmem_shared>> -> memref<128x128xf32, #tpu.memory_space<vmem_shared>>
      %dma_start3A_161 = arith.constant 0 : i32
      %dma_start3A_162 = tpu.memref_slice %arg12[%add3A_121, %dma_start3A_161] : memref<10240x128xf32, #tpu.memory_space<vmem_shared>> -> memref<128x128xf32, #tpu.memory_space<vmem_shared>>
      tpu.enqueue_dma source(%dma_start3A_162 : memref<128x128xf32, #tpu.memory_space<vmem_shared>>) target(%arg11 : memref<128x128xf32, #tpu.memory_space<vmem>>) target_semaphore(%run_scoped3A_158 : memref<!tpu.dma_semaphore, #tpu.memory_space<semaphore_mem>>)
      %dma_wait3A_163 = arith.constant 0 : i32
      %dma_wait3A_164 = tpu.memref_slice %arg12[%add3A_121, %dma_wait3A_163] : memref<10240x128xf32, #tpu.memory_space<vmem_shared>> -> memref<128x128xf32, #tpu.memory_space<vmem_shared>>
      %dma_wait3A_165 = arith.constant 0 : i32
      %dma_wait3A_166 = tpu.memref_slice %arg12[%add3A_121, %dma_wait3A_165] : memref<10240x128xf32, #tpu.memory_space<vmem_shared>> -> memref<128x128xf32, #tpu.memory_space<vmem_shared>>
      tpu.wait_dma2 semaphore(%run_scoped3A_158 : memref<!tpu.dma_semaphore, #tpu.memory_space<semaphore_mem>>) src(%dma_wait3A_166 : memref<128x128xf32, #tpu.memory_space<vmem_shared>>) dst(%arg11 : memref<128x128xf32, #tpu.memory_space<vmem>>)
      tpu.yield
    }) : () -> ()
    %mul3A_122 = arith.constant 640 : i32
    %mul3A_123 = arith.muli %arg1, %mul3A_122 : i32
    %add3A_124 = arith.constant 0 : i32
    %add3A_125 = arith.addi %mul3A_123, %add3A_124 : i32
    "tpu.region"() ({
      %run_scoped3A_158 = tpu.sem_alloc : memref<!tpu.dma_semaphore, #tpu.memory_space<semaphore_mem>>
      %dma_start3A_159 = arith.constant 0 : i32
      %dma_start3A_160 = tpu.memref_slice %arg5[%arg0, %add3A_125, %dma_start3A_159] : memref<2x10240x128xf32, #tpu.memory_space<hbm>> -> memref<1x128x128xf32, #tpu.memory_space<hbm>>
      %dma_start3A_161 = tpu.memref_squeeze %dma_start3A_160 : memref<1x128x128xf32, #tpu.memory_space<hbm>> -> memref<128x128xf32, #tpu.memory_space<hbm>>
      %dma_start3A_162 = arith.constant 0 : i32
      %dma_start3A_163 = tpu.memref_slice %arg5[%arg0, %add3A_125, %dma_start3A_162] : memref<2x10240x128xf32, #tpu.memory_space<hbm>> -> memref<1x128x128xf32, #tpu.memory_space<hbm>>
      %dma_start3A_164 = tpu.memref_squeeze %dma_start3A_163 : memref<1x128x128xf32, #tpu.memory_space<hbm>> -> memref<128x128xf32, #tpu.memory_space<hbm>>
      tpu.enqueue_dma source(%arg11 : memref<128x128xf32, #tpu.memory_space<vmem>>) target(%dma_start3A_164 : memref<128x128xf32, #tpu.memory_space<hbm>>) target_semaphore(%run_scoped3A_158 : memref<!tpu.dma_semaphore, #tpu.memory_space<semaphore_mem>>)
      %dma_wait3A_165 = arith.constant 0 : i32
      %dma_wait3A_166 = tpu.memref_slice %arg5[%arg0, %add3A_125, %dma_wait3A_165] : memref<2x10240x128xf32, #tpu.memory_space<hbm>> -> memref<1x128x128xf32, #tpu.memory_space<hbm>>
      %dma_wait3A_167 = tpu.memref_squeeze %dma_wait3A_166 : memref<1x128x128xf32, #tpu.memory_space<hbm>> -> memref<128x128xf32, #tpu.memory_space<hbm>>
      %dma_wait3A_168 = arith.constant 0 : i32
      %dma_wait3A_169 = tpu.memref_slice %arg5[%arg0, %add3A_125, %dma_wait3A_168] : memref<2x10240x128xf32, #tpu.memory_space<hbm>> -> memref<1x128x128xf32, #tpu.memory_space<hbm>>
      %dma_wait3A_170 = tpu.memref_squeeze %dma_wait3A_169 : memref<1x128x128xf32, #tpu.memory_space<hbm>> -> memref<128x128xf32, #tpu.memory_space<hbm>>
      tpu.wait_dma2 semaphore(%run_scoped3A_158 : memref<!tpu.dma_semaphore, #tpu.memory_space<semaphore_mem>>) src(%arg11 : memref<128x128xf32, #tpu.memory_space<vmem>>) dst(%dma_wait3A_170 : memref<128x128xf32, #tpu.memory_space<hbm>>)
      tpu.yield
    }) : () -> ()
    %mul3A_126 = arith.constant 640 : i32
    %mul3A_127 = arith.muli %arg1, %mul3A_126 : i32
    %add3A_128 = arith.constant 128 : i32
    %add3A_129 = arith.addi %mul3A_127, %add3A_128 : i32
    "tpu.region"() ({
      %run_scoped3A_158 = tpu.sem_alloc : memref<!tpu.dma_semaphore, #tpu.memory_space<semaphore_mem>>
      %dma_start3A_159 = arith.constant 0 : i32
      %dma_start3A_160 = tpu.memref_slice %arg12[%add3A_129, %dma_start3A_159] : memref<10240x128xf32, #tpu.memory_space<vmem_shared>> -> memref<128x128xf32, #tpu.memory_space<vmem_shared>>
      %dma_start3A_161 = arith.constant 0 : i32
      %dma_start3A_162 = tpu.memref_slice %arg12[%add3A_129, %dma_start3A_161] : memref<10240x128xf32, #tpu.memory_space<vmem_shared>> -> memref<128x128xf32, #tpu.memory_space<vmem_shared>>
      tpu.enqueue_dma source(%dma_start3A_162 : memref<128x128xf32, #tpu.memory_space<vmem_shared>>) target(%arg11 : memref<128x128xf32, #tpu.memory_space<vmem>>) target_semaphore(%run_scoped3A_158 : memref<!tpu.dma_semaphore, #tpu.memory_space<semaphore_mem>>)
      %dma_wait3A_163 = arith.constant 0 : i32
      %dma_wait3A_164 = tpu.memref_slice %arg12[%add3A_129, %dma_wait3A_163] : memref<10240x128xf32, #tpu.memory_space<vmem_shared>> -> memref<128x128xf32, #tpu.memory_space<vmem_shared>>
      %dma_wait3A_165 = arith.constant 0 : i32
      %dma_wait3A_166 = tpu.memref_slice %arg12[%add3A_129, %dma_wait3A_165] : memref<10240x128xf32, #tpu.memory_space<vmem_shared>> -> memref<128x128xf32, #tpu.memory_space<vmem_shared>>
      tpu.wait_dma2 semaphore(%run_scoped3A_158 : memref<!tpu.dma_semaphore, #tpu.memory_space<semaphore_mem>>) src(%dma_wait3A_166 : memref<128x128xf32, #tpu.memory_space<vmem_shared>>) dst(%arg11 : memref<128x128xf32, #tpu.memory_space<vmem>>)
      tpu.yield
    }) : () -> ()
    %mul3A_130 = arith.constant 640 : i32
    %mul3A_131 = arith.muli %arg1, %mul3A_130 : i32
    %add3A_132 = arith.constant 128 : i32
    %add3A_133 = arith.addi %mul3A_131, %add3A_132 : i32
    "tpu.region"() ({
      %run_scoped3A_158 = tpu.sem_alloc : memref<!tpu.dma_semaphore, #tpu.memory_space<semaphore_mem>>
      %dma_start3A_159 = arith.constant 0 : i32
      %dma_start3A_160 = tpu.memref_slice %arg5[%arg0, %add3A_133, %dma_start3A_159] : memref<2x10240x128xf32, #tpu.memory_space<hbm>> -> memref<1x128x128xf32, #tpu.memory_space<hbm>>
      %dma_start3A_161 = tpu.memref_squeeze %dma_start3A_160 : memref<1x128x128xf32, #tpu.memory_space<hbm>> -> memref<128x128xf32, #tpu.memory_space<hbm>>
      %dma_start3A_162 = arith.constant 0 : i32
      %dma_start3A_163 = tpu.memref_slice %arg5[%arg0, %add3A_133, %dma_start3A_162] : memref<2x10240x128xf32, #tpu.memory_space<hbm>> -> memref<1x128x128xf32, #tpu.memory_space<hbm>>
      %dma_start3A_164 = tpu.memref_squeeze %dma_start3A_163 : memref<1x128x128xf32, #tpu.memory_space<hbm>> -> memref<128x128xf32, #tpu.memory_space<hbm>>
      tpu.enqueue_dma source(%arg11 : memref<128x128xf32, #tpu.memory_space<vmem>>) target(%dma_start3A_164 : memref<128x128xf32, #tpu.memory_space<hbm>>) target_semaphore(%run_scoped3A_158 : memref<!tpu.dma_semaphore, #tpu.memory_space<semaphore_mem>>)
      %dma_wait3A_165 = arith.constant 0 : i32
      %dma_wait3A_166 = tpu.memref_slice %arg5[%arg0, %add3A_133, %dma_wait3A_165] : memref<2x10240x128xf32, #tpu.memory_space<hbm>> -> memref<1x128x128xf32, #tpu.memory_space<hbm>>
      %dma_wait3A_167 = tpu.memref_squeeze %dma_wait3A_166 : memref<1x128x128xf32, #tpu.memory_space<hbm>> -> memref<128x128xf32, #tpu.memory_space<hbm>>
      %dma_wait3A_168 = arith.constant 0 : i32
      %dma_wait3A_169 = tpu.memref_slice %arg5[%arg0, %add3A_133, %dma_wait3A_168] : memref<2x10240x128xf32, #tpu.memory_space<hbm>> -> memref<1x128x128xf32, #tpu.memory_space<hbm>>
      %dma_wait3A_170 = tpu.memref_squeeze %dma_wait3A_169 : memref<1x128x128xf32, #tpu.memory_space<hbm>> -> memref<128x128xf32, #tpu.memory_space<hbm>>
      tpu.wait_dma2 semaphore(%run_scoped3A_158 : memref<!tpu.dma_semaphore, #tpu.memory_space<semaphore_mem>>) src(%arg11 : memref<128x128xf32, #tpu.memory_space<vmem>>) dst(%dma_wait3A_170 : memref<128x128xf32, #tpu.memory_space<hbm>>)
      tpu.yield
    }) : () -> ()
    %mul3A_134 = arith.constant 640 : i32
    %mul3A_135 = arith.muli %arg1, %mul3A_134 : i32
    %add3A_136 = arith.constant 256 : i32
    %add3A_137 = arith.addi %mul3A_135, %add3A_136 : i32
    "tpu.region"() ({
      %run_scoped3A_158 = tpu.sem_alloc : memref<!tpu.dma_semaphore, #tpu.memory_space<semaphore_mem>>
      %dma_start3A_159 = arith.constant 0 : i32
      %dma_start3A_160 = tpu.memref_slice %arg12[%add3A_137, %dma_start3A_159] : memref<10240x128xf32, #tpu.memory_space<vmem_shared>> -> memref<128x128xf32, #tpu.memory_space<vmem_shared>>
      %dma_start3A_161 = arith.constant 0 : i32
      %dma_start3A_162 = tpu.memref_slice %arg12[%add3A_137, %dma_start3A_161] : memref<10240x128xf32, #tpu.memory_space<vmem_shared>> -> memref<128x128xf32, #tpu.memory_space<vmem_shared>>
      tpu.enqueue_dma source(%dma_start3A_162 : memref<128x128xf32, #tpu.memory_space<vmem_shared>>) target(%arg11 : memref<128x128xf32, #tpu.memory_space<vmem>>) target_semaphore(%run_scoped3A_158 : memref<!tpu.dma_semaphore, #tpu.memory_space<semaphore_mem>>)
      %dma_wait3A_163 = arith.constant 0 : i32
      %dma_wait3A_164 = tpu.memref_slice %arg12[%add3A_137, %dma_wait3A_163] : memref<10240x128xf32, #tpu.memory_space<vmem_shared>> -> memref<128x128xf32, #tpu.memory_space<vmem_shared>>
      %dma_wait3A_165 = arith.constant 0 : i32
      %dma_wait3A_166 = tpu.memref_slice %arg12[%add3A_137, %dma_wait3A_165] : memref<10240x128xf32, #tpu.memory_space<vmem_shared>> -> memref<128x128xf32, #tpu.memory_space<vmem_shared>>
      tpu.wait_dma2 semaphore(%run_scoped3A_158 : memref<!tpu.dma_semaphore, #tpu.memory_space<semaphore_mem>>) src(%dma_wait3A_166 : memref<128x128xf32, #tpu.memory_space<vmem_shared>>) dst(%arg11 : memref<128x128xf32, #tpu.memory_space<vmem>>)
      tpu.yield
    }) : () -> ()
    %mul3A_138 = arith.constant 640 : i32
    %mul3A_139 = arith.muli %arg1, %mul3A_138 : i32
    %add3A_140 = arith.constant 256 : i32
    %add3A_141 = arith.addi %mul3A_139, %add3A_140 : i32
    "tpu.region"() ({
      %run_scoped3A_158 = tpu.sem_alloc : memref<!tpu.dma_semaphore, #tpu.memory_space<semaphore_mem>>
      %dma_start3A_159 = arith.constant 0 : i32
      %dma_start3A_160 = tpu.memref_slice %arg5[%arg0, %add3A_141, %dma_start3A_159] : memref<2x10240x128xf32, #tpu.memory_space<hbm>> -> memref<1x128x128xf32, #tpu.memory_space<hbm>>
      %dma_start3A_161 = tpu.memref_squeeze %dma_start3A_160 : memref<1x128x128xf32, #tpu.memory_space<hbm>> -> memref<128x128xf32, #tpu.memory_space<hbm>>
      %dma_start3A_162 = arith.constant 0 : i32
      %dma_start3A_163 = tpu.memref_slice %arg5[%arg0, %add3A_141, %dma_start3A_162] : memref<2x10240x128xf32, #tpu.memory_space<hbm>> -> memref<1x128x128xf32, #tpu.memory_space<hbm>>
      %dma_start3A_164 = tpu.memref_squeeze %dma_start3A_163 : memref<1x128x128xf32, #tpu.memory_space<hbm>> -> memref<128x128xf32, #tpu.memory_space<hbm>>
      tpu.enqueue_dma source(%arg11 : memref<128x128xf32, #tpu.memory_space<vmem>>) target(%dma_start3A_164 : memref<128x128xf32, #tpu.memory_space<hbm>>) target_semaphore(%run_scoped3A_158 : memref<!tpu.dma_semaphore, #tpu.memory_space<semaphore_mem>>)
      %dma_wait3A_165 = arith.constant 0 : i32
      %dma_wait3A_166 = tpu.memref_slice %arg5[%arg0, %add3A_141, %dma_wait3A_165] : memref<2x10240x128xf32, #tpu.memory_space<hbm>> -> memref<1x128x128xf32, #tpu.memory_space<hbm>>
      %dma_wait3A_167 = tpu.memref_squeeze %dma_wait3A_166 : memref<1x128x128xf32, #tpu.memory_space<hbm>> -> memref<128x128xf32, #tpu.memory_space<hbm>>
      %dma_wait3A_168 = arith.constant 0 : i32
      %dma_wait3A_169 = tpu.memref_slice %arg5[%arg0, %add3A_141, %dma_wait3A_168] : memref<2x10240x128xf32, #tpu.memory_space<hbm>> -> memref<1x128x128xf32, #tpu.memory_space<hbm>>
      %dma_wait3A_170 = tpu.memref_squeeze %dma_wait3A_169 : memref<1x128x128xf32, #tpu.memory_space<hbm>> -> memref<128x128xf32, #tpu.memory_space<hbm>>
      tpu.wait_dma2 semaphore(%run_scoped3A_158 : memref<!tpu.dma_semaphore, #tpu.memory_space<semaphore_mem>>) src(%arg11 : memref<128x128xf32, #tpu.memory_space<vmem>>) dst(%dma_wait3A_170 : memref<128x128xf32, #tpu.memory_space<hbm>>)
      tpu.yield
    }) : () -> ()
    %mul3A_142 = arith.constant 640 : i32
    %mul3A_143 = arith.muli %arg1, %mul3A_142 : i32
    %add3A_144 = arith.constant 384 : i32
    %add3A_145 = arith.addi %mul3A_143, %add3A_144 : i32
    "tpu.region"() ({
      %run_scoped3A_158 = tpu.sem_alloc : memref<!tpu.dma_semaphore, #tpu.memory_space<semaphore_mem>>
      %dma_start3A_159 = arith.constant 0 : i32
      %dma_start3A_160 = tpu.memref_slice %arg12[%add3A_145, %dma_start3A_159] : memref<10240x128xf32, #tpu.memory_space<vmem_shared>> -> memref<128x128xf32, #tpu.memory_space<vmem_shared>>
      %dma_start3A_161 = arith.constant 0 : i32
      %dma_start3A_162 = tpu.memref_slice %arg12[%add3A_145, %dma_start3A_161] : memref<10240x128xf32, #tpu.memory_space<vmem_shared>> -> memref<128x128xf32, #tpu.memory_space<vmem_shared>>
      tpu.enqueue_dma source(%dma_start3A_162 : memref<128x128xf32, #tpu.memory_space<vmem_shared>>) target(%arg11 : memref<128x128xf32, #tpu.memory_space<vmem>>) target_semaphore(%run_scoped3A_158 : memref<!tpu.dma_semaphore, #tpu.memory_space<semaphore_mem>>)
      %dma_wait3A_163 = arith.constant 0 : i32
      %dma_wait3A_164 = tpu.memref_slice %arg12[%add3A_145, %dma_wait3A_163] : memref<10240x128xf32, #tpu.memory_space<vmem_shared>> -> memref<128x128xf32, #tpu.memory_space<vmem_shared>>
      %dma_wait3A_165 = arith.constant 0 : i32
      %dma_wait3A_166 = tpu.memref_slice %arg12[%add3A_145, %dma_wait3A_165] : memref<10240x128xf32, #tpu.memory_space<vmem_shared>> -> memref<128x128xf32, #tpu.memory_space<vmem_shared>>
      tpu.wait_dma2 semaphore(%run_scoped3A_158 : memref<!tpu.dma_semaphore, #tpu.memory_space<semaphore_mem>>) src(%dma_wait3A_166 : memref<128x128xf32, #tpu.memory_space<vmem_shared>>) dst(%arg11 : memref<128x128xf32, #tpu.memory_space<vmem>>)
      tpu.yield
    }) : () -> ()
    %mul3A_146 = arith.constant 640 : i32
    %mul3A_147 = arith.muli %arg1, %mul3A_146 : i32
    %add3A_148 = arith.constant 384 : i32
    %add3A_149 = arith.addi %mul3A_147, %add3A_148 : i32
    "tpu.region"() ({
      %run_scoped3A_158 = tpu.sem_alloc : memref<!tpu.dma_semaphore, #tpu.memory_space<semaphore_mem>>
      %dma_start3A_159 = arith.constant 0 : i32
      %dma_start3A_160 = tpu.memref_slice %arg5[%arg0, %add3A_149, %dma_start3A_159] : memref<2x10240x128xf32, #tpu.memory_space<hbm>> -> memref<1x128x128xf32, #tpu.memory_space<hbm>>
      %dma_start3A_161 = tpu.memref_squeeze %dma_start3A_160 : memref<1x128x128xf32, #tpu.memory_space<hbm>> -> memref<128x128xf32, #tpu.memory_space<hbm>>
      %dma_start3A_162 = arith.constant 0 : i32
      %dma_start3A_163 = tpu.memref_slice %arg5[%arg0, %add3A_149, %dma_start3A_162] : memref<2x10240x128xf32, #tpu.memory_space<hbm>> -> memref<1x128x128xf32, #tpu.memory_space<hbm>>
      %dma_start3A_164 = tpu.memref_squeeze %dma_start3A_163 : memref<1x128x128xf32, #tpu.memory_space<hbm>> -> memref<128x128xf32, #tpu.memory_space<hbm>>
      tpu.enqueue_dma source(%arg11 : memref<128x128xf32, #tpu.memory_space<vmem>>) target(%dma_start3A_164 : memref<128x128xf32, #tpu.memory_space<hbm>>) target_semaphore(%run_scoped3A_158 : memref<!tpu.dma_semaphore, #tpu.memory_space<semaphore_mem>>)
      %dma_wait3A_165 = arith.constant 0 : i32
      %dma_wait3A_166 = tpu.memref_slice %arg5[%arg0, %add3A_149, %dma_wait3A_165] : memref<2x10240x128xf32, #tpu.memory_space<hbm>> -> memref<1x128x128xf32, #tpu.memory_space<hbm>>
      %dma_wait3A_167 = tpu.memref_squeeze %dma_wait3A_166 : memref<1x128x128xf32, #tpu.memory_space<hbm>> -> memref<128x128xf32, #tpu.memory_space<hbm>>
      %dma_wait3A_168 = arith.constant 0 : i32
      %dma_wait3A_169 = tpu.memref_slice %arg5[%arg0, %add3A_149, %dma_wait3A_168] : memref<2x10240x128xf32, #tpu.memory_space<hbm>> -> memref<1x128x128xf32, #tpu.memory_space<hbm>>
      %dma_wait3A_170 = tpu.memref_squeeze %dma_wait3A_169 : memref<1x128x128xf32, #tpu.memory_space<hbm>> -> memref<128x128xf32, #tpu.memory_space<hbm>>
      tpu.wait_dma2 semaphore(%run_scoped3A_158 : memref<!tpu.dma_semaphore, #tpu.memory_space<semaphore_mem>>) src(%arg11 : memref<128x128xf32, #tpu.memory_space<vmem>>) dst(%dma_wait3A_170 : memref<128x128xf32, #tpu.memory_space<hbm>>)
      tpu.yield
    }) : () -> ()
    %mul3A_150 = arith.constant 640 : i32
    %mul3A_151 = arith.muli %arg1, %mul3A_150 : i32
    %add3A_152 = arith.constant 512 : i32
    %add3A_153 = arith.addi %mul3A_151, %add3A_152 : i32
    "tpu.region"() ({
      %run_scoped3A_158 = tpu.sem_alloc : memref<!tpu.dma_semaphore, #tpu.memory_space<semaphore_mem>>
      %dma_start3A_159 = arith.constant 0 : i32
      %dma_start3A_160 = tpu.memref_slice %arg12[%add3A_153, %dma_start3A_159] : memref<10240x128xf32, #tpu.memory_space<vmem_shared>> -> memref<128x128xf32, #tpu.memory_space<vmem_shared>>
      %dma_start3A_161 = arith.constant 0 : i32
      %dma_start3A_162 = tpu.memref_slice %arg12[%add3A_153, %dma_start3A_161] : memref<10240x128xf32, #tpu.memory_space<vmem_shared>> -> memref<128x128xf32, #tpu.memory_space<vmem_shared>>
      tpu.enqueue_dma source(%dma_start3A_162 : memref<128x128xf32, #tpu.memory_space<vmem_shared>>) target(%arg11 : memref<128x128xf32, #tpu.memory_space<vmem>>) target_semaphore(%run_scoped3A_158 : memref<!tpu.dma_semaphore, #tpu.memory_space<semaphore_mem>>)
      %dma_wait3A_163 = arith.constant 0 : i32
      %dma_wait3A_164 = tpu.memref_slice %arg12[%add3A_153, %dma_wait3A_163] : memref<10240x128xf32, #tpu.memory_space<vmem_shared>> -> memref<128x128xf32, #tpu.memory_space<vmem_shared>>
      %dma_wait3A_165 = arith.constant 0 : i32
      %dma_wait3A_166 = tpu.memref_slice %arg12[%add3A_153, %dma_wait3A_165] : memref<10240x128xf32, #tpu.memory_space<vmem_shared>> -> memref<128x128xf32, #tpu.memory_space<vmem_shared>>
      tpu.wait_dma2 semaphore(%run_scoped3A_158 : memref<!tpu.dma_semaphore, #tpu.memory_space<semaphore_mem>>) src(%dma_wait3A_166 : memref<128x128xf32, #tpu.memory_space<vmem_shared>>) dst(%arg11 : memref<128x128xf32, #tpu.memory_space<vmem>>)
      tpu.yield
    }) : () -> ()
    %mul3A_154 = arith.constant 640 : i32
    %mul3A_155 = arith.muli %arg1, %mul3A_154 : i32
    %add3A_156 = arith.constant 512 : i32
    %add3A_157 = arith.addi %mul3A_155, %add3A_156 : i32
    "tpu.region"() ({
      %run_scoped3A_158 = tpu.sem_alloc : memref<!tpu.dma_semaphore, #tpu.memory_space<semaphore_mem>>
      %dma_start3A_159 = arith.constant 0 : i32
      %dma_start3A_160 = tpu.memref_slice %arg5[%arg0, %add3A_157, %dma_start3A_159] : memref<2x10240x128xf32, #tpu.memory_space<hbm>> -> memref<1x128x128xf32, #tpu.memory_space<hbm>>
      %dma_start3A_161 = tpu.memref_squeeze %dma_start3A_160 : memref<1x128x128xf32, #tpu.memory_space<hbm>> -> memref<128x128xf32, #tpu.memory_space<hbm>>
      %dma_start3A_162 = arith.constant 0 : i32
      %dma_start3A_163 = tpu.memref_slice %arg5[%arg0, %add3A_157, %dma_start3A_162] : memref<2x10240x128xf32, #tpu.memory_space<hbm>> -> memref<1x128x128xf32, #tpu.memory_space<hbm>>
      %dma_start3A_164 = tpu.memref_squeeze %dma_start3A_163 : memref<1x128x128xf32, #tpu.memory_space<hbm>> -> memref<128x128xf32, #tpu.memory_space<hbm>>
      tpu.enqueue_dma source(%arg11 : memref<128x128xf32, #tpu.memory_space<vmem>>) target(%dma_start3A_164 : memref<128x128xf32, #tpu.memory_space<hbm>>) target_semaphore(%run_scoped3A_158 : memref<!tpu.dma_semaphore, #tpu.memory_space<semaphore_mem>>)
      %dma_wait3A_165 = arith.constant 0 : i32
      %dma_wait3A_166 = tpu.memref_slice %arg5[%arg0, %add3A_157, %dma_wait3A_165] : memref<2x10240x128xf32, #tpu.memory_space<hbm>> -> memref<1x128x128xf32, #tpu.memory_space<hbm>>
      %dma_wait3A_167 = tpu.memref_squeeze %dma_wait3A_166 : memref<1x128x128xf32, #tpu.memory_space<hbm>> -> memref<128x128xf32, #tpu.memory_space<hbm>>
      %dma_wait3A_168 = arith.constant 0 : i32
      %dma_wait3A_169 = tpu.memref_slice %arg5[%arg0, %add3A_157, %dma_wait3A_168] : memref<2x10240x128xf32, #tpu.memory_space<hbm>> -> memref<1x128x128xf32, #tpu.memory_space<hbm>>
      %dma_wait3A_170 = tpu.memref_squeeze %dma_wait3A_169 : memref<1x128x128xf32, #tpu.memory_space<hbm>> -> memref<128x128xf32, #tpu.memory_space<hbm>>
      tpu.wait_dma2 semaphore(%run_scoped3A_158 : memref<!tpu.dma_semaphore, #tpu.memory_space<semaphore_mem>>) src(%arg11 : memref<128x128xf32, #tpu.memory_space<vmem>>) dst(%dma_wait3A_170 : memref<128x128xf32, #tpu.memory_space<hbm>>)
      tpu.yield
    }) : () -> ()
    return
  }
}

module attributes {stable_mosaic.version = 14 : i64} {
  func.func @_mm1_body(%arg0: i32, %arg1: memref<2000x128xf32, #tpu.memory_space<vmem>>, %arg2: memref<128x128xf32, #tpu.memory_space<vmem>>, %arg3: memref<2000x1xf32, #tpu.memory_space<vmem>>, %arg4: memref<2000x1xf32, #tpu.memory_space<vmem>>, %arg5: memref<2000x128xf32, #tpu.memory_space<vmem>>, %arg6: memref<2000x1xf32, #tpu.memory_space<vmem>>) attributes {dimension_semantics = [#tpu.dimension_semantics<arbitrary>], iteration_bounds = array<i64: 5>, scalar_prefetch = 0 : i64, scratch_operands = 0 : i64, tpu.core_type = #tpu.core_type<tc>, window_params = [{transform_indices = @transform_0, window_bounds = array<i64: 2000, 128>}, {pipeline_mode = #tpu.pipeline_mode<synchronous>, transform_indices = @transform_1, window_bounds = array<i64: 128, 128>}, {transform_indices = @transform_2, window_bounds = array<i64: 2000, 1>}, {transform_indices = @transform_3, window_bounds = array<i64: 2000, 1>}, {transform_indices = @transform_4, window_bounds = array<i64: 2000, 128>}, {transform_indices = @transform_5, window_bounds = array<i64: 2000, 1>}]} {
    %get3A = arith.constant 0 : index
    %get3A_0 = arith.constant 0 : index
    %get3A_1 = vector.load %arg3[%get3A, %get3A_0] : memref<2000x1xf32, #tpu.memory_space<vmem>>, vector<2000x1xf32>
    %get3A_2 = arith.constant 0 : index
    %get3A_3 = arith.constant 0 : index
    %get3A_4 = vector.load %arg4[%get3A_2, %get3A_3] : memref<2000x1xf32, #tpu.memory_space<vmem>>, vector<2000x1xf32>
    %add3A = arith.addf %get3A_1, %get3A_4 : vector<2000x1xf32>
    %add3A_5 = arith.constant 1.000000e+00 : f32
    %add3A_6 = vector.broadcast %add3A_5 : f32 to vector<2000x1xf32>
    %add3A_7 = arith.addf %add3A, %add3A_6 : vector<2000x1xf32>
    %rsqrt3A = math.rsqrt %add3A_7 : vector<2000x1xf32>
    %get3A_8 = arith.constant 0 : index
    %get3A_9 = arith.constant 0 : index
    %get3A_10 = vector.load %arg1[%get3A_8, %get3A_9] : memref<2000x128xf32, #tpu.memory_space<vmem>>, vector<2000x128xf32>
    %get3A_11 = arith.constant 0 : index
    %get3A_12 = arith.constant 0 : index
    %get3A_13 = vector.load %arg2[%get3A_11, %get3A_12] : memref<128x128xf32, #tpu.memory_space<vmem>>, vector<128x128xf32>
    %dot_general3A = arith.constant dense<0.000000e+00> : vector<2000x128xf32>
    %dot_general3A_14 = tpu.matmul %get3A_10, %get3A_13, %dot_general3A {dimension_numbers = #tpu.dot_dimension_numbers<[1], [0], [0], [1], [0, 0, 1, 1], [], []>, transpose_lhs_hint = false} : vector<2000x128xf32>, vector<128x128xf32>, vector<2000x128xf32> -> vector<2000x128xf32>
    %swap3A = arith.constant 0 : index
    %swap3A_15 = arith.constant 0 : index
    %swap3A_16 = vector.load %arg6[%swap3A, %swap3A_15] : memref<2000x1xf32, #tpu.memory_space<vmem>>, vector<2000x1xf32>
    tpu.vector_store %arg6[%swap3A, %swap3A_15], %rsqrt3A {strides = array<i32>} : memref<2000x1xf32, #tpu.memory_space<vmem>>, vector<2000x1xf32>,
    %mul3A = vector.broadcast %rsqrt3A : vector<2000x1xf32> to vector<2000x128xf32>
    %mul3A_17 = arith.mulf %dot_general3A_14, %mul3A : vector<2000x128xf32>
    %swap3A_18 = arith.constant 0 : index
    %swap3A_19 = arith.constant 0 : index
    %swap3A_20 = vector.load %arg5[%swap3A_18, %swap3A_19] : memref<2000x128xf32, #tpu.memory_space<vmem>>, vector<2000x128xf32>
    tpu.vector_store %arg5[%swap3A_18, %swap3A_19], %mul3A_17 {strides = array<i32>} : memref<2000x128xf32, #tpu.memory_space<vmem>>, vector<2000x128xf32>,
    return
  }
  func.func @transform_0(%arg0: i32) -> (i32, i32) {
    %c0_i32 = arith.constant 0 : i32
    %c0_i32_0 = arith.constant 0 : i32
    return %arg0, %c0_i32 : i32, i32
  }
  func.func @transform_1(%arg0: i32) -> (i32, i32) {
    %c0_i32 = arith.constant 0 : i32
    %c0_i32_0 = arith.constant 0 : i32
    %c0_i32_1 = arith.constant 0 : i32
    return %c0_i32, %c0_i32_0 : i32, i32
  }
  func.func @transform_2(%arg0: i32) -> (i32, i32) {
    %c0_i32 = arith.constant 0 : i32
    %c0_i32_0 = arith.constant 0 : i32
    return %arg0, %c0_i32 : i32, i32
  }
  func.func @transform_3(%arg0: i32) -> (i32, i32) {
    %c0_i32 = arith.constant 0 : i32
    %c0_i32_0 = arith.constant 0 : i32
    return %arg0, %c0_i32 : i32, i32
  }
  func.func @transform_4(%arg0: i32) -> (i32, i32) {
    %c0_i32 = arith.constant 0 : i32
    %c0_i32_0 = arith.constant 0 : i32
    return %arg0, %c0_i32 : i32, i32
  }
  func.func @transform_5(%arg0: i32) -> (i32, i32) {
    %c0_i32 = arith.constant 0 : i32
    %c0_i32_0 = arith.constant 0 : i32
    return %arg0, %c0_i32 : i32, i32
  }
}

module attributes {stable_mosaic.version = 14 : i64} {
  func.func @_comb_mm_body(%arg0: i32, %arg1: memref<2x2000x128xf32, #tpu.memory_space<vmem>>, %arg2: memref<2000x128xf32, #tpu.memory_space<vmem>>, %arg3: memref<2000x1xf32, #tpu.memory_space<vmem>>, %arg4: memref<1x128xf32, #tpu.memory_space<vmem>>, %arg5: memref<128x128xf32, #tpu.memory_space<vmem>>, %arg6: memref<2000x128xf32, #tpu.memory_space<vmem>>) attributes {dimension_semantics = [#tpu.dimension_semantics<arbitrary>], iteration_bounds = array<i64: 5>, scalar_prefetch = 0 : i64, scratch_operands = 0 : i64, tpu.core_type = #tpu.core_type<tc>, window_params = [{transform_indices = @transform_0, window_bounds = array<i64: 2, 2000, 128>}, {transform_indices = @transform_1, window_bounds = array<i64: 2000, 128>}, {transform_indices = @transform_2, window_bounds = array<i64: 2000, 1>}, {pipeline_mode = #tpu.pipeline_mode<synchronous>, transform_indices = @transform_3, window_bounds = array<i64: 1, 128>}, {pipeline_mode = #tpu.pipeline_mode<synchronous>, transform_indices = @transform_4, window_bounds = array<i64: 128, 128>}, {transform_indices = @transform_5, window_bounds = array<i64: 2000, 128>}]} {
    %get3A = arith.constant 0 : index
    %get3A_0 = arith.constant 0 : index
    %get3A_1 = vector.load %arg3[%get3A, %get3A_0] : memref<2000x1xf32, #tpu.memory_space<vmem>>, vector<2000x1xf32>
    %get3A_2 = arith.constant 0 : index
    %get3A_3 = arith.constant 0 : index
    %get3A_4 = arith.constant 0 : index
    %get3A_5 = vector.load %arg1[%get3A_2, %get3A_3, %get3A_4] : memref<2x2000x128xf32, #tpu.memory_space<vmem>>, vector<1x2000x128xf32>
    %get3A_6 = vector.shape_cast %get3A_5 : vector<1x2000x128xf32> to vector<2000x128xf32>
    %get3A_7 = arith.constant 1 : index
    %get3A_8 = arith.constant 0 : index
    %get3A_9 = arith.constant 0 : index
    %get3A_10 = vector.load %arg1[%get3A_7, %get3A_8, %get3A_9] : memref<2x2000x128xf32, #tpu.memory_space<vmem>>, vector<1x2000x128xf32>
    %get3A_11 = vector.shape_cast %get3A_10 : vector<1x2000x128xf32> to vector<2000x128xf32>
    %add3A = arith.addf %get3A_6, %get3A_11 : vector<2000x128xf32>
    %get3A_12 = arith.constant 0 : index
    %get3A_13 = arith.constant 0 : index
    %get3A_14 = vector.load %arg2[%get3A_12, %get3A_13] : memref<2000x128xf32, #tpu.memory_space<vmem>>, vector<2000x128xf32>
    %add3A_15 = arith.addf %add3A, %get3A_14 : vector<2000x128xf32>
    %mul3A = vector.broadcast %get3A_1 : vector<2000x1xf32> to vector<2000x128xf32>
    %mul3A_16 = arith.mulf %add3A_15, %mul3A : vector<2000x128xf32>
    %get3A_17 = arith.constant 0 : index
    %get3A_18 = arith.constant 0 : index
    %get3A_19 = vector.load %arg4[%get3A_17, %get3A_18] : memref<1x128xf32, #tpu.memory_space<vmem>>, vector<1x128xf32>
    %add3A_20 = vector.broadcast %get3A_19 : vector<1x128xf32> to vector<2000x128xf32>
    %add3A_21 = arith.addf %mul3A_16, %add3A_20 : vector<2000x128xf32>
    %max3A = arith.constant 0.000000e+00 : f32
    %max3A_22 = vector.broadcast %max3A : f32 to vector<2000x128xf32>
    %max3A_23 = arith.maximumf %add3A_21, %max3A_22 : vector<2000x128xf32>
    %get3A_24 = arith.constant 0 : index
    %get3A_25 = arith.constant 0 : index
    %get3A_26 = vector.load %arg5[%get3A_24, %get3A_25] : memref<128x128xf32, #tpu.memory_space<vmem>>, vector<128x128xf32>
    %dot_general3A = arith.constant dense<0.000000e+00> : vector<2000x128xf32>
    %dot_general3A_27 = tpu.matmul %max3A_23, %get3A_26, %dot_general3A {dimension_numbers = #tpu.dot_dimension_numbers<[1], [0], [0], [1], [0, 0, 1, 1], [], []>, transpose_lhs_hint = false} : vector<2000x128xf32>, vector<128x128xf32>, vector<2000x128xf32> -> vector<2000x128xf32>
    %mul3A_28 = vector.broadcast %get3A_1 : vector<2000x1xf32> to vector<2000x128xf32>
    %mul3A_29 = arith.mulf %dot_general3A_27, %mul3A_28 : vector<2000x128xf32>
    %swap3A = arith.constant 0 : index
    %swap3A_30 = arith.constant 0 : index
    %swap3A_31 = vector.load %arg6[%swap3A, %swap3A_30] : memref<2000x128xf32, #tpu.memory_space<vmem>>, vector<2000x128xf32>
    tpu.vector_store %arg6[%swap3A, %swap3A_30], %mul3A_29 {strides = array<i32>} : memref<2000x128xf32, #tpu.memory_space<vmem>>, vector<2000x128xf32>,
    return
  }
  func.func @transform_0(%arg0: i32) -> (i32, i32, i32) {
    %c0_i32 = arith.constant 0 : i32
    %c0_i32_0 = arith.constant 0 : i32
    %c0_i32_1 = arith.constant 0 : i32
    return %c0_i32, %arg0, %c0_i32_0 : i32, i32, i32
  }
  func.func @transform_1(%arg0: i32) -> (i32, i32) {
    %c0_i32 = arith.constant 0 : i32
    %c0_i32_0 = arith.constant 0 : i32
    return %arg0, %c0_i32 : i32, i32
  }
  func.func @transform_2(%arg0: i32) -> (i32, i32) {
    %c0_i32 = arith.constant 0 : i32
    %c0_i32_0 = arith.constant 0 : i32
    return %arg0, %c0_i32 : i32, i32
  }
  func.func @transform_3(%arg0: i32) -> (i32, i32) {
    %c0_i32 = arith.constant 0 : i32
    %c0_i32_0 = arith.constant 0 : i32
    %c0_i32_1 = arith.constant 0 : i32
    return %c0_i32, %c0_i32_0 : i32, i32
  }
  func.func @transform_4(%arg0: i32) -> (i32, i32) {
    %c0_i32 = arith.constant 0 : i32
    %c0_i32_0 = arith.constant 0 : i32
    %c0_i32_1 = arith.constant 0 : i32
    return %c0_i32, %c0_i32_0 : i32, i32
  }
  func.func @transform_5(%arg0: i32) -> (i32, i32) {
    %c0_i32 = arith.constant 0 : i32
    %c0_i32_0 = arith.constant 0 : i32
    return %arg0, %c0_i32 : i32, i32
  }
}

module attributes {stable_mosaic.version = 14 : i64} {
  func.func @_comb_body(%arg0: i32, %arg1: memref<2x2000x128xf32, #tpu.memory_space<vmem>>, %arg2: memref<2000x128xf32, #tpu.memory_space<vmem>>, %arg3: memref<2000x1xf32, #tpu.memory_space<vmem>>, %arg4: memref<1x128xf32, #tpu.memory_space<vmem>>, %arg5: memref<2000x128xf32, #tpu.memory_space<vmem>>) attributes {dimension_semantics = [#tpu.dimension_semantics<arbitrary>], iteration_bounds = array<i64: 5>, scalar_prefetch = 0 : i64, scratch_operands = 0 : i64, tpu.core_type = #tpu.core_type<tc>, window_params = [{transform_indices = @transform_0, window_bounds = array<i64: 2, 2000, 128>}, {transform_indices = @transform_1, window_bounds = array<i64: 2000, 128>}, {transform_indices = @transform_2, window_bounds = array<i64: 2000, 1>}, {pipeline_mode = #tpu.pipeline_mode<synchronous>, transform_indices = @transform_3, window_bounds = array<i64: 1, 128>}, {transform_indices = @transform_4, window_bounds = array<i64: 2000, 128>}]} {
    %get3A = arith.constant 0 : index
    %get3A_0 = arith.constant 0 : index
    %get3A_1 = vector.load %arg3[%get3A, %get3A_0] : memref<2000x1xf32, #tpu.memory_space<vmem>>, vector<2000x1xf32>
    %get3A_2 = arith.constant 0 : index
    %get3A_3 = arith.constant 0 : index
    %get3A_4 = arith.constant 0 : index
    %get3A_5 = vector.load %arg1[%get3A_2, %get3A_3, %get3A_4] : memref<2x2000x128xf32, #tpu.memory_space<vmem>>, vector<1x2000x128xf32>
    %get3A_6 = vector.shape_cast %get3A_5 : vector<1x2000x128xf32> to vector<2000x128xf32>
    %get3A_7 = arith.constant 1 : index
    %get3A_8 = arith.constant 0 : index
    %get3A_9 = arith.constant 0 : index
    %get3A_10 = vector.load %arg1[%get3A_7, %get3A_8, %get3A_9] : memref<2x2000x128xf32, #tpu.memory_space<vmem>>, vector<1x2000x128xf32>
    %get3A_11 = vector.shape_cast %get3A_10 : vector<1x2000x128xf32> to vector<2000x128xf32>
    %add3A = arith.addf %get3A_6, %get3A_11 : vector<2000x128xf32>
    %get3A_12 = arith.constant 0 : index
    %get3A_13 = arith.constant 0 : index
    %get3A_14 = vector.load %arg2[%get3A_12, %get3A_13] : memref<2000x128xf32, #tpu.memory_space<vmem>>, vector<2000x128xf32>
    %add3A_15 = arith.addf %add3A, %get3A_14 : vector<2000x128xf32>
    %mul3A = vector.broadcast %get3A_1 : vector<2000x1xf32> to vector<2000x128xf32>
    %mul3A_16 = arith.mulf %add3A_15, %mul3A : vector<2000x128xf32>
    %get3A_17 = arith.constant 0 : index
    %get3A_18 = arith.constant 0 : index
    %get3A_19 = vector.load %arg4[%get3A_17, %get3A_18] : memref<1x128xf32, #tpu.memory_space<vmem>>, vector<1x128xf32>
    %add3A_20 = vector.broadcast %get3A_19 : vector<1x128xf32> to vector<2000x128xf32>
    %add3A_21 = arith.addf %mul3A_16, %add3A_20 : vector<2000x128xf32>
    %max3A = arith.constant 0.000000e+00 : f32
    %max3A_22 = vector.broadcast %max3A : f32 to vector<2000x128xf32>
    %max3A_23 = arith.maximumf %add3A_21, %max3A_22 : vector<2000x128xf32>
    %mul3A_24 = vector.broadcast %get3A_1 : vector<2000x1xf32> to vector<2000x128xf32>
    %mul3A_25 = arith.mulf %max3A_23, %mul3A_24 : vector<2000x128xf32>
    %swap3A = arith.constant 0 : index
    %swap3A_26 = arith.constant 0 : index
    %swap3A_27 = vector.load %arg5[%swap3A, %swap3A_26] : memref<2000x128xf32, #tpu.memory_space<vmem>>, vector<2000x128xf32>
    tpu.vector_store %arg5[%swap3A, %swap3A_26], %mul3A_25 {strides = array<i32>} : memref<2000x128xf32, #tpu.memory_space<vmem>>, vector<2000x128xf32>,
    return
  }
  func.func @transform_0(%arg0: i32) -> (i32, i32, i32) {
    %c0_i32 = arith.constant 0 : i32
    %c0_i32_0 = arith.constant 0 : i32
    %c0_i32_1 = arith.constant 0 : i32
    return %c0_i32, %arg0, %c0_i32_0 : i32, i32, i32
  }
  func.func @transform_1(%arg0: i32) -> (i32, i32) {
    %c0_i32 = arith.constant 0 : i32
    %c0_i32_0 = arith.constant 0 : i32
    return %arg0, %c0_i32 : i32, i32
  }
  func.func @transform_2(%arg0: i32) -> (i32, i32) {
    %c0_i32 = arith.constant 0 : i32
    %c0_i32_0 = arith.constant 0 : i32
    return %arg0, %c0_i32 : i32, i32
  }
  func.func @transform_3(%arg0: i32) -> (i32, i32) {
    %c0_i32 = arith.constant 0 : i32
    %c0_i32_0 = arith.constant 0 : i32
    %c0_i32_1 = arith.constant 0 : i32
    return %c0_i32, %c0_i32_0 : i32, i32
  }
  func.func @transform_4(%arg0: i32) -> (i32, i32) {
    %c0_i32 = arith.constant 0 : i32
    %c0_i32_0 = arith.constant 0 : i32
    return %arg0, %c0_i32 : i32, i32
  }
}

module attributes {stable_mosaic.version = 14 : i64} {
  func.func @_final_body(%arg0: i32, %arg1: memref<2x2000x128xf32, #tpu.memory_space<vmem>>, %arg2: memref<2000x128xf32, #tpu.memory_space<vmem>>, %arg3: memref<2000x1xf32, #tpu.memory_space<vmem>>, %arg4: memref<128x128xf32, #tpu.memory_space<vmem>>, %arg5: memref<1x128xf32, #tpu.memory_space<vmem>>, %arg6: memref<2000x128xf32, #tpu.memory_space<vmem>>) attributes {dimension_semantics = [#tpu.dimension_semantics<arbitrary>], iteration_bounds = array<i64: 5>, scalar_prefetch = 0 : i64, scratch_operands = 0 : i64, tpu.core_type = #tpu.core_type<tc>, window_params = [{transform_indices = @transform_0, window_bounds = array<i64: 2, 2000, 128>}, {transform_indices = @transform_1, window_bounds = array<i64: 2000, 128>}, {transform_indices = @transform_2, window_bounds = array<i64: 2000, 1>}, {pipeline_mode = #tpu.pipeline_mode<synchronous>, transform_indices = @transform_3, window_bounds = array<i64: 128, 128>}, {pipeline_mode = #tpu.pipeline_mode<synchronous>, transform_indices = @transform_4, window_bounds = array<i64: 1, 128>}, {transform_indices = @transform_5, window_bounds = array<i64: 2000, 128>}]} {
    %get3A = arith.constant 0 : index
    %get3A_0 = arith.constant 0 : index
    %get3A_1 = arith.constant 0 : index
    %get3A_2 = vector.load %arg1[%get3A, %get3A_0, %get3A_1] : memref<2x2000x128xf32, #tpu.memory_space<vmem>>, vector<1x2000x128xf32>
    %get3A_3 = vector.shape_cast %get3A_2 : vector<1x2000x128xf32> to vector<2000x128xf32>
    %get3A_4 = arith.constant 1 : index
    %get3A_5 = arith.constant 0 : index
    %get3A_6 = arith.constant 0 : index
    %get3A_7 = vector.load %arg1[%get3A_4, %get3A_5, %get3A_6] : memref<2x2000x128xf32, #tpu.memory_space<vmem>>, vector<1x2000x128xf32>
    %get3A_8 = vector.shape_cast %get3A_7 : vector<1x2000x128xf32> to vector<2000x128xf32>
    %add3A = arith.addf %get3A_3, %get3A_8 : vector<2000x128xf32>
    %get3A_9 = arith.constant 0 : index
    %get3A_10 = arith.constant 0 : index
    %get3A_11 = vector.load %arg2[%get3A_9, %get3A_10] : memref<2000x128xf32, #tpu.memory_space<vmem>>, vector<2000x128xf32>
    %add3A_12 = arith.addf %add3A, %get3A_11 : vector<2000x128xf32>
    %get3A_13 = arith.constant 0 : index
    %get3A_14 = arith.constant 0 : index
    %get3A_15 = vector.load %arg3[%get3A_13, %get3A_14] : memref<2000x1xf32, #tpu.memory_space<vmem>>, vector<2000x1xf32>
    %mul3A = vector.broadcast %get3A_15 : vector<2000x1xf32> to vector<2000x128xf32>
    %mul3A_16 = arith.mulf %add3A_12, %mul3A : vector<2000x128xf32>
    %get3A_17 = arith.constant 0 : index
    %get3A_18 = arith.constant 0 : index
    %get3A_19 = vector.load %arg4[%get3A_17, %get3A_18] : memref<128x128xf32, #tpu.memory_space<vmem>>, vector<128x128xf32>
    %dot_general3A = arith.constant dense<0.000000e+00> : vector<2000x128xf32>
    %dot_general3A_20 = tpu.matmul %mul3A_16, %get3A_19, %dot_general3A {dimension_numbers = #tpu.dot_dimension_numbers<[1], [0], [0], [1], [0, 0, 1, 1], [], []>, transpose_lhs_hint = false} : vector<2000x128xf32>, vector<128x128xf32>, vector<2000x128xf32> -> vector<2000x128xf32>
    %get3A_21 = arith.constant 0 : index
    %get3A_22 = arith.constant 0 : index
    %get3A_23 = vector.load %arg5[%get3A_21, %get3A_22] : memref<1x128xf32, #tpu.memory_space<vmem>>, vector<1x128xf32>
    %add3A_24 = vector.broadcast %get3A_23 : vector<1x128xf32> to vector<2000x128xf32>
    %add3A_25 = arith.addf %dot_general3A_20, %add3A_24 : vector<2000x128xf32>
    %swap3A = arith.constant 0 : index
    %swap3A_26 = arith.constant 0 : index
    %swap3A_27 = vector.load %arg6[%swap3A, %swap3A_26] : memref<2000x128xf32, #tpu.memory_space<vmem>>, vector<2000x128xf32>
    tpu.vector_store %arg6[%swap3A, %swap3A_26], %add3A_25 {strides = array<i32>} : memref<2000x128xf32, #tpu.memory_space<vmem>>, vector<2000x128xf32>,
    return
  }
  func.func @transform_0(%arg0: i32) -> (i32, i32, i32) {
    %c0_i32 = arith.constant 0 : i32
    %c0_i32_0 = arith.constant 0 : i32
    %c0_i32_1 = arith.constant 0 : i32
    return %c0_i32, %arg0, %c0_i32_0 : i32, i32, i32
  }
  func.func @transform_1(%arg0: i32) -> (i32, i32) {
    %c0_i32 = arith.constant 0 : i32
    %c0_i32_0 = arith.constant 0 : i32
    return %arg0, %c0_i32 : i32, i32
  }
  func.func @transform_2(%arg0: i32) -> (i32, i32) {
    %c0_i32 = arith.constant 0 : i32
    %c0_i32_0 = arith.constant 0 : i32
    return %arg0, %c0_i32 : i32, i32
  }
  func.func @transform_3(%arg0: i32) -> (i32, i32) {
    %c0_i32 = arith.constant 0 : i32
    %c0_i32_0 = arith.constant 0 : i32
    %c0_i32_1 = arith.constant 0 : i32
    return %c0_i32, %c0_i32_0 : i32, i32
  }
  func.func @transform_4(%arg0: i32) -> (i32, i32) {
    %c0_i32 = arith.constant 0 : i32
    %c0_i32_0 = arith.constant 0 : i32
    %c0_i32_1 = arith.constant 0 : i32
    return %c0_i32, %c0_i32_0 : i32, i32
  }
  func.func @transform_5(%arg0: i32) -> (i32, i32) {
    %c0_i32 = arith.constant 0 : i32
    %c0_i32_0 = arith.constant 0 : i32
    return %arg0, %c0_i32 : i32, i32
  }
}

</mosaic_0001>

<sc_bundles>
// kernel: kernel.10.cloned.1.call-start
scs
__scs_entry_jumppad:
0x0: {  	(pc) =	sbr.rel $0x88, $3  }
0x1: {  	(tag) =	ssettag $0x0;
	lr =	simm.s32 $0x1  }
0x2: {  	[smem:$0x3F97] =	sst lr;
	_ =	strace $0xD0000000  }
0x3: {  	_ = 	snop  }
0x4: {  	_ = 	snop  }
0x5: {  	_ = 	snop  }
0x6: {  	_ = 	snop  }
0x7: {  	_ = 	snop  }
__scs_overlays_trampoline_lowered:
0x8: {  	[smem:$0x3FA6] =	sst s0  }
0x9: {  	[smem:$0x3FA7] =	sst s1  }
0xa: {  	[smem:$0x3FA8] =	sst s2  }
0xb: {  	[smem:$0x3FA9] =	sst s3  }
0xc: {  	[smem:$0x3FAA] =	sst s4  }
0xd: {  	[smem:$0x3FAB] =	sst s5  }
0xe: {  	[smem:$0x3FAC] =	sst s6  }
0xf: {  	[smem:$0x3FAD] =	sst s7  }
0x10: {  	[smem:$0x3FAE] =	sst s8  }
0x11: {  	[smem:$0x3FAF] =	sst s9;
	s0 =	simm.s32 @!p0 $0x0  }
0x12: {  	s1 =	sld [smem:$0x3F95];
	s0 =	simm.s32 @p0 $0x1  }
0x13: {  	[smem:$0x3FB0] =	sst s0;
	s0 =	simm.s32 @!p1 $0x0  }
0x14: {  	s2 =	sld [smem:$0x3F94];
	s0 =	simm.s32 @p1 $0x1  }
0x15: {  	[smem:$0x3FB1] =	sst s0;
	s0 =	simm.s32 @!p2 $0x0  }
0x16: {  	s3 =	sld [smem:$0x3FDB];
	s0 =	simm.s32 @p2 $0x1  }
0x17: {  	s4 =	simm.s32 $0x1BF5;
	[smem:$0x3FB3] =	sst s0  }
0x18: {  	s0 =	sld [smem:$0x3F96];
	_ =	swait.ge [sflag:s4], $0x0  }
0x19: {  	s7 =	sld [smem:$0x3F97]  }
0x1a: {  	s8 =	sadd.s32 $0xFFFFE003, lr  }
0x1b: {  	s9 =	sadd.s32 $0xFFFFFEF7, lr;
	s5 =	simm.s32 $0xFFFFFFFF;
	p2 =	slt.u32 s8, $0xFFFFF086  }
0x1c: {  	p1 =	slt.u32 s9, $0xF7A;
	s5 =	simm.s32 @!p2 $0x0  }
0x1d: {  	s5 =	simm.s32 @p1 $0x1;
	p0 =	seq.s32 s7, s2  }
0x1e: {  	s7 =	smul.u32 @!p0 $0xF7A, s2;
	p2 =	seq.s32 @!p0 s5, $0x0  }
0x1f: {  	s9 =	smul.u32 $0xF7A, s1;
	s8 =	simm.s32 @!p0 $0x1BF5;
	p2 =	por !p2, p0  }
0x20: {  	[sflag:s8] =	ssyncset.s32 @!p0 $0xFFFFF086;
	s6 =	sadd.s32 @!p0 s3, s7;
	s7 =	simm.s32 @!p0 $0x108  }
0x21: {  	s3 =	sadd.s32 s3, s9;
	s6 =	sadd.s32 @!p0 $0x88, s6;
	s7 =	simm.s32 @p2 $0x1082  }
0x22: {  	[simem:s7], [sflag:s8] =	dma.local @!p0 [hbm:s6], $0xF7A  }
0x23: {  	s9 =	sor.u32 $0xD0000000, s2;
	s6 =	simm.s32 $0x108;
	_ =	swait.ge @!p0 [sflag:s8], $0x0  }
0x24: {  	s3 =	sadd.s32 $0x88, s3;
	s6 =	simm.s32 @!p1 $0x1082;
	[sflag:s4] =	ssyncset.s32 $0xFFFFF086  }
0x25: {  	[simem:s6], [sflag:s4] =	dma.local [hbm:s3], $0xF7A  }
0x26: {  	[smem:$0x3F97] =	sst s1;
	(tag) =	ssettag s2;
	_ =	strace s9  }
0x27: {  	s1 =	sld [smem:$0x3FA7]  }
0x28: {  	s2 =	sld [smem:$0x3FA8]  }
0x29: {  	s4 =	sld [smem:$0x3FAA]  }
0x2a: {  	p0 =	seq.s32 s5, $0x0;
	s5 =	sld [smem:$0x3FAB]  }
0x2b: {  	s6 =	sld [smem:$0x3FAC]  }
0x2c: {  	s7 =	sld [smem:$0x3FAD]  }
0x2d: {  	s3 =	simm.s32 $0x108;
	s8 =	sld [smem:$0x3FAE]  }
0x2e: {  	s3 =	simm.s32 @!p0 $0x1082;
	s9 =	sld [smem:$0x3FAF]  }
0x2f: {  	lr =	sadd.s32 s0, s3;
	s0 =	sld [smem:$0x3FA6]  }
0x30: {  	s3 =	sld [smem:$0x3FA9]  }
0x31: {  	[smem:$0x3FB2] =	sst s10  }
0x32: {  	s10 =	sld [smem:$0x3FB0];
	_ =	sdelay $0x3  }
0x33: {  	p0 =	seq.s32 s10, $0x1;
	s10 =	sld [smem:$0x3FB2];
	_ =	sdelay $0x3  }
0x34: {  	[smem:$0x3FB2] =	sst s10  }
0x35: {  	s10 =	sld [smem:$0x3FB1];
	_ =	sdelay $0x3  }
0x36: {  	p1 =	seq.s32 s10, $0x1;
	s10 =	sld [smem:$0x3FB2];
	_ =	sdelay $0x3  }
0x37: {  	[smem:$0x3FB2] =	sst s10  }
0x38: {  	s10 =	sld [smem:$0x3FB3]  }
0x39: {  	_ = 	snop;
	(pc) =	sbr.ind lr, $3  }
0x3a: {  	_ = 	snop  }
0x3b: {  	_ = 	snop  }
0x3c: {  	p2 =	seq.s32 s10, $0x1;
	s10 =	sld [smem:$0x3FB2]  }
0x3d: {  	_ =	shalt  }
0x3e: {  	_ =	shalt  }
0x3f: {  	_ =	shalt  }
0x40: {  	_ =	shalt  }
0x41: {  	_ =	shalt  }
0x42: {  	_ =	shalt  }
0x43: {  	_ =	shalt  }
0x44: {  	_ =	shalt  }
0x45: {  	_ =	shalt  }
0x46: {  	_ =	shalt  }
0x47: {  	_ =	shalt  }
0x48: {  	_ =	shalt  }
0x49: {  	_ =	shalt  }
0x4a: {  	_ =	shalt  }
0x4b: {  	_ =	shalt  }
0x4c: {  	_ =	shalt  }
0x4d: {  	_ =	shalt  }
0x4e: {  	_ =	shalt  }
0x4f: {  	_ =	shalt  }
0x50: {  	_ =	shalt  }
0x51: {  	_ =	shalt  }
0x52: {  	_ =	shalt  }
0x53: {  	_ =	shalt  }
0x54: {  	_ =	shalt  }
0x55: {  	_ =	shalt  }
0x56: {  	_ =	shalt  }
0x57: {  	_ =	shalt  }
0x58: {  	_ =	shalt  }
0x59: {  	_ =	shalt  }
0x5a: {  	_ =	shalt  }
0x5b: {  	_ =	shalt  }
0x5c: {  	_ =	shalt  }
0x5d: {  	_ =	shalt  }
0x5e: {  	_ =	shalt  }
0x5f: {  	_ =	shalt  }
0x60: {  	_ =	shalt  }
0x61: {  	_ =	shalt  }
0x62: {  	_ =	shalt  }
0x63: {  	_ =	shalt  }
0x64: {  	_ =	shalt  }
0x65: {  	_ =	shalt  }
0x66: {  	_ =	shalt  }
0x67: {  	_ =	shalt  }
0x68: {  	_ =	shalt  }
0x69: {  	_ =	shalt  }
0x6a: {  	_ =	shalt  }
0x6b: {  	_ =	shalt  }
0x6c: {  	_ =	shalt  }
0x6d: {  	_ =	shalt  }
0x6e: {  	_ =	shalt  }
0x6f: {  	_ =	shalt  }
0x70: {  	_ =	shalt  }
0x71: {  	_ =	shalt  }
0x72: {  	_ =	shalt  }
0x73: {  	_ =	shalt  }
0x74: {  	_ =	shalt  }
0x75: {  	_ =	shalt  }
0x76: {  	_ =	shalt  }
0x77: {  	_ =	shalt  }
0x78: {  	_ =	shalt  }
0x79: {  	_ =	shalt  }
0x7a: {  	_ =	shalt  }
0x7b: {  	_ =	shalt  }
0x7c: {  	_ =	shalt  }
0x7d: {  	_ =	shalt  }
0x7e: {  	_ =	shalt  }
0x7f: {  	_ =	shalt  }
0x80: {  	_ =	shalt  }
0x81: {  	_ =	shalt  }
0x82: {  	_ =	shalt  }
0x83: {  	_ =	shalt  }
0x84: {  	_ =	shalt  }
0x85: {  	_ =	shalt  }
0x86: {  	_ =	shalt  }
0x87: {  	_ =	shalt  }
.Lfunc_end0:
.L_simem_size_0:
called_computation_lowered:
.L_overlay_start_0:
0x88: {  	s2 =	sld [smem:$0x3FD9]  }
0x89: {  	s3 =	sld [smem:$0x3FFE];
	_ =	sdelay $0x1  }
0x8a: {  	s1 =	srdreg.scid  }
0x8b: {  	s0 =	sand.u32 $0x1, s1  }
0x8c: {  	s15 =	sshll.u32 s0, $0xA;
	s2 =	sadd.s32 s3, s2  }
0x8d: {  	s2 =	sadd.s32 s2, s15  }
0x8e: {  	[smem:$0x3FBE] =	sst s2  }
0x8f: {  	_ = 	snop  }
0x90: {  	s2 =	sld [smem:$0x3FD0];
	_ =	sdelay $0x2  }
0x91: {  	s16 =	simm.s32 $0xA;
	s4 =	simm.s32 $0x10  }
0x92: {  	[smem:s4], [sflag:s16] =	dma.local [hbm:s2], $0x1  }
0x93: {  	_ =	swait.eq [sflag:s16], $0x1  }
0x94: {  	[sflag:s16] =	ssyncset.done $0x0  }
0x95: {  	s17 =	sld [smem:$0x10];
	[sflag:s16] =	ssyncadd.s32 $0xFFFFFFFF  }
0x96: {  	s18 =	sld [smem:$0x11];
	(tm) =	ssettm $0x1  }
0x97: {  	s19 =	sld [smem:$0x3FFB];
	_ =	sdelay $0x3  }
0x98: {  	_ =	strace s19  }
0x99: {  	s4 =	sld [smem:$0x3FFC];
	_ =	sdelay $0x3  }
0x9a: {  	_ =	strace s4  }
0x9b: {  	s4 =	sld [smem:$0x3FFD];
	_ =	sdelay $0x3  }
0x9c: {  	_ =	strace s4  }
0x9d: {  	_ =	strace $0x8FFFFFFF  }
0x9e: {  	s20 =	sld [smem:$0x3FDB];
	_ =	sdelay $0x1  }
0x9f: {  	s5 =	simm.s32 $_scs_section_size  }
0xa0: {  	s6 =	simm.s32 $_size__tile_overlayer_lowered;
	s7 =	simm.s32 $_tile_overlayer_lowered  }
0xa1: {  	s23 =	simm.s32 $0x1BFF;
	s22 =	sshll.u32 s7, $0x1;
	s4 =	sadd.s32 s5, s20  }
0xa2: {  	s8 =	simm.s32 $0x0;
	s21 =	sshll.u32 s6, $0x1;
	s6 =	sadd.s32 s22, s4  }
0xa3: {  	[timem:s8], [sflag:s23] =	dma.local [hbm:s6], s21  }
0xa4: {  	_ =	swait.ge [sflag:s23], s21  }
0xa5: {  	s5 =	ssub.s32 $0x0, s21;
	[sflag:s23] =	ssyncset.done $0x0  }
0xa6: {  	[sflag:s23] =	ssyncadd.s32 s5;
	_ =	sdelay $0x1  }
0xa7: {  	s24 =	simm.s32 $0x1B8B  }
0xa8: {  	_ =	swait.ge [sflag:s24], $0x1  }
0xa9: {  	[sflag:s24] =	ssyncset.done $0x0  }
0xaa: {  	s25 =	simm.s32 $0x1B8E;
	[sflag:s24] =	ssyncadd.s32 $0xFFFFFFFF  }
0xab: {  	s26 =	simm.s32 $execute0_lowered;
	[smem:$0x3FD2] =	sst s25  }
0xac: {  	s5 =	sshll.u32 s26, $0x1;
	_ =	strace $0x80000046;
	[dreg:$0x1] =	wrdreg $0xFFFFFFFF  }
0xad: {  	s28 =	simm.s32 $_size_execute0_lowered;
	s4 =	sadd.s32 s4, s5;
	[dreg:$0x0] =	wrdreg $0x0  }
0xae: {  	s5 =	sshll.u32 s28, $0x1;
	[dreg:$0x2] =	wrdreg s4  }
0xaf: {  	[dreg:$0x3] =	wrdreg s5  }
0xb0: {  	[dreg:$0x4] =	wrdreg $0xC0  }
0xb1: {  	_ =	task [dreg:s8], $0x5FFFF  }
0xb2: {  	[dreg:$0x1] =	wrdreg $0xFFFFFFFF  }
0xb3: {  	[dreg:$0x0] =	wrdreg $0x60  }
0xb4: {  	[dreg:$0x2] =	wrdreg s18  }
0xb5: {  	[dreg:$0x3] =	wrdreg s17  }
0xb6: {  	[dreg:$0x4] =	wrdreg $0x4000  }
0xb7: {  	[dreg:$0x5] =	wrdreg $0x9  }
0xb8: {  	_ =	task.clear_ibuf [dreg:s8], $0x6FFFF;
	_ =	strace $0x90000046  }
0xb9: {  	s29 =	simm.s32 $0x9;
	_ =	strace $0x80000048  }
0xba: {  	_ =	swait.ge [sflag:s29], $0x1  }
0xbb: {  	[sflag:s29] =	ssyncadd.s32 $0xFFFFFFFF  }
0xbc: {  	_ =	strace $0x90000048  }
0xbd: {  	_ =	sfence  }
0xbe: {  	s30 =	sld [smem:$0x0];
	_ =	sdelay $0x2  }
0xbf: {  	s31 =	sshll.u32 s1, $0xD;
	s1 =	sshrl.u32 s1, $0x2  }
0xc0: {  	s3 =	sand.u32 $0x4000, s31;
	s1 =	sadd.s32 s1, s30  }
0xc1: {  	s0 =	sor.u32 s3, s0;
	s1 =	sshll.u32 s1, $0x11  }
0xc2: {  	s0 =	sor.u32 s1, s0  }
0xc3: {  	s0 =	sadd.s32 $0x8F2B, s0  }
0xc4: {  	[sflag:s0] =	ssyncadd.remote.s32 $0x1  }
0xc5: {  	_ =	sfence.sel $0xFFFF  }
0xc6: {  	[dreg:$0x0] =	wrdreg $0xFFFFFFFF;
	(pc) =	sbr.abs _section_cstart, $3  }
0xc7: {  	[dreg:$0x1] =	wrdreg $0xFFFFFFFF  }
0xc8: {  	_ =	task.clear_ibuf [dreg:s8], $0x2FFFF;
	_ =	strace $0x9FFFFFFF  }
0xc9: {  	(tm) =	ssettm $0x7FFFFFFF  }
tec
execute0_lowered:
.L_overlay_start_1:
0x0: {  	(tag) =	ssettag $0x1  }
0x1: {  	s1 =	rddreg [dreg:$0x0]  }
0x2: {  	s0 =	srdreg.scid;
	s7 =	rddreg [dreg:$0x1]  }
0x3: {  	s3 =	rddreg [dreg:$0x2];
	s4 =	simm.s32 $0x0;
	s13 =	simm.s32 $0x80  }
0x4: {  	s14 =	simm.s32 $0x50;
	s5 =	sand.u32 $0x1, s0;
	s0 =	stileid.u32  }
0x5: {  	s15 =	simm.s32 $0x100;
	s16 =	simm.s32 $0x1;
	s6 =	smul.u32 $0x280, s0  }
0x6: {  	s17 =	simm.s32 $0x0;
	[smem:$0x7FF] =	sst s4;
	s9 =	smul.u32 $0x2800, s5  }
0x7: {  	s2 =	sshll.u32 s5, $0x4;
	s10 =	ssub.s32 $0x2, s5;
	s11 =	smul.u32 $0x27100, s5  }
0x8: {  	s12 =	smul.u32 $0x2710, s0;
	s2 =	sor.u32 s0, s2;
	s29 =	sshrl.u32 s10, $0x1  }
0x9: {  	s8 =	smul.u32 $0x2710, s2;
	s2 =	rddreg [dreg:$0x3];
	_ =	strace $0x80000047  }
0xa: {  	s10 =	ssub.s32 s10, s29;
	s5 =	sadd.s32 s6, s3;
	s9 =	sadd.s32 s6, s9  }
0xb: {  	s11 =	sadd.s32 s12, s11;
	s12 =	simm.s32 $0x2;
	s30 =	sshrl.u32 s9, $0x3  }
0xc: {  	s31 =	sadd.s32 $0x50, s11;
	s8 =	sshrl.u32 s8, $0x3;
	s7 =	sadd.s32 s7, s30  }
0xd: {  	s9 =	sshrl.u32 s31, $0x3;
	s6 =	sadd.s32 s1, s8;
	s8 =	smax.u32 s10, $0x1  }
0xe: {  	v0 =	vimm.f32 $1.000000000e+00;
	v1 =	vimm.f32 $0.0e+00;
	s9 =	sadd.s32 s9, s1;
	s10 =	sadd.s32 $0xA0, s11;
	s11 =	simm.s32 $0x180  }
.LBB2_1:
0xf: {  	[tilespmem:$0x0] =	vst v0  }
0x10: {  	[tilespmem:$0x10] =	vst v0  }
0x11: {  	[tilespmem:$0x20] =	vst v0  }
0x12: {  	[tilespmem:$0x30] =	vst v0  }
0x13: {  	[tilespmem:$0x40] =	vst v0  }
0x14: {  	[tilespmem:$0x180] =	vst v1  }
0x15: {  	[tilespmem:$0x190] =	vst v1  }
0x16: {  	[tilespmem:$0x1A0] =	vst v1  }
0x17: {  	[tilespmem:$0x1B0] =	vst v1  }
0x18: {  	[tilespmem:$0x1C0] =	vst v1  }
0x19: {  	[tilespmem:$0x1D0] =	vst v1  }
0x1a: {  	[tilespmem:$0x1E0] =	vst v1  }
0x1b: {  	[tilespmem:$0x1F0] =	vst v1  }
0x1c: {  	[tilespmem:$0x200] =	vst v1  }
0x1d: {  	[tilespmem:$0x210] =	vst v1  }
0x1e: {  	[tilespmem:$0x220] =	vst v1  }
0x1f: {  	[tilespmem:$0x230] =	vst v1  }
0x20: {  	[tilespmem:$0x240] =	vst v1  }
0x21: {  	[tilespmem:$0x250] =	vst v1  }
0x22: {  	[tilespmem:$0x260] =	vst v1  }
0x23: {  	[tilespmem:$0x270] =	vst v1  }
0x24: {  	[tilespmem:$0x280] =	vst v1  }
0x25: {  	[tilespmem:$0x290] =	vst v1  }
0x26: {  	[tilespmem:$0x2A0] =	vst v1  }
0x27: {  	[tilespmem:$0x2B0] =	vst v1  }
0x28: {  	[tilespmem:$0x2C0] =	vst v1  }
0x29: {  	[tilespmem:$0x2D0] =	vst v1  }
0x2a: {  	[tilespmem:$0x2E0] =	vst v1  }
0x2b: {  	[tilespmem:$0x2F0] =	vst v1  }
0x2c: {  	[tilespmem:$0x300] =	vst v1  }
0x2d: {  	[tilespmem:$0x310] =	vst v1  }
0x2e: {  	[tilespmem:$0x320] =	vst v1  }
0x2f: {  	[tilespmem:$0x330] =	vst v1  }
0x30: {  	[tilespmem:$0x340] =	vst v1  }
0x31: {  	[tilespmem:$0x350] =	vst v1  }
0x32: {  	[tilespmem:$0x360] =	vst v1  }
0x33: {  	[tilespmem:$0x370] =	vst v1  }
0x34: {  	[tilespmem:$0x380] =	vst v1  }
0x35: {  	[tilespmem:$0x390] =	vst v1  }
0x36: {  	[tilespmem:$0x3A0] =	vst v1  }
0x37: {  	[tilespmem:$0x3B0] =	vst v1  }
0x38: {  	[tilespmem:$0x3C0] =	vst v1  }
0x39: {  	[tilespmem:$0x3D0] =	vst v1  }
0x3a: {  	[tilespmem:$0x3E0] =	vst v1  }
0x3b: {  	[tilespmem:$0x3F0] =	vst v1  }
0x3c: {  	[spmem:s5] =	stream.linear.scatter [tilespmem:s11], [sflag:$0x2], $0x280, $0x38;
	[tilespmem:$0x680] =	vst v63  }
0x3d: {  	_ =	swait.ge [sflag:s12], $0x280  }
0x3e: {  	[sflag:s12] =	ssyncset.done $0x0  }
0x3f: {  	[sflag:s12] =	ssyncadd.s32 $0xFFFFFD80  }
0x40: {  	[bflag:$0x0] =	sbarrier.arrive $0xFFFF  }
0x41: {  	[tilespmem:s13], [sflag:$0x2] =	stream.linear.gather [hbm4b:s6+s4], $0x50, $0x38;
	[tilespmem:$0x680] =	vst v63  }
0x42: {  	_ =	swait.ge [sflag:s12], $0x50  }
0x43: {  	[sflag:s12] =	ssyncset.done $0x0  }
0x44: {  	[sflag:s12] =	ssyncadd.s32 $0xFFFFFFB0  }
0x45: {  	[spmem:s3] =	stream.indirect.scatter.add.f32 [tilespmem:s4], [sflag:$0x1], $0x1, s13, s14, $0xb8;
	[tilespmem:$0x680] =	vst v63  }
0x46: {  	s18 =	sadd.s32 $0x0, s9  }
0x47: {  	[tilespmem:s15], [sflag:$0x2] =	stream.linear.gather [hbm4b:s18+s4], $0x50, $0x38;
	[tilespmem:$0x680] =	vst v63  }
0x48: {  	_ =	swait.ge [sflag:s12], $0x50  }
0x49: {  	[sflag:s12] =	ssyncset.done $0x0  }
0x4a: {  	[sflag:s12] =	ssyncadd.s32 $0xFFFFFFB0  }
0x4b: {  	_ =	swait.ge [sflag:s16], $0x50  }
0x4c: {  	[sflag:s16] =	ssyncset.done $0x0  }
0x4d: {  	s31 =	sshrl.u32 s10, $0x3;
	[sflag:s16] =	ssyncadd.s32 $0xFFFFFFB0  }
0x4e: {  	[spmem:s3] =	stream.indirect.scatter.add.f32 [tilespmem:s4], [sflag:$0x1], $0x1, s15, s14, $0xb8;
	[tilespmem:$0x680] =	vst v63  }
0x4f: {  	s18 =	sadd.s32 s1, s31  }
0x50: {  	[tilespmem:s13], [sflag:$0x2] =	stream.linear.gather [hbm4b:s18+s4], $0x50, $0x38;
	[tilespmem:$0x680] =	vst v63  }
0x51: {  	_ =	swait.ge [sflag:s12], $0x50  }
0x52: {  	[sflag:s12] =	ssyncset.done $0x0  }
0x53: {  	[sflag:s12] =	ssyncadd.s32 $0xFFFFFFB0  }
0x54: {  	_ =	swait.ge [sflag:s16], $0x50  }
0x55: {  	[sflag:s16] =	ssyncset.done $0x0  }
0x56: {  	s19 =	sadd.s32 $0xA0, s10;
	s18 =	simm.s32 $0x14;
	[sflag:s16] =	ssyncadd.s32 $0xFFFFFFB0  }
.LBB2_2:
0x57: {  	[spmem:s3] =	stream.indirect.scatter.add.f32 [tilespmem:s4], [sflag:$0x1], $0x1, s13, s14, $0xb8;
	[tilespmem:$0x680] =	vst v63  }
0x58: {  	s20 =	sadd.s32 s18, s9;
	p0 =	sne.s32 s18, $0x4C4;
	s18 =	sadd.s32 $0x14, s18  }
0x59: {  	[tilespmem:s15], [sflag:$0x2] =	stream.linear.gather [hbm4b:s20+s4], $0x50, $0x38;
	[tilespmem:$0x680] =	vst v63  }
0x5a: {  	_ =	swait.ge [sflag:s12], $0x50  }
0x5b: {  	[sflag:s12] =	ssyncset.done $0x0  }
0x5c: {  	[sflag:s12] =	ssyncadd.s32 $0xFFFFFFB0  }
0x5d: {  	_ =	swait.ge [sflag:s16], $0x50  }
0x5e: {  	[sflag:s16] =	ssyncset.done $0x0  }
0x5f: {  	s20 =	sshrl.u32 s19, $0x3;
	[sflag:s16] =	ssyncadd.s32 $0xFFFFFFB0  }
0x60: {  	[spmem:s3] =	stream.indirect.scatter.add.f32 [tilespmem:s4], [sflag:$0x1], $0x1, s15, s14, $0xb8;
	[tilespmem:$0x680] =	vst v63  }
0x61: {  	s20 =	sadd.s32 s1, s20  }
0x62: {  	[tilespmem:s13], [sflag:$0x2] =	stream.linear.gather [hbm4b:s20+s4], $0x50, $0x38;
	[tilespmem:$0x680] =	vst v63  }
0x63: {  	_ =	swait.ge [sflag:s12], $0x50  }
.Ltmp0:
0x64: {  	[sflag:s12] =	ssyncset.done $0x0;
	(pc) =	sbr.rel @p0 .LBB2_2-.Ltmp0, $4  }
0x65: {  	[sflag:s12] =	ssyncadd.s32 $0xFFFFFFB0  }
0x66: {  	_ =	swait.ge [sflag:s16], $0x50  }
0x67: {  	[sflag:s16] =	ssyncset.done $0x0  }
0x68: {  	s19 =	sadd.s32 $0xA0, s19;
	[sflag:s16] =	ssyncadd.s32 $0xFFFFFFB0  }
0x69: {  	[spmem:s3] =	stream.indirect.scatter.add.f32 [tilespmem:s4], [sflag:$0x1], $0x1, s13, s14, $0xb8;
	[tilespmem:$0x680] =	vst v63  }
0x6a: {  	_ =	swait.ge [sflag:s16], $0x50  }
0x6b: {  	[sflag:s16] =	ssyncset.done $0x0  }
0x6c: {  	[sflag:s16] =	ssyncadd.s32 $0xFFFFFFB0  }
0x6d: {  	[bflag:$0x0] =	sbarrier.arrive $0xFFFF  }
0x6e: {  	[tilespmem:s11], [sflag:$0x2] =	stream.linear.gather [spmem:s5], $0x280, $0x38;
	[tilespmem:$0x680] =	vst v63  }
0x6f: {  	s17 =	sadd.s32 $0x1, s17;
	_ =	swait.ge [sflag:s12], $0x280  }
0x70: {  	p0 =	sne.s32 s17, s8;
	[sflag:s12] =	ssyncset.done $0x0  }
.Ltmp1:
0x71: {  	[sflag:s12] =	ssyncadd.s32 $0xFFFFFD80;
	(pc) =	sbr.rel @p0 .LBB2_1-.Ltmp1, $4  }
0x72: {  	[hbm4b:s7+s4] =	stream.linear.scatter [tilespmem:s11], [sflag:$0x2], $0x280, $0x38;
	[tilespmem:$0x680] =	vst v63  }
0x73: {  	_ =	swait.ge [sflag:s12], $0x280  }
0x74: {  	[sflag:s12] =	ssyncset.done $0x0  }
0x75: {  	[sflag:s12] =	ssyncadd.s32 $0xFFFFFD80  }
0x76: {  	_ =	sfence.sel $0x180000  }
0x77: {  	[bflag:$0x0] =	sbarrier.arrive $0xFFFF  }
0x78: {  	p0 =	sne.s32 s0, $0x0;
	_ =	strace $0x90000047  }
0x79: {  	s0 =	sadd.s32 @!p0 $0x100000, s2;
	[bflag:$0x2] =	sbarrier.arrive $0xFFFF  }
0x7a: {  	[sflag:s0] =	ssyncadd.tile.s32 @!p0 $0x1;
	_ =	shalt  }
.Lfunc_end2:
_tile_overlayer_lowered:
.L_overlay_start_2:
0x7b: {  	(tag) =	ssettag $0x2  }
0x7c: {  	s0 =	rddreg [dreg:$0x0];
	s2 =	stileid.u32  }
0x7d: {  	s1 =	rddreg [dreg:$0x1];
	p0 =	sne.s32 s2, $0x0  }
0x7e: {  	s3 =	rddreg [dreg:$0x2];
	[bflag:$0x3] =	sbarrier.arrive $0xFFFF;
	s2 =	simm.s32 @!p0 $0x1C02  }
0x7f: {  	[timem:s3], [sflag:s2] =	dma.local @!p0 [hbm:s0], s1  }
0x80: {  	s0 =	simm.s32 @!p0 $0x2  }
0x81: {  	_ =	swait.ge @!p0 [sflag:s0], s1  }
0x82: {  	s1 =	ssub.s32 @!p0 $0x0, s1;
	[sflag:s0] =	ssyncset.done @!p0 $0x0  }
0x83: {  	[sflag:s0] =	ssyncadd.s32 @!p0 s1  }
0x84: {  	[bflag:$0x3] =	sbarrier.arrive $0xFFFF  }
0x85: {  	_ =	shalt  }

// kernel: kernel.13.cloned.1.call-start
scs
__scs_entry_jumppad:
0x0: {  	(pc) =	sbr.rel $0x88, $3  }
0x1: {  	(tag) =	ssettag $0x0;
	lr =	simm.s32 $0x1  }
0x2: {  	[smem:$0x3F97] =	sst lr;
	_ =	strace $0xD0000000  }
0x3: {  	_ = 	snop  }
0x4: {  	_ = 	snop  }
0x5: {  	_ = 	snop  }
0x6: {  	_ = 	snop  }
0x7: {  	_ = 	snop  }
__scs_overlays_trampoline_lowered:
0x8: {  	[smem:$0x3FA6] =	sst s0  }
0x9: {  	[smem:$0x3FA7] =	sst s1  }
0xa: {  	[smem:$0x3FA8] =	sst s2  }
0xb: {  	[smem:$0x3FA9] =	sst s3  }
0xc: {  	[smem:$0x3FAA] =	sst s4  }
0xd: {  	[smem:$0x3FAB] =	sst s5  }
0xe: {  	[smem:$0x3FAC] =	sst s6  }
0xf: {  	[smem:$0x3FAD] =	sst s7  }
0x10: {  	[smem:$0x3FAE] =	sst s8  }
0x11: {  	[smem:$0x3FAF] =	sst s9;
	s0 =	simm.s32 @!p0 $0x0  }
0x12: {  	s1 =	sld [smem:$0x3F95];
	s0 =	simm.s32 @p0 $0x1  }
0x13: {  	[smem:$0x3FB0] =	sst s0;
	s0 =	simm.s32 @!p1 $0x0  }
0x14: {  	s2 =	sld [smem:$0x3F94];
	s0 =	simm.s32 @p1 $0x1  }
0x15: {  	[smem:$0x3FB1] =	sst s0;
	s0 =	simm.s32 @!p2 $0x0  }
0x16: {  	s3 =	sld [smem:$0x3FDB];
	s0 =	simm.s32 @p2 $0x1  }
0x17: {  	s4 =	simm.s32 $0x1BF5;
	[smem:$0x3FB3] =	sst s0  }
0x18: {  	s0 =	sld [smem:$0x3F96];
	_ =	swait.ge [sflag:s4], $0x0  }
0x19: {  	s7 =	sld [smem:$0x3F97]  }
0x1a: {  	s8 =	sadd.s32 $0xFFFFE003, lr  }
0x1b: {  	s9 =	sadd.s32 $0xFFFFFEF7, lr;
	s5 =	simm.s32 $0xFFFFFFFF;
	p2 =	slt.u32 s8, $0xFFFFF086  }
0x1c: {  	p1 =	slt.u32 s9, $0xF7A;
	s5 =	simm.s32 @!p2 $0x0  }
0x1d: {  	s5 =	simm.s32 @p1 $0x1;
	p0 =	seq.s32 s7, s2  }
0x1e: {  	s7 =	smul.u32 @!p0 $0xF7A, s2;
	p2 =	seq.s32 @!p0 s5, $0x0  }
0x1f: {  	s9 =	smul.u32 $0xF7A, s1;
	s8 =	simm.s32 @!p0 $0x1BF5;
	p2 =	por !p2, p0  }
0x20: {  	[sflag:s8] =	ssyncset.s32 @!p0 $0xFFFFF086;
	s6 =	sadd.s32 @!p0 s3, s7;
	s7 =	simm.s32 @!p0 $0x108  }
0x21: {  	s3 =	sadd.s32 s3, s9;
	s6 =	sadd.s32 @!p0 $0x88, s6;
	s7 =	simm.s32 @p2 $0x1082  }
0x22: {  	[simem:s7], [sflag:s8] =	dma.local @!p0 [hbm:s6], $0xF7A  }
0x23: {  	s9 =	sor.u32 $0xD0000000, s2;
	s6 =	simm.s32 $0x108;
	_ =	swait.ge @!p0 [sflag:s8], $0x0  }
0x24: {  	s3 =	sadd.s32 $0x88, s3;
	s6 =	simm.s32 @!p1 $0x1082;
	[sflag:s4] =	ssyncset.s32 $0xFFFFF086  }
0x25: {  	[simem:s6], [sflag:s4] =	dma.local [hbm:s3], $0xF7A  }
0x26: {  	[smem:$0x3F97] =	sst s1;
	(tag) =	ssettag s2;
	_ =	strace s9  }
0x27: {  	s1 =	sld [smem:$0x3FA7]  }
0x28: {  	s2 =	sld [smem:$0x3FA8]  }
0x29: {  	s4 =	sld [smem:$0x3FAA]  }
0x2a: {  	p0 =	seq.s32 s5, $0x0;
	s5 =	sld [smem:$0x3FAB]  }
0x2b: {  	s6 =	sld [smem:$0x3FAC]  }
0x2c: {  	s7 =	sld [smem:$0x3FAD]  }
0x2d: {  	s3 =	simm.s32 $0x108;
	s8 =	sld [smem:$0x3FAE]  }
0x2e: {  	s3 =	simm.s32 @!p0 $0x1082;
	s9 =	sld [smem:$0x3FAF]  }
0x2f: {  	lr =	sadd.s32 s0, s3;
	s0 =	sld [smem:$0x3FA6]  }
0x30: {  	s3 =	sld [smem:$0x3FA9]  }
0x31: {  	[smem:$0x3FB2] =	sst s10  }
0x32: {  	s10 =	sld [smem:$0x3FB0];
	_ =	sdelay $0x3  }
0x33: {  	p0 =	seq.s32 s10, $0x1;
	s10 =	sld [smem:$0x3FB2];
	_ =	sdelay $0x3  }
0x34: {  	[smem:$0x3FB2] =	sst s10  }
0x35: {  	s10 =	sld [smem:$0x3FB1];
	_ =	sdelay $0x3  }
0x36: {  	p1 =	seq.s32 s10, $0x1;
	s10 =	sld [smem:$0x3FB2];
	_ =	sdelay $0x3  }
0x37: {  	[smem:$0x3FB2] =	sst s10  }
0x38: {  	s10 =	sld [smem:$0x3FB3]  }
0x39: {  	_ = 	snop;
	(pc) =	sbr.ind lr, $3  }
0x3a: {  	_ = 	snop  }
0x3b: {  	_ = 	snop  }
0x3c: {  	p2 =	seq.s32 s10, $0x1;
	s10 =	sld [smem:$0x3FB2]  }
0x3d: {  	_ =	shalt  }
0x3e: {  	_ =	shalt  }
0x3f: {  	_ =	shalt  }
0x40: {  	_ =	shalt  }
0x41: {  	_ =	shalt  }
0x42: {  	_ =	shalt  }
0x43: {  	_ =	shalt  }
0x44: {  	_ =	shalt  }
0x45: {  	_ =	shalt  }
0x46: {  	_ =	shalt  }
0x47: {  	_ =	shalt  }
0x48: {  	_ =	shalt  }
0x49: {  	_ =	shalt  }
0x4a: {  	_ =	shalt  }
0x4b: {  	_ =	shalt  }
0x4c: {  	_ =	shalt  }
0x4d: {  	_ =	shalt  }
0x4e: {  	_ =	shalt  }
0x4f: {  	_ =	shalt  }
0x50: {  	_ =	shalt  }
0x51: {  	_ =	shalt  }
0x52: {  	_ =	shalt  }
0x53: {  	_ =	shalt  }
0x54: {  	_ =	shalt  }
0x55: {  	_ =	shalt  }
0x56: {  	_ =	shalt  }
0x57: {  	_ =	shalt  }
0x58: {  	_ =	shalt  }
0x59: {  	_ =	shalt  }
0x5a: {  	_ =	shalt  }
0x5b: {  	_ =	shalt  }
0x5c: {  	_ =	shalt  }
0x5d: {  	_ =	shalt  }
0x5e: {  	_ =	shalt  }
0x5f: {  	_ =	shalt  }
0x60: {  	_ =	shalt  }
0x61: {  	_ =	shalt  }
0x62: {  	_ =	shalt  }
0x63: {  	_ =	shalt  }
0x64: {  	_ =	shalt  }
0x65: {  	_ =	shalt  }
0x66: {  	_ =	shalt  }
0x67: {  	_ =	shalt  }
0x68: {  	_ =	shalt  }
0x69: {  	_ =	shalt  }
0x6a: {  	_ =	shalt  }
0x6b: {  	_ =	shalt  }
0x6c: {  	_ =	shalt  }
0x6d: {  	_ =	shalt  }
0x6e: {  	_ =	shalt  }
0x6f: {  	_ =	shalt  }
0x70: {  	_ =	shalt  }
0x71: {  	_ =	shalt  }
0x72: {  	_ =	shalt  }
0x73: {  	_ =	shalt  }
0x74: {  	_ =	shalt  }
0x75: {  	_ =	shalt  }
0x76: {  	_ =	shalt  }
0x77: {  	_ =	shalt  }
0x78: {  	_ =	shalt  }
0x79: {  	_ =	shalt  }
0x7a: {  	_ =	shalt  }
0x7b: {  	_ =	shalt  }
0x7c: {  	_ =	shalt  }
0x7d: {  	_ =	shalt  }
0x7e: {  	_ =	shalt  }
0x7f: {  	_ =	shalt  }
0x80: {  	_ =	shalt  }
0x81: {  	_ =	shalt  }
0x82: {  	_ =	shalt  }
0x83: {  	_ =	shalt  }
0x84: {  	_ =	shalt  }
0x85: {  	_ =	shalt  }
0x86: {  	_ =	shalt  }
0x87: {  	_ =	shalt  }
.Lfunc_end0:
.L_simem_size_0:
called_computation.1_lowered:
.L_overlay_start_0:
0x88: {  	s2 =	sld [smem:$0x3FD9]  }
0x89: {  	s3 =	sld [smem:$0x3FFE];
	_ =	sdelay $0x1  }
0x8a: {  	s1 =	srdreg.scid  }
0x8b: {  	s0 =	sand.u32 $0x1, s1  }
0x8c: {  	s16 =	sshll.u32 s0, $0xA;
	s2 =	sadd.s32 s3, s2  }
0x8d: {  	s2 =	sadd.s32 s2, s16  }
0x8e: {  	[smem:$0x3FBE] =	sst s2  }
0x8f: {  	_ = 	snop  }
0x90: {  	(tm) =	ssettm $0x1  }
0x91: {  	s17 =	sld [smem:$0x3FFB];
	_ =	sdelay $0x3  }
0x92: {  	_ =	strace s17  }
0x93: {  	s2 =	sld [smem:$0x3FFC];
	_ =	sdelay $0x3  }
0x94: {  	_ =	strace s2  }
0x95: {  	s2 =	sld [smem:$0x3FFD];
	_ =	sdelay $0x3  }
0x96: {  	_ =	strace s2  }
0x97: {  	_ =	strace $0x8FFFFFFF  }
0x98: {  	s18 =	sld [smem:$0x3FDB];
	_ =	sdelay $0x1  }
0x99: {  	s19 =	simm.s32 $_scs_section_size  }
0x9a: {  	s4 =	simm.s32 $_size__tile_overlayer_lowered;
	s5 =	simm.s32 $_tile_overlayer_lowered  }
0x9b: {  	s22 =	simm.s32 $0x1BFF;
	s21 =	sshll.u32 s5, $0x1;
	s2 =	sadd.s32 s19, s18  }
0x9c: {  	s6 =	simm.s32 $0x0;
	s20 =	sshll.u32 s4, $0x1;
	s4 =	sadd.s32 s21, s2  }
0x9d: {  	[timem:s6], [sflag:s22] =	dma.local [hbm:s4], s20  }
0x9e: {  	_ =	swait.ge [sflag:s22], s20  }
0x9f: {  	s3 =	ssub.s32 $0x0, s20;
	[sflag:s22] =	ssyncset.done $0x0  }
0xa0: {  	[sflag:s22] =	ssyncadd.s32 s3;
	_ =	sdelay $0x1  }
0xa1: {  	s23 =	simm.s32 $0x1B8B  }
0xa2: {  	_ =	swait.ge [sflag:s23], $0x1  }
0xa3: {  	[sflag:s23] =	ssyncset.done $0x0  }
0xa4: {  	s25 =	simm.s32 $0x1B8E;
	s24 =	sld [smem:$0x3FFE];
	[sflag:s23] =	ssyncadd.s32 $0xFFFFFFFF  }
0xa5: {  	s26 =	simm.s32 $execute0_lowered;
	[smem:$0x3FD2] =	sst s25  }
0xa6: {  	s4 =	sshll.u32 s26, $0x1;
	_ =	strace $0x80000049;
	[dreg:$0x1] =	wrdreg $0xFFFFFFFF  }
0xa7: {  	s28 =	simm.s32 $_size_execute0_lowered;
	s2 =	sadd.s32 s2, s4;
	[dreg:$0x0] =	wrdreg $0x0  }
0xa8: {  	s4 =	sshll.u32 s28, $0x1;
	[dreg:$0x2] =	wrdreg s2  }
0xa9: {  	[dreg:$0x3] =	wrdreg s4  }
0xaa: {  	[dreg:$0x4] =	wrdreg $0xC0  }
0xab: {  	_ =	task [dreg:s6], $0x5FFFF  }
0xac: {  	[dreg:$0x1] =	wrdreg $0xFFFFFFFF  }
0xad: {  	[dreg:$0x0] =	wrdreg $0x60  }
0xae: {  	[dreg:$0x2] =	wrdreg s24  }
0xaf: {  	[dreg:$0x3] =	wrdreg $0x99000  }
0xb0: {  	[dreg:$0x4] =	wrdreg $0x9  }
0xb1: {  	_ =	task.clear_ibuf [dreg:s6], $0x5FFFF;
	_ =	strace $0x90000049  }
0xb2: {  	s29 =	simm.s32 $0x9;
	_ =	strace $0x8000004B  }
0xb3: {  	_ =	swait.ge [sflag:s29], $0x1  }
0xb4: {  	[sflag:s29] =	ssyncadd.s32 $0xFFFFFFFF  }
0xb5: {  	_ =	strace $0x9000004B  }
0xb6: {  	_ =	sfence  }
0xb7: {  	s30 =	sld [smem:$0x0];
	_ =	sdelay $0x2  }
0xb8: {  	s31 =	sshll.u32 s1, $0xD;
	s1 =	sshrl.u32 s1, $0x2  }
0xb9: {  	s3 =	sand.u32 $0x4000, s31;
	s1 =	sadd.s32 s1, s30  }
0xba: {  	s0 =	sor.u32 s3, s0;
	s1 =	sshll.u32 s1, $0x11  }
0xbb: {  	s0 =	sor.u32 s1, s0  }
0xbc: {  	s0 =	sadd.s32 $0x8F2B, s0  }
0xbd: {  	[sflag:s0] =	ssyncadd.remote.s32 $0x1  }
0xbe: {  	_ =	sfence.sel $0xFFFF  }
0xbf: {  	[dreg:$0x0] =	wrdreg $0xFFFFFFFF;
	(pc) =	sbr.abs _section_cstart, $3  }
0xc0: {  	[dreg:$0x1] =	wrdreg $0xFFFFFFFF  }
0xc1: {  	_ =	task.clear_ibuf [dreg:s6], $0x2FFFF;
	_ =	strace $0x9FFFFFFF  }
0xc2: {  	(tm) =	ssettm $0x7FFFFFFF  }
0xc3: {  	_ =	shalt  }
tec
execute0_lowered:
.L_overlay_start_1:
0x0: {  	(tag) =	ssettag $0x1  }
0x1: {  	s0 =	rddreg [dreg:$0x0]  }
0x2: {  	s1 =	rddreg [dreg:$0x1];
	s2 =	simm.s32 $0x0  }
0x3: {  	s3 =	srdreg.scid;
	s17 =	stileid.u32;
	s28 =	simm.s32 $0x1  }
0x4: {  	s29 =	simm.s32 $0x180;
	s30 =	simm.s32 $0x300;
	s31 =	simm.s32 $0x280  }
0x5: {  	[smem:$0x7FF] =	sst s2;
	s3 =	sand.u32 $0x1, s3;
	s9 =	smul.u32 $0x50000, s17  }
0x6: {  	s4 =	sadd.s32 $0x22800, s0;
	s5 =	sadd.s32 $0x3400, s0;
	s11 =	smul.u32 $0x14000, s17  }
0x7: {  	_ =	strace $0x8000004A;
	s6 =	sshll.u32 s3, $0x4;
	s16 =	smul.u32 $0x140000, s3  }
0x8: {  	s8 =	ssub.s32 $0x2, s3;
	s3 =	smul.u32 $0x7C000, s3;
	s6 =	sor.u32 s17, s6  }
0x9: {  	s10 =	sshrl.u32 s8, $0x1;
	s9 =	sshrl.u32 s9, $0x2;
	s12 =	sadd.s32 $0x4000, s11  }
0xa: {  	s13 =	sadd.s32 $0x8000, s11;
	s24 =	sadd.s32 $0xC000, s11;
	s15 =	sadd.s32 $0x10000, s11  }
0xb: {  	s7 =	sshll.u32 s6, $0x5;
	s8 =	ssub.s32 s8, s10;
	s9 =	sadd.s32 s9, s1  }
0xc: {  	s10 =	sadd.s32 s12, s1;
	s14 =	sadd.s32 s13, s1;
	s6 =	smul.u32 $0x7C00, s6  }
0xd: {  	s18 =	sadd.s32 s24, s1;
	s25 =	sadd.s32 s15, s1;
	s19 =	sadd.s32 s16, s24  }
0xe: {  	s20 =	sadd.s32 s16, s15;
	s15 =	simm.s32 $0x680;
	[dreg:$0x6] =	wrdreg s14  }
0xf: {  	s7 =	sadd.s32 s7, s0;
	s0 =	sadd.s32 $0x49A00, s0;
	[dreg:$0x7] =	wrdreg s18  }
0x10: {  	[dreg:$0x8] =	wrdreg s25;
	s22 =	sshrl.u32 s20, $0x3;
	s24 =	smax.u32 s8, $0x1  }
0x11: {  	s20 =	simm.s32 $0x5900;
	s14 =	simm.s32 $0x700;
	[dreg:$0x5] =	wrdreg s10  }
0x12: {  	s6 =	sshrl.u32 s6, $0x3;
	s26 =	sadd.s32 $0x22400, s7;
	s7 =	sadd.s32 s11, s16  }
0x13: {  	s11 =	sadd.s32 s16, s12;
	s12 =	sadd.s32 s16, s13;
	s13 =	smul.u32 $0x7C00, s17  }
0x14: {  	[dreg:$0x10] =	wrdreg s24;
	s24 =	simm.s32 $0x900;
	s16 =	simm.s32 $0x800  }
0x15: {  	s6 =	sadd.s32 s5, s6;
	[dreg:$0xa] =	wrdreg s26;
	s18 =	sshrl.u32 s12, $0x3  }
0x16: {  	s26 =	simm.s32 $0x600;
	s12 =	simm.s32 $0x480;
	[dreg:$0x9] =	wrdreg s6  }
0x17: {  	s6 =	sshrl.u32 s7, $0x3;
	s7 =	sshrl.u32 s11, $0x3;
	s3 =	sadd.s32 s13, s3  }
0x18: {  	[dreg:$0x4] =	wrdreg s26;
	s26 =	simm.s32 $0x3100;
	s11 =	simm.s32 $0x500  }
0x19: {  	s13 =	simm.s32 $0x580;
	s6 =	sadd.s32 s0, s6;
	s17 =	sadd.s32 s0, s7  }
0x1a: {  	s21 =	sadd.s32 $0x400, s3;
	s3 =	sadd.s32 $0x800, s3;
	[dreg:$0xb] =	wrdreg s6  }
0x1b: {  	[dreg:$0xc] =	wrdreg s17;
	s6 =	sadd.s32 s0, s18;
	s23 =	sshrl.u32 s21, $0x3  }
0x1c: {  	[dreg:$0x11] =	wrdreg s3;
	s21 =	simm.s32 $0x2;
	s3 =	simm.s32 $0x380  }
0x1d: {  	s17 =	simm.s32 $0x780;
	s18 =	simm.s32 $0x880;
	[dreg:$0xd] =	wrdreg s6  }
0x1e: {  	s6 =	sshrl.u32 s19, $0x3;
	s25 =	sadd.s32 s23, s5;
	s23 =	simm.s32 $0x50  }
0x1f: {  	s6 =	sadd.s32 s0, s6;
	s0 =	sadd.s32 s0, s22;
	[dreg:$0x3] =	wrdreg s25  }
0x20: {  	s22 =	simm.s32 $0x100;
	s25 =	simm.s32 $0x200;
	[dreg:$0xe] =	wrdreg s6  }
0x21: {  	v0 =	vimm.f32 $0.0e+00;
	[dreg:$0xf] =	wrdreg s0;
	s0 =	simm.s32 $0x400;
	s6 =	simm.s32 $0x0  }
.LBB2_1:
0x22: {  	s7 =	simm.s32 $0x0;
	s19 =	simm.s32 $0x200  }
.LBB2_2:
0x23: {  	p0 =	sne.s32 s19, $0xFE00;
	[tilespmem:s7+$0x5970] =	vst v0  }
0x24: {  	[tilespmem:s7+$0x5900] =	vst v0  }
0x25: {  	[tilespmem:s7+$0x5910] =	vst v0  }
.Ltmp0:
0x26: {  	[tilespmem:s7+$0x5920] =	vst v0;
	(pc) =	sbr.rel @p0 .LBB2_2-.Ltmp0, $4  }
0x27: {  	[tilespmem:s7+$0x5930] =	vst v0  }
0x28: {  	[tilespmem:s7+$0x5940] =	vst v0  }
0x29: {  	[tilespmem:s7+$0x5950] =	vst v0  }
0x2a: {  	[tilespmem:s7+$0x5960] =	vst v0;
	s7 =	sshra.s32 s19, $0x2;
	s19 =	sadd.s32 $0x200, s19  }
0x2b: {  	[tilespmem:s7+$0x5970] =	vst v0  }
0x2c: {  	[tilespmem:s7+$0x5900] =	vst v0  }
0x2d: {  	[tilespmem:s7+$0x5910] =	vst v0  }
0x2e: {  	[tilespmem:s7+$0x5920] =	vst v0  }
0x2f: {  	[tilespmem:s7+$0x5930] =	vst v0  }
0x30: {  	[tilespmem:s7+$0x5940] =	vst v0  }
0x31: {  	[tilespmem:s7+$0x5950] =	vst v0  }
0x32: {  	[tilespmem:s7+$0x5960] =	vst v0  }
0x33: {  	[spmem:s9] =	stream.linear.scatter [tilespmem:s20], [sflag:$0x2], $0x4000, $0x38;
	[tilespmem:$0x1D900] =	vst v63  }
0x34: {  	_ =	swait.ge [sflag:s21], $0x4000  }
0x35: {  	[sflag:s21] =	ssyncset.done $0x0  }
0x36: {  	[sflag:s21] =	ssyncadd.s32 $0xFFFFC000  }
0x37: {  	[spmem:s10] =	stream.linear.scatter [tilespmem:s20], [sflag:$0x2], $0x4000, $0x38;
	[tilespmem:$0x1D900] =	vst v63  }
0x38: {  	_ =	swait.ge [sflag:s21], $0x4000  }
0x39: {  	[sflag:s21] =	ssyncset.done $0x0  }
0x3a: {  	s8 =	smov.u32 s9;
	s9 =	rddreg [dreg:$0x6];
	[sflag:s21] =	ssyncadd.s32 $0xFFFFC000  }
0x3b: {  	[spmem:s9] =	stream.linear.scatter [tilespmem:s20], [sflag:$0x2], $0x4000, $0x38;
	[tilespmem:$0x1D900] =	vst v63  }
0x3c: {  	_ =	swait.ge [sflag:s21], $0x4000  }
0x3d: {  	[sflag:s21] =	ssyncset.done $0x0  }
0x3e: {  	s10 =	rddreg [dreg:$0x7];
	[sflag:s21] =	ssyncadd.s32 $0xFFFFC000  }
0x3f: {  	[spmem:s10] =	stream.linear.scatter [tilespmem:s20], [sflag:$0x2], $0x4000, $0x38;
	[tilespmem:$0x1D900] =	vst v63  }
0x40: {  	_ =	swait.ge [sflag:s21], $0x4000  }
0x41: {  	[sflag:s21] =	ssyncset.done $0x0  }
0x42: {  	s19 =	rddreg [dreg:$0x8];
	[sflag:s21] =	ssyncadd.s32 $0xFFFFC000  }
0x43: {  	[spmem:s19] =	stream.linear.scatter [tilespmem:s20], [sflag:$0x2], $0x4000, $0x38;
	[tilespmem:$0x1D900] =	vst v63  }
0x44: {  	_ =	swait.ge [sflag:s21], $0x4000  }
0x45: {  	[sflag:s21] =	ssyncset.done $0x0  }
0x46: {  	[sflag:s21] =	ssyncadd.s32 $0xFFFFC000  }
0x47: {  	[bflag:$0x0] =	sbarrier.arrive $0xFFFF  }
0x48: {  	s9 =	simm.s32 $0x0;
	s10 =	rddreg [dreg:$0x9]  }
0x49: {  	[tilespmem:s22], [sflag:$0x2] =	stream.linear.gather [hbm4b:s10+s9], $0x400, $0x38;
	[tilespmem:$0x1D900] =	vst v63  }
0x4a: {  	_ =	swait.ge [sflag:s21], $0x400  }
0x4b: {  	[sflag:s21] =	ssyncset.done $0x0  }
0x4c: {  	[sflag:s21] =	ssyncadd.s32 $0xFFFFFC00  }
0x4d: {  	[tilespmem:s24], [sflag:$0x1] =	stream.indirect.gather [hbm4b:s4+s23], $0x80, s22, s23, $0xb8;
	[tilespmem:$0x1D900] =	vst v63  }
0x4e: {  	_ = 	snop  }
0x4f: {  	[tilespmem:s26], [sflag:$0x1] =	stream.indirect.gather [hbm4b:s4+s23], $0x80, s25, s23, $0xb8;
	[tilespmem:$0x1D900] =	vst v63  }
0x50: {  	_ =	swait.ge [sflag:s28], $0x2800  }
0x51: {  	[sflag:s28] =	ssyncset.done $0x0  }
0x52: {  	[sflag:s28] =	ssyncadd.s32 $0xFFFFD800  }
0x53: {  	[spmem:s1] =	stream.indirect.scatter.add.f32 [tilespmem:s24], [sflag:$0x2], $0x80, s29, s23, $0xb8;
	[tilespmem:$0x1D900] =	vst v63  }
0x54: {  	_ =	swait.ge [sflag:s21], $0x2800  }
0x55: {  	[sflag:s21] =	ssyncset.done $0x0  }
0x56: {  	[sflag:s21] =	ssyncadd.s32 $0xFFFFD800  }
0x57: {  	[tilespmem:s24], [sflag:$0x1] =	stream.indirect.gather [hbm4b:s4+s23], $0x80, s30, s23, $0xb8;
	[tilespmem:$0x1D900] =	vst v63  }
0x58: {  	_ =	swait.ge [sflag:s28], $0x2800  }
0x59: {  	[sflag:s28] =	ssyncset.done $0x0  }
0x5a: {  	[sflag:s28] =	ssyncadd.s32 $0xFFFFD800  }
0x5b: {  	[spmem:s1] =	stream.indirect.scatter.add.f32 [tilespmem:s26], [sflag:$0x2], $0x80, s31, s23, $0xb8;
	[tilespmem:$0x1D900] =	vst v63  }
0x5c: {  	_ =	swait.ge [sflag:s21], $0x2800  }
0x5d: {  	[sflag:s21] =	ssyncset.done $0x0  }
0x5e: {  	[sflag:s21] =	ssyncadd.s32 $0xFFFFD800  }
0x5f: {  	[tilespmem:s26], [sflag:$0x1] =	stream.indirect.gather [hbm4b:s4+s23], $0x80, s0, s23, $0xb8;
	[tilespmem:$0x1D900] =	vst v63  }
0x60: {  	_ =	swait.ge [sflag:s28], $0x2800  }
0x61: {  	[sflag:s28] =	ssyncset.done $0x0  }
0x62: {  	[sflag:s28] =	ssyncadd.s32 $0xFFFFD800  }
0x63: {  	[spmem:s1] =	stream.indirect.scatter.add.f32 [tilespmem:s24], [sflag:$0x2], $0x80, s3, s23, $0xb8;
	[tilespmem:$0x1D900] =	vst v63  }
0x64: {  	_ =	swait.ge [sflag:s21], $0x2800  }
0x65: {  	s19 =	rddreg [dreg:$0x3];
	[sflag:s21] =	ssyncset.done $0x0  }
0x66: {  	[sflag:s21] =	ssyncadd.s32 $0xFFFFD800;
	s7 =	sadd.s32 $0x0, s19  }
0x67: {  	[tilespmem:s11], [sflag:$0x2] =	stream.linear.gather [hbm4b:s7+s2], $0x400, $0x38;
	[tilespmem:$0x1D900] =	vst v63  }
0x68: {  	_ =	swait.ge [sflag:s21], $0x400  }
0x69: {  	[sflag:s21] =	ssyncset.done $0x0  }
0x6a: {  	[sflag:s21] =	ssyncadd.s32 $0xFFFFFC00  }
0x6b: {  	[tilespmem:s24], [sflag:$0x1] =	stream.indirect.gather [hbm4b:s4+s23], $0x80, s11, s23, $0xb8;
	[tilespmem:$0x1D900] =	vst v63  }
0x6c: {  	_ =	swait.ge [sflag:s28], $0x2800  }
0x6d: {  	[sflag:s28] =	ssyncset.done $0x0  }
0x6e: {  	[sflag:s28] =	ssyncadd.s32 $0xFFFFD800  }
0x6f: {  	[spmem:s1] =	stream.indirect.scatter.add.f32 [tilespmem:s26], [sflag:$0x2], $0x80, s12, s23, $0xb8;
	[tilespmem:$0x1D900] =	vst v63  }
0x70: {  	_ =	swait.ge [sflag:s21], $0x2800  }
0x71: {  	[sflag:s21] =	ssyncset.done $0x0  }
0x72: {  	s9 =	rddreg [dreg:$0x4];
	[sflag:s21] =	ssyncadd.s32 $0xFFFFD800  }
0x73: {  	[tilespmem:s26], [sflag:$0x1] =	stream.indirect.gather [hbm4b:s4+s23], $0x80, s9, s23, $0xb8;
	[tilespmem:$0x1D900] =	vst v63  }
0x74: {  	_ =	swait.ge [sflag:s28], $0x2800  }
0x75: {  	[sflag:s28] =	ssyncset.done $0x0  }
0x76: {  	[sflag:s28] =	ssyncadd.s32 $0xFFFFD800  }
0x77: {  	[spmem:s1] =	stream.indirect.scatter.add.f32 [tilespmem:s24], [sflag:$0x2], $0x80, s13, s23, $0xb8;
	[tilespmem:$0x1D900] =	vst v63  }
0x78: {  	_ =	swait.ge [sflag:s21], $0x2800  }
0x79: {  	[sflag:s21] =	ssyncset.done $0x0  }
0x7a: {  	[sflag:s21] =	ssyncadd.s32 $0xFFFFD800  }
0x7b: {  	[tilespmem:s24], [sflag:$0x1] =	stream.indirect.gather [hbm4b:s4+s23], $0x80, s14, s23, $0xb8;
	[tilespmem:$0x1D900] =	vst v63  }
0x7c: {  	_ =	swait.ge [sflag:s28], $0x2800  }
0x7d: {  	[sflag:s28] =	ssyncset.done $0x0  }
0x7e: {  	[sflag:s28] =	ssyncadd.s32 $0xFFFFD800  }
0x7f: {  	[spmem:s1] =	stream.indirect.scatter.add.f32 [tilespmem:s26], [sflag:$0x2], $0x80, s15, s23, $0xb8;
	[tilespmem:$0x1D900] =	vst v63  }
0x80: {  	_ =	swait.ge [sflag:s21], $0x2800  }
0x81: {  	[sflag:s21] =	ssyncset.done $0x0  }
0x82: {  	[sflag:s21] =	ssyncadd.s32 $0xFFFFD800  }
0x83: {  	[tilespmem:s26], [sflag:$0x1] =	stream.indirect.gather [hbm4b:s4+s23], $0x80, s16, s23, $0xb8;
	[tilespmem:$0x1D900] =	vst v63  }
0x84: {  	_ =	swait.ge [sflag:s28], $0x2800  }
0x85: {  	[sflag:s28] =	ssyncset.done $0x0  }
0x86: {  	[sflag:s28] =	ssyncadd.s32 $0xFFFFD800  }
0x87: {  	[spmem:s1] =	stream.indirect.scatter.add.f32 [tilespmem:s24], [sflag:$0x2], $0x80, s17, s23, $0xb8;
	[tilespmem:$0x1D900] =	vst v63  }
0x88: {  	_ =	swait.ge [sflag:s21], $0x2800  }
0x89: {  	s19 =	rddreg [dreg:$0x11]  }
0x8a: {  	[sflag:s21] =	ssyncset.done $0x0;
	s10 =	sshrl.u32 s19, $0x3  }
0x8b: {  	[sflag:s21] =	ssyncadd.s32 $0xFFFFD800;
	s7 =	sadd.s32 s5, s10  }
0x8c: {  	[tilespmem:s22], [sflag:$0x2] =	stream.linear.gather [hbm4b:s7+s2], $0x400, $0x38;
	[tilespmem:$0x1D900] =	vst v63  }
0x8d: {  	_ =	swait.ge [sflag:s21], $0x400  }
0x8e: {  	[sflag:s21] =	ssyncset.done $0x0  }
0x8f: {  	[sflag:s21] =	ssyncadd.s32 $0xFFFFFC00  }
0x90: {  	[tilespmem:s24], [sflag:$0x1] =	stream.indirect.gather [hbm4b:s4+s23], $0x80, s22, s23, $0xb8;
	[tilespmem:$0x1D900] =	vst v63  }
0x91: {  	_ =	swait.ge [sflag:s28], $0x2800  }
0x92: {  	[sflag:s28] =	ssyncset.done $0x0  }
0x93: {  	[sflag:s28] =	ssyncadd.s32 $0xFFFFD800  }
0x94: {  	[spmem:s1] =	stream.indirect.scatter.add.f32 [tilespmem:s26], [sflag:$0x2], $0x80, s18, s23, $0xb8;
	[tilespmem:$0x1D900] =	vst v63  }
0x95: {  	_ =	swait.ge [sflag:s21], $0x2800  }
0x96: {  	s7 =	simm.s32 $0x100;
	[sflag:s21] =	ssyncset.done $0x0  }
.LBB2_4:
0x97: {  	[sflag:s21] =	ssyncadd.s32 $0xFFFFD800  }
0x98: {  	[tilespmem:s26], [sflag:$0x1] =	stream.indirect.gather [hbm4b:s4+s23], $0x80, s25, s23, $0xb8;
	[tilespmem:$0x1D900] =	vst v63  }
0x99: {  	_ =	swait.ge [sflag:s28], $0x2800  }
0x9a: {  	[sflag:s28] =	ssyncset.done $0x0  }
0x9b: {  	[sflag:s28] =	ssyncadd.s32 $0xFFFFD800  }
0x9c: {  	[spmem:s1] =	stream.indirect.scatter.add.f32 [tilespmem:s24], [sflag:$0x2], $0x80, s29, s23, $0xb8;
	[tilespmem:$0x1D900] =	vst v63  }
0x9d: {  	_ =	swait.ge [sflag:s21], $0x2800  }
0x9e: {  	[sflag:s21] =	ssyncset.done $0x0  }
0x9f: {  	[sflag:s21] =	ssyncadd.s32 $0xFFFFD800  }
0xa0: {  	[tilespmem:s24], [sflag:$0x1] =	stream.indirect.gather [hbm4b:s4+s23], $0x80, s30, s23, $0xb8;
	[tilespmem:$0x1D900] =	vst v63  }
0xa1: {  	_ =	swait.ge [sflag:s28], $0x2800  }
0xa2: {  	[sflag:s28] =	ssyncset.done $0x0  }
0xa3: {  	[sflag:s28] =	ssyncadd.s32 $0xFFFFD800  }
0xa4: {  	[spmem:s1] =	stream.indirect.scatter.add.f32 [tilespmem:s26], [sflag:$0x2], $0x80, s31, s23, $0xb8;
	[tilespmem:$0x1D900] =	vst v63  }
0xa5: {  	_ =	swait.ge [sflag:s21], $0x2800  }
0xa6: {  	[sflag:s21] =	ssyncset.done $0x0  }
0xa7: {  	[sflag:s21] =	ssyncadd.s32 $0xFFFFD800  }
0xa8: {  	[tilespmem:s26], [sflag:$0x1] =	stream.indirect.gather [hbm4b:s4+s23], $0x80, s0, s23, $0xb8;
	[tilespmem:$0x1D900] =	vst v63  }
0xa9: {  	_ =	swait.ge [sflag:s28], $0x2800  }
0xaa: {  	[sflag:s28] =	ssyncset.done $0x0  }
0xab: {  	[sflag:s28] =	ssyncadd.s32 $0xFFFFD800  }
0xac: {  	[spmem:s1] =	stream.indirect.scatter.add.f32 [tilespmem:s24], [sflag:$0x2], $0x80, s3, s23, $0xb8;
	[tilespmem:$0x1D900] =	vst v63  }
0xad: {  	_ =	swait.ge [sflag:s21], $0x2800  }
0xae: {  	s9 =	smov.u32 s7;
	s10 =	rddreg [dreg:$0x3];
	[sflag:s21] =	ssyncset.done $0x0  }
0xaf: {  	[sflag:s21] =	ssyncadd.s32 $0xFFFFD800;
	s9 =	sadd.s32 s9, s10  }
0xb0: {  	[tilespmem:s11], [sflag:$0x2] =	stream.linear.gather [hbm4b:s9+s2], $0x400, $0x38;
	[tilespmem:$0x1D900] =	vst v63  }
0xb1: {  	_ =	swait.ge [sflag:s21], $0x400  }
0xb2: {  	[sflag:s21] =	ssyncset.done $0x0  }
0xb3: {  	[sflag:s21] =	ssyncadd.s32 $0xFFFFFC00  }
0xb4: {  	[tilespmem:s24], [sflag:$0x1] =	stream.indirect.gather [hbm4b:s4+s23], $0x80, s11, s23, $0xb8;
	[tilespmem:$0x1D900] =	vst v63  }
0xb5: {  	_ =	swait.ge [sflag:s28], $0x2800  }
0xb6: {  	[sflag:s28] =	ssyncset.done $0x0  }
0xb7: {  	[sflag:s28] =	ssyncadd.s32 $0xFFFFD800  }
0xb8: {  	[spmem:s1] =	stream.indirect.scatter.add.f32 [tilespmem:s26], [sflag:$0x2], $0x80, s12, s23, $0xb8;
	[tilespmem:$0x1D900] =	vst v63  }
0xb9: {  	_ =	swait.ge [sflag:s21], $0x2800  }
0xba: {  	[sflag:s21] =	ssyncset.done $0x0  }
0xbb: {  	s10 =	rddreg [dreg:$0x4];
	[sflag:s21] =	ssyncadd.s32 $0xFFFFD800  }
0xbc: {  	[tilespmem:s26], [sflag:$0x1] =	stream.indirect.gather [hbm4b:s4+s23], $0x80, s10, s23, $0xb8;
	[tilespmem:$0x1D900] =	vst v63  }
0xbd: {  	_ =	swait.ge [sflag:s28], $0x2800  }
0xbe: {  	[sflag:s28] =	ssyncset.done $0x0  }
0xbf: {  	[sflag:s28] =	ssyncadd.s32 $0xFFFFD800  }
0xc0: {  	[spmem:s1] =	stream.indirect.scatter.add.f32 [tilespmem:s24], [sflag:$0x2], $0x80, s13, s23, $0xb8;
	[tilespmem:$0x1D900] =	vst v63  }
0xc1: {  	_ =	swait.ge [sflag:s21], $0x2800  }
0xc2: {  	[sflag:s21] =	ssyncset.done $0x0  }
0xc3: {  	[sflag:s21] =	ssyncadd.s32 $0xFFFFD800  }
0xc4: {  	[tilespmem:s24], [sflag:$0x1] =	stream.indirect.gather [hbm4b:s4+s23], $0x80, s14, s23, $0xb8;
	[tilespmem:$0x1D900] =	vst v63  }
0xc5: {  	_ =	swait.ge [sflag:s28], $0x2800  }
0xc6: {  	[sflag:s28] =	ssyncset.done $0x0  }
0xc7: {  	[sflag:s28] =	ssyncadd.s32 $0xFFFFD800  }
0xc8: {  	[spmem:s1] =	stream.indirect.scatter.add.f32 [tilespmem:s26], [sflag:$0x2], $0x80, s15, s23, $0xb8;
	[tilespmem:$0x1D900] =	vst v63  }
0xc9: {  	_ =	swait.ge [sflag:s21], $0x2800  }
0xca: {  	[sflag:s21] =	ssyncset.done $0x0  }
0xcb: {  	[sflag:s21] =	ssyncadd.s32 $0xFFFFD800  }
0xcc: {  	[tilespmem:s26], [sflag:$0x1] =	stream.indirect.gather [hbm4b:s4+s23], $0x80, s16, s23, $0xb8;
	[tilespmem:$0x1D900] =	vst v63  }
0xcd: {  	_ =	swait.ge [sflag:s28], $0x2800  }
0xce: {  	[sflag:s28] =	ssyncset.done $0x0  }
0xcf: {  	[sflag:s28] =	ssyncadd.s32 $0xFFFFD800  }
0xd0: {  	[spmem:s1] =	stream.indirect.scatter.add.f32 [tilespmem:s24], [sflag:$0x2], $0x80, s17, s23, $0xb8;
	[tilespmem:$0x1D900] =	vst v63  }
0xd1: {  	s19 =	sadd.s32 $0x800, s19;
	_ =	swait.ge [sflag:s21], $0x2800  }
0xd2: {  	s10 =	sshrl.u32 s19, $0x3;
	[sflag:s21] =	ssyncset.done $0x0  }
0xd3: {  	s9 =	sadd.s32 s5, s10;
	[sflag:s21] =	ssyncadd.s32 $0xFFFFD800  }
0xd4: {  	[tilespmem:s22], [sflag:$0x2] =	stream.linear.gather [hbm4b:s9+s2], $0x400, $0x38;
	[tilespmem:$0x1D900] =	vst v63  }
0xd5: {  	_ =	swait.ge [sflag:s21], $0x400  }
0xd6: {  	[sflag:s21] =	ssyncset.done $0x0  }
0xd7: {  	[sflag:s21] =	ssyncadd.s32 $0xFFFFFC00  }
0xd8: {  	[tilespmem:s24], [sflag:$0x1] =	stream.indirect.gather [hbm4b:s4+s23], $0x80, s22, s23, $0xb8;
	[tilespmem:$0x1D900] =	vst v63  }
0xd9: {  	p0 =	sne.s32 s7, $0xE00;
	_ =	swait.ge [sflag:s28], $0x2800  }
.Ltmp1:
0xda: {  	[sflag:s28] =	ssyncset.done $0x0;
	(pc) =	sbr.rel @p0 .LBB2_4-.Ltmp1, $4  }
0xdb: {  	[sflag:s28] =	ssyncadd.s32 $0xFFFFD800  }
0xdc: {  	[spmem:s1] =	stream.indirect.scatter.add.f32 [tilespmem:s26], [sflag:$0x2], $0x80, s18, s23, $0xb8;
	[tilespmem:$0x1D900] =	vst v63  }
0xdd: {  	_ =	swait.ge [sflag:s21], $0x2800  }
0xde: {  	s7 =	sadd.s32 $0x100, s7;
	[sflag:s21] =	ssyncset.done $0x0  }
0xdf: {  	[sflag:s21] =	ssyncadd.s32 $0xFFFFD800  }
0xe0: {  	[tilespmem:s26], [sflag:$0x1] =	stream.indirect.gather [hbm4b:s4+s23], $0x80, s25, s23, $0xb8;
	[tilespmem:$0x1D900] =	vst v63  }
0xe1: {  	_ =	swait.ge [sflag:s28], $0x2800  }
0xe2: {  	[sflag:s28] =	ssyncset.done $0x0  }
0xe3: {  	[sflag:s28] =	ssyncadd.s32 $0xFFFFD800  }
0xe4: {  	[spmem:s1] =	stream.indirect.scatter.add.f32 [tilespmem:s24], [sflag:$0x2], $0x80, s29, s23, $0xb8;
	[tilespmem:$0x1D900] =	vst v63  }
0xe5: {  	_ =	swait.ge [sflag:s21], $0x2800  }
0xe6: {  	[sflag:s21] =	ssyncset.done $0x0  }
0xe7: {  	[sflag:s21] =	ssyncadd.s32 $0xFFFFD800  }
0xe8: {  	[tilespmem:s24], [sflag:$0x1] =	stream.indirect.gather [hbm4b:s4+s23], $0x80, s30, s23, $0xb8;
	[tilespmem:$0x1D900] =	vst v63  }
0xe9: {  	_ =	swait.ge [sflag:s28], $0x2800  }
0xea: {  	[sflag:s28] =	ssyncset.done $0x0  }
0xeb: {  	[sflag:s28] =	ssyncadd.s32 $0xFFFFD800  }
0xec: {  	[spmem:s1] =	stream.indirect.scatter.add.f32 [tilespmem:s26], [sflag:$0x2], $0x80, s31, s23, $0xb8;
	[tilespmem:$0x1D900] =	vst v63  }
0xed: {  	_ =	swait.ge [sflag:s21], $0x2800  }
0xee: {  	[sflag:s21] =	ssyncset.done $0x0  }
0xef: {  	[sflag:s21] =	ssyncadd.s32 $0xFFFFD800  }
0xf0: {  	[tilespmem:s26], [sflag:$0x1] =	stream.indirect.gather [hbm4b:s4+s23], $0x80, s0, s23, $0xb8;
	[tilespmem:$0x1D900] =	vst v63  }
0xf1: {  	_ =	swait.ge [sflag:s28], $0x2800  }
0xf2: {  	[sflag:s28] =	ssyncset.done $0x0  }
0xf3: {  	[sflag:s28] =	ssyncadd.s32 $0xFFFFD800  }
0xf4: {  	[spmem:s1] =	stream.indirect.scatter.add.f32 [tilespmem:s24], [sflag:$0x2], $0x80, s3, s23, $0xb8;
	[tilespmem:$0x1D900] =	vst v63  }
0xf5: {  	_ =	swait.ge [sflag:s21], $0x2800  }
0xf6: {  	[sflag:s21] =	ssyncset.done $0x0  }
0xf7: {  	s7 =	rddreg [dreg:$0xa];
	[sflag:s21] =	ssyncadd.s32 $0xFFFFD800  }
0xf8: {  	[tilespmem:s2], [sflag:$0x2] =	stream.linear.gather [hbm4b:s7+s2], $0x100, $0x38;
	[tilespmem:$0x1D900] =	vst v63  }
0xf9: {  	_ =	swait.ge [sflag:s21], $0x100  }
0xfa: {  	[sflag:s21] =	ssyncset.done $0x0  }
0xfb: {  	[sflag:s21] =	ssyncadd.s32 $0xFFFFFF00  }
0xfc: {  	[tilespmem:s24], [sflag:$0x1] =	stream.indirect.gather [hbm4b:s4+s23], $0x80, s2, s23, $0xb8;
	[tilespmem:$0x1D900] =	vst v63  }
0xfd: {  	_ =	swait.ge [sflag:s28], $0x2800  }
0xfe: {  	[sflag:s28] =	ssyncset.done $0x0  }
0xff: {  	[sflag:s28] =	ssyncadd.s32 $0xFFFFD800  }
0x100: {  	[spmem:s1] =	stream.indirect.scatter.add.f32 [tilespmem:s26], [sflag:$0x2], $0x80, s12, s23, $0xb8;
	[tilespmem:$0x1D900] =	vst v63  }
0x101: {  	_ =	swait.ge [sflag:s21], $0x2800  }
0x102: {  	[sflag:s21] =	ssyncset.done $0x0  }
0x103: {  	[sflag:s21] =	ssyncadd.s32 $0xFFFFD800  }
0x104: {  	_ =	swait.ge [sflag:s28], $0x2800  }
0x105: {  	[sflag:s28] =	ssyncset.done $0x0  }
0x106: {  	s10 =	simm.s32 $0x80;
	[sflag:s28] =	ssyncadd.s32 $0xFFFFD800  }
0x107: {  	[spmem:s1] =	stream.indirect.scatter.add.f32 [tilespmem:s24], [sflag:$0x2], $0x80, s10, s23, $0xb8;
	[tilespmem:$0x1D900] =	vst v63  }
0x108: {  	_ =	swait.ge [sflag:s21], $0x2800  }
0x109: {  	[sflag:s21] =	ssyncset.done $0x0  }
0x10a: {  	[sflag:s21] =	ssyncadd.s32 $0xFFFFD800  }
0x10b: {  	[bflag:$0x0] =	sbarrier.arrive $0xFFFF  }
0x10c: {  	[tilespmem:s20], [sflag:$0x2] =	stream.linear.gather [spmem:s8], $0x4000, $0x38;
	[tilespmem:$0x1D900] =	vst v63  }
0x10d: {  	_ =	swait.ge [sflag:s21], $0x4000  }
0x10e: {  	[sflag:s21] =	ssyncset.done $0x0  }
0x10f: {  	s19 =	rddreg [dreg:$0xb];
	[sflag:s21] =	ssyncadd.s32 $0xFFFFC000  }
0x110: {  	[hbm4b:s19+s2] =	stream.linear.scatter [tilespmem:s20], [sflag:$0x2], $0x4000, $0x38;
	[tilespmem:$0x1D900] =	vst v63  }
0x111: {  	_ =	swait.ge [sflag:s21], $0x4000  }
0x112: {  	[sflag:s21] =	ssyncset.done $0x0  }
0x113: {  	s10 =	rddreg [dreg:$0x5];
	[sflag:s21] =	ssyncadd.s32 $0xFFFFC000  }
0x114: {  	[tilespmem:s20], [sflag:$0x2] =	stream.linear.gather [spmem:s10], $0x4000, $0x38;
	[tilespmem:$0x1D900] =	vst v63  }
0x115: {  	_ =	swait.ge [sflag:s21], $0x4000  }
0x116: {  	[sflag:s21] =	ssyncset.done $0x0  }
0x117: {  	s9 =	smov.u32 s8;
	s8 =	rddreg [dreg:$0xc];
	[sflag:s21] =	ssyncadd.s32 $0xFFFFC000  }
0x118: {  	[hbm4b:s8+s2] =	stream.linear.scatter [tilespmem:s20], [sflag:$0x2], $0x4000, $0x38;
	[tilespmem:$0x1D900] =	vst v63  }
0x119: {  	_ =	swait.ge [sflag:s21], $0x4000  }
0x11a: {  	[sflag:s21] =	ssyncset.done $0x0  }
0x11b: {  	s19 =	rddreg [dreg:$0x6];
	[sflag:s21] =	ssyncadd.s32 $0xFFFFC000  }
0x11c: {  	[tilespmem:s20], [sflag:$0x2] =	stream.linear.gather [spmem:s19], $0x4000, $0x38;
	[tilespmem:$0x1D900] =	vst v63  }
0x11d: {  	_ =	swait.ge [sflag:s21], $0x4000  }
0x11e: {  	[sflag:s21] =	ssyncset.done $0x0  }
0x11f: {  	s8 =	rddreg [dreg:$0xd];
	[sflag:s21] =	ssyncadd.s32 $0xFFFFC000  }
0x120: {  	[hbm4b:s8+s2] =	stream.linear.scatter [tilespmem:s20], [sflag:$0x2], $0x4000, $0x38;
	[tilespmem:$0x1D900] =	vst v63  }
0x121: {  	_ =	swait.ge [sflag:s21], $0x4000  }
0x122: {  	[sflag:s21] =	ssyncset.done $0x0  }
0x123: {  	s19 =	rddreg [dreg:$0x7];
	[sflag:s21] =	ssyncadd.s32 $0xFFFFC000  }
0x124: {  	[tilespmem:s20], [sflag:$0x2] =	stream.linear.gather [spmem:s19], $0x4000, $0x38;
	[tilespmem:$0x1D900] =	vst v63  }
0x125: {  	_ =	swait.ge [sflag:s21], $0x4000  }
0x126: {  	[sflag:s21] =	ssyncset.done $0x0  }
0x127: {  	s8 =	rddreg [dreg:$0xe];
	[sflag:s21] =	ssyncadd.s32 $0xFFFFC000  }
0x128: {  	[hbm4b:s8+s2] =	stream.linear.scatter [tilespmem:s20], [sflag:$0x2], $0x4000, $0x38;
	[tilespmem:$0x1D900] =	vst v63  }
0x129: {  	_ =	swait.ge [sflag:s21], $0x4000  }
0x12a: {  	[sflag:s21] =	ssyncset.done $0x0  }
0x12b: {  	s19 =	rddreg [dreg:$0x8];
	[sflag:s21] =	ssyncadd.s32 $0xFFFFC000  }
0x12c: {  	[tilespmem:s20], [sflag:$0x2] =	stream.linear.gather [spmem:s19], $0x4000, $0x38;
	[tilespmem:$0x1D900] =	vst v63  }
0x12d: {  	_ =	swait.ge [sflag:s21], $0x4000  }
0x12e: {  	[sflag:s21] =	ssyncset.done $0x0  }
0x12f: {  	s8 =	rddreg [dreg:$0xf];
	[sflag:s21] =	ssyncadd.s32 $0xFFFFC000  }
0x130: {  	[hbm4b:s8+s2] =	stream.linear.scatter [tilespmem:s20], [sflag:$0x2], $0x4000, $0x38;
	[tilespmem:$0x1D900] =	vst v63  }
0x131: {  	_ =	swait.ge [sflag:s21], $0x4000  }
0x132: {  	s6 =	sadd.s32 $0x1, s6;
	s19 =	rddreg [dreg:$0x10]  }
0x133: {  	p0 =	sne.s32 s6, s19  }
.Ltmp2:
0x134: {  	_ = 	snop;
	(pc) =	sbr.rel @p0 .LBB2_1-.Ltmp2, $3  }
0x135: {  	_ =	sdelay $0x1  }
0x136: {  	[sflag:s21] =	ssyncset.done $0x0  }
0x137: {  	[sflag:s21] =	ssyncadd.s32 $0xFFFFC000  }
0x138: {  	_ =	sfence.sel $0x180000  }
0x139: {  	[bflag:$0x0] =	sbarrier.arrive $0xFFFF  }
0x13a: {  	_ =	strace $0x9000004A  }
0x13b: {  	s0 =	stileid.u32;
	[bflag:$0x2] =	sbarrier.arrive $0xFFFF  }
0x13c: {  	p0 =	sne.s32 s0, $0x0;
	s0 =	rddreg [dreg:$0x2]  }
0x13d: {  	s0 =	sadd.s32 @!p0 $0x100000, s0  }
0x13e: {  	[sflag:s0] =	ssyncadd.tile.s32 @!p0 $0x1;
	_ =	shalt  }
.Lfunc_end2:
_tile_overlayer_lowered:
.L_overlay_start_2:
0x13f: {  	(tag) =	ssettag $0x2  }
0x140: {  	s0 =	rddreg [dreg:$0x0];
	s2 =	stileid.u32  }
0x141: {  	s1 =	rddreg [dreg:$0x1];
	p0 =	sne.s32 s2, $0x0  }
0x142: {  	s3 =	rddreg [dreg:$0x2];
	[bflag:$0x3] =	sbarrier.arrive $0xFFFF;
	s2 =	simm.s32 @!p0 $0x1C02  }
0x143: {  	[timem:s3], [sflag:s2] =	dma.local @!p0 [hbm:s0], s1  }
0x144: {  	s0 =	simm.s32 @!p0 $0x2  }
0x145: {  	_ =	swait.ge @!p0 [sflag:s0], s1  }
0x146: {  	s1 =	ssub.s32 @!p0 $0x0, s1;
	[sflag:s0] =	ssyncset.done @!p0 $0x0  }
0x147: {  	[sflag:s0] =	ssyncadd.s32 @!p0 s1  }
0x148: {  	[bflag:$0x3] =	sbarrier.arrive $0xFFFF  }
0x149: {  	_ =	shalt  }

// kernel: kernel.16.cloned.1.call-start
scs
__scs_entry_jumppad:
0x0: {  	(pc) =	sbr.rel $0x88, $3  }
0x1: {  	(tag) =	ssettag $0x0;
	lr =	simm.s32 $0x1  }
0x2: {  	[smem:$0x3F97] =	sst lr;
	_ =	strace $0xD0000000  }
0x3: {  	_ = 	snop  }
0x4: {  	_ = 	snop  }
0x5: {  	_ = 	snop  }
0x6: {  	_ = 	snop  }
0x7: {  	_ = 	snop  }
__scs_overlays_trampoline_lowered:
0x8: {  	[smem:$0x3FA6] =	sst s0  }
0x9: {  	[smem:$0x3FA7] =	sst s1  }
0xa: {  	[smem:$0x3FA8] =	sst s2  }
0xb: {  	[smem:$0x3FA9] =	sst s3  }
0xc: {  	[smem:$0x3FAA] =	sst s4  }
0xd: {  	[smem:$0x3FAB] =	sst s5  }
0xe: {  	[smem:$0x3FAC] =	sst s6  }
0xf: {  	[smem:$0x3FAD] =	sst s7  }
0x10: {  	[smem:$0x3FAE] =	sst s8  }
0x11: {  	[smem:$0x3FAF] =	sst s9;
	s0 =	simm.s32 @!p0 $0x0  }
0x12: {  	s1 =	sld [smem:$0x3F95];
	s0 =	simm.s32 @p0 $0x1  }
0x13: {  	[smem:$0x3FB0] =	sst s0;
	s0 =	simm.s32 @!p1 $0x0  }
0x14: {  	s2 =	sld [smem:$0x3F94];
	s0 =	simm.s32 @p1 $0x1  }
0x15: {  	[smem:$0x3FB1] =	sst s0;
	s0 =	simm.s32 @!p2 $0x0  }
0x16: {  	s3 =	sld [smem:$0x3FDB];
	s0 =	simm.s32 @p2 $0x1  }
0x17: {  	s4 =	simm.s32 $0x1BF5;
	[smem:$0x3FB3] =	sst s0  }
0x18: {  	s0 =	sld [smem:$0x3F96];
	_ =	swait.ge [sflag:s4], $0x0  }
0x19: {  	s7 =	sld [smem:$0x3F97]  }
0x1a: {  	s8 =	sadd.s32 $0xFFFFE003, lr  }
0x1b: {  	s9 =	sadd.s32 $0xFFFFFEF7, lr;
	s5 =	simm.s32 $0xFFFFFFFF;
	p2 =	slt.u32 s8, $0xFFFFF086  }
0x1c: {  	p1 =	slt.u32 s9, $0xF7A;
	s5 =	simm.s32 @!p2 $0x0  }
0x1d: {  	s5 =	simm.s32 @p1 $0x1;
	p0 =	seq.s32 s7, s2  }
0x1e: {  	s7 =	smul.u32 @!p0 $0xF7A, s2;
	p2 =	seq.s32 @!p0 s5, $0x0  }
0x1f: {  	s9 =	smul.u32 $0xF7A, s1;
	s8 =	simm.s32 @!p0 $0x1BF5;
	p2 =	por !p2, p0  }
0x20: {  	[sflag:s8] =	ssyncset.s32 @!p0 $0xFFFFF086;
	s6 =	sadd.s32 @!p0 s3, s7;
	s7 =	simm.s32 @!p0 $0x108  }
0x21: {  	s3 =	sadd.s32 s3, s9;
	s6 =	sadd.s32 @!p0 $0x88, s6;
	s7 =	simm.s32 @p2 $0x1082  }
0x22: {  	[simem:s7], [sflag:s8] =	dma.local @!p0 [hbm:s6], $0xF7A  }
0x23: {  	s9 =	sor.u32 $0xD0000000, s2;
	s6 =	simm.s32 $0x108;
	_ =	swait.ge @!p0 [sflag:s8], $0x0  }
0x24: {  	s3 =	sadd.s32 $0x88, s3;
	s6 =	simm.s32 @!p1 $0x1082;
	[sflag:s4] =	ssyncset.s32 $0xFFFFF086  }
0x25: {  	[simem:s6], [sflag:s4] =	dma.local [hbm:s3], $0xF7A  }
0x26: {  	[smem:$0x3F97] =	sst s1;
	(tag) =	ssettag s2;
	_ =	strace s9  }
0x27: {  	s1 =	sld [smem:$0x3FA7]  }
0x28: {  	s2 =	sld [smem:$0x3FA8]  }
0x29: {  	s4 =	sld [smem:$0x3FAA]  }
0x2a: {  	p0 =	seq.s32 s5, $0x0;
	s5 =	sld [smem:$0x3FAB]  }
0x2b: {  	s6 =	sld [smem:$0x3FAC]  }
0x2c: {  	s7 =	sld [smem:$0x3FAD]  }
0x2d: {  	s3 =	simm.s32 $0x108;
	s8 =	sld [smem:$0x3FAE]  }
0x2e: {  	s3 =	simm.s32 @!p0 $0x1082;
	s9 =	sld [smem:$0x3FAF]  }
0x2f: {  	lr =	sadd.s32 s0, s3;
	s0 =	sld [smem:$0x3FA6]  }
0x30: {  	s3 =	sld [smem:$0x3FA9]  }
0x31: {  	[smem:$0x3FB2] =	sst s10  }
0x32: {  	s10 =	sld [smem:$0x3FB0];
	_ =	sdelay $0x3  }
0x33: {  	p0 =	seq.s32 s10, $0x1;
	s10 =	sld [smem:$0x3FB2];
	_ =	sdelay $0x3  }
0x34: {  	[smem:$0x3FB2] =	sst s10  }
0x35: {  	s10 =	sld [smem:$0x3FB1];
	_ =	sdelay $0x3  }
0x36: {  	p1 =	seq.s32 s10, $0x1;
	s10 =	sld [smem:$0x3FB2];
	_ =	sdelay $0x3  }
0x37: {  	[smem:$0x3FB2] =	sst s10  }
0x38: {  	s10 =	sld [smem:$0x3FB3]  }
0x39: {  	_ = 	snop;
	(pc) =	sbr.ind lr, $3  }
0x3a: {  	_ = 	snop  }
0x3b: {  	_ = 	snop  }
0x3c: {  	p2 =	seq.s32 s10, $0x1;
	s10 =	sld [smem:$0x3FB2]  }
0x3d: {  	_ =	shalt  }
0x3e: {  	_ =	shalt  }
0x3f: {  	_ =	shalt  }
0x40: {  	_ =	shalt  }
0x41: {  	_ =	shalt  }
0x42: {  	_ =	shalt  }
0x43: {  	_ =	shalt  }
0x44: {  	_ =	shalt  }
0x45: {  	_ =	shalt  }
0x46: {  	_ =	shalt  }
0x47: {  	_ =	shalt  }
0x48: {  	_ =	shalt  }
0x49: {  	_ =	shalt  }
0x4a: {  	_ =	shalt  }
0x4b: {  	_ =	shalt  }
0x4c: {  	_ =	shalt  }
0x4d: {  	_ =	shalt  }
0x4e: {  	_ =	shalt  }
0x4f: {  	_ =	shalt  }
0x50: {  	_ =	shalt  }
0x51: {  	_ =	shalt  }
0x52: {  	_ =	shalt  }
0x53: {  	_ =	shalt  }
0x54: {  	_ =	shalt  }
0x55: {  	_ =	shalt  }
0x56: {  	_ =	shalt  }
0x57: {  	_ =	shalt  }
0x58: {  	_ =	shalt  }
0x59: {  	_ =	shalt  }
0x5a: {  	_ =	shalt  }
0x5b: {  	_ =	shalt  }
0x5c: {  	_ =	shalt  }
0x5d: {  	_ =	shalt  }
0x5e: {  	_ =	shalt  }
0x5f: {  	_ =	shalt  }
0x60: {  	_ =	shalt  }
0x61: {  	_ =	shalt  }
0x62: {  	_ =	shalt  }
0x63: {  	_ =	shalt  }
0x64: {  	_ =	shalt  }
0x65: {  	_ =	shalt  }
0x66: {  	_ =	shalt  }
0x67: {  	_ =	shalt  }
0x68: {  	_ =	shalt  }
0x69: {  	_ =	shalt  }
0x6a: {  	_ =	shalt  }
0x6b: {  	_ =	shalt  }
0x6c: {  	_ =	shalt  }
0x6d: {  	_ =	shalt  }
0x6e: {  	_ =	shalt  }
0x6f: {  	_ =	shalt  }
0x70: {  	_ =	shalt  }
0x71: {  	_ =	shalt  }
0x72: {  	_ =	shalt  }
0x73: {  	_ =	shalt  }
0x74: {  	_ =	shalt  }
0x75: {  	_ =	shalt  }
0x76: {  	_ =	shalt  }
0x77: {  	_ =	shalt  }
0x78: {  	_ =	shalt  }
0x79: {  	_ =	shalt  }
0x7a: {  	_ =	shalt  }
0x7b: {  	_ =	shalt  }
0x7c: {  	_ =	shalt  }
0x7d: {  	_ =	shalt  }
0x7e: {  	_ =	shalt  }
0x7f: {  	_ =	shalt  }
0x80: {  	_ =	shalt  }
0x81: {  	_ =	shalt  }
0x82: {  	_ =	shalt  }
0x83: {  	_ =	shalt  }
0x84: {  	_ =	shalt  }
0x85: {  	_ =	shalt  }
0x86: {  	_ =	shalt  }
0x87: {  	_ =	shalt  }
.Lfunc_end0:
.L_simem_size_0:
called_computation.2_lowered:
.L_overlay_start_0:
0x88: {  	s2 =	sld [smem:$0x3FD9]  }
0x89: {  	s3 =	sld [smem:$0x3FFE];
	_ =	sdelay $0x1  }
0x8a: {  	s1 =	srdreg.scid  }
0x8b: {  	s0 =	sand.u32 $0x1, s1  }
0x8c: {  	s16 =	sshll.u32 s0, $0xA;
	s2 =	sadd.s32 s3, s2  }
0x8d: {  	s2 =	sadd.s32 s2, s16  }
0x8e: {  	[smem:$0x3FBE] =	sst s2  }
0x8f: {  	_ = 	snop  }
0x90: {  	(tm) =	ssettm $0x1  }
0x91: {  	s17 =	sld [smem:$0x3FFB];
	_ =	sdelay $0x3  }
0x92: {  	_ =	strace s17  }
0x93: {  	s2 =	sld [smem:$0x3FFC];
	_ =	sdelay $0x3  }
0x94: {  	_ =	strace s2  }
0x95: {  	s2 =	sld [smem:$0x3FFD];
	_ =	sdelay $0x3  }
0x96: {  	_ =	strace s2  }
0x97: {  	_ =	strace $0x8FFFFFFF  }
0x98: {  	s18 =	sld [smem:$0x3FDB];
	_ =	sdelay $0x1  }
0x99: {  	s19 =	simm.s32 $_scs_section_size  }
0x9a: {  	s4 =	simm.s32 $_size__tile_overlayer_lowered;
	s5 =	simm.s32 $_tile_overlayer_lowered  }
0x9b: {  	s22 =	simm.s32 $0x1BFF;
	s21 =	sshll.u32 s5, $0x1;
	s2 =	sadd.s32 s19, s18  }
0x9c: {  	s6 =	simm.s32 $0x0;
	s20 =	sshll.u32 s4, $0x1;
	s4 =	sadd.s32 s21, s2  }
0x9d: {  	[timem:s6], [sflag:s22] =	dma.local [hbm:s4], s20  }
0x9e: {  	_ =	swait.ge [sflag:s22], s20  }
0x9f: {  	s3 =	ssub.s32 $0x0, s20;
	[sflag:s22] =	ssyncset.done $0x0  }
0xa0: {  	[sflag:s22] =	ssyncadd.s32 s3;
	_ =	sdelay $0x1  }
0xa1: {  	s23 =	simm.s32 $0x1B8B  }
0xa2: {  	_ =	swait.ge [sflag:s23], $0x1  }
0xa3: {  	[sflag:s23] =	ssyncset.done $0x0  }
0xa4: {  	s25 =	simm.s32 $0x1B8E;
	s24 =	sld [smem:$0x3FFE];
	[sflag:s23] =	ssyncadd.s32 $0xFFFFFFFF  }
0xa5: {  	s26 =	simm.s32 $execute0_lowered;
	[smem:$0x3FD2] =	sst s25  }
0xa6: {  	s4 =	sshll.u32 s26, $0x1;
	_ =	strace $0x8000004C;
	[dreg:$0x1] =	wrdreg $0xFFFFFFFF  }
0xa7: {  	s28 =	simm.s32 $_size_execute0_lowered;
	s2 =	sadd.s32 s2, s4;
	[dreg:$0x0] =	wrdreg $0x0  }
0xa8: {  	s4 =	sshll.u32 s28, $0x1;
	[dreg:$0x2] =	wrdreg s2  }
0xa9: {  	[dreg:$0x3] =	wrdreg s4  }
0xaa: {  	[dreg:$0x4] =	wrdreg $0xC0  }
0xab: {  	_ =	task [dreg:s6], $0x5FFFF  }
0xac: {  	[dreg:$0x1] =	wrdreg $0xFFFFFFFF  }
0xad: {  	[dreg:$0x0] =	wrdreg $0x60  }
0xae: {  	[dreg:$0x2] =	wrdreg s24  }
0xaf: {  	[dreg:$0x3] =	wrdreg $0x99000  }
0xb0: {  	[dreg:$0x4] =	wrdreg $0x9  }
0xb1: {  	_ =	task.clear_ibuf [dreg:s6], $0x5FFFF;
	_ =	strace $0x9000004C  }
0xb2: {  	s29 =	simm.s32 $0x9;
	_ =	strace $0x8000004E  }
0xb3: {  	_ =	swait.ge [sflag:s29], $0x1  }
0xb4: {  	[sflag:s29] =	ssyncadd.s32 $0xFFFFFFFF  }
0xb5: {  	_ =	strace $0x9000004E  }
0xb6: {  	_ =	sfence  }
0xb7: {  	s30 =	sld [smem:$0x0];
	_ =	sdelay $0x2  }
0xb8: {  	s31 =	sshll.u32 s1, $0xD;
	s1 =	sshrl.u32 s1, $0x2  }
0xb9: {  	s3 =	sand.u32 $0x4000, s31;
	s1 =	sadd.s32 s1, s30  }
0xba: {  	s0 =	sor.u32 s3, s0;
	s1 =	sshll.u32 s1, $0x11  }
0xbb: {  	s0 =	sor.u32 s1, s0  }
0xbc: {  	s0 =	sadd.s32 $0x8F2B, s0  }
0xbd: {  	[sflag:s0] =	ssyncadd.remote.s32 $0x1  }
0xbe: {  	_ =	sfence.sel $0xFFFF  }
0xbf: {  	[dreg:$0x0] =	wrdreg $0xFFFFFFFF;
	(pc) =	sbr.abs _section_cstart, $3  }
0xc0: {  	[dreg:$0x1] =	wrdreg $0xFFFFFFFF  }
0xc1: {  	_ =	task.clear_ibuf [dreg:s6], $0x2FFFF;
	_ =	strace $0x9FFFFFFF  }
0xc2: {  	(tm) =	ssettm $0x7FFFFFFF  }
0xc3: {  	_ =	shalt  }
tec
execute0_lowered:
.L_overlay_start_1:
0x0: {  	(tag) =	ssettag $0x1  }
0x1: {  	s0 =	rddreg [dreg:$0x0]  }
0x2: {  	s1 =	rddreg [dreg:$0x1];
	s2 =	simm.s32 $0x0  }
0x3: {  	s3 =	srdreg.scid;
	s17 =	stileid.u32;
	s28 =	simm.s32 $0x1  }
0x4: {  	s29 =	simm.s32 $0x180;
	s30 =	simm.s32 $0x300;
	s31 =	simm.s32 $0x280  }
0x5: {  	[smem:$0x7FF] =	sst s2;
	s3 =	sand.u32 $0x1, s3;
	s9 =	smul.u32 $0x50000, s17  }
0x6: {  	s4 =	sadd.s32 $0x22800, s0;
	s5 =	sadd.s32 $0x3400, s0;
	s11 =	smul.u32 $0x14000, s17  }
0x7: {  	_ =	strace $0x8000004D;
	s6 =	sshll.u32 s3, $0x4;
	s16 =	smul.u32 $0x140000, s3  }
0x8: {  	s8 =	ssub.s32 $0x2, s3;
	s3 =	smul.u32 $0x7C000, s3;
	s6 =	sor.u32 s17, s6  }
0x9: {  	s10 =	sshrl.u32 s8, $0x1;
	s9 =	sshrl.u32 s9, $0x2;
	s12 =	sadd.s32 $0x4000, s11  }
0xa: {  	s13 =	sadd.s32 $0x8000, s11;
	s24 =	sadd.s32 $0xC000, s11;
	s15 =	sadd.s32 $0x10000, s11  }
0xb: {  	s7 =	sshll.u32 s6, $0x5;
	s8 =	ssub.s32 s8, s10;
	s9 =	sadd.s32 s9, s1  }
0xc: {  	s10 =	sadd.s32 s12, s1;
	s14 =	sadd.s32 s13, s1;
	s6 =	smul.u32 $0x7C00, s6  }
0xd: {  	s18 =	sadd.s32 s24, s1;
	s25 =	sadd.s32 s15, s1;
	s19 =	sadd.s32 s16, s24  }
0xe: {  	s20 =	sadd.s32 s16, s15;
	s15 =	simm.s32 $0x680;
	[dreg:$0x6] =	wrdreg s14  }
0xf: {  	s7 =	sadd.s32 s7, s0;
	s0 =	sadd.s32 $0x49A00, s0;
	[dreg:$0x7] =	wrdreg s18  }
0x10: {  	[dreg:$0x8] =	wrdreg s25;
	s22 =	sshrl.u32 s20, $0x3;
	s24 =	smax.u32 s8, $0x1  }
0x11: {  	s20 =	simm.s32 $0x5900;
	s14 =	simm.s32 $0x700;
	[dreg:$0x5] =	wrdreg s10  }
0x12: {  	s6 =	sshrl.u32 s6, $0x3;
	s26 =	sadd.s32 $0x22400, s7;
	s7 =	sadd.s32 s11, s16  }
0x13: {  	s11 =	sadd.s32 s16, s12;
	s12 =	sadd.s32 s16, s13;
	s13 =	smul.u32 $0x7C00, s17  }
0x14: {  	[dreg:$0x10] =	wrdreg s24;
	s24 =	simm.s32 $0x900;
	s16 =	simm.s32 $0x800  }
0x15: {  	s6 =	sadd.s32 s5, s6;
	[dreg:$0xa] =	wrdreg s26;
	s18 =	sshrl.u32 s12, $0x3  }
0x16: {  	s26 =	simm.s32 $0x600;
	s12 =	simm.s32 $0x480;
	[dreg:$0x9] =	wrdreg s6  }
0x17: {  	s6 =	sshrl.u32 s7, $0x3;
	s7 =	sshrl.u32 s11, $0x3;
	s3 =	sadd.s32 s13, s3  }
0x18: {  	[dreg:$0x4] =	wrdreg s26;
	s26 =	simm.s32 $0x3100;
	s11 =	simm.s32 $0x500  }
0x19: {  	s13 =	simm.s32 $0x580;
	s6 =	sadd.s32 s0, s6;
	s17 =	sadd.s32 s0, s7  }
0x1a: {  	s21 =	sadd.s32 $0x400, s3;
	s3 =	sadd.s32 $0x800, s3;
	[dreg:$0xb] =	wrdreg s6  }
0x1b: {  	[dreg:$0xc] =	wrdreg s17;
	s6 =	sadd.s32 s0, s18;
	s23 =	sshrl.u32 s21, $0x3  }
0x1c: {  	[dreg:$0x11] =	wrdreg s3;
	s21 =	simm.s32 $0x2;
	s3 =	simm.s32 $0x380  }
0x1d: {  	s17 =	simm.s32 $0x780;
	s18 =	simm.s32 $0x880;
	[dreg:$0xd] =	wrdreg s6  }
0x1e: {  	s6 =	sshrl.u32 s19, $0x3;
	s25 =	sadd.s32 s23, s5;
	s23 =	simm.s32 $0x50  }
0x1f: {  	s6 =	sadd.s32 s0, s6;
	s0 =	sadd.s32 s0, s22;
	[dreg:$0x3] =	wrdreg s25  }
0x20: {  	s22 =	simm.s32 $0x100;
	s25 =	simm.s32 $0x200;
	[dreg:$0xe] =	wrdreg s6  }
0x21: {  	v0 =	vimm.f32 $0.0e+00;
	[dreg:$0xf] =	wrdreg s0;
	s0 =	simm.s32 $0x400;
	s6 =	simm.s32 $0x0  }
.LBB2_1:
0x22: {  	s7 =	simm.s32 $0x0;
	s19 =	simm.s32 $0x200  }
.LBB2_2:
0x23: {  	p0 =	sne.s32 s19, $0xFE00;
	[tilespmem:s7+$0x5970] =	vst v0  }
0x24: {  	[tilespmem:s7+$0x5900] =	vst v0  }
0x25: {  	[tilespmem:s7+$0x5910] =	vst v0  }
.Ltmp0:
0x26: {  	[tilespmem:s7+$0x5920] =	vst v0;
	(pc) =	sbr.rel @p0 .LBB2_2-.Ltmp0, $4  }
0x27: {  	[tilespmem:s7+$0x5930] =	vst v0  }
0x28: {  	[tilespmem:s7+$0x5940] =	vst v0  }
0x29: {  	[tilespmem:s7+$0x5950] =	vst v0  }
0x2a: {  	[tilespmem:s7+$0x5960] =	vst v0;
	s7 =	sshra.s32 s19, $0x2;
	s19 =	sadd.s32 $0x200, s19  }
0x2b: {  	[tilespmem:s7+$0x5970] =	vst v0  }
0x2c: {  	[tilespmem:s7+$0x5900] =	vst v0  }
0x2d: {  	[tilespmem:s7+$0x5910] =	vst v0  }
0x2e: {  	[tilespmem:s7+$0x5920] =	vst v0  }
0x2f: {  	[tilespmem:s7+$0x5930] =	vst v0  }
0x30: {  	[tilespmem:s7+$0x5940] =	vst v0  }
0x31: {  	[tilespmem:s7+$0x5950] =	vst v0  }
0x32: {  	[tilespmem:s7+$0x5960] =	vst v0  }
0x33: {  	[spmem:s9] =	stream.linear.scatter [tilespmem:s20], [sflag:$0x2], $0x4000, $0x38;
	[tilespmem:$0x1D900] =	vst v63  }
0x34: {  	_ =	swait.ge [sflag:s21], $0x4000  }
0x35: {  	[sflag:s21] =	ssyncset.done $0x0  }
0x36: {  	[sflag:s21] =	ssyncadd.s32 $0xFFFFC000  }
0x37: {  	[spmem:s10] =	stream.linear.scatter [tilespmem:s20], [sflag:$0x2], $0x4000, $0x38;
	[tilespmem:$0x1D900] =	vst v63  }
0x38: {  	_ =	swait.ge [sflag:s21], $0x4000  }
0x39: {  	[sflag:s21] =	ssyncset.done $0x0  }
0x3a: {  	s8 =	smov.u32 s9;
	s9 =	rddreg [dreg:$0x6];
	[sflag:s21] =	ssyncadd.s32 $0xFFFFC000  }
0x3b: {  	[spmem:s9] =	stream.linear.scatter [tilespmem:s20], [sflag:$0x2], $0x4000, $0x38;
	[tilespmem:$0x1D900] =	vst v63  }
0x3c: {  	_ =	swait.ge [sflag:s21], $0x4000  }
0x3d: {  	[sflag:s21] =	ssyncset.done $0x0  }
0x3e: {  	s10 =	rddreg [dreg:$0x7];
	[sflag:s21] =	ssyncadd.s32 $0xFFFFC000  }
0x3f: {  	[spmem:s10] =	stream.linear.scatter [tilespmem:s20], [sflag:$0x2], $0x4000, $0x38;
	[tilespmem:$0x1D900] =	vst v63  }
0x40: {  	_ =	swait.ge [sflag:s21], $0x4000  }
0x41: {  	[sflag:s21] =	ssyncset.done $0x0  }
0x42: {  	s19 =	rddreg [dreg:$0x8];
	[sflag:s21] =	ssyncadd.s32 $0xFFFFC000  }
0x43: {  	[spmem:s19] =	stream.linear.scatter [tilespmem:s20], [sflag:$0x2], $0x4000, $0x38;
	[tilespmem:$0x1D900] =	vst v63  }
0x44: {  	_ =	swait.ge [sflag:s21], $0x4000  }
0x45: {  	[sflag:s21] =	ssyncset.done $0x0  }
0x46: {  	[sflag:s21] =	ssyncadd.s32 $0xFFFFC000  }
0x47: {  	[bflag:$0x0] =	sbarrier.arrive $0xFFFF  }
0x48: {  	s9 =	simm.s32 $0x0;
	s10 =	rddreg [dreg:$0x9]  }
0x49: {  	[tilespmem:s22], [sflag:$0x2] =	stream.linear.gather [hbm4b:s10+s9], $0x400, $0x38;
	[tilespmem:$0x1D900] =	vst v63  }
0x4a: {  	_ =	swait.ge [sflag:s21], $0x400  }
0x4b: {  	[sflag:s21] =	ssyncset.done $0x0  }
0x4c: {  	[sflag:s21] =	ssyncadd.s32 $0xFFFFFC00  }
0x4d: {  	[tilespmem:s24], [sflag:$0x1] =	stream.indirect.gather [hbm4b:s4+s23], $0x80, s22, s23, $0xb8;
	[tilespmem:$0x1D900] =	vst v63  }
0x4e: {  	_ = 	snop  }
0x4f: {  	[tilespmem:s26], [sflag:$0x1] =	stream.indirect.gather [hbm4b:s4+s23], $0x80, s25, s23, $0xb8;
	[tilespmem:$0x1D900] =	vst v63  }
0x50: {  	_ =	swait.ge [sflag:s28], $0x2800  }
0x51: {  	[sflag:s28] =	ssyncset.done $0x0  }
0x52: {  	[sflag:s28] =	ssyncadd.s32 $0xFFFFD800  }
0x53: {  	[spmem:s1] =	stream.indirect.scatter.add.f32 [tilespmem:s24], [sflag:$0x2], $0x80, s29, s23, $0xb8;
	[tilespmem:$0x1D900] =	vst v63  }
0x54: {  	_ =	swait.ge [sflag:s21], $0x2800  }
0x55: {  	[sflag:s21] =	ssyncset.done $0x0  }
0x56: {  	[sflag:s21] =	ssyncadd.s32 $0xFFFFD800  }
0x57: {  	[tilespmem:s24], [sflag:$0x1] =	stream.indirect.gather [hbm4b:s4+s23], $0x80, s30, s23, $0xb8;
	[tilespmem:$0x1D900] =	vst v63  }
0x58: {  	_ =	swait.ge [sflag:s28], $0x2800  }
0x59: {  	[sflag:s28] =	ssyncset.done $0x0  }
0x5a: {  	[sflag:s28] =	ssyncadd.s32 $0xFFFFD800  }
0x5b: {  	[spmem:s1] =	stream.indirect.scatter.add.f32 [tilespmem:s26], [sflag:$0x2], $0x80, s31, s23, $0xb8;
	[tilespmem:$0x1D900] =	vst v63  }
0x5c: {  	_ =	swait.ge [sflag:s21], $0x2800  }
0x5d: {  	[sflag:s21] =	ssyncset.done $0x0  }
0x5e: {  	[sflag:s21] =	ssyncadd.s32 $0xFFFFD800  }
0x5f: {  	[tilespmem:s26], [sflag:$0x1] =	stream.indirect.gather [hbm4b:s4+s23], $0x80, s0, s23, $0xb8;
	[tilespmem:$0x1D900] =	vst v63  }
0x60: {  	_ =	swait.ge [sflag:s28], $0x2800  }
0x61: {  	[sflag:s28] =	ssyncset.done $0x0  }
0x62: {  	[sflag:s28] =	ssyncadd.s32 $0xFFFFD800  }
0x63: {  	[spmem:s1] =	stream.indirect.scatter.add.f32 [tilespmem:s24], [sflag:$0x2], $0x80, s3, s23, $0xb8;
	[tilespmem:$0x1D900] =	vst v63  }
0x64: {  	_ =	swait.ge [sflag:s21], $0x2800  }
0x65: {  	s19 =	rddreg [dreg:$0x3];
	[sflag:s21] =	ssyncset.done $0x0  }
0x66: {  	[sflag:s21] =	ssyncadd.s32 $0xFFFFD800;
	s7 =	sadd.s32 $0x0, s19  }
0x67: {  	[tilespmem:s11], [sflag:$0x2] =	stream.linear.gather [hbm4b:s7+s2], $0x400, $0x38;
	[tilespmem:$0x1D900] =	vst v63  }
0x68: {  	_ =	swait.ge [sflag:s21], $0x400  }
0x69: {  	[sflag:s21] =	ssyncset.done $0x0  }
0x6a: {  	[sflag:s21] =	ssyncadd.s32 $0xFFFFFC00  }
0x6b: {  	[tilespmem:s24], [sflag:$0x1] =	stream.indirect.gather [hbm4b:s4+s23], $0x80, s11, s23, $0xb8;
	[tilespmem:$0x1D900] =	vst v63  }
0x6c: {  	_ =	swait.ge [sflag:s28], $0x2800  }
0x6d: {  	[sflag:s28] =	ssyncset.done $0x0  }
0x6e: {  	[sflag:s28] =	ssyncadd.s32 $0xFFFFD800  }
0x6f: {  	[spmem:s1] =	stream.indirect.scatter.add.f32 [tilespmem:s26], [sflag:$0x2], $0x80, s12, s23, $0xb8;
	[tilespmem:$0x1D900] =	vst v63  }
0x70: {  	_ =	swait.ge [sflag:s21], $0x2800  }
0x71: {  	[sflag:s21] =	ssyncset.done $0x0  }
0x72: {  	s9 =	rddreg [dreg:$0x4];
	[sflag:s21] =	ssyncadd.s32 $0xFFFFD800  }
0x73: {  	[tilespmem:s26], [sflag:$0x1] =	stream.indirect.gather [hbm4b:s4+s23], $0x80, s9, s23, $0xb8;
	[tilespmem:$0x1D900] =	vst v63  }
0x74: {  	_ =	swait.ge [sflag:s28], $0x2800  }
0x75: {  	[sflag:s28] =	ssyncset.done $0x0  }
0x76: {  	[sflag:s28] =	ssyncadd.s32 $0xFFFFD800  }
0x77: {  	[spmem:s1] =	stream.indirect.scatter.add.f32 [tilespmem:s24], [sflag:$0x2], $0x80, s13, s23, $0xb8;
	[tilespmem:$0x1D900] =	vst v63  }
0x78: {  	_ =	swait.ge [sflag:s21], $0x2800  }
0x79: {  	[sflag:s21] =	ssyncset.done $0x0  }
0x7a: {  	[sflag:s21] =	ssyncadd.s32 $0xFFFFD800  }
0x7b: {  	[tilespmem:s24], [sflag:$0x1] =	stream.indirect.gather [hbm4b:s4+s23], $0x80, s14, s23, $0xb8;
	[tilespmem:$0x1D900] =	vst v63  }
0x7c: {  	_ =	swait.ge [sflag:s28], $0x2800  }
0x7d: {  	[sflag:s28] =	ssyncset.done $0x0  }
0x7e: {  	[sflag:s28] =	ssyncadd.s32 $0xFFFFD800  }
0x7f: {  	[spmem:s1] =	stream.indirect.scatter.add.f32 [tilespmem:s26], [sflag:$0x2], $0x80, s15, s23, $0xb8;
	[tilespmem:$0x1D900] =	vst v63  }
0x80: {  	_ =	swait.ge [sflag:s21], $0x2800  }
0x81: {  	[sflag:s21] =	ssyncset.done $0x0  }
0x82: {  	[sflag:s21] =	ssyncadd.s32 $0xFFFFD800  }
0x83: {  	[tilespmem:s26], [sflag:$0x1] =	stream.indirect.gather [hbm4b:s4+s23], $0x80, s16, s23, $0xb8;
	[tilespmem:$0x1D900] =	vst v63  }
0x84: {  	_ =	swait.ge [sflag:s28], $0x2800  }
0x85: {  	[sflag:s28] =	ssyncset.done $0x0  }
0x86: {  	[sflag:s28] =	ssyncadd.s32 $0xFFFFD800  }
0x87: {  	[spmem:s1] =	stream.indirect.scatter.add.f32 [tilespmem:s24], [sflag:$0x2], $0x80, s17, s23, $0xb8;
	[tilespmem:$0x1D900] =	vst v63  }
0x88: {  	_ =	swait.ge [sflag:s21], $0x2800  }
0x89: {  	s19 =	rddreg [dreg:$0x11]  }
0x8a: {  	[sflag:s21] =	ssyncset.done $0x0;
	s10 =	sshrl.u32 s19, $0x3  }
0x8b: {  	[sflag:s21] =	ssyncadd.s32 $0xFFFFD800;
	s7 =	sadd.s32 s5, s10  }
0x8c: {  	[tilespmem:s22], [sflag:$0x2] =	stream.linear.gather [hbm4b:s7+s2], $0x400, $0x38;
	[tilespmem:$0x1D900] =	vst v63  }
0x8d: {  	_ =	swait.ge [sflag:s21], $0x400  }
0x8e: {  	[sflag:s21] =	ssyncset.done $0x0  }
0x8f: {  	[sflag:s21] =	ssyncadd.s32 $0xFFFFFC00  }
0x90: {  	[tilespmem:s24], [sflag:$0x1] =	stream.indirect.gather [hbm4b:s4+s23], $0x80, s22, s23, $0xb8;
	[tilespmem:$0x1D900] =	vst v63  }
0x91: {  	_ =	swait.ge [sflag:s28], $0x2800  }
0x92: {  	[sflag:s28] =	ssyncset.done $0x0  }
0x93: {  	[sflag:s28] =	ssyncadd.s32 $0xFFFFD800  }
0x94: {  	[spmem:s1] =	stream.indirect.scatter.add.f32 [tilespmem:s26], [sflag:$0x2], $0x80, s18, s23, $0xb8;
	[tilespmem:$0x1D900] =	vst v63  }
0x95: {  	_ =	swait.ge [sflag:s21], $0x2800  }
0x96: {  	s7 =	simm.s32 $0x100;
	[sflag:s21] =	ssyncset.done $0x0  }
.LBB2_4:
0x97: {  	[sflag:s21] =	ssyncadd.s32 $0xFFFFD800  }
0x98: {  	[tilespmem:s26], [sflag:$0x1] =	stream.indirect.gather [hbm4b:s4+s23], $0x80, s25, s23, $0xb8;
	[tilespmem:$0x1D900] =	vst v63  }
0x99: {  	_ =	swait.ge [sflag:s28], $0x2800  }
0x9a: {  	[sflag:s28] =	ssyncset.done $0x0  }
0x9b: {  	[sflag:s28] =	ssyncadd.s32 $0xFFFFD800  }
0x9c: {  	[spmem:s1] =	stream.indirect.scatter.add.f32 [tilespmem:s24], [sflag:$0x2], $0x80, s29, s23, $0xb8;
	[tilespmem:$0x1D900] =	vst v63  }
0x9d: {  	_ =	swait.ge [sflag:s21], $0x2800  }
0x9e: {  	[sflag:s21] =	ssyncset.done $0x0  }
0x9f: {  	[sflag:s21] =	ssyncadd.s32 $0xFFFFD800  }
0xa0: {  	[tilespmem:s24], [sflag:$0x1] =	stream.indirect.gather [hbm4b:s4+s23], $0x80, s30, s23, $0xb8;
	[tilespmem:$0x1D900] =	vst v63  }
0xa1: {  	_ =	swait.ge [sflag:s28], $0x2800  }
0xa2: {  	[sflag:s28] =	ssyncset.done $0x0  }
0xa3: {  	[sflag:s28] =	ssyncadd.s32 $0xFFFFD800  }
0xa4: {  	[spmem:s1] =	stream.indirect.scatter.add.f32 [tilespmem:s26], [sflag:$0x2], $0x80, s31, s23, $0xb8;
	[tilespmem:$0x1D900] =	vst v63  }
0xa5: {  	_ =	swait.ge [sflag:s21], $0x2800  }
0xa6: {  	[sflag:s21] =	ssyncset.done $0x0  }
0xa7: {  	[sflag:s21] =	ssyncadd.s32 $0xFFFFD800  }
0xa8: {  	[tilespmem:s26], [sflag:$0x1] =	stream.indirect.gather [hbm4b:s4+s23], $0x80, s0, s23, $0xb8;
	[tilespmem:$0x1D900] =	vst v63  }
0xa9: {  	_ =	swait.ge [sflag:s28], $0x2800  }
0xaa: {  	[sflag:s28] =	ssyncset.done $0x0  }
0xab: {  	[sflag:s28] =	ssyncadd.s32 $0xFFFFD800  }
0xac: {  	[spmem:s1] =	stream.indirect.scatter.add.f32 [tilespmem:s24], [sflag:$0x2], $0x80, s3, s23, $0xb8;
	[tilespmem:$0x1D900] =	vst v63  }
0xad: {  	_ =	swait.ge [sflag:s21], $0x2800  }
0xae: {  	s9 =	smov.u32 s7;
	s10 =	rddreg [dreg:$0x3];
	[sflag:s21] =	ssyncset.done $0x0  }
0xaf: {  	[sflag:s21] =	ssyncadd.s32 $0xFFFFD800;
	s9 =	sadd.s32 s9, s10  }
0xb0: {  	[tilespmem:s11], [sflag:$0x2] =	stream.linear.gather [hbm4b:s9+s2], $0x400, $0x38;
	[tilespmem:$0x1D900] =	vst v63  }
0xb1: {  	_ =	swait.ge [sflag:s21], $0x400  }
0xb2: {  	[sflag:s21] =	ssyncset.done $0x0  }
0xb3: {  	[sflag:s21] =	ssyncadd.s32 $0xFFFFFC00  }
0xb4: {  	[tilespmem:s24], [sflag:$0x1] =	stream.indirect.gather [hbm4b:s4+s23], $0x80, s11, s23, $0xb8;
	[tilespmem:$0x1D900] =	vst v63  }
0xb5: {  	_ =	swait.ge [sflag:s28], $0x2800  }
0xb6: {  	[sflag:s28] =	ssyncset.done $0x0  }
0xb7: {  	[sflag:s28] =	ssyncadd.s32 $0xFFFFD800  }
0xb8: {  	[spmem:s1] =	stream.indirect.scatter.add.f32 [tilespmem:s26], [sflag:$0x2], $0x80, s12, s23, $0xb8;
	[tilespmem:$0x1D900] =	vst v63  }
0xb9: {  	_ =	swait.ge [sflag:s21], $0x2800  }
0xba: {  	[sflag:s21] =	ssyncset.done $0x0  }
0xbb: {  	s10 =	rddreg [dreg:$0x4];
	[sflag:s21] =	ssyncadd.s32 $0xFFFFD800  }
0xbc: {  	[tilespmem:s26], [sflag:$0x1] =	stream.indirect.gather [hbm4b:s4+s23], $0x80, s10, s23, $0xb8;
	[tilespmem:$0x1D900] =	vst v63  }
0xbd: {  	_ =	swait.ge [sflag:s28], $0x2800  }
0xbe: {  	[sflag:s28] =	ssyncset.done $0x0  }
0xbf: {  	[sflag:s28] =	ssyncadd.s32 $0xFFFFD800  }
0xc0: {  	[spmem:s1] =	stream.indirect.scatter.add.f32 [tilespmem:s24], [sflag:$0x2], $0x80, s13, s23, $0xb8;
	[tilespmem:$0x1D900] =	vst v63  }
0xc1: {  	_ =	swait.ge [sflag:s21], $0x2800  }
0xc2: {  	[sflag:s21] =	ssyncset.done $0x0  }
0xc3: {  	[sflag:s21] =	ssyncadd.s32 $0xFFFFD800  }
0xc4: {  	[tilespmem:s24], [sflag:$0x1] =	stream.indirect.gather [hbm4b:s4+s23], $0x80, s14, s23, $0xb8;
	[tilespmem:$0x1D900] =	vst v63  }
0xc5: {  	_ =	swait.ge [sflag:s28], $0x2800  }
0xc6: {  	[sflag:s28] =	ssyncset.done $0x0  }
0xc7: {  	[sflag:s28] =	ssyncadd.s32 $0xFFFFD800  }
0xc8: {  	[spmem:s1] =	stream.indirect.scatter.add.f32 [tilespmem:s26], [sflag:$0x2], $0x80, s15, s23, $0xb8;
	[tilespmem:$0x1D900] =	vst v63  }
0xc9: {  	_ =	swait.ge [sflag:s21], $0x2800  }
0xca: {  	[sflag:s21] =	ssyncset.done $0x0  }
0xcb: {  	[sflag:s21] =	ssyncadd.s32 $0xFFFFD800  }
0xcc: {  	[tilespmem:s26], [sflag:$0x1] =	stream.indirect.gather [hbm4b:s4+s23], $0x80, s16, s23, $0xb8;
	[tilespmem:$0x1D900] =	vst v63  }
0xcd: {  	_ =	swait.ge [sflag:s28], $0x2800  }
0xce: {  	[sflag:s28] =	ssyncset.done $0x0  }
0xcf: {  	[sflag:s28] =	ssyncadd.s32 $0xFFFFD800  }
0xd0: {  	[spmem:s1] =	stream.indirect.scatter.add.f32 [tilespmem:s24], [sflag:$0x2], $0x80, s17, s23, $0xb8;
	[tilespmem:$0x1D900] =	vst v63  }
0xd1: {  	s19 =	sadd.s32 $0x800, s19;
	_ =	swait.ge [sflag:s21], $0x2800  }
0xd2: {  	s10 =	sshrl.u32 s19, $0x3;
	[sflag:s21] =	ssyncset.done $0x0  }
0xd3: {  	s9 =	sadd.s32 s5, s10;
	[sflag:s21] =	ssyncadd.s32 $0xFFFFD800  }
0xd4: {  	[tilespmem:s22], [sflag:$0x2] =	stream.linear.gather [hbm4b:s9+s2], $0x400, $0x38;
	[tilespmem:$0x1D900] =	vst v63  }
0xd5: {  	_ =	swait.ge [sflag:s21], $0x400  }
0xd6: {  	[sflag:s21] =	ssyncset.done $0x0  }
0xd7: {  	[sflag:s21] =	ssyncadd.s32 $0xFFFFFC00  }
0xd8: {  	[tilespmem:s24], [sflag:$0x1] =	stream.indirect.gather [hbm4b:s4+s23], $0x80, s22, s23, $0xb8;
	[tilespmem:$0x1D900] =	vst v63  }
0xd9: {  	p0 =	sne.s32 s7, $0xE00;
	_ =	swait.ge [sflag:s28], $0x2800  }
.Ltmp1:
0xda: {  	[sflag:s28] =	ssyncset.done $0x0;
	(pc) =	sbr.rel @p0 .LBB2_4-.Ltmp1, $4  }
0xdb: {  	[sflag:s28] =	ssyncadd.s32 $0xFFFFD800  }
0xdc: {  	[spmem:s1] =	stream.indirect.scatter.add.f32 [tilespmem:s26], [sflag:$0x2], $0x80, s18, s23, $0xb8;
	[tilespmem:$0x1D900] =	vst v63  }
0xdd: {  	_ =	swait.ge [sflag:s21], $0x2800  }
0xde: {  	s7 =	sadd.s32 $0x100, s7;
	[sflag:s21] =	ssyncset.done $0x0  }
0xdf: {  	[sflag:s21] =	ssyncadd.s32 $0xFFFFD800  }
0xe0: {  	[tilespmem:s26], [sflag:$0x1] =	stream.indirect.gather [hbm4b:s4+s23], $0x80, s25, s23, $0xb8;
	[tilespmem:$0x1D900] =	vst v63  }
0xe1: {  	_ =	swait.ge [sflag:s28], $0x2800  }
0xe2: {  	[sflag:s28] =	ssyncset.done $0x0  }
0xe3: {  	[sflag:s28] =	ssyncadd.s32 $0xFFFFD800  }
0xe4: {  	[spmem:s1] =	stream.indirect.scatter.add.f32 [tilespmem:s24], [sflag:$0x2], $0x80, s29, s23, $0xb8;
	[tilespmem:$0x1D900] =	vst v63  }
0xe5: {  	_ =	swait.ge [sflag:s21], $0x2800  }
0xe6: {  	[sflag:s21] =	ssyncset.done $0x0  }
0xe7: {  	[sflag:s21] =	ssyncadd.s32 $0xFFFFD800  }
0xe8: {  	[tilespmem:s24], [sflag:$0x1] =	stream.indirect.gather [hbm4b:s4+s23], $0x80, s30, s23, $0xb8;
	[tilespmem:$0x1D900] =	vst v63  }
0xe9: {  	_ =	swait.ge [sflag:s28], $0x2800  }
0xea: {  	[sflag:s28] =	ssyncset.done $0x0  }
0xeb: {  	[sflag:s28] =	ssyncadd.s32 $0xFFFFD800  }
0xec: {  	[spmem:s1] =	stream.indirect.scatter.add.f32 [tilespmem:s26], [sflag:$0x2], $0x80, s31, s23, $0xb8;
	[tilespmem:$0x1D900] =	vst v63  }
0xed: {  	_ =	swait.ge [sflag:s21], $0x2800  }
0xee: {  	[sflag:s21] =	ssyncset.done $0x0  }
0xef: {  	[sflag:s21] =	ssyncadd.s32 $0xFFFFD800  }
0xf0: {  	[tilespmem:s26], [sflag:$0x1] =	stream.indirect.gather [hbm4b:s4+s23], $0x80, s0, s23, $0xb8;
	[tilespmem:$0x1D900] =	vst v63  }
0xf1: {  	_ =	swait.ge [sflag:s28], $0x2800  }
0xf2: {  	[sflag:s28] =	ssyncset.done $0x0  }
0xf3: {  	[sflag:s28] =	ssyncadd.s32 $0xFFFFD800  }
0xf4: {  	[spmem:s1] =	stream.indirect.scatter.add.f32 [tilespmem:s24], [sflag:$0x2], $0x80, s3, s23, $0xb8;
	[tilespmem:$0x1D900] =	vst v63  }
0xf5: {  	_ =	swait.ge [sflag:s21], $0x2800  }
0xf6: {  	[sflag:s21] =	ssyncset.done $0x0  }
0xf7: {  	s7 =	rddreg [dreg:$0xa];
	[sflag:s21] =	ssyncadd.s32 $0xFFFFD800  }
0xf8: {  	[tilespmem:s2], [sflag:$0x2] =	stream.linear.gather [hbm4b:s7+s2], $0x100, $0x38;
	[tilespmem:$0x1D900] =	vst v63  }
0xf9: {  	_ =	swait.ge [sflag:s21], $0x100  }
0xfa: {  	[sflag:s21] =	ssyncset.done $0x0  }
0xfb: {  	[sflag:s21] =	ssyncadd.s32 $0xFFFFFF00  }
0xfc: {  	[tilespmem:s24], [sflag:$0x1] =	stream.indirect.gather [hbm4b:s4+s23], $0x80, s2, s23, $0xb8;
	[tilespmem:$0x1D900] =	vst v63  }
0xfd: {  	_ =	swait.ge [sflag:s28], $0x2800  }
0xfe: {  	[sflag:s28] =	ssyncset.done $0x0  }
0xff: {  	[sflag:s28] =	ssyncadd.s32 $0xFFFFD800  }
0x100: {  	[spmem:s1] =	stream.indirect.scatter.add.f32 [tilespmem:s26], [sflag:$0x2], $0x80, s12, s23, $0xb8;
	[tilespmem:$0x1D900] =	vst v63  }
0x101: {  	_ =	swait.ge [sflag:s21], $0x2800  }
0x102: {  	[sflag:s21] =	ssyncset.done $0x0  }
0x103: {  	[sflag:s21] =	ssyncadd.s32 $0xFFFFD800  }
0x104: {  	_ =	swait.ge [sflag:s28], $0x2800  }
0x105: {  	[sflag:s28] =	ssyncset.done $0x0  }
0x106: {  	s10 =	simm.s32 $0x80;
	[sflag:s28] =	ssyncadd.s32 $0xFFFFD800  }
0x107: {  	[spmem:s1] =	stream.indirect.scatter.add.f32 [tilespmem:s24], [sflag:$0x2], $0x80, s10, s23, $0xb8;
	[tilespmem:$0x1D900] =	vst v63  }
0x108: {  	_ =	swait.ge [sflag:s21], $0x2800  }
0x109: {  	[sflag:s21] =	ssyncset.done $0x0  }
0x10a: {  	[sflag:s21] =	ssyncadd.s32 $0xFFFFD800  }
0x10b: {  	[bflag:$0x0] =	sbarrier.arrive $0xFFFF  }
0x10c: {  	[tilespmem:s20], [sflag:$0x2] =	stream.linear.gather [spmem:s8], $0x4000, $0x38;
	[tilespmem:$0x1D900] =	vst v63  }
0x10d: {  	_ =	swait.ge [sflag:s21], $0x4000  }
0x10e: {  	[sflag:s21] =	ssyncset.done $0x0  }
0x10f: {  	s19 =	rddreg [dreg:$0xb];
	[sflag:s21] =	ssyncadd.s32 $0xFFFFC000  }
0x110: {  	[hbm4b:s19+s2] =	stream.linear.scatter [tilespmem:s20], [sflag:$0x2], $0x4000, $0x38;
	[tilespmem:$0x1D900] =	vst v63  }
0x111: {  	_ =	swait.ge [sflag:s21], $0x4000  }
0x112: {  	[sflag:s21] =	ssyncset.done $0x0  }
0x113: {  	s10 =	rddreg [dreg:$0x5];
	[sflag:s21] =	ssyncadd.s32 $0xFFFFC000  }
0x114: {  	[tilespmem:s20], [sflag:$0x2] =	stream.linear.gather [spmem:s10], $0x4000, $0x38;
	[tilespmem:$0x1D900] =	vst v63  }
0x115: {  	_ =	swait.ge [sflag:s21], $0x4000  }
0x116: {  	[sflag:s21] =	ssyncset.done $0x0  }
0x117: {  	s9 =	smov.u32 s8;
	s8 =	rddreg [dreg:$0xc];
	[sflag:s21] =	ssyncadd.s32 $0xFFFFC000  }
0x118: {  	[hbm4b:s8+s2] =	stream.linear.scatter [tilespmem:s20], [sflag:$0x2], $0x4000, $0x38;
	[tilespmem:$0x1D900] =	vst v63  }
0x119: {  	_ =	swait.ge [sflag:s21], $0x4000  }
0x11a: {  	[sflag:s21] =	ssyncset.done $0x0  }
0x11b: {  	s19 =	rddreg [dreg:$0x6];
	[sflag:s21] =	ssyncadd.s32 $0xFFFFC000  }
0x11c: {  	[tilespmem:s20], [sflag:$0x2] =	stream.linear.gather [spmem:s19], $0x4000, $0x38;
	[tilespmem:$0x1D900] =	vst v63  }
0x11d: {  	_ =	swait.ge [sflag:s21], $0x4000  }
0x11e: {  	[sflag:s21] =	ssyncset.done $0x0  }
0x11f: {  	s8 =	rddreg [dreg:$0xd];
	[sflag:s21] =	ssyncadd.s32 $0xFFFFC000  }
0x120: {  	[hbm4b:s8+s2] =	stream.linear.scatter [tilespmem:s20], [sflag:$0x2], $0x4000, $0x38;
	[tilespmem:$0x1D900] =	vst v63  }
0x121: {  	_ =	swait.ge [sflag:s21], $0x4000  }
0x122: {  	[sflag:s21] =	ssyncset.done $0x0  }
0x123: {  	s19 =	rddreg [dreg:$0x7];
	[sflag:s21] =	ssyncadd.s32 $0xFFFFC000  }
0x124: {  	[tilespmem:s20], [sflag:$0x2] =	stream.linear.gather [spmem:s19], $0x4000, $0x38;
	[tilespmem:$0x1D900] =	vst v63  }
0x125: {  	_ =	swait.ge [sflag:s21], $0x4000  }
0x126: {  	[sflag:s21] =	ssyncset.done $0x0  }
0x127: {  	s8 =	rddreg [dreg:$0xe];
	[sflag:s21] =	ssyncadd.s32 $0xFFFFC000  }
0x128: {  	[hbm4b:s8+s2] =	stream.linear.scatter [tilespmem:s20], [sflag:$0x2], $0x4000, $0x38;
	[tilespmem:$0x1D900] =	vst v63  }
0x129: {  	_ =	swait.ge [sflag:s21], $0x4000  }
0x12a: {  	[sflag:s21] =	ssyncset.done $0x0  }
0x12b: {  	s19 =	rddreg [dreg:$0x8];
	[sflag:s21] =	ssyncadd.s32 $0xFFFFC000  }
0x12c: {  	[tilespmem:s20], [sflag:$0x2] =	stream.linear.gather [spmem:s19], $0x4000, $0x38;
	[tilespmem:$0x1D900] =	vst v63  }
0x12d: {  	_ =	swait.ge [sflag:s21], $0x4000  }
0x12e: {  	[sflag:s21] =	ssyncset.done $0x0  }
0x12f: {  	s8 =	rddreg [dreg:$0xf];
	[sflag:s21] =	ssyncadd.s32 $0xFFFFC000  }
0x130: {  	[hbm4b:s8+s2] =	stream.linear.scatter [tilespmem:s20], [sflag:$0x2], $0x4000, $0x38;
	[tilespmem:$0x1D900] =	vst v63  }
0x131: {  	_ =	swait.ge [sflag:s21], $0x4000  }
0x132: {  	s6 =	sadd.s32 $0x1, s6;
	s19 =	rddreg [dreg:$0x10]  }
0x133: {  	p0 =	sne.s32 s6, s19  }
.Ltmp2:
0x134: {  	_ = 	snop;
	(pc) =	sbr.rel @p0 .LBB2_1-.Ltmp2, $3  }
0x135: {  	_ =	sdelay $0x1  }
0x136: {  	[sflag:s21] =	ssyncset.done $0x0  }
0x137: {  	[sflag:s21] =	ssyncadd.s32 $0xFFFFC000  }
0x138: {  	_ =	sfence.sel $0x180000  }
0x139: {  	[bflag:$0x0] =	sbarrier.arrive $0xFFFF  }
0x13a: {  	_ =	strace $0x9000004D  }
0x13b: {  	s0 =	stileid.u32;
	[bflag:$0x2] =	sbarrier.arrive $0xFFFF  }
0x13c: {  	p0 =	sne.s32 s0, $0x0;
	s0 =	rddreg [dreg:$0x2]  }
0x13d: {  	s0 =	sadd.s32 @!p0 $0x100000, s0  }
0x13e: {  	[sflag:s0] =	ssyncadd.tile.s32 @!p0 $0x1;
	_ =	shalt  }
.Lfunc_end2:
_tile_overlayer_lowered:
.L_overlay_start_2:
0x13f: {  	(tag) =	ssettag $0x2  }
0x140: {  	s0 =	rddreg [dreg:$0x0];
	s2 =	stileid.u32  }
0x141: {  	s1 =	rddreg [dreg:$0x1];
	p0 =	sne.s32 s2, $0x0  }
0x142: {  	s3 =	rddreg [dreg:$0x2];
	[bflag:$0x3] =	sbarrier.arrive $0xFFFF;
	s2 =	simm.s32 @!p0 $0x1C02  }
0x143: {  	[timem:s3], [sflag:s2] =	dma.local @!p0 [hbm:s0], s1  }
0x144: {  	s0 =	simm.s32 @!p0 $0x2  }
0x145: {  	_ =	swait.ge @!p0 [sflag:s0], s1  }
0x146: {  	s1 =	ssub.s32 @!p0 $0x0, s1;
	[sflag:s0] =	ssyncset.done @!p0 $0x0  }
0x147: {  	[sflag:s0] =	ssyncadd.s32 @!p0 s1  }
0x148: {  	[bflag:$0x3] =	sbarrier.arrive $0xFFFF  }
0x149: {  	_ =	shalt  }

// kernel: kernel.19.cloned.1.call-start
scs
__scs_entry_jumppad:
0x0: {  	(pc) =	sbr.rel $0x88, $3  }
0x1: {  	(tag) =	ssettag $0x0;
	lr =	simm.s32 $0x1  }
0x2: {  	[smem:$0x3F97] =	sst lr;
	_ =	strace $0xD0000000  }
0x3: {  	_ = 	snop  }
0x4: {  	_ = 	snop  }
0x5: {  	_ = 	snop  }
0x6: {  	_ = 	snop  }
0x7: {  	_ = 	snop  }
__scs_overlays_trampoline_lowered:
0x8: {  	[smem:$0x3FA6] =	sst s0  }
0x9: {  	[smem:$0x3FA7] =	sst s1  }
0xa: {  	[smem:$0x3FA8] =	sst s2  }
0xb: {  	[smem:$0x3FA9] =	sst s3  }
0xc: {  	[smem:$0x3FAA] =	sst s4  }
0xd: {  	[smem:$0x3FAB] =	sst s5  }
0xe: {  	[smem:$0x3FAC] =	sst s6  }
0xf: {  	[smem:$0x3FAD] =	sst s7  }
0x10: {  	[smem:$0x3FAE] =	sst s8  }
0x11: {  	[smem:$0x3FAF] =	sst s9;
	s0 =	simm.s32 @!p0 $0x0  }
0x12: {  	s1 =	sld [smem:$0x3F95];
	s0 =	simm.s32 @p0 $0x1  }
0x13: {  	[smem:$0x3FB0] =	sst s0;
	s0 =	simm.s32 @!p1 $0x0  }
0x14: {  	s2 =	sld [smem:$0x3F94];
	s0 =	simm.s32 @p1 $0x1  }
0x15: {  	[smem:$0x3FB1] =	sst s0;
	s0 =	simm.s32 @!p2 $0x0  }
0x16: {  	s3 =	sld [smem:$0x3FDB];
	s0 =	simm.s32 @p2 $0x1  }
0x17: {  	s4 =	simm.s32 $0x1BF5;
	[smem:$0x3FB3] =	sst s0  }
0x18: {  	s0 =	sld [smem:$0x3F96];
	_ =	swait.ge [sflag:s4], $0x0  }
0x19: {  	s7 =	sld [smem:$0x3F97]  }
0x1a: {  	s8 =	sadd.s32 $0xFFFFE003, lr  }
0x1b: {  	s9 =	sadd.s32 $0xFFFFFEF7, lr;
	s5 =	simm.s32 $0xFFFFFFFF;
	p2 =	slt.u32 s8, $0xFFFFF086  }
0x1c: {  	p1 =	slt.u32 s9, $0xF7A;
	s5 =	simm.s32 @!p2 $0x0  }
0x1d: {  	s5 =	simm.s32 @p1 $0x1;
	p0 =	seq.s32 s7, s2  }
0x1e: {  	s7 =	smul.u32 @!p0 $0xF7A, s2;
	p2 =	seq.s32 @!p0 s5, $0x0  }
0x1f: {  	s9 =	smul.u32 $0xF7A, s1;
	s8 =	simm.s32 @!p0 $0x1BF5;
	p2 =	por !p2, p0  }
0x20: {  	[sflag:s8] =	ssyncset.s32 @!p0 $0xFFFFF086;
	s6 =	sadd.s32 @!p0 s3, s7;
	s7 =	simm.s32 @!p0 $0x108  }
0x21: {  	s3 =	sadd.s32 s3, s9;
	s6 =	sadd.s32 @!p0 $0x88, s6;
	s7 =	simm.s32 @p2 $0x1082  }
0x22: {  	[simem:s7], [sflag:s8] =	dma.local @!p0 [hbm:s6], $0xF7A  }
0x23: {  	s9 =	sor.u32 $0xD0000000, s2;
	s6 =	simm.s32 $0x108;
	_ =	swait.ge @!p0 [sflag:s8], $0x0  }
0x24: {  	s3 =	sadd.s32 $0x88, s3;
	s6 =	simm.s32 @!p1 $0x1082;
	[sflag:s4] =	ssyncset.s32 $0xFFFFF086  }
0x25: {  	[simem:s6], [sflag:s4] =	dma.local [hbm:s3], $0xF7A  }
0x26: {  	[smem:$0x3F97] =	sst s1;
	(tag) =	ssettag s2;
	_ =	strace s9  }
0x27: {  	s1 =	sld [smem:$0x3FA7]  }
0x28: {  	s2 =	sld [smem:$0x3FA8]  }
0x29: {  	s4 =	sld [smem:$0x3FAA]  }
0x2a: {  	p0 =	seq.s32 s5, $0x0;
	s5 =	sld [smem:$0x3FAB]  }
0x2b: {  	s6 =	sld [smem:$0x3FAC]  }
0x2c: {  	s7 =	sld [smem:$0x3FAD]  }
0x2d: {  	s3 =	simm.s32 $0x108;
	s8 =	sld [smem:$0x3FAE]  }
0x2e: {  	s3 =	simm.s32 @!p0 $0x1082;
	s9 =	sld [smem:$0x3FAF]  }
0x2f: {  	lr =	sadd.s32 s0, s3;
	s0 =	sld [smem:$0x3FA6]  }
0x30: {  	s3 =	sld [smem:$0x3FA9]  }
0x31: {  	[smem:$0x3FB2] =	sst s10  }
0x32: {  	s10 =	sld [smem:$0x3FB0];
	_ =	sdelay $0x3  }
0x33: {  	p0 =	seq.s32 s10, $0x1;
	s10 =	sld [smem:$0x3FB2];
	_ =	sdelay $0x3  }
0x34: {  	[smem:$0x3FB2] =	sst s10  }
0x35: {  	s10 =	sld [smem:$0x3FB1];
	_ =	sdelay $0x3  }
0x36: {  	p1 =	seq.s32 s10, $0x1;
	s10 =	sld [smem:$0x3FB2];
	_ =	sdelay $0x3  }
0x37: {  	[smem:$0x3FB2] =	sst s10  }
0x38: {  	s10 =	sld [smem:$0x3FB3]  }
0x39: {  	_ = 	snop;
	(pc) =	sbr.ind lr, $3  }
0x3a: {  	_ = 	snop  }
0x3b: {  	_ = 	snop  }
0x3c: {  	p2 =	seq.s32 s10, $0x1;
	s10 =	sld [smem:$0x3FB2]  }
0x3d: {  	_ =	shalt  }
0x3e: {  	_ =	shalt  }
0x3f: {  	_ =	shalt  }
0x40: {  	_ =	shalt  }
0x41: {  	_ =	shalt  }
0x42: {  	_ =	shalt  }
0x43: {  	_ =	shalt  }
0x44: {  	_ =	shalt  }
0x45: {  	_ =	shalt  }
0x46: {  	_ =	shalt  }
0x47: {  	_ =	shalt  }
0x48: {  	_ =	shalt  }
0x49: {  	_ =	shalt  }
0x4a: {  	_ =	shalt  }
0x4b: {  	_ =	shalt  }
0x4c: {  	_ =	shalt  }
0x4d: {  	_ =	shalt  }
0x4e: {  	_ =	shalt  }
0x4f: {  	_ =	shalt  }
0x50: {  	_ =	shalt  }
0x51: {  	_ =	shalt  }
0x52: {  	_ =	shalt  }
0x53: {  	_ =	shalt  }
0x54: {  	_ =	shalt  }
0x55: {  	_ =	shalt  }
0x56: {  	_ =	shalt  }
0x57: {  	_ =	shalt  }
0x58: {  	_ =	shalt  }
0x59: {  	_ =	shalt  }
0x5a: {  	_ =	shalt  }
0x5b: {  	_ =	shalt  }
0x5c: {  	_ =	shalt  }
0x5d: {  	_ =	shalt  }
0x5e: {  	_ =	shalt  }
0x5f: {  	_ =	shalt  }
0x60: {  	_ =	shalt  }
0x61: {  	_ =	shalt  }
0x62: {  	_ =	shalt  }
0x63: {  	_ =	shalt  }
0x64: {  	_ =	shalt  }
0x65: {  	_ =	shalt  }
0x66: {  	_ =	shalt  }
0x67: {  	_ =	shalt  }
0x68: {  	_ =	shalt  }
0x69: {  	_ =	shalt  }
0x6a: {  	_ =	shalt  }
0x6b: {  	_ =	shalt  }
0x6c: {  	_ =	shalt  }
0x6d: {  	_ =	shalt  }
0x6e: {  	_ =	shalt  }
0x6f: {  	_ =	shalt  }
0x70: {  	_ =	shalt  }
0x71: {  	_ =	shalt  }
0x72: {  	_ =	shalt  }
0x73: {  	_ =	shalt  }
0x74: {  	_ =	shalt  }
0x75: {  	_ =	shalt  }
0x76: {  	_ =	shalt  }
0x77: {  	_ =	shalt  }
0x78: {  	_ =	shalt  }
0x79: {  	_ =	shalt  }
0x7a: {  	_ =	shalt  }
0x7b: {  	_ =	shalt  }
0x7c: {  	_ =	shalt  }
0x7d: {  	_ =	shalt  }
0x7e: {  	_ =	shalt  }
0x7f: {  	_ =	shalt  }
0x80: {  	_ =	shalt  }
0x81: {  	_ =	shalt  }
0x82: {  	_ =	shalt  }
0x83: {  	_ =	shalt  }
0x84: {  	_ =	shalt  }
0x85: {  	_ =	shalt  }
0x86: {  	_ =	shalt  }
0x87: {  	_ =	shalt  }
.Lfunc_end0:
.L_simem_size_0:
called_computation.3_lowered:
.L_overlay_start_0:
0x88: {  	s2 =	sld [smem:$0x3FD9]  }
0x89: {  	s3 =	sld [smem:$0x3FFE];
	_ =	sdelay $0x1  }
0x8a: {  	s1 =	srdreg.scid  }
0x8b: {  	s0 =	sand.u32 $0x1, s1  }
0x8c: {  	s16 =	sshll.u32 s0, $0xA;
	s2 =	sadd.s32 s3, s2  }
0x8d: {  	s2 =	sadd.s32 s2, s16  }
0x8e: {  	[smem:$0x3FBE] =	sst s2  }
0x8f: {  	_ = 	snop  }
0x90: {  	(tm) =	ssettm $0x1  }
0x91: {  	s17 =	sld [smem:$0x3FFB];
	_ =	sdelay $0x3  }
0x92: {  	_ =	strace s17  }
0x93: {  	s2 =	sld [smem:$0x3FFC];
	_ =	sdelay $0x3  }
0x94: {  	_ =	strace s2  }
0x95: {  	s2 =	sld [smem:$0x3FFD];
	_ =	sdelay $0x3  }
0x96: {  	_ =	strace s2  }
0x97: {  	_ =	strace $0x8FFFFFFF  }
0x98: {  	s18 =	sld [smem:$0x3FDB];
	_ =	sdelay $0x1  }
0x99: {  	s19 =	simm.s32 $_scs_section_size  }
0x9a: {  	s4 =	simm.s32 $_size__tile_overlayer_lowered;
	s5 =	simm.s32 $_tile_overlayer_lowered  }
0x9b: {  	s22 =	simm.s32 $0x1BFF;
	s21 =	sshll.u32 s5, $0x1;
	s2 =	sadd.s32 s19, s18  }
0x9c: {  	s6 =	simm.s32 $0x0;
	s20 =	sshll.u32 s4, $0x1;
	s4 =	sadd.s32 s21, s2  }
0x9d: {  	[timem:s6], [sflag:s22] =	dma.local [hbm:s4], s20  }
0x9e: {  	_ =	swait.ge [sflag:s22], s20  }
0x9f: {  	s3 =	ssub.s32 $0x0, s20;
	[sflag:s22] =	ssyncset.done $0x0  }
0xa0: {  	[sflag:s22] =	ssyncadd.s32 s3;
	_ =	sdelay $0x1  }
0xa1: {  	s23 =	simm.s32 $0x1B8B  }
0xa2: {  	_ =	swait.ge [sflag:s23], $0x1  }
0xa3: {  	[sflag:s23] =	ssyncset.done $0x0  }
0xa4: {  	s25 =	simm.s32 $0x1B8E;
	s24 =	sld [smem:$0x3FFE];
	[sflag:s23] =	ssyncadd.s32 $0xFFFFFFFF  }
0xa5: {  	s26 =	simm.s32 $execute0_lowered;
	[smem:$0x3FD2] =	sst s25  }
0xa6: {  	s4 =	sshll.u32 s26, $0x1;
	_ =	strace $0x8000004F;
	[dreg:$0x1] =	wrdreg $0xFFFFFFFF  }
0xa7: {  	s28 =	simm.s32 $_size_execute0_lowered;
	s2 =	sadd.s32 s2, s4;
	[dreg:$0x0] =	wrdreg $0x0  }
0xa8: {  	s4 =	sshll.u32 s28, $0x1;
	[dreg:$0x2] =	wrdreg s2  }
0xa9: {  	[dreg:$0x3] =	wrdreg s4  }
0xaa: {  	[dreg:$0x4] =	wrdreg $0xC0  }
0xab: {  	_ =	task [dreg:s6], $0x5FFFF  }
0xac: {  	[dreg:$0x1] =	wrdreg $0xFFFFFFFF  }
0xad: {  	[dreg:$0x0] =	wrdreg $0x60  }
0xae: {  	[dreg:$0x2] =	wrdreg s24  }
0xaf: {  	[dreg:$0x3] =	wrdreg $0x99000  }
0xb0: {  	[dreg:$0x4] =	wrdreg $0x9  }
0xb1: {  	_ =	task.clear_ibuf [dreg:s6], $0x5FFFF;
	_ =	strace $0x9000004F  }
0xb2: {  	s29 =	simm.s32 $0x9;
	_ =	strace $0x80000051  }
0xb3: {  	_ =	swait.ge [sflag:s29], $0x1  }
0xb4: {  	[sflag:s29] =	ssyncadd.s32 $0xFFFFFFFF  }
0xb5: {  	_ =	strace $0x90000051  }
0xb6: {  	_ =	sfence  }
0xb7: {  	s30 =	sld [smem:$0x0];
	_ =	sdelay $0x2  }
0xb8: {  	s31 =	sshll.u32 s1, $0xD;
	s1 =	sshrl.u32 s1, $0x2  }
0xb9: {  	s3 =	sand.u32 $0x4000, s31;
	s1 =	sadd.s32 s1, s30  }
0xba: {  	s0 =	sor.u32 s3, s0;
	s1 =	sshll.u32 s1, $0x11  }
0xbb: {  	s0 =	sor.u32 s1, s0  }
0xbc: {  	s0 =	sadd.s32 $0x8F2B, s0  }
0xbd: {  	[sflag:s0] =	ssyncadd.remote.s32 $0x1  }
0xbe: {  	_ =	sfence.sel $0xFFFF  }
0xbf: {  	[dreg:$0x0] =	wrdreg $0xFFFFFFFF;
	(pc) =	sbr.abs _section_cstart, $3  }
0xc0: {  	[dreg:$0x1] =	wrdreg $0xFFFFFFFF  }
0xc1: {  	_ =	task.clear_ibuf [dreg:s6], $0x2FFFF;
	_ =	strace $0x9FFFFFFF  }
0xc2: {  	(tm) =	ssettm $0x7FFFFFFF  }
0xc3: {  	_ =	shalt  }
tec
execute0_lowered:
.L_overlay_start_1:
0x0: {  	(tag) =	ssettag $0x1  }
0x1: {  	s0 =	rddreg [dreg:$0x0]  }
0x2: {  	s1 =	rddreg [dreg:$0x1];
	s2 =	simm.s32 $0x0  }
0x3: {  	s3 =	srdreg.scid;
	s17 =	stileid.u32;
	s28 =	simm.s32 $0x1  }
0x4: {  	s29 =	simm.s32 $0x180;
	s30 =	simm.s32 $0x300;
	s31 =	simm.s32 $0x280  }
0x5: {  	[smem:$0x7FF] =	sst s2;
	s3 =	sand.u32 $0x1, s3;
	s9 =	smul.u32 $0x50000, s17  }
0x6: {  	s4 =	sadd.s32 $0x22800, s0;
	s5 =	sadd.s32 $0x3400, s0;
	s11 =	smul.u32 $0x14000, s17  }
0x7: {  	_ =	strace $0x80000050;
	s6 =	sshll.u32 s3, $0x4;
	s16 =	smul.u32 $0x140000, s3  }
0x8: {  	s8 =	ssub.s32 $0x2, s3;
	s3 =	smul.u32 $0x7C000, s3;
	s6 =	sor.u32 s17, s6  }
0x9: {  	s10 =	sshrl.u32 s8, $0x1;
	s9 =	sshrl.u32 s9, $0x2;
	s12 =	sadd.s32 $0x4000, s11  }
0xa: {  	s13 =	sadd.s32 $0x8000, s11;
	s24 =	sadd.s32 $0xC000, s11;
	s15 =	sadd.s32 $0x10000, s11  }
0xb: {  	s7 =	sshll.u32 s6, $0x5;
	s8 =	ssub.s32 s8, s10;
	s9 =	sadd.s32 s9, s1  }
0xc: {  	s10 =	sadd.s32 s12, s1;
	s14 =	sadd.s32 s13, s1;
	s6 =	smul.u32 $0x7C00, s6  }
0xd: {  	s18 =	sadd.s32 s24, s1;
	s25 =	sadd.s32 s15, s1;
	s19 =	sadd.s32 s16, s24  }
0xe: {  	s20 =	sadd.s32 s16, s15;
	s15 =	simm.s32 $0x680;
	[dreg:$0x6] =	wrdreg s14  }
0xf: {  	s7 =	sadd.s32 s7, s0;
	s0 =	sadd.s32 $0x49A00, s0;
	[dreg:$0x7] =	wrdreg s18  }
0x10: {  	[dreg:$0x8] =	wrdreg s25;
	s22 =	sshrl.u32 s20, $0x3;
	s24 =	smax.u32 s8, $0x1  }
0x11: {  	s20 =	simm.s32 $0x5900;
	s14 =	simm.s32 $0x700;
	[dreg:$0x5] =	wrdreg s10  }
0x12: {  	s6 =	sshrl.u32 s6, $0x3;
	s26 =	sadd.s32 $0x22400, s7;
	s7 =	sadd.s32 s11, s16  }
0x13: {  	s11 =	sadd.s32 s16, s12;
	s12 =	sadd.s32 s16, s13;
	s13 =	smul.u32 $0x7C00, s17  }
0x14: {  	[dreg:$0x10] =	wrdreg s24;
	s24 =	simm.s32 $0x900;
	s16 =	simm.s32 $0x800  }
0x15: {  	s6 =	sadd.s32 s5, s6;
	[dreg:$0xa] =	wrdreg s26;
	s18 =	sshrl.u32 s12, $0x3  }
0x16: {  	s26 =	simm.s32 $0x600;
	s12 =	simm.s32 $0x480;
	[dreg:$0x9] =	wrdreg s6  }
0x17: {  	s6 =	sshrl.u32 s7, $0x3;
	s7 =	sshrl.u32 s11, $0x3;
	s3 =	sadd.s32 s13, s3  }
0x18: {  	[dreg:$0x4] =	wrdreg s26;
	s26 =	simm.s32 $0x3100;
	s11 =	simm.s32 $0x500  }
0x19: {  	s13 =	simm.s32 $0x580;
	s6 =	sadd.s32 s0, s6;
	s17 =	sadd.s32 s0, s7  }
0x1a: {  	s21 =	sadd.s32 $0x400, s3;
	s3 =	sadd.s32 $0x800, s3;
	[dreg:$0xb] =	wrdreg s6  }
0x1b: {  	[dreg:$0xc] =	wrdreg s17;
	s6 =	sadd.s32 s0, s18;
	s23 =	sshrl.u32 s21, $0x3  }
0x1c: {  	[dreg:$0x11] =	wrdreg s3;
	s21 =	simm.s32 $0x2;
	s3 =	simm.s32 $0x380  }
0x1d: {  	s17 =	simm.s32 $0x780;
	s18 =	simm.s32 $0x880;
	[dreg:$0xd] =	wrdreg s6  }
0x1e: {  	s6 =	sshrl.u32 s19, $0x3;
	s25 =	sadd.s32 s23, s5;
	s23 =	simm.s32 $0x50  }
0x1f: {  	s6 =	sadd.s32 s0, s6;
	s0 =	sadd.s32 s0, s22;
	[dreg:$0x3] =	wrdreg s25  }
0x20: {  	s22 =	simm.s32 $0x100;
	s25 =	simm.s32 $0x200;
	[dreg:$0xe] =	wrdreg s6  }
0x21: {  	v0 =	vimm.f32 $0.0e+00;
	[dreg:$0xf] =	wrdreg s0;
	s0 =	simm.s32 $0x400;
	s6 =	simm.s32 $0x0  }
.LBB2_1:
0x22: {  	s7 =	simm.s32 $0x0;
	s19 =	simm.s32 $0x200  }
.LBB2_2:
0x23: {  	p0 =	sne.s32 s19, $0xFE00;
	[tilespmem:s7+$0x5970] =	vst v0  }
0x24: {  	[tilespmem:s7+$0x5900] =	vst v0  }
0x25: {  	[tilespmem:s7+$0x5910] =	vst v0  }
.Ltmp0:
0x26: {  	[tilespmem:s7+$0x5920] =	vst v0;
	(pc) =	sbr.rel @p0 .LBB2_2-.Ltmp0, $4  }
0x27: {  	[tilespmem:s7+$0x5930] =	vst v0  }
0x28: {  	[tilespmem:s7+$0x5940] =	vst v0  }
0x29: {  	[tilespmem:s7+$0x5950] =	vst v0  }
0x2a: {  	[tilespmem:s7+$0x5960] =	vst v0;
	s7 =	sshra.s32 s19, $0x2;
	s19 =	sadd.s32 $0x200, s19  }
0x2b: {  	[tilespmem:s7+$0x5970] =	vst v0  }
0x2c: {  	[tilespmem:s7+$0x5900] =	vst v0  }
0x2d: {  	[tilespmem:s7+$0x5910] =	vst v0  }
0x2e: {  	[tilespmem:s7+$0x5920] =	vst v0  }
0x2f: {  	[tilespmem:s7+$0x5930] =	vst v0  }
0x30: {  	[tilespmem:s7+$0x5940] =	vst v0  }
0x31: {  	[tilespmem:s7+$0x5950] =	vst v0  }
0x32: {  	[tilespmem:s7+$0x5960] =	vst v0  }
0x33: {  	[spmem:s9] =	stream.linear.scatter [tilespmem:s20], [sflag:$0x2], $0x4000, $0x38;
	[tilespmem:$0x1D900] =	vst v63  }
0x34: {  	_ =	swait.ge [sflag:s21], $0x4000  }
0x35: {  	[sflag:s21] =	ssyncset.done $0x0  }
0x36: {  	[sflag:s21] =	ssyncadd.s32 $0xFFFFC000  }
0x37: {  	[spmem:s10] =	stream.linear.scatter [tilespmem:s20], [sflag:$0x2], $0x4000, $0x38;
	[tilespmem:$0x1D900] =	vst v63  }
0x38: {  	_ =	swait.ge [sflag:s21], $0x4000  }
0x39: {  	[sflag:s21] =	ssyncset.done $0x0  }
0x3a: {  	s8 =	smov.u32 s9;
	s9 =	rddreg [dreg:$0x6];
	[sflag:s21] =	ssyncadd.s32 $0xFFFFC000  }
0x3b: {  	[spmem:s9] =	stream.linear.scatter [tilespmem:s20], [sflag:$0x2], $0x4000, $0x38;
	[tilespmem:$0x1D900] =	vst v63  }
0x3c: {  	_ =	swait.ge [sflag:s21], $0x4000  }
0x3d: {  	[sflag:s21] =	ssyncset.done $0x0  }
0x3e: {  	s10 =	rddreg [dreg:$0x7];
	[sflag:s21] =	ssyncadd.s32 $0xFFFFC000  }
0x3f: {  	[spmem:s10] =	stream.linear.scatter [tilespmem:s20], [sflag:$0x2], $0x4000, $0x38;
	[tilespmem:$0x1D900] =	vst v63  }
0x40: {  	_ =	swait.ge [sflag:s21], $0x4000  }
0x41: {  	[sflag:s21] =	ssyncset.done $0x0  }
0x42: {  	s19 =	rddreg [dreg:$0x8];
	[sflag:s21] =	ssyncadd.s32 $0xFFFFC000  }
0x43: {  	[spmem:s19] =	stream.linear.scatter [tilespmem:s20], [sflag:$0x2], $0x4000, $0x38;
	[tilespmem:$0x1D900] =	vst v63  }
0x44: {  	_ =	swait.ge [sflag:s21], $0x4000  }
0x45: {  	[sflag:s21] =	ssyncset.done $0x0  }
0x46: {  	[sflag:s21] =	ssyncadd.s32 $0xFFFFC000  }
0x47: {  	[bflag:$0x0] =	sbarrier.arrive $0xFFFF  }
0x48: {  	s9 =	simm.s32 $0x0;
	s10 =	rddreg [dreg:$0x9]  }
0x49: {  	[tilespmem:s22], [sflag:$0x2] =	stream.linear.gather [hbm4b:s10+s9], $0x400, $0x38;
	[tilespmem:$0x1D900] =	vst v63  }
0x4a: {  	_ =	swait.ge [sflag:s21], $0x400  }
0x4b: {  	[sflag:s21] =	ssyncset.done $0x0  }
0x4c: {  	[sflag:s21] =	ssyncadd.s32 $0xFFFFFC00  }
0x4d: {  	[tilespmem:s24], [sflag:$0x1] =	stream.indirect.gather [hbm4b:s4+s23], $0x80, s22, s23, $0xb8;
	[tilespmem:$0x1D900] =	vst v63  }
0x4e: {  	_ = 	snop  }
0x4f: {  	[tilespmem:s26], [sflag:$0x1] =	stream.indirect.gather [hbm4b:s4+s23], $0x80, s25, s23, $0xb8;
	[tilespmem:$0x1D900] =	vst v63  }
0x50: {  	_ =	swait.ge [sflag:s28], $0x2800  }
0x51: {  	[sflag:s28] =	ssyncset.done $0x0  }
0x52: {  	[sflag:s28] =	ssyncadd.s32 $0xFFFFD800  }
0x53: {  	[spmem:s1] =	stream.indirect.scatter.add.f32 [tilespmem:s24], [sflag:$0x2], $0x80, s29, s23, $0xb8;
	[tilespmem:$0x1D900] =	vst v63  }
0x54: {  	_ =	swait.ge [sflag:s21], $0x2800  }
0x55: {  	[sflag:s21] =	ssyncset.done $0x0  }
0x56: {  	[sflag:s21] =	ssyncadd.s32 $0xFFFFD800  }
0x57: {  	[tilespmem:s24], [sflag:$0x1] =	stream.indirect.gather [hbm4b:s4+s23], $0x80, s30, s23, $0xb8;
	[tilespmem:$0x1D900] =	vst v63  }
0x58: {  	_ =	swait.ge [sflag:s28], $0x2800  }
0x59: {  	[sflag:s28] =	ssyncset.done $0x0  }
0x5a: {  	[sflag:s28] =	ssyncadd.s32 $0xFFFFD800  }
0x5b: {  	[spmem:s1] =	stream.indirect.scatter.add.f32 [tilespmem:s26], [sflag:$0x2], $0x80, s31, s23, $0xb8;
	[tilespmem:$0x1D900] =	vst v63  }
0x5c: {  	_ =	swait.ge [sflag:s21], $0x2800  }
0x5d: {  	[sflag:s21] =	ssyncset.done $0x0  }
0x5e: {  	[sflag:s21] =	ssyncadd.s32 $0xFFFFD800  }
0x5f: {  	[tilespmem:s26], [sflag:$0x1] =	stream.indirect.gather [hbm4b:s4+s23], $0x80, s0, s23, $0xb8;
	[tilespmem:$0x1D900] =	vst v63  }
0x60: {  	_ =	swait.ge [sflag:s28], $0x2800  }
0x61: {  	[sflag:s28] =	ssyncset.done $0x0  }
0x62: {  	[sflag:s28] =	ssyncadd.s32 $0xFFFFD800  }
0x63: {  	[spmem:s1] =	stream.indirect.scatter.add.f32 [tilespmem:s24], [sflag:$0x2], $0x80, s3, s23, $0xb8;
	[tilespmem:$0x1D900] =	vst v63  }
0x64: {  	_ =	swait.ge [sflag:s21], $0x2800  }
0x65: {  	s19 =	rddreg [dreg:$0x3];
	[sflag:s21] =	ssyncset.done $0x0  }
0x66: {  	[sflag:s21] =	ssyncadd.s32 $0xFFFFD800;
	s7 =	sadd.s32 $0x0, s19  }
0x67: {  	[tilespmem:s11], [sflag:$0x2] =	stream.linear.gather [hbm4b:s7+s2], $0x400, $0x38;
	[tilespmem:$0x1D900] =	vst v63  }
0x68: {  	_ =	swait.ge [sflag:s21], $0x400  }
0x69: {  	[sflag:s21] =	ssyncset.done $0x0  }
0x6a: {  	[sflag:s21] =	ssyncadd.s32 $0xFFFFFC00  }
0x6b: {  	[tilespmem:s24], [sflag:$0x1] =	stream.indirect.gather [hbm4b:s4+s23], $0x80, s11, s23, $0xb8;
	[tilespmem:$0x1D900] =	vst v63  }
0x6c: {  	_ =	swait.ge [sflag:s28], $0x2800  }
0x6d: {  	[sflag:s28] =	ssyncset.done $0x0  }
0x6e: {  	[sflag:s28] =	ssyncadd.s32 $0xFFFFD800  }
0x6f: {  	[spmem:s1] =	stream.indirect.scatter.add.f32 [tilespmem:s26], [sflag:$0x2], $0x80, s12, s23, $0xb8;
	[tilespmem:$0x1D900] =	vst v63  }
0x70: {  	_ =	swait.ge [sflag:s21], $0x2800  }
0x71: {  	[sflag:s21] =	ssyncset.done $0x0  }
0x72: {  	s9 =	rddreg [dreg:$0x4];
	[sflag:s21] =	ssyncadd.s32 $0xFFFFD800  }
0x73: {  	[tilespmem:s26], [sflag:$0x1] =	stream.indirect.gather [hbm4b:s4+s23], $0x80, s9, s23, $0xb8;
	[tilespmem:$0x1D900] =	vst v63  }
0x74: {  	_ =	swait.ge [sflag:s28], $0x2800  }
0x75: {  	[sflag:s28] =	ssyncset.done $0x0  }
0x76: {  	[sflag:s28] =	ssyncadd.s32 $0xFFFFD800  }
0x77: {  	[spmem:s1] =	stream.indirect.scatter.add.f32 [tilespmem:s24], [sflag:$0x2], $0x80, s13, s23, $0xb8;
	[tilespmem:$0x1D900] =	vst v63  }
0x78: {  	_ =	swait.ge [sflag:s21], $0x2800  }
0x79: {  	[sflag:s21] =	ssyncset.done $0x0  }
0x7a: {  	[sflag:s21] =	ssyncadd.s32 $0xFFFFD800  }
0x7b: {  	[tilespmem:s24], [sflag:$0x1] =	stream.indirect.gather [hbm4b:s4+s23], $0x80, s14, s23, $0xb8;
	[tilespmem:$0x1D900] =	vst v63  }
0x7c: {  	_ =	swait.ge [sflag:s28], $0x2800  }
0x7d: {  	[sflag:s28] =	ssyncset.done $0x0  }
0x7e: {  	[sflag:s28] =	ssyncadd.s32 $0xFFFFD800  }
0x7f: {  	[spmem:s1] =	stream.indirect.scatter.add.f32 [tilespmem:s26], [sflag:$0x2], $0x80, s15, s23, $0xb8;
	[tilespmem:$0x1D900] =	vst v63  }
0x80: {  	_ =	swait.ge [sflag:s21], $0x2800  }
0x81: {  	[sflag:s21] =	ssyncset.done $0x0  }
0x82: {  	[sflag:s21] =	ssyncadd.s32 $0xFFFFD800  }
0x83: {  	[tilespmem:s26], [sflag:$0x1] =	stream.indirect.gather [hbm4b:s4+s23], $0x80, s16, s23, $0xb8;
	[tilespmem:$0x1D900] =	vst v63  }
0x84: {  	_ =	swait.ge [sflag:s28], $0x2800  }
0x85: {  	[sflag:s28] =	ssyncset.done $0x0  }
0x86: {  	[sflag:s28] =	ssyncadd.s32 $0xFFFFD800  }
0x87: {  	[spmem:s1] =	stream.indirect.scatter.add.f32 [tilespmem:s24], [sflag:$0x2], $0x80, s17, s23, $0xb8;
	[tilespmem:$0x1D900] =	vst v63  }
0x88: {  	_ =	swait.ge [sflag:s21], $0x2800  }
0x89: {  	s19 =	rddreg [dreg:$0x11]  }
0x8a: {  	[sflag:s21] =	ssyncset.done $0x0;
	s10 =	sshrl.u32 s19, $0x3  }
0x8b: {  	[sflag:s21] =	ssyncadd.s32 $0xFFFFD800;
	s7 =	sadd.s32 s5, s10  }
0x8c: {  	[tilespmem:s22], [sflag:$0x2] =	stream.linear.gather [hbm4b:s7+s2], $0x400, $0x38;
	[tilespmem:$0x1D900] =	vst v63  }
0x8d: {  	_ =	swait.ge [sflag:s21], $0x400  }
0x8e: {  	[sflag:s21] =	ssyncset.done $0x0  }
0x8f: {  	[sflag:s21] =	ssyncadd.s32 $0xFFFFFC00  }
0x90: {  	[tilespmem:s24], [sflag:$0x1] =	stream.indirect.gather [hbm4b:s4+s23], $0x80, s22, s23, $0xb8;
	[tilespmem:$0x1D900] =	vst v63  }
0x91: {  	_ =	swait.ge [sflag:s28], $0x2800  }
0x92: {  	[sflag:s28] =	ssyncset.done $0x0  }
0x93: {  	[sflag:s28] =	ssyncadd.s32 $0xFFFFD800  }
0x94: {  	[spmem:s1] =	stream.indirect.scatter.add.f32 [tilespmem:s26], [sflag:$0x2], $0x80, s18, s23, $0xb8;
	[tilespmem:$0x1D900] =	vst v63  }
0x95: {  	_ =	swait.ge [sflag:s21], $0x2800  }
0x96: {  	s7 =	simm.s32 $0x100;
	[sflag:s21] =	ssyncset.done $0x0  }
.LBB2_4:
0x97: {  	[sflag:s21] =	ssyncadd.s32 $0xFFFFD800  }
0x98: {  	[tilespmem:s26], [sflag:$0x1] =	stream.indirect.gather [hbm4b:s4+s23], $0x80, s25, s23, $0xb8;
	[tilespmem:$0x1D900] =	vst v63  }
0x99: {  	_ =	swait.ge [sflag:s28], $0x2800  }
0x9a: {  	[sflag:s28] =	ssyncset.done $0x0  }
0x9b: {  	[sflag:s28] =	ssyncadd.s32 $0xFFFFD800  }
0x9c: {  	[spmem:s1] =	stream.indirect.scatter.add.f32 [tilespmem:s24], [sflag:$0x2], $0x80, s29, s23, $0xb8;
	[tilespmem:$0x1D900] =	vst v63  }
0x9d: {  	_ =	swait.ge [sflag:s21], $0x2800  }
0x9e: {  	[sflag:s21] =	ssyncset.done $0x0  }
0x9f: {  	[sflag:s21] =	ssyncadd.s32 $0xFFFFD800  }
0xa0: {  	[tilespmem:s24], [sflag:$0x1] =	stream.indirect.gather [hbm4b:s4+s23], $0x80, s30, s23, $0xb8;
	[tilespmem:$0x1D900] =	vst v63  }
0xa1: {  	_ =	swait.ge [sflag:s28], $0x2800  }
0xa2: {  	[sflag:s28] =	ssyncset.done $0x0  }
0xa3: {  	[sflag:s28] =	ssyncadd.s32 $0xFFFFD800  }
0xa4: {  	[spmem:s1] =	stream.indirect.scatter.add.f32 [tilespmem:s26], [sflag:$0x2], $0x80, s31, s23, $0xb8;
	[tilespmem:$0x1D900] =	vst v63  }
0xa5: {  	_ =	swait.ge [sflag:s21], $0x2800  }
0xa6: {  	[sflag:s21] =	ssyncset.done $0x0  }
0xa7: {  	[sflag:s21] =	ssyncadd.s32 $0xFFFFD800  }
0xa8: {  	[tilespmem:s26], [sflag:$0x1] =	stream.indirect.gather [hbm4b:s4+s23], $0x80, s0, s23, $0xb8;
	[tilespmem:$0x1D900] =	vst v63  }
0xa9: {  	_ =	swait.ge [sflag:s28], $0x2800  }
0xaa: {  	[sflag:s28] =	ssyncset.done $0x0  }
0xab: {  	[sflag:s28] =	ssyncadd.s32 $0xFFFFD800  }
0xac: {  	[spmem:s1] =	stream.indirect.scatter.add.f32 [tilespmem:s24], [sflag:$0x2], $0x80, s3, s23, $0xb8;
	[tilespmem:$0x1D900] =	vst v63  }
0xad: {  	_ =	swait.ge [sflag:s21], $0x2800  }
0xae: {  	s9 =	smov.u32 s7;
	s10 =	rddreg [dreg:$0x3];
	[sflag:s21] =	ssyncset.done $0x0  }
0xaf: {  	[sflag:s21] =	ssyncadd.s32 $0xFFFFD800;
	s9 =	sadd.s32 s9, s10  }
0xb0: {  	[tilespmem:s11], [sflag:$0x2] =	stream.linear.gather [hbm4b:s9+s2], $0x400, $0x38;
	[tilespmem:$0x1D900] =	vst v63  }
0xb1: {  	_ =	swait.ge [sflag:s21], $0x400  }
0xb2: {  	[sflag:s21] =	ssyncset.done $0x0  }
0xb3: {  	[sflag:s21] =	ssyncadd.s32 $0xFFFFFC00  }
0xb4: {  	[tilespmem:s24], [sflag:$0x1] =	stream.indirect.gather [hbm4b:s4+s23], $0x80, s11, s23, $0xb8;
	[tilespmem:$0x1D900] =	vst v63  }
0xb5: {  	_ =	swait.ge [sflag:s28], $0x2800  }
0xb6: {  	[sflag:s28] =	ssyncset.done $0x0  }
0xb7: {  	[sflag:s28] =	ssyncadd.s32 $0xFFFFD800  }
0xb8: {  	[spmem:s1] =	stream.indirect.scatter.add.f32 [tilespmem:s26], [sflag:$0x2], $0x80, s12, s23, $0xb8;
	[tilespmem:$0x1D900] =	vst v63  }
0xb9: {  	_ =	swait.ge [sflag:s21], $0x2800  }
0xba: {  	[sflag:s21] =	ssyncset.done $0x0  }
0xbb: {  	s10 =	rddreg [dreg:$0x4];
	[sflag:s21] =	ssyncadd.s32 $0xFFFFD800  }
0xbc: {  	[tilespmem:s26], [sflag:$0x1] =	stream.indirect.gather [hbm4b:s4+s23], $0x80, s10, s23, $0xb8;
	[tilespmem:$0x1D900] =	vst v63  }
0xbd: {  	_ =	swait.ge [sflag:s28], $0x2800  }
0xbe: {  	[sflag:s28] =	ssyncset.done $0x0  }
0xbf: {  	[sflag:s28] =	ssyncadd.s32 $0xFFFFD800  }
0xc0: {  	[spmem:s1] =	stream.indirect.scatter.add.f32 [tilespmem:s24], [sflag:$0x2], $0x80, s13, s23, $0xb8;
	[tilespmem:$0x1D900] =	vst v63  }
0xc1: {  	_ =	swait.ge [sflag:s21], $0x2800  }
0xc2: {  	[sflag:s21] =	ssyncset.done $0x0  }
0xc3: {  	[sflag:s21] =	ssyncadd.s32 $0xFFFFD800  }
0xc4: {  	[tilespmem:s24], [sflag:$0x1] =	stream.indirect.gather [hbm4b:s4+s23], $0x80, s14, s23, $0xb8;
	[tilespmem:$0x1D900] =	vst v63  }
0xc5: {  	_ =	swait.ge [sflag:s28], $0x2800  }
0xc6: {  	[sflag:s28] =	ssyncset.done $0x0  }
0xc7: {  	[sflag:s28] =	ssyncadd.s32 $0xFFFFD800  }
0xc8: {  	[spmem:s1] =	stream.indirect.scatter.add.f32 [tilespmem:s26], [sflag:$0x2], $0x80, s15, s23, $0xb8;
	[tilespmem:$0x1D900] =	vst v63  }
0xc9: {  	_ =	swait.ge [sflag:s21], $0x2800  }
0xca: {  	[sflag:s21] =	ssyncset.done $0x0  }
0xcb: {  	[sflag:s21] =	ssyncadd.s32 $0xFFFFD800  }
0xcc: {  	[tilespmem:s26], [sflag:$0x1] =	stream.indirect.gather [hbm4b:s4+s23], $0x80, s16, s23, $0xb8;
	[tilespmem:$0x1D900] =	vst v63  }
0xcd: {  	_ =	swait.ge [sflag:s28], $0x2800  }
0xce: {  	[sflag:s28] =	ssyncset.done $0x0  }
0xcf: {  	[sflag:s28] =	ssyncadd.s32 $0xFFFFD800  }
0xd0: {  	[spmem:s1] =	stream.indirect.scatter.add.f32 [tilespmem:s24], [sflag:$0x2], $0x80, s17, s23, $0xb8;
	[tilespmem:$0x1D900] =	vst v63  }
0xd1: {  	s19 =	sadd.s32 $0x800, s19;
	_ =	swait.ge [sflag:s21], $0x2800  }
0xd2: {  	s10 =	sshrl.u32 s19, $0x3;
	[sflag:s21] =	ssyncset.done $0x0  }
0xd3: {  	s9 =	sadd.s32 s5, s10;
	[sflag:s21] =	ssyncadd.s32 $0xFFFFD800  }
0xd4: {  	[tilespmem:s22], [sflag:$0x2] =	stream.linear.gather [hbm4b:s9+s2], $0x400, $0x38;
	[tilespmem:$0x1D900] =	vst v63  }
0xd5: {  	_ =	swait.ge [sflag:s21], $0x400  }
0xd6: {  	[sflag:s21] =	ssyncset.done $0x0  }
0xd7: {  	[sflag:s21] =	ssyncadd.s32 $0xFFFFFC00  }
0xd8: {  	[tilespmem:s24], [sflag:$0x1] =	stream.indirect.gather [hbm4b:s4+s23], $0x80, s22, s23, $0xb8;
	[tilespmem:$0x1D900] =	vst v63  }
0xd9: {  	p0 =	sne.s32 s7, $0xE00;
	_ =	swait.ge [sflag:s28], $0x2800  }
.Ltmp1:
0xda: {  	[sflag:s28] =	ssyncset.done $0x0;
	(pc) =	sbr.rel @p0 .LBB2_4-.Ltmp1, $4  }
0xdb: {  	[sflag:s28] =	ssyncadd.s32 $0xFFFFD800  }
0xdc: {  	[spmem:s1] =	stream.indirect.scatter.add.f32 [tilespmem:s26], [sflag:$0x2], $0x80, s18, s23, $0xb8;
	[tilespmem:$0x1D900] =	vst v63  }
0xdd: {  	_ =	swait.ge [sflag:s21], $0x2800  }
0xde: {  	s7 =	sadd.s32 $0x100, s7;
	[sflag:s21] =	ssyncset.done $0x0  }
0xdf: {  	[sflag:s21] =	ssyncadd.s32 $0xFFFFD800  }
0xe0: {  	[tilespmem:s26], [sflag:$0x1] =	stream.indirect.gather [hbm4b:s4+s23], $0x80, s25, s23, $0xb8;
	[tilespmem:$0x1D900] =	vst v63  }
0xe1: {  	_ =	swait.ge [sflag:s28], $0x2800  }
0xe2: {  	[sflag:s28] =	ssyncset.done $0x0  }
0xe3: {  	[sflag:s28] =	ssyncadd.s32 $0xFFFFD800  }
0xe4: {  	[spmem:s1] =	stream.indirect.scatter.add.f32 [tilespmem:s24], [sflag:$0x2], $0x80, s29, s23, $0xb8;
	[tilespmem:$0x1D900] =	vst v63  }
0xe5: {  	_ =	swait.ge [sflag:s21], $0x2800  }
0xe6: {  	[sflag:s21] =	ssyncset.done $0x0  }
0xe7: {  	[sflag:s21] =	ssyncadd.s32 $0xFFFFD800  }
0xe8: {  	[tilespmem:s24], [sflag:$0x1] =	stream.indirect.gather [hbm4b:s4+s23], $0x80, s30, s23, $0xb8;
	[tilespmem:$0x1D900] =	vst v63  }
0xe9: {  	_ =	swait.ge [sflag:s28], $0x2800  }
0xea: {  	[sflag:s28] =	ssyncset.done $0x0  }
0xeb: {  	[sflag:s28] =	ssyncadd.s32 $0xFFFFD800  }
0xec: {  	[spmem:s1] =	stream.indirect.scatter.add.f32 [tilespmem:s26], [sflag:$0x2], $0x80, s31, s23, $0xb8;
	[tilespmem:$0x1D900] =	vst v63  }
0xed: {  	_ =	swait.ge [sflag:s21], $0x2800  }
0xee: {  	[sflag:s21] =	ssyncset.done $0x0  }
0xef: {  	[sflag:s21] =	ssyncadd.s32 $0xFFFFD800  }
0xf0: {  	[tilespmem:s26], [sflag:$0x1] =	stream.indirect.gather [hbm4b:s4+s23], $0x80, s0, s23, $0xb8;
	[tilespmem:$0x1D900] =	vst v63  }
0xf1: {  	_ =	swait.ge [sflag:s28], $0x2800  }
0xf2: {  	[sflag:s28] =	ssyncset.done $0x0  }
0xf3: {  	[sflag:s28] =	ssyncadd.s32 $0xFFFFD800  }
0xf4: {  	[spmem:s1] =	stream.indirect.scatter.add.f32 [tilespmem:s24], [sflag:$0x2], $0x80, s3, s23, $0xb8;
	[tilespmem:$0x1D900] =	vst v63  }
0xf5: {  	_ =	swait.ge [sflag:s21], $0x2800  }
0xf6: {  	[sflag:s21] =	ssyncset.done $0x0  }
0xf7: {  	s7 =	rddreg [dreg:$0xa];
	[sflag:s21] =	ssyncadd.s32 $0xFFFFD800  }
0xf8: {  	[tilespmem:s2], [sflag:$0x2] =	stream.linear.gather [hbm4b:s7+s2], $0x100, $0x38;
	[tilespmem:$0x1D900] =	vst v63  }
0xf9: {  	_ =	swait.ge [sflag:s21], $0x100  }
0xfa: {  	[sflag:s21] =	ssyncset.done $0x0  }
0xfb: {  	[sflag:s21] =	ssyncadd.s32 $0xFFFFFF00  }
0xfc: {  	[tilespmem:s24], [sflag:$0x1] =	stream.indirect.gather [hbm4b:s4+s23], $0x80, s2, s23, $0xb8;
	[tilespmem:$0x1D900] =	vst v63  }
0xfd: {  	_ =	swait.ge [sflag:s28], $0x2800  }
0xfe: {  	[sflag:s28] =	ssyncset.done $0x0  }
0xff: {  	[sflag:s28] =	ssyncadd.s32 $0xFFFFD800  }
0x100: {  	[spmem:s1] =	stream.indirect.scatter.add.f32 [tilespmem:s26], [sflag:$0x2], $0x80, s12, s23, $0xb8;
	[tilespmem:$0x1D900] =	vst v63  }
0x101: {  	_ =	swait.ge [sflag:s21], $0x2800  }
0x102: {  	[sflag:s21] =	ssyncset.done $0x0  }
0x103: {  	[sflag:s21] =	ssyncadd.s32 $0xFFFFD800  }
0x104: {  	_ =	swait.ge [sflag:s28], $0x2800  }
0x105: {  	[sflag:s28] =	ssyncset.done $0x0  }
0x106: {  	s10 =	simm.s32 $0x80;
	[sflag:s28] =	ssyncadd.s32 $0xFFFFD800  }
0x107: {  	[spmem:s1] =	stream.indirect.scatter.add.f32 [tilespmem:s24], [sflag:$0x2], $0x80, s10, s23, $0xb8;
	[tilespmem:$0x1D900] =	vst v63  }
0x108: {  	_ =	swait.ge [sflag:s21], $0x2800  }
0x109: {  	[sflag:s21] =	ssyncset.done $0x0  }
0x10a: {  	[sflag:s21] =	ssyncadd.s32 $0xFFFFD800  }
0x10b: {  	[bflag:$0x0] =	sbarrier.arrive $0xFFFF  }
0x10c: {  	[tilespmem:s20], [sflag:$0x2] =	stream.linear.gather [spmem:s8], $0x4000, $0x38;
	[tilespmem:$0x1D900] =	vst v63  }
0x10d: {  	_ =	swait.ge [sflag:s21], $0x4000  }
0x10e: {  	[sflag:s21] =	ssyncset.done $0x0  }
0x10f: {  	s19 =	rddreg [dreg:$0xb];
	[sflag:s21] =	ssyncadd.s32 $0xFFFFC000  }
0x110: {  	[hbm4b:s19+s2] =	stream.linear.scatter [tilespmem:s20], [sflag:$0x2], $0x4000, $0x38;
	[tilespmem:$0x1D900] =	vst v63  }
0x111: {  	_ =	swait.ge [sflag:s21], $0x4000  }
0x112: {  	[sflag:s21] =	ssyncset.done $0x0  }
0x113: {  	s10 =	rddreg [dreg:$0x5];
	[sflag:s21] =	ssyncadd.s32 $0xFFFFC000  }
0x114: {  	[tilespmem:s20], [sflag:$0x2] =	stream.linear.gather [spmem:s10], $0x4000, $0x38;
	[tilespmem:$0x1D900] =	vst v63  }
0x115: {  	_ =	swait.ge [sflag:s21], $0x4000  }
0x116: {  	[sflag:s21] =	ssyncset.done $0x0  }
0x117: {  	s9 =	smov.u32 s8;
	s8 =	rddreg [dreg:$0xc];
	[sflag:s21] =	ssyncadd.s32 $0xFFFFC000  }
0x118: {  	[hbm4b:s8+s2] =	stream.linear.scatter [tilespmem:s20], [sflag:$0x2], $0x4000, $0x38;
	[tilespmem:$0x1D900] =	vst v63  }
0x119: {  	_ =	swait.ge [sflag:s21], $0x4000  }
0x11a: {  	[sflag:s21] =	ssyncset.done $0x0  }
0x11b: {  	s19 =	rddreg [dreg:$0x6];
	[sflag:s21] =	ssyncadd.s32 $0xFFFFC000  }
0x11c: {  	[tilespmem:s20], [sflag:$0x2] =	stream.linear.gather [spmem:s19], $0x4000, $0x38;
	[tilespmem:$0x1D900] =	vst v63  }
0x11d: {  	_ =	swait.ge [sflag:s21], $0x4000  }
0x11e: {  	[sflag:s21] =	ssyncset.done $0x0  }
0x11f: {  	s8 =	rddreg [dreg:$0xd];
	[sflag:s21] =	ssyncadd.s32 $0xFFFFC000  }
0x120: {  	[hbm4b:s8+s2] =	stream.linear.scatter [tilespmem:s20], [sflag:$0x2], $0x4000, $0x38;
	[tilespmem:$0x1D900] =	vst v63  }
0x121: {  	_ =	swait.ge [sflag:s21], $0x4000  }
0x122: {  	[sflag:s21] =	ssyncset.done $0x0  }
0x123: {  	s19 =	rddreg [dreg:$0x7];
	[sflag:s21] =	ssyncadd.s32 $0xFFFFC000  }
0x124: {  	[tilespmem:s20], [sflag:$0x2] =	stream.linear.gather [spmem:s19], $0x4000, $0x38;
	[tilespmem:$0x1D900] =	vst v63  }
0x125: {  	_ =	swait.ge [sflag:s21], $0x4000  }
0x126: {  	[sflag:s21] =	ssyncset.done $0x0  }
0x127: {  	s8 =	rddreg [dreg:$0xe];
	[sflag:s21] =	ssyncadd.s32 $0xFFFFC000  }
0x128: {  	[hbm4b:s8+s2] =	stream.linear.scatter [tilespmem:s20], [sflag:$0x2], $0x4000, $0x38;
	[tilespmem:$0x1D900] =	vst v63  }
0x129: {  	_ =	swait.ge [sflag:s21], $0x4000  }
0x12a: {  	[sflag:s21] =	ssyncset.done $0x0  }
0x12b: {  	s19 =	rddreg [dreg:$0x8];
	[sflag:s21] =	ssyncadd.s32 $0xFFFFC000  }
0x12c: {  	[tilespmem:s20], [sflag:$0x2] =	stream.linear.gather [spmem:s19], $0x4000, $0x38;
	[tilespmem:$0x1D900] =	vst v63  }
0x12d: {  	_ =	swait.ge [sflag:s21], $0x4000  }
0x12e: {  	[sflag:s21] =	ssyncset.done $0x0  }
0x12f: {  	s8 =	rddreg [dreg:$0xf];
	[sflag:s21] =	ssyncadd.s32 $0xFFFFC000  }
0x130: {  	[hbm4b:s8+s2] =	stream.linear.scatter [tilespmem:s20], [sflag:$0x2], $0x4000, $0x38;
	[tilespmem:$0x1D900] =	vst v63  }
0x131: {  	_ =	swait.ge [sflag:s21], $0x4000  }
0x132: {  	s6 =	sadd.s32 $0x1, s6;
	s19 =	rddreg [dreg:$0x10]  }
0x133: {  	p0 =	sne.s32 s6, s19  }
.Ltmp2:
0x134: {  	_ = 	snop;
	(pc) =	sbr.rel @p0 .LBB2_1-.Ltmp2, $3  }
0x135: {  	_ =	sdelay $0x1  }
0x136: {  	[sflag:s21] =	ssyncset.done $0x0  }
0x137: {  	[sflag:s21] =	ssyncadd.s32 $0xFFFFC000  }
0x138: {  	_ =	sfence.sel $0x180000  }
0x139: {  	[bflag:$0x0] =	sbarrier.arrive $0xFFFF  }
0x13a: {  	_ =	strace $0x90000050  }
0x13b: {  	s0 =	stileid.u32;
	[bflag:$0x2] =	sbarrier.arrive $0xFFFF  }
0x13c: {  	p0 =	sne.s32 s0, $0x0;
	s0 =	rddreg [dreg:$0x2]  }
0x13d: {  	s0 =	sadd.s32 @!p0 $0x100000, s0  }
0x13e: {  	[sflag:s0] =	ssyncadd.tile.s32 @!p0 $0x1;
	_ =	shalt  }
.Lfunc_end2:
_tile_overlayer_lowered:
.L_overlay_start_2:
0x13f: {  	(tag) =	ssettag $0x2  }
0x140: {  	s0 =	rddreg [dreg:$0x0];
	s2 =	stileid.u32  }
0x141: {  	s1 =	rddreg [dreg:$0x1];
	p0 =	sne.s32 s2, $0x0  }
0x142: {  	s3 =	rddreg [dreg:$0x2];
	[bflag:$0x3] =	sbarrier.arrive $0xFFFF;
	s2 =	simm.s32 @!p0 $0x1C02  }
0x143: {  	[timem:s3], [sflag:s2] =	dma.local @!p0 [hbm:s0], s1  }
0x144: {  	s0 =	simm.s32 @!p0 $0x2  }
0x145: {  	_ =	swait.ge @!p0 [sflag:s0], s1  }
0x146: {  	s1 =	ssub.s32 @!p0 $0x0, s1;
	[sflag:s0] =	ssyncset.done @!p0 $0x0  }
0x147: {  	[sflag:s0] =	ssyncadd.s32 @!p0 s1  }
0x148: {  	[bflag:$0x3] =	sbarrier.arrive $0xFFFF  }
0x149: {  	_ =	shalt  }

</sc_bundles>
